<compile_context>
chip_gen: v7x
topology: tpu7x:2x2x1
jax: 0.10.2.dev20260603
libtpu: 0.0.44.dev20260713+nightly
codegen_flags: <defaults>
</compile_context>

<pallas_src>
import functools

import jax
import jax.numpy as jnp
from jax import lax
from jax.experimental import pallas as pl
from jax.experimental.pallas import tpu as pltpu
from jax.experimental.pallas import tpu_sc as plsc

D_MODEL = 64
SCALE = 8.0
NUM_WORKERS = 32
CHUNK = 128
NSLOT = 4


@functools.partial(jax.jit, static_argnames=("n_chunks",))
def _embed_lookup(x_flat, lut, *, n_chunks):
    chunks_per_w = n_chunks // NUM_WORKERS
    mesh = plsc.VectorSubcoreMesh(core_axis_name="c", subcore_axis_name="s")

    @functools.partial(
        pl.kernel,
        out_type=jax.ShapeDtypeStruct((200, 8, 128, 8, 128), jnp.float32),
        mesh=mesh,
        scratch_types=[
            [pltpu.VMEM((CHUNK,), jnp.int32) for _ in range(NSLOT)],
            [pltpu.VMEM((CHUNK, D_MODEL), jnp.float32) for _ in range(NSLOT)],
            [pltpu.VMEM((8, 8, CHUNK + 1), jnp.float32) for _ in range(NSLOT)],
            [pltpu.SemaphoreType.DMA for _ in range(NSLOT)],
            [pltpu.SemaphoreType.DMA for _ in range(NSLOT)],
            [pltpu.SemaphoreType.DMA for _ in range(NSLOT)],
        ],
        compiler_params=pltpu.CompilerParams(
            use_tc_tiling_on_sc=False, needs_layout_passes=False
        ),
    )
    def k(x_hbm, lut_hbm, out_hbm, idx, rows, tbuf, isem, gsem, wsem):
        wid = lax.axis_index("s") * 2 + lax.axis_index("c")
        base = wid * chunks_per_w
        lane = lax.broadcasted_iota(jnp.int32, (16,), 0)

        def fetch_idx(i, sl):
            c = base + i
            pltpu.async_copy(x_hbm.at[pl.ds(c * CHUNK, CHUNK)], idx[sl], isem[sl])

        def launch_gather(i, sl):
            c = base + i
            pltpu.make_async_copy(
                x_hbm.at[pl.ds(c * CHUNK, CHUNK)], idx[sl], isem[sl]
            ).wait()
            pltpu.async_copy(lut_hbm.at[idx[sl]], rows[sl], gsem[sl])

        def out_tiles(i, sl):
            c = base + i
            s = (c >> 10) * 8 + (c & 7)
            bt = (c >> 3) & 127
            return [
                (tbuf[sl].at[:, :, pl.ds(0, CHUNK)], out_hbm.at[s, :, bt])
            ]

        def drain_writes(i, sl):
            for src, dst in out_tiles(i, sl):
                pltpu.make_async_copy(src, dst, wsem[sl]).wait()

        def finish(i, sl):
            pltpu.make_async_copy(lut_hbm.at[idx[sl]], rows[sl], gsem[sl]).wait()

            @pl.loop(0, CHUNK, unroll=8)
            def _(r):
                rv = jnp.full((16,), 0, jnp.int32) + r
                for j in range(D_MODEL // 16):
                    v = rows[sl][r, pl.ds(j * 16, 16)]
                    d = j * 16 + lane
                    plsc.store_scatter(
                        tbuf[sl], [d >> 3, d & 7, rv], v * SCALE
                    )

            for src, dst in out_tiles(i, sl):
                pltpu.async_copy(src, dst, wsem[sl])

        fetch_idx(0, 0)
        fetch_idx(1, 1)
        fetch_idx(2, 2)
        launch_gather(0, 0)
        launch_gather(1, 1)

        @pl.loop(0, chunks_per_w, step=NSLOT)
        def _(g):
            for b in range(NSLOT):
                i = g + b
                s2 = (b + 2) % NSLOT
                s3 = (b + 3) % NSLOT

                @pl.when(i + 3 < chunks_per_w)
                def _():
                    fetch_idx(i + 3, s3)

                @pl.when(i + 2 < chunks_per_w)
                def _():
                    launch_gather(i + 2, s2)

                @pl.when(i >= NSLOT)
                def _():
                    drain_writes(i - NSLOT, b)

                finish(i, b)

        for b in range(NSLOT):
            drain_writes(chunks_per_w - NSLOT + b, b)

    return k(x_flat, lut)


def kernel(x, lut):
    bsz, seq = x.shape
    vocab, d = lut.shape
    x_flat = (
        x.T.reshape(seq // 8, 8, bsz // 128, 128)
        .transpose(0, 2, 1, 3)
        .reshape(-1)
        .astype(jnp.int32)
    )
    out5 = _embed_lookup(x_flat, lut, n_chunks=(bsz * seq) // CHUNK)
    return out5.transpose(2, 4, 0, 1, 3).reshape(bsz, seq, d)

# --- scband reference (transcript-rebuilt; emitter-appended) ---
"""Pipeline reference for scband-embeddings-25211458027630 (READ-ONLY COPY).

The authoritative reference and input builder live on the scoring server;
editing this copy changes nothing except your own understanding.
"""

import jax, jax.numpy as jnp
import numpy as np

VOCAB = 1000000
D_MODEL = 64

def setup_inputs(seed: int = 0) -> dict:
    key = jax.random.key(seed)
    k1, k2 = jax.random.split(key)
    x = jax.random.randint(k1, (16384, 200), 0, VOCAB, dtype=jnp.int64) if jax.config.jax_enable_x64 else jax.random.randint(k1, (16384, 200), 0, VOCAB, dtype=jnp.int32)
    lut = jax.random.normal(k2, (VOCAB, D_MODEL), dtype=jnp.float32)
    return {"x": x, "lut": lut}

def reference(x, lut):
    # Embeddings.forward: lut(x) * sqrt(d_model)
    lut_x = jnp.take(lut, x, axis=0)
    return lut_x * jnp.sqrt(jnp.float32(D_MODEL))

if __name__ == "__main__":
    import jax
    _d = setup_inputs()
    print(jax.jit(kernel)(*tuple(_d.values())))

</pallas_src>

<mosaic_0001>
#map = affine_map<(d0, d1) -> (0)>
#map1 = affine_map<(d0, d1) -> (0, 0)>
#map2 = affine_map<(d0, d1) -> (0, 0, 0, 0, 0)>
module attributes {stable_mosaic.version = 14 : i64} {
  func.func @k(%arg0: i32, %arg1: i32, %arg2: memref<3276800xi32, #tpu.memory_space<hbm>>, %arg3: memref<1000000x64xf32, #tpu.memory_space<hbm>>, %arg4: memref<200x8x128x8x128xf32, #tpu.memory_space<hbm>>, %arg5: memref<128xi32, #tpu.memory_space<vmem>>, %arg6: memref<128xi32, #tpu.memory_space<vmem>>, %arg7: memref<128xi32, #tpu.memory_space<vmem>>, %arg8: memref<128xi32, #tpu.memory_space<vmem>>, %arg9: memref<128x64xf32, #tpu.memory_space<vmem>>, %arg10: memref<128x64xf32, #tpu.memory_space<vmem>>, %arg11: memref<128x64xf32, #tpu.memory_space<vmem>>, %arg12: memref<128x64xf32, #tpu.memory_space<vmem>>, %arg13: memref<8x8x129xf32, #tpu.memory_space<vmem>>, %arg14: memref<8x8x129xf32, #tpu.memory_space<vmem>>, %arg15: memref<8x8x129xf32, #tpu.memory_space<vmem>>, %arg16: memref<8x8x129xf32, #tpu.memory_space<vmem>>, %arg17: memref<!tpu.dma_semaphore, #tpu.memory_space<semaphore_mem>>, %arg18: memref<!tpu.dma_semaphore, #tpu.memory_space<semaphore_mem>>, %arg19: memref<!tpu.dma_semaphore, #tpu.memory_space<semaphore_mem>>, %arg20: memref<!tpu.dma_semaphore, #tpu.memory_space<semaphore_mem>>, %arg21: memref<!tpu.dma_semaphore, #tpu.memory_space<semaphore_mem>>, %arg22: memref<!tpu.dma_semaphore, #tpu.memory_space<semaphore_mem>>, %arg23: memref<!tpu.dma_semaphore, #tpu.memory_space<semaphore_mem>>, %arg24: memref<!tpu.dma_semaphore, #tpu.memory_space<semaphore_mem>>, %arg25: memref<!tpu.dma_semaphore, #tpu.memory_space<semaphore_mem>>, %arg26: memref<!tpu.dma_semaphore, #tpu.memory_space<semaphore_mem>>, %arg27: memref<!tpu.dma_semaphore, #tpu.memory_space<semaphore_mem>>, %arg28: memref<!tpu.dma_semaphore, #tpu.memory_space<semaphore_mem>>) attributes {dimension_semantics = [#tpu.dimension_semantics<core_parallel>, #tpu.dimension_semantics<subcore_parallel>], iteration_bounds = array<i64: 2, 16>, scalar_prefetch = 0 : i64, scratch_operands = 24 : i64, tpu.core_type = #tpu.core_type<sc_vector_subcore>, window_params = [{transform_indices = #map}, {transform_indices = #map1}, {transform_indices = #map2}]} {
    %mul3A = arith.constant 2 : i32
    %mul3A_0 = arith.muli %arg1, %mul3A : i32
    %add3A = arith.addi %mul3A_0, %arg0 : i32
    %mul3A_1 = arith.constant 800 : i32
    %mul3A_2 = arith.muli %add3A, %mul3A_1 : i32
    %iota3A = tpu.iota {dimensions = array<i32: 0>} : vector<16xi32>
    %add3A_3 = arith.constant 0 : i32
    %add3A_4 = arith.addi %mul3A_2, %add3A_3 : i32
    %mul3A_5 = arith.constant 128 : i32
    %mul3A_6 = arith.muli %add3A_4, %mul3A_5 : i32
    %dma_start3A = tpu.memref_slice %arg2[%mul3A_6] : memref<3276800xi32, #tpu.memory_space<hbm>> -> memref<128xi32, #tpu.memory_space<hbm>>
    %dma_start3A_7 = tpu.memref_slice %arg2[%mul3A_6] : memref<3276800xi32, #tpu.memory_space<hbm>> -> memref<128xi32, #tpu.memory_space<hbm>>
    tpu.enqueue_dma source(%dma_start3A_7 : memref<128xi32, #tpu.memory_space<hbm>>) target(%arg5 : memref<128xi32, #tpu.memory_space<vmem>>) target_semaphore(%arg17 : memref<!tpu.dma_semaphore, #tpu.memory_space<semaphore_mem>>)
    %add3A_8 = arith.constant 1 : i32
    %add3A_9 = arith.addi %mul3A_2, %add3A_8 : i32
    %mul3A_10 = arith.constant 128 : i32
    %mul3A_11 = arith.muli %add3A_9, %mul3A_10 : i32
    %dma_start3A_12 = tpu.memref_slice %arg2[%mul3A_11] : memref<3276800xi32, #tpu.memory_space<hbm>> -> memref<128xi32, #tpu.memory_space<hbm>>
    %dma_start3A_13 = tpu.memref_slice %arg2[%mul3A_11] : memref<3276800xi32, #tpu.memory_space<hbm>> -> memref<128xi32, #tpu.memory_space<hbm>>
    tpu.enqueue_dma source(%dma_start3A_13 : memref<128xi32, #tpu.memory_space<hbm>>) target(%arg6 : memref<128xi32, #tpu.memory_space<vmem>>) target_semaphore(%arg18 : memref<!tpu.dma_semaphore, #tpu.memory_space<semaphore_mem>>)
    %add3A_14 = arith.constant 2 : i32
    %add3A_15 = arith.addi %mul3A_2, %add3A_14 : i32
    %mul3A_16 = arith.constant 128 : i32
    %mul3A_17 = arith.muli %add3A_15, %mul3A_16 : i32
    %dma_start3A_18 = tpu.memref_slice %arg2[%mul3A_17] : memref<3276800xi32, #tpu.memory_space<hbm>> -> memref<128xi32, #tpu.memory_space<hbm>>
    %dma_start3A_19 = tpu.memref_slice %arg2[%mul3A_17] : memref<3276800xi32, #tpu.memory_space<hbm>> -> memref<128xi32, #tpu.memory_space<hbm>>
    tpu.enqueue_dma source(%dma_start3A_19 : memref<128xi32, #tpu.memory_space<hbm>>) target(%arg7 : memref<128xi32, #tpu.memory_space<vmem>>) target_semaphore(%arg19 : memref<!tpu.dma_semaphore, #tpu.memory_space<semaphore_mem>>)
    %add3A_20 = arith.constant 0 : i32
    %add3A_21 = arith.addi %mul3A_2, %add3A_20 : i32
    %mul3A_22 = arith.constant 128 : i32
    %mul3A_23 = arith.muli %add3A_21, %mul3A_22 : i32
    %dma_wait3A = tpu.memref_slice %arg2[%mul3A_23] : memref<3276800xi32, #tpu.memory_space<hbm>> -> memref<128xi32, #tpu.memory_space<hbm>>
    %dma_wait3A_24 = tpu.memref_slice %arg2[%mul3A_23] : memref<3276800xi32, #tpu.memory_space<hbm>> -> memref<128xi32, #tpu.memory_space<hbm>>
    tpu.wait_dma2 semaphore(%arg17 : memref<!tpu.dma_semaphore, #tpu.memory_space<semaphore_mem>>) src(%dma_wait3A_24 : memref<128xi32, #tpu.memory_space<hbm>>) dst(%arg5 : memref<128xi32, #tpu.memory_space<vmem>>)
    %dma_start3A_25 = arith.constant 0 : i32
    %dma_start3A_26 = arith.constant 0 : i32
    %dma_start3A_27 = tpu.memref_slice %arg3[%dma_start3A_25, %dma_start3A_26] : memref<1000000x64xf32, #tpu.memory_space<hbm>> -> memref<1000000x64xf32, #tpu.memory_space<hbm>>
    tpu.enqueue_indirect_dma source(%dma_start3A_27 : memref<1000000x64xf32, #tpu.memory_space<hbm>>) target(%arg9 : memref<128x64xf32, #tpu.memory_space<vmem>>) offsets(%arg5 : memref<128xi32, #tpu.memory_space<vmem>>) semaphore(%arg21 : memref<!tpu.dma_semaphore, #tpu.memory_space<semaphore_mem>>)
    %add3A_28 = arith.constant 1 : i32
    %add3A_29 = arith.addi %mul3A_2, %add3A_28 : i32
    %mul3A_30 = arith.constant 128 : i32
    %mul3A_31 = arith.muli %add3A_29, %mul3A_30 : i32
    %dma_wait3A_32 = tpu.memref_slice %arg2[%mul3A_31] : memref<3276800xi32, #tpu.memory_space<hbm>> -> memref<128xi32, #tpu.memory_space<hbm>>
    %dma_wait3A_33 = tpu.memref_slice %arg2[%mul3A_31] : memref<3276800xi32, #tpu.memory_space<hbm>> -> memref<128xi32, #tpu.memory_space<hbm>>
    tpu.wait_dma2 semaphore(%arg18 : memref<!tpu.dma_semaphore, #tpu.memory_space<semaphore_mem>>) src(%dma_wait3A_33 : memref<128xi32, #tpu.memory_space<hbm>>) dst(%arg6 : memref<128xi32, #tpu.memory_space<vmem>>)
    %dma_start3A_34 = arith.constant 0 : i32
    %dma_start3A_35 = arith.constant 0 : i32
    %dma_start3A_36 = tpu.memref_slice %arg3[%dma_start3A_34, %dma_start3A_35] : memref<1000000x64xf32, #tpu.memory_space<hbm>> -> memref<1000000x64xf32, #tpu.memory_space<hbm>>
    tpu.enqueue_indirect_dma source(%dma_start3A_36 : memref<1000000x64xf32, #tpu.memory_space<hbm>>) target(%arg10 : memref<128x64xf32, #tpu.memory_space<vmem>>) offsets(%arg6 : memref<128xi32, #tpu.memory_space<vmem>>) semaphore(%arg22 : memref<!tpu.dma_semaphore, #tpu.memory_space<semaphore_mem>>)
    %scan3A = arith.constant 0 : i32
    %scan3A_37 = arith.constant 200 : i32
    %scan3A_38 = arith.addi %scan3A, %scan3A_37 : i32
    %scan3A_39 = arith.constant 1 : i32
    scf.for %scan3A_163 = %scan3A to %scan3A_38 step %scan3A_39  : i32 {
      %mul3A_164 = arith.constant 4 : i32
      %mul3A_165 = arith.muli %scan3A_163, %mul3A_164 : i32
      %add3A_166 = arith.constant 0 : i32
      %add3A_167 = arith.addi %add3A_166, %mul3A_165 : i32
      %add3A_168 = arith.constant 0 : i32
      %add3A_169 = arith.addi %add3A_167, %add3A_168 : i32
      %add3A_170 = arith.constant 3 : i32
      %add3A_171 = arith.addi %add3A_169, %add3A_170 : i32
      %lt3A = arith.constant 800 : i32
      %lt3A_172 = arith.cmpi slt, %add3A_171, %lt3A : i32
      %convert_element_type3A = arith.extui %lt3A_172 : i1 to i32
      %cond3A = arith.constant 0 : i32
      %cond3A_173 = arith.cmpi ne, %convert_element_type3A, %cond3A : i32
      scf.if %cond3A_173 {
        %add3A_400 = arith.constant 3 : i32
        %add3A_401 = arith.addi %add3A_169, %add3A_400 : i32
        %add3A_402 = arith.addi %mul3A_2, %add3A_401 : i32
        %mul3A_403 = arith.constant 128 : i32
        %mul3A_404 = arith.muli %add3A_402, %mul3A_403 : i32
        %dma_start3A_405 = tpu.memref_slice %arg2[%mul3A_404] : memref<3276800xi32, #tpu.memory_space<hbm>> -> memref<128xi32, #tpu.memory_space<hbm>>
        %dma_start3A_406 = tpu.memref_slice %arg2[%mul3A_404] : memref<3276800xi32, #tpu.memory_space<hbm>> -> memref<128xi32, #tpu.memory_space<hbm>>
        tpu.enqueue_dma source(%dma_start3A_406 : memref<128xi32, #tpu.memory_space<hbm>>) target(%arg8 : memref<128xi32, #tpu.memory_space<vmem>>) target_semaphore(%arg20 : memref<!tpu.dma_semaphore, #tpu.memory_space<semaphore_mem>>)
      } else {
      }
      %add3A_174 = arith.constant 2 : i32
      %add3A_175 = arith.addi %add3A_169, %add3A_174 : i32
      %lt3A_176 = arith.constant 800 : i32
      %lt3A_177 = arith.cmpi slt, %add3A_175, %lt3A_176 : i32
      %convert_element_type3A_178 = arith.extui %lt3A_177 : i1 to i32
      %cond3A_179 = arith.constant 0 : i32
      %cond3A_180 = arith.cmpi ne, %convert_element_type3A_178, %cond3A_179 : i32
      scf.if %cond3A_180 {
        %add3A_400 = arith.constant 2 : i32
        %add3A_401 = arith.addi %add3A_169, %add3A_400 : i32
        %add3A_402 = arith.addi %mul3A_2, %add3A_401 : i32
        %mul3A_403 = arith.constant 128 : i32
        %mul3A_404 = arith.muli %add3A_402, %mul3A_403 : i32
        %dma_wait3A_405 = tpu.memref_slice %arg2[%mul3A_404] : memref<3276800xi32, #tpu.memory_space<hbm>> -> memref<128xi32, #tpu.memory_space<hbm>>
        %dma_wait3A_406 = tpu.memref_slice %arg2[%mul3A_404] : memref<3276800xi32, #tpu.memory_space<hbm>> -> memref<128xi32, #tpu.memory_space<hbm>>
        tpu.wait_dma2 semaphore(%arg19 : memref<!tpu.dma_semaphore, #tpu.memory_space<semaphore_mem>>) src(%dma_wait3A_406 : memref<128xi32, #tpu.memory_space<hbm>>) dst(%arg7 : memref<128xi32, #tpu.memory_space<vmem>>)
        %dma_start3A_407 = arith.constant 0 : i32
        %dma_start3A_408 = arith.constant 0 : i32
        %dma_start3A_409 = tpu.memref_slice %arg3[%dma_start3A_407, %dma_start3A_408] : memref<1000000x64xf32, #tpu.memory_space<hbm>> -> memref<1000000x64xf32, #tpu.memory_space<hbm>>
        tpu.enqueue_indirect_dma source(%dma_start3A_409 : memref<1000000x64xf32, #tpu.memory_space<hbm>>) target(%arg11 : memref<128x64xf32, #tpu.memory_space<vmem>>) offsets(%arg7 : memref<128xi32, #tpu.memory_space<vmem>>) semaphore(%arg23 : memref<!tpu.dma_semaphore, #tpu.memory_space<semaphore_mem>>)
      } else {
      }
      %ge3A = arith.constant 4 : i32
      %ge3A_181 = arith.cmpi sge, %add3A_169, %ge3A : i32
      %convert_element_type3A_182 = arith.extui %ge3A_181 : i1 to i32
      %cond3A_183 = arith.constant 0 : i32
      %cond3A_184 = arith.cmpi ne, %convert_element_type3A_182, %cond3A_183 : i32
      scf.if %cond3A_184 {
        %sub3A = arith.constant 4 : i32
        %sub3A_400 = arith.subi %add3A_169, %sub3A : i32
        %add3A_401 = arith.addi %mul3A_2, %sub3A_400 : i32
        %shift_right_arithmetic3A_402 = arith.constant 10 : i32
        %shift_right_arithmetic3A_403 = arith.shrsi %add3A_401, %shift_right_arithmetic3A_402 : i32
        %mul3A_404 = arith.constant 8 : i32
        %mul3A_405 = arith.muli %shift_right_arithmetic3A_403, %mul3A_404 : i32
        %and3A_406 = arith.constant 7 : i32
        %and3A_407 = arith.andi %add3A_401, %and3A_406 : i32
        %add3A_408 = arith.addi %mul3A_405, %and3A_407 : i32
        %shift_right_arithmetic3A_409 = arith.constant 3 : i32
        %shift_right_arithmetic3A_410 = arith.shrsi %add3A_401, %shift_right_arithmetic3A_409 : i32
        %and3A_411 = arith.constant 127 : i32
        %and3A_412 = arith.andi %shift_right_arithmetic3A_410, %and3A_411 : i32
        %dma_wait3A_413 = arith.constant 0 : i32
        %dma_wait3A_414 = arith.constant 0 : i32
        %dma_wait3A_415 = arith.constant 0 : i32
        %dma_wait3A_416 = tpu.memref_slice %arg13[%dma_wait3A_413, %dma_wait3A_414, %dma_wait3A_415] : memref<8x8x129xf32, #tpu.memory_space<vmem>> -> memref<8x8x128xf32, #tpu.memory_space<vmem>>
        %dma_wait3A_417 = arith.constant 0 : i32
        %dma_wait3A_418 = arith.constant 0 : i32
        %dma_wait3A_419 = arith.constant 0 : i32
        %dma_wait3A_420 = tpu.memref_slice %arg4[%add3A_408, %dma_wait3A_417, %and3A_412, %dma_wait3A_418, %dma_wait3A_419] : memref<200x8x128x8x128xf32, #tpu.memory_space<hbm>> -> memref<1x8x1x8x128xf32, #tpu.memory_space<hbm>>
        %dma_wait3A_421 = tpu.memref_squeeze %dma_wait3A_420 : memref<1x8x1x8x128xf32, #tpu.memory_space<hbm>> -> memref<8x8x128xf32, #tpu.memory_space<hbm>>
        %dma_wait3A_422 = arith.constant 0 : i32
        %dma_wait3A_423 = arith.constant 0 : i32
        %dma_wait3A_424 = arith.constant 0 : i32
        %dma_wait3A_425 = tpu.memref_slice %arg4[%add3A_408, %dma_wait3A_422, %and3A_412, %dma_wait3A_423, %dma_wait3A_424] : memref<200x8x128x8x128xf32, #tpu.memory_space<hbm>> -> memref<1x8x1x8x128xf32, #tpu.memory_space<hbm>>
        %dma_wait3A_426 = tpu.memref_squeeze %dma_wait3A_425 : memref<1x8x1x8x128xf32, #tpu.memory_space<hbm>> -> memref<8x8x128xf32, #tpu.memory_space<hbm>>
        %dma_wait3A_427 = arith.constant 0 : i32
        %dma_wait3A_428 = arith.constant 0 : i32
        %dma_wait3A_429 = arith.constant 0 : i32
        %dma_wait3A_430 = tpu.memref_slice %arg13[%dma_wait3A_427, %dma_wait3A_428, %dma_wait3A_429] : memref<8x8x129xf32, #tpu.memory_space<vmem>> -> memref<8x8x128xf32, #tpu.memory_space<vmem>>
        tpu.wait_dma2 semaphore(%arg25 : memref<!tpu.dma_semaphore, #tpu.memory_space<semaphore_mem>>) src(%dma_wait3A_430 : memref<8x8x128xf32, #tpu.memory_space<vmem>>) dst(%dma_wait3A_426 : memref<8x8x128xf32, #tpu.memory_space<hbm>>)
      } else {
      }
      %dma_wait3A_185 = arith.constant 0 : i32
      %dma_wait3A_186 = arith.constant 0 : i32
      %dma_wait3A_187 = tpu.memref_slice %arg3[%dma_wait3A_185, %dma_wait3A_186] : memref<1000000x64xf32, #tpu.memory_space<hbm>> -> memref<1000000x64xf32, #tpu.memory_space<hbm>>
      tpu.wait_indirect_dma semaphore(%arg21 : memref<!tpu.dma_semaphore, #tpu.memory_space<semaphore_mem>>) src(%dma_wait3A_187 : memref<1000000x64xf32, #tpu.memory_space<hbm>>) dst(%arg9 : memref<128x64xf32, #tpu.memory_space<vmem>>)
      %scan3A_188 = arith.constant 0 : i32
      %scan3A_189 = arith.constant 128 : i32
      %scan3A_190 = arith.addi %scan3A_188, %scan3A_189 : i32
      %scan3A_191 = arith.constant 8 : i32
      scf.for %scan3A_400 = %scan3A_188 to %scan3A_190 step %scan3A_191  : i32 {
        %mul3A_401 = arith.constant 1 : i32
        %mul3A_402 = arith.muli %scan3A_400, %mul3A_401 : i32
        %add3A_403 = arith.constant 0 : i32
        %add3A_404 = arith.addi %add3A_403, %mul3A_402 : i32
        %broadcast_in_dim3A = arith.constant 0 : i32
        %broadcast_in_dim3A_405 = vector.broadcast %broadcast_in_dim3A : i32 to vector<16xi32>
        %add3A_406 = vector.broadcast %add3A_404 : i32 to vector<16xi32>
        %add3A_407 = arith.addi %broadcast_in_dim3A_405, %add3A_406 : vector<16xi32>
        %get3A = arith.index_cast %add3A_404 : i32 to index
        %get3A_408 = arith.constant 0 : index
        %get3A_409 = tpu.vector_load %arg9[%get3A, %get3A_408] {strides = array<i32>} : memref<128x64xf32, #tpu.memory_space<vmem>>, vector<16xf32>,
        %add3A_410 = arith.constant 0 : i32
        %add3A_411 = vector.broadcast %add3A_410 : i32 to vector<16xi32>
        %add3A_412 = arith.addi %add3A_411, %iota3A : vector<16xi32>
        %shift_right_arithmetic3A_413 = arith.constant 3 : i32
        %shift_right_arithmetic3A_414 = vector.broadcast %shift_right_arithmetic3A_413 : i32 to vector<16xi32>
        %shift_right_arithmetic3A_415 = arith.shrsi %add3A_412, %shift_right_arithmetic3A_414 : vector<16xi32>
        %and3A_416 = arith.constant 7 : i32
        %and3A_417 = vector.broadcast %and3A_416 : i32 to vector<16xi32>
        %and3A_418 = arith.andi %add3A_412, %and3A_417 : vector<16xi32>
        %mul3A_419 = arith.constant 8.000000e+00 : f32
        %mul3A_420 = vector.broadcast %mul3A_419 : f32 to vector<16xf32>
        %mul3A_421 = arith.mulf %get3A_409, %mul3A_420 : vector<16xf32>
        tpu.vector_store_idx %arg13[%shift_right_arithmetic3A_415, %and3A_418, %add3A_407], %mul3A_421 : memref<8x8x129xf32, #tpu.memory_space<vmem>>[vector<16xi32>, vector<16xi32>, vector<16xi32>], vector<16xf32>,
        %get3A_422 = arith.index_cast %add3A_404 : i32 to index
        %get3A_423 = arith.constant 16 : index
        %get3A_424 = tpu.vector_load %arg9[%get3A_422, %get3A_423] {strides = array<i32>} : memref<128x64xf32, #tpu.memory_space<vmem>>, vector<16xf32>,
        %add3A_425 = arith.constant 16 : i32
        %add3A_426 = vector.broadcast %add3A_425 : i32 to vector<16xi32>
        %add3A_427 = arith.addi %add3A_426, %iota3A : vector<16xi32>
        %shift_right_arithmetic3A_428 = arith.constant 3 : i32
        %shift_right_arithmetic3A_429 = vector.broadcast %shift_right_arithmetic3A_428 : i32 to vector<16xi32>
        %shift_right_arithmetic3A_430 = arith.shrsi %add3A_427, %shift_right_arithmetic3A_429 : vector<16xi32>
        %and3A_431 = arith.constant 7 : i32
        %and3A_432 = vector.broadcast %and3A_431 : i32 to vector<16xi32>
        %and3A_433 = arith.andi %add3A_427, %and3A_432 : vector<16xi32>
        %mul3A_434 = arith.constant 8.000000e+00 : f32
        %mul3A_435 = vector.broadcast %mul3A_434 : f32 to vector<16xf32>
        %mul3A_436 = arith.mulf %get3A_424, %mul3A_435 : vector<16xf32>
        tpu.vector_store_idx %arg13[%shift_right_arithmetic3A_430, %and3A_433, %add3A_407], %mul3A_436 : memref<8x8x129xf32, #tpu.memory_space<vmem>>[vector<16xi32>, vector<16xi32>, vector<16xi32>], vector<16xf32>,
        %get3A_437 = arith.index_cast %add3A_404 : i32 to index
        %get3A_438 = arith.constant 32 : index
        %get3A_439 = tpu.vector_load %arg9[%get3A_437, %get3A_438] {strides = array<i32>} : memref<128x64xf32, #tpu.memory_space<vmem>>, vector<16xf32>,
        %add3A_440 = arith.constant 32 : i32
        %add3A_441 = vector.broadcast %add3A_440 : i32 to vector<16xi32>
        %add3A_442 = arith.addi %add3A_441, %iota3A : vector<16xi32>
        %shift_right_arithmetic3A_443 = arith.constant 3 : i32
        %shift_right_arithmetic3A_444 = vector.broadcast %shift_right_arithmetic3A_443 : i32 to vector<16xi32>
        %shift_right_arithmetic3A_445 = arith.shrsi %add3A_442, %shift_right_arithmetic3A_444 : vector<16xi32>
        %and3A_446 = arith.constant 7 : i32
        %and3A_447 = vector.broadcast %and3A_446 : i32 to vector<16xi32>
        %and3A_448 = arith.andi %add3A_442, %and3A_447 : vector<16xi32>
        %mul3A_449 = arith.constant 8.000000e+00 : f32
        %mul3A_450 = vector.broadcast %mul3A_449 : f32 to vector<16xf32>
        %mul3A_451 = arith.mulf %get3A_439, %mul3A_450 : vector<16xf32>
        tpu.vector_store_idx %arg13[%shift_right_arithmetic3A_445, %and3A_448, %add3A_407], %mul3A_451 : memref<8x8x129xf32, #tpu.memory_space<vmem>>[vector<16xi32>, vector<16xi32>, vector<16xi32>], vector<16xf32>,
        %get3A_452 = arith.index_cast %add3A_404 : i32 to index
        %get3A_453 = arith.constant 48 : index
        %get3A_454 = tpu.vector_load %arg9[%get3A_452, %get3A_453] {strides = array<i32>} : memref<128x64xf32, #tpu.memory_space<vmem>>, vector<16xf32>,
        %add3A_455 = arith.constant 48 : i32
        %add3A_456 = vector.broadcast %add3A_455 : i32 to vector<16xi32>
        %add3A_457 = arith.addi %add3A_456, %iota3A : vector<16xi32>
        %shift_right_arithmetic3A_458 = arith.constant 3 : i32
        %shift_right_arithmetic3A_459 = vector.broadcast %shift_right_arithmetic3A_458 : i32 to vector<16xi32>
        %shift_right_arithmetic3A_460 = arith.shrsi %add3A_457, %shift_right_arithmetic3A_459 : vector<16xi32>
        %and3A_461 = arith.constant 7 : i32
        %and3A_462 = vector.broadcast %and3A_461 : i32 to vector<16xi32>
        %and3A_463 = arith.andi %add3A_457, %and3A_462 : vector<16xi32>
        %mul3A_464 = arith.constant 8.000000e+00 : f32
        %mul3A_465 = vector.broadcast %mul3A_464 : f32 to vector<16xf32>
        %mul3A_466 = arith.mulf %get3A_454, %mul3A_465 : vector<16xf32>
        tpu.vector_store_idx %arg13[%shift_right_arithmetic3A_460, %and3A_463, %add3A_407], %mul3A_466 : memref<8x8x129xf32, #tpu.memory_space<vmem>>[vector<16xi32>, vector<16xi32>, vector<16xi32>], vector<16xf32>,
        %scan3A_467 = arith.constant 1 : i32
        %scan3A_468 = arith.addi %scan3A_400, %scan3A_467 : i32
        %mul3A_469 = arith.constant 1 : i32
        %mul3A_470 = arith.muli %scan3A_468, %mul3A_469 : i32
        %add3A_471 = arith.constant 0 : i32
        %add3A_472 = arith.addi %add3A_471, %mul3A_470 : i32
        %broadcast_in_dim3A_473 = arith.constant 0 : i32
        %broadcast_in_dim3A_474 = vector.broadcast %broadcast_in_dim3A_473 : i32 to vector<16xi32>
        %add3A_475 = vector.broadcast %add3A_472 : i32 to vector<16xi32>
        %add3A_476 = arith.addi %broadcast_in_dim3A_474, %add3A_475 : vector<16xi32>
        %get3A_477 = arith.index_cast %add3A_472 : i32 to index
        %get3A_478 = arith.constant 0 : index
        %get3A_479 = tpu.vector_load %arg9[%get3A_477, %get3A_478] {strides = array<i32>} : memref<128x64xf32, #tpu.memory_space<vmem>>, vector<16xf32>,
        %add3A_480 = arith.constant 0 : i32
        %add3A_481 = vector.broadcast %add3A_480 : i32 to vector<16xi32>
        %add3A_482 = arith.addi %add3A_481, %iota3A : vector<16xi32>
        %shift_right_arithmetic3A_483 = arith.constant 3 : i32
        %shift_right_arithmetic3A_484 = vector.broadcast %shift_right_arithmetic3A_483 : i32 to vector<16xi32>
        %shift_right_arithmetic3A_485 = arith.shrsi %add3A_482, %shift_right_arithmetic3A_484 : vector<16xi32>
        %and3A_486 = arith.constant 7 : i32
        %and3A_487 = vector.broadcast %and3A_486 : i32 to vector<16xi32>
        %and3A_488 = arith.andi %add3A_482, %and3A_487 : vector<16xi32>
        %mul3A_489 = arith.constant 8.000000e+00 : f32
        %mul3A_490 = vector.broadcast %mul3A_489 : f32 to vector<16xf32>
        %mul3A_491 = arith.mulf %get3A_479, %mul3A_490 : vector<16xf32>
        tpu.vector_store_idx %arg13[%shift_right_arithmetic3A_485, %and3A_488, %add3A_476], %mul3A_491 : memref<8x8x129xf32, #tpu.memory_space<vmem>>[vector<16xi32>, vector<16xi32>, vector<16xi32>], vector<16xf32>,
        %get3A_492 = arith.index_cast %add3A_472 : i32 to index
        %get3A_493 = arith.constant 16 : index
        %get3A_494 = tpu.vector_load %arg9[%get3A_492, %get3A_493] {strides = array<i32>} : memref<128x64xf32, #tpu.memory_space<vmem>>, vector<16xf32>,
        %add3A_495 = arith.constant 16 : i32
        %add3A_496 = vector.broadcast %add3A_495 : i32 to vector<16xi32>
        %add3A_497 = arith.addi %add3A_496, %iota3A : vector<16xi32>
        %shift_right_arithmetic3A_498 = arith.constant 3 : i32
        %shift_right_arithmetic3A_499 = vector.broadcast %shift_right_arithmetic3A_498 : i32 to vector<16xi32>
        %shift_right_arithmetic3A_500 = arith.shrsi %add3A_497, %shift_right_arithmetic3A_499 : vector<16xi32>
        %and3A_501 = arith.constant 7 : i32
        %and3A_502 = vector.broadcast %and3A_501 : i32 to vector<16xi32>
        %and3A_503 = arith.andi %add3A_497, %and3A_502 : vector<16xi32>
        %mul3A_504 = arith.constant 8.000000e+00 : f32
        %mul3A_505 = vector.broadcast %mul3A_504 : f32 to vector<16xf32>
        %mul3A_506 = arith.mulf %get3A_494, %mul3A_505 : vector<16xf32>
        tpu.vector_store_idx %arg13[%shift_right_arithmetic3A_500, %and3A_503, %add3A_476], %mul3A_506 : memref<8x8x129xf32, #tpu.memory_space<vmem>>[vector<16xi32>, vector<16xi32>, vector<16xi32>], vector<16xf32>,
        %get3A_507 = arith.index_cast %add3A_472 : i32 to index
        %get3A_508 = arith.constant 32 : index
        %get3A_509 = tpu.vector_load %arg9[%get3A_507, %get3A_508] {strides = array<i32>} : memref<128x64xf32, #tpu.memory_space<vmem>>, vector<16xf32>,
        %add3A_510 = arith.constant 32 : i32
        %add3A_511 = vector.broadcast %add3A_510 : i32 to vector<16xi32>
        %add3A_512 = arith.addi %add3A_511, %iota3A : vector<16xi32>
        %shift_right_arithmetic3A_513 = arith.constant 3 : i32
        %shift_right_arithmetic3A_514 = vector.broadcast %shift_right_arithmetic3A_513 : i32 to vector<16xi32>
        %shift_right_arithmetic3A_515 = arith.shrsi %add3A_512, %shift_right_arithmetic3A_514 : vector<16xi32>
        %and3A_516 = arith.constant 7 : i32
        %and3A_517 = vector.broadcast %and3A_516 : i32 to vector<16xi32>
        %and3A_518 = arith.andi %add3A_512, %and3A_517 : vector<16xi32>
        %mul3A_519 = arith.constant 8.000000e+00 : f32
        %mul3A_520 = vector.broadcast %mul3A_519 : f32 to vector<16xf32>
        %mul3A_521 = arith.mulf %get3A_509, %mul3A_520 : vector<16xf32>
        tpu.vector_store_idx %arg13[%shift_right_arithmetic3A_515, %and3A_518, %add3A_476], %mul3A_521 : memref<8x8x129xf32, #tpu.memory_space<vmem>>[vector<16xi32>, vector<16xi32>, vector<16xi32>], vector<16xf32>,
        %get3A_522 = arith.index_cast %add3A_472 : i32 to index
        %get3A_523 = arith.constant 48 : index
        %get3A_524 = tpu.vector_load %arg9[%get3A_522, %get3A_523] {strides = array<i32>} : memref<128x64xf32, #tpu.memory_space<vmem>>, vector<16xf32>,
        %add3A_525 = arith.constant 48 : i32
        %add3A_526 = vector.broadcast %add3A_525 : i32 to vector<16xi32>
        %add3A_527 = arith.addi %add3A_526, %iota3A : vector<16xi32>
        %shift_right_arithmetic3A_528 = arith.constant 3 : i32
        %shift_right_arithmetic3A_529 = vector.broadcast %shift_right_arithmetic3A_528 : i32 to vector<16xi32>
        %shift_right_arithmetic3A_530 = arith.shrsi %add3A_527, %shift_right_arithmetic3A_529 : vector<16xi32>
        %and3A_531 = arith.constant 7 : i32
        %and3A_532 = vector.broadcast %and3A_531 : i32 to vector<16xi32>
        %and3A_533 = arith.andi %add3A_527, %and3A_532 : vector<16xi32>
        %mul3A_534 = arith.constant 8.000000e+00 : f32
        %mul3A_535 = vector.broadcast %mul3A_534 : f32 to vector<16xf32>
        %mul3A_536 = arith.mulf %get3A_524, %mul3A_535 : vector<16xf32>
        tpu.vector_store_idx %arg13[%shift_right_arithmetic3A_530, %and3A_533, %add3A_476], %mul3A_536 : memref<8x8x129xf32, #tpu.memory_space<vmem>>[vector<16xi32>, vector<16xi32>, vector<16xi32>], vector<16xf32>,
        %scan3A_537 = arith.constant 2 : i32
        %scan3A_538 = arith.addi %scan3A_400, %scan3A_537 : i32
        %mul3A_539 = arith.constant 1 : i32
        %mul3A_540 = arith.muli %scan3A_538, %mul3A_539 : i32
        %add3A_541 = arith.constant 0 : i32
        %add3A_542 = arith.addi %add3A_541, %mul3A_540 : i32
        %broadcast_in_dim3A_543 = arith.constant 0 : i32
        %broadcast_in_dim3A_544 = vector.broadcast %broadcast_in_dim3A_543 : i32 to vector<16xi32>
        %add3A_545 = vector.broadcast %add3A_542 : i32 to vector<16xi32>
        %add3A_546 = arith.addi %broadcast_in_dim3A_544, %add3A_545 : vector<16xi32>
        %get3A_547 = arith.index_cast %add3A_542 : i32 to index
        %get3A_548 = arith.constant 0 : index
        %get3A_549 = tpu.vector_load %arg9[%get3A_547, %get3A_548] {strides = array<i32>} : memref<128x64xf32, #tpu.memory_space<vmem>>, vector<16xf32>,
        %add3A_550 = arith.constant 0 : i32
        %add3A_551 = vector.broadcast %add3A_550 : i32 to vector<16xi32>
        %add3A_552 = arith.addi %add3A_551, %iota3A : vector<16xi32>
        %shift_right_arithmetic3A_553 = arith.constant 3 : i32
        %shift_right_arithmetic3A_554 = vector.broadcast %shift_right_arithmetic3A_553 : i32 to vector<16xi32>
        %shift_right_arithmetic3A_555 = arith.shrsi %add3A_552, %shift_right_arithmetic3A_554 : vector<16xi32>
        %and3A_556 = arith.constant 7 : i32
        %and3A_557 = vector.broadcast %and3A_556 : i32 to vector<16xi32>
        %and3A_558 = arith.andi %add3A_552, %and3A_557 : vector<16xi32>
        %mul3A_559 = arith.constant 8.000000e+00 : f32
        %mul3A_560 = vector.broadcast %mul3A_559 : f32 to vector<16xf32>
        %mul3A_561 = arith.mulf %get3A_549, %mul3A_560 : vector<16xf32>
        tpu.vector_store_idx %arg13[%shift_right_arithmetic3A_555, %and3A_558, %add3A_546], %mul3A_561 : memref<8x8x129xf32, #tpu.memory_space<vmem>>[vector<16xi32>, vector<16xi32>, vector<16xi32>], vector<16xf32>,
        %get3A_562 = arith.index_cast %add3A_542 : i32 to index
        %get3A_563 = arith.constant 16 : index
        %get3A_564 = tpu.vector_load %arg9[%get3A_562, %get3A_563] {strides = array<i32>} : memref<128x64xf32, #tpu.memory_space<vmem>>, vector<16xf32>,
        %add3A_565 = arith.constant 16 : i32
        %add3A_566 = vector.broadcast %add3A_565 : i32 to vector<16xi32>
        %add3A_567 = arith.addi %add3A_566, %iota3A : vector<16xi32>
        %shift_right_arithmetic3A_568 = arith.constant 3 : i32
        %shift_right_arithmetic3A_569 = vector.broadcast %shift_right_arithmetic3A_568 : i32 to vector<16xi32>
        %shift_right_arithmetic3A_570 = arith.shrsi %add3A_567, %shift_right_arithmetic3A_569 : vector<16xi32>
        %and3A_571 = arith.constant 7 : i32
        %and3A_572 = vector.broadcast %and3A_571 : i32 to vector<16xi32>
        %and3A_573 = arith.andi %add3A_567, %and3A_572 : vector<16xi32>
        %mul3A_574 = arith.constant 8.000000e+00 : f32
        %mul3A_575 = vector.broadcast %mul3A_574 : f32 to vector<16xf32>
        %mul3A_576 = arith.mulf %get3A_564, %mul3A_575 : vector<16xf32>
        tpu.vector_store_idx %arg13[%shift_right_arithmetic3A_570, %and3A_573, %add3A_546], %mul3A_576 : memref<8x8x129xf32, #tpu.memory_space<vmem>>[vector<16xi32>, vector<16xi32>, vector<16xi32>], vector<16xf32>,
        %get3A_577 = arith.index_cast %add3A_542 : i32 to index
        %get3A_578 = arith.constant 32 : index
        %get3A_579 = tpu.vector_load %arg9[%get3A_577, %get3A_578] {strides = array<i32>} : memref<128x64xf32, #tpu.memory_space<vmem>>, vector<16xf32>,
        %add3A_580 = arith.constant 32 : i32
        %add3A_581 = vector.broadcast %add3A_580 : i32 to vector<16xi32>
        %add3A_582 = arith.addi %add3A_581, %iota3A : vector<16xi32>
        %shift_right_arithmetic3A_583 = arith.constant 3 : i32
        %shift_right_arithmetic3A_584 = vector.broadcast %shift_right_arithmetic3A_583 : i32 to vector<16xi32>
        %shift_right_arithmetic3A_585 = arith.shrsi %add3A_582, %shift_right_arithmetic3A_584 : vector<16xi32>
        %and3A_586 = arith.constant 7 : i32
        %and3A_587 = vector.broadcast %and3A_586 : i32 to vector<16xi32>
        %and3A_588 = arith.andi %add3A_582, %and3A_587 : vector<16xi32>
        %mul3A_589 = arith.constant 8.000000e+00 : f32
        %mul3A_590 = vector.broadcast %mul3A_589 : f32 to vector<16xf32>
        %mul3A_591 = arith.mulf %get3A_579, %mul3A_590 : vector<16xf32>
        tpu.vector_store_idx %arg13[%shift_right_arithmetic3A_585, %and3A_588, %add3A_546], %mul3A_591 : memref<8x8x129xf32, #tpu.memory_space<vmem>>[vector<16xi32>, vector<16xi32>, vector<16xi32>], vector<16xf32>,
        %get3A_592 = arith.index_cast %add3A_542 : i32 to index
        %get3A_593 = arith.constant 48 : index
        %get3A_594 = tpu.vector_load %arg9[%get3A_592, %get3A_593] {strides = array<i32>} : memref<128x64xf32, #tpu.memory_space<vmem>>, vector<16xf32>,
        %add3A_595 = arith.constant 48 : i32
        %add3A_596 = vector.broadcast %add3A_595 : i32 to vector<16xi32>
        %add3A_597 = arith.addi %add3A_596, %iota3A : vector<16xi32>
        %shift_right_arithmetic3A_598 = arith.constant 3 : i32
        %shift_right_arithmetic3A_599 = vector.broadcast %shift_right_arithmetic3A_598 : i32 to vector<16xi32>
        %shift_right_arithmetic3A_600 = arith.shrsi %add3A_597, %shift_right_arithmetic3A_599 : vector<16xi32>
        %and3A_601 = arith.constant 7 : i32
        %and3A_602 = vector.broadcast %and3A_601 : i32 to vector<16xi32>
        %and3A_603 = arith.andi %add3A_597, %and3A_602 : vector<16xi32>
        %mul3A_604 = arith.constant 8.000000e+00 : f32
        %mul3A_605 = vector.broadcast %mul3A_604 : f32 to vector<16xf32>
        %mul3A_606 = arith.mulf %get3A_594, %mul3A_605 : vector<16xf32>
        tpu.vector_store_idx %arg13[%shift_right_arithmetic3A_600, %and3A_603, %add3A_546], %mul3A_606 : memref<8x8x129xf32, #tpu.memory_space<vmem>>[vector<16xi32>, vector<16xi32>, vector<16xi32>], vector<16xf32>,
        %scan3A_607 = arith.constant 3 : i32
        %scan3A_608 = arith.addi %scan3A_400, %scan3A_607 : i32
        %mul3A_609 = arith.constant 1 : i32
        %mul3A_610 = arith.muli %scan3A_608, %mul3A_609 : i32
        %add3A_611 = arith.constant 0 : i32
        %add3A_612 = arith.addi %add3A_611, %mul3A_610 : i32
        %broadcast_in_dim3A_613 = arith.constant 0 : i32
        %broadcast_in_dim3A_614 = vector.broadcast %broadcast_in_dim3A_613 : i32 to vector<16xi32>
        %add3A_615 = vector.broadcast %add3A_612 : i32 to vector<16xi32>
        %add3A_616 = arith.addi %broadcast_in_dim3A_614, %add3A_615 : vector<16xi32>
        %get3A_617 = arith.index_cast %add3A_612 : i32 to index
        %get3A_618 = arith.constant 0 : index
        %get3A_619 = tpu.vector_load %arg9[%get3A_617, %get3A_618] {strides = array<i32>} : memref<128x64xf32, #tpu.memory_space<vmem>>, vector<16xf32>,
        %add3A_620 = arith.constant 0 : i32
        %add3A_621 = vector.broadcast %add3A_620 : i32 to vector<16xi32>
        %add3A_622 = arith.addi %add3A_621, %iota3A : vector<16xi32>
        %shift_right_arithmetic3A_623 = arith.constant 3 : i32
        %shift_right_arithmetic3A_624 = vector.broadcast %shift_right_arithmetic3A_623 : i32 to vector<16xi32>
        %shift_right_arithmetic3A_625 = arith.shrsi %add3A_622, %shift_right_arithmetic3A_624 : vector<16xi32>
        %and3A_626 = arith.constant 7 : i32
        %and3A_627 = vector.broadcast %and3A_626 : i32 to vector<16xi32>
        %and3A_628 = arith.andi %add3A_622, %and3A_627 : vector<16xi32>
        %mul3A_629 = arith.constant 8.000000e+00 : f32
        %mul3A_630 = vector.broadcast %mul3A_629 : f32 to vector<16xf32>
        %mul3A_631 = arith.mulf %get3A_619, %mul3A_630 : vector<16xf32>
        tpu.vector_store_idx %arg13[%shift_right_arithmetic3A_625, %and3A_628, %add3A_616], %mul3A_631 : memref<8x8x129xf32, #tpu.memory_space<vmem>>[vector<16xi32>, vector<16xi32>, vector<16xi32>], vector<16xf32>,
        %get3A_632 = arith.index_cast %add3A_612 : i32 to index
        %get3A_633 = arith.constant 16 : index
        %get3A_634 = tpu.vector_load %arg9[%get3A_632, %get3A_633] {strides = array<i32>} : memref<128x64xf32, #tpu.memory_space<vmem>>, vector<16xf32>,
        %add3A_635 = arith.constant 16 : i32
        %add3A_636 = vector.broadcast %add3A_635 : i32 to vector<16xi32>
        %add3A_637 = arith.addi %add3A_636, %iota3A : vector<16xi32>
        %shift_right_arithmetic3A_638 = arith.constant 3 : i32
        %shift_right_arithmetic3A_639 = vector.broadcast %shift_right_arithmetic3A_638 : i32 to vector<16xi32>
        %shift_right_arithmetic3A_640 = arith.shrsi %add3A_637, %shift_right_arithmetic3A_639 : vector<16xi32>
        %and3A_641 = arith.constant 7 : i32
        %and3A_642 = vector.broadcast %and3A_641 : i32 to vector<16xi32>
        %and3A_643 = arith.andi %add3A_637, %and3A_642 : vector<16xi32>
        %mul3A_644 = arith.constant 8.000000e+00 : f32
        %mul3A_645 = vector.broadcast %mul3A_644 : f32 to vector<16xf32>
        %mul3A_646 = arith.mulf %get3A_634, %mul3A_645 : vector<16xf32>
        tpu.vector_store_idx %arg13[%shift_right_arithmetic3A_640, %and3A_643, %add3A_616], %mul3A_646 : memref<8x8x129xf32, #tpu.memory_space<vmem>>[vector<16xi32>, vector<16xi32>, vector<16xi32>], vector<16xf32>,
        %get3A_647 = arith.index_cast %add3A_612 : i32 to index
        %get3A_648 = arith.constant 32 : index
        %get3A_649 = tpu.vector_load %arg9[%get3A_647, %get3A_648] {strides = array<i32>} : memref<128x64xf32, #tpu.memory_space<vmem>>, vector<16xf32>,
        %add3A_650 = arith.constant 32 : i32
        %add3A_651 = vector.broadcast %add3A_650 : i32 to vector<16xi32>
        %add3A_652 = arith.addi %add3A_651, %iota3A : vector<16xi32>
        %shift_right_arithmetic3A_653 = arith.constant 3 : i32
        %shift_right_arithmetic3A_654 = vector.broadcast %shift_right_arithmetic3A_653 : i32 to vector<16xi32>
        %shift_right_arithmetic3A_655 = arith.shrsi %add3A_652, %shift_right_arithmetic3A_654 : vector<16xi32>
        %and3A_656 = arith.constant 7 : i32
        %and3A_657 = vector.broadcast %and3A_656 : i32 to vector<16xi32>
        %and3A_658 = arith.andi %add3A_652, %and3A_657 : vector<16xi32>
        %mul3A_659 = arith.constant 8.000000e+00 : f32
        %mul3A_660 = vector.broadcast %mul3A_659 : f32 to vector<16xf32>
        %mul3A_661 = arith.mulf %get3A_649, %mul3A_660 : vector<16xf32>
        tpu.vector_store_idx %arg13[%shift_right_arithmetic3A_655, %and3A_658, %add3A_616], %mul3A_661 : memref<8x8x129xf32, #tpu.memory_space<vmem>>[vector<16xi32>, vector<16xi32>, vector<16xi32>], vector<16xf32>,
        %get3A_662 = arith.index_cast %add3A_612 : i32 to index
        %get3A_663 = arith.constant 48 : index
        %get3A_664 = tpu.vector_load %arg9[%get3A_662, %get3A_663] {strides = array<i32>} : memref<128x64xf32, #tpu.memory_space<vmem>>, vector<16xf32>,
        %add3A_665 = arith.constant 48 : i32
        %add3A_666 = vector.broadcast %add3A_665 : i32 to vector<16xi32>
        %add3A_667 = arith.addi %add3A_666, %iota3A : vector<16xi32>
        %shift_right_arithmetic3A_668 = arith.constant 3 : i32
        %shift_right_arithmetic3A_669 = vector.broadcast %shift_right_arithmetic3A_668 : i32 to vector<16xi32>
        %shift_right_arithmetic3A_670 = arith.shrsi %add3A_667, %shift_right_arithmetic3A_669 : vector<16xi32>
        %and3A_671 = arith.constant 7 : i32
        %and3A_672 = vector.broadcast %and3A_671 : i32 to vector<16xi32>
        %and3A_673 = arith.andi %add3A_667, %and3A_672 : vector<16xi32>
        %mul3A_674 = arith.constant 8.000000e+00 : f32
        %mul3A_675 = vector.broadcast %mul3A_674 : f32 to vector<16xf32>
        %mul3A_676 = arith.mulf %get3A_664, %mul3A_675 : vector<16xf32>
        tpu.vector_store_idx %arg13[%shift_right_arithmetic3A_670, %and3A_673, %add3A_616], %mul3A_676 : memref<8x8x129xf32, #tpu.memory_space<vmem>>[vector<16xi32>, vector<16xi32>, vector<16xi32>], vector<16xf32>,
        %scan3A_677 = arith.constant 4 : i32
        %scan3A_678 = arith.addi %scan3A_400, %scan3A_677 : i32
        %mul3A_679 = arith.constant 1 : i32
        %mul3A_680 = arith.muli %scan3A_678, %mul3A_679 : i32
        %add3A_681 = arith.constant 0 : i32
        %add3A_682 = arith.addi %add3A_681, %mul3A_680 : i32
        %broadcast_in_dim3A_683 = arith.constant 0 : i32
        %broadcast_in_dim3A_684 = vector.broadcast %broadcast_in_dim3A_683 : i32 to vector<16xi32>
        %add3A_685 = vector.broadcast %add3A_682 : i32 to vector<16xi32>
        %add3A_686 = arith.addi %broadcast_in_dim3A_684, %add3A_685 : vector<16xi32>
        %get3A_687 = arith.index_cast %add3A_682 : i32 to index
        %get3A_688 = arith.constant 0 : index
        %get3A_689 = tpu.vector_load %arg9[%get3A_687, %get3A_688] {strides = array<i32>} : memref<128x64xf32, #tpu.memory_space<vmem>>, vector<16xf32>,
        %add3A_690 = arith.constant 0 : i32
        %add3A_691 = vector.broadcast %add3A_690 : i32 to vector<16xi32>
        %add3A_692 = arith.addi %add3A_691, %iota3A : vector<16xi32>
        %shift_right_arithmetic3A_693 = arith.constant 3 : i32
        %shift_right_arithmetic3A_694 = vector.broadcast %shift_right_arithmetic3A_693 : i32 to vector<16xi32>
        %shift_right_arithmetic3A_695 = arith.shrsi %add3A_692, %shift_right_arithmetic3A_694 : vector<16xi32>
        %and3A_696 = arith.constant 7 : i32
        %and3A_697 = vector.broadcast %and3A_696 : i32 to vector<16xi32>
        %and3A_698 = arith.andi %add3A_692, %and3A_697 : vector<16xi32>
        %mul3A_699 = arith.constant 8.000000e+00 : f32
        %mul3A_700 = vector.broadcast %mul3A_699 : f32 to vector<16xf32>
        %mul3A_701 = arith.mulf %get3A_689, %mul3A_700 : vector<16xf32>
        tpu.vector_store_idx %arg13[%shift_right_arithmetic3A_695, %and3A_698, %add3A_686], %mul3A_701 : memref<8x8x129xf32, #tpu.memory_space<vmem>>[vector<16xi32>, vector<16xi32>, vector<16xi32>], vector<16xf32>,
        %get3A_702 = arith.index_cast %add3A_682 : i32 to index
        %get3A_703 = arith.constant 16 : index
        %get3A_704 = tpu.vector_load %arg9[%get3A_702, %get3A_703] {strides = array<i32>} : memref<128x64xf32, #tpu.memory_space<vmem>>, vector<16xf32>,
        %add3A_705 = arith.constant 16 : i32
        %add3A_706 = vector.broadcast %add3A_705 : i32 to vector<16xi32>
        %add3A_707 = arith.addi %add3A_706, %iota3A : vector<16xi32>
        %shift_right_arithmetic3A_708 = arith.constant 3 : i32
        %shift_right_arithmetic3A_709 = vector.broadcast %shift_right_arithmetic3A_708 : i32 to vector<16xi32>
        %shift_right_arithmetic3A_710 = arith.shrsi %add3A_707, %shift_right_arithmetic3A_709 : vector<16xi32>
        %and3A_711 = arith.constant 7 : i32
        %and3A_712 = vector.broadcast %and3A_711 : i32 to vector<16xi32>
        %and3A_713 = arith.andi %add3A_707, %and3A_712 : vector<16xi32>
        %mul3A_714 = arith.constant 8.000000e+00 : f32
        %mul3A_715 = vector.broadcast %mul3A_714 : f32 to vector<16xf32>
        %mul3A_716 = arith.mulf %get3A_704, %mul3A_715 : vector<16xf32>
        tpu.vector_store_idx %arg13[%shift_right_arithmetic3A_710, %and3A_713, %add3A_686], %mul3A_716 : memref<8x8x129xf32, #tpu.memory_space<vmem>>[vector<16xi32>, vector<16xi32>, vector<16xi32>], vector<16xf32>,
        %get3A_717 = arith.index_cast %add3A_682 : i32 to index
        %get3A_718 = arith.constant 32 : index
        %get3A_719 = tpu.vector_load %arg9[%get3A_717, %get3A_718] {strides = array<i32>} : memref<128x64xf32, #tpu.memory_space<vmem>>, vector<16xf32>,
        %add3A_720 = arith.constant 32 : i32
        %add3A_721 = vector.broadcast %add3A_720 : i32 to vector<16xi32>
        %add3A_722 = arith.addi %add3A_721, %iota3A : vector<16xi32>
        %shift_right_arithmetic3A_723 = arith.constant 3 : i32
        %shift_right_arithmetic3A_724 = vector.broadcast %shift_right_arithmetic3A_723 : i32 to vector<16xi32>
        %shift_right_arithmetic3A_725 = arith.shrsi %add3A_722, %shift_right_arithmetic3A_724 : vector<16xi32>
        %and3A_726 = arith.constant 7 : i32
        %and3A_727 = vector.broadcast %and3A_726 : i32 to vector<16xi32>
        %and3A_728 = arith.andi %add3A_722, %and3A_727 : vector<16xi32>
        %mul3A_729 = arith.constant 8.000000e+00 : f32
        %mul3A_730 = vector.broadcast %mul3A_729 : f32 to vector<16xf32>
        %mul3A_731 = arith.mulf %get3A_719, %mul3A_730 : vector<16xf32>
        tpu.vector_store_idx %arg13[%shift_right_arithmetic3A_725, %and3A_728, %add3A_686], %mul3A_731 : memref<8x8x129xf32, #tpu.memory_space<vmem>>[vector<16xi32>, vector<16xi32>, vector<16xi32>], vector<16xf32>,
        %get3A_732 = arith.index_cast %add3A_682 : i32 to index
        %get3A_733 = arith.constant 48 : index
        %get3A_734 = tpu.vector_load %arg9[%get3A_732, %get3A_733] {strides = array<i32>} : memref<128x64xf32, #tpu.memory_space<vmem>>, vector<16xf32>,
        %add3A_735 = arith.constant 48 : i32
        %add3A_736 = vector.broadcast %add3A_735 : i32 to vector<16xi32>
        %add3A_737 = arith.addi %add3A_736, %iota3A : vector<16xi32>
        %shift_right_arithmetic3A_738 = arith.constant 3 : i32
        %shift_right_arithmetic3A_739 = vector.broadcast %shift_right_arithmetic3A_738 : i32 to vector<16xi32>
        %shift_right_arithmetic3A_740 = arith.shrsi %add3A_737, %shift_right_arithmetic3A_739 : vector<16xi32>
        %and3A_741 = arith.constant 7 : i32
        %and3A_742 = vector.broadcast %and3A_741 : i32 to vector<16xi32>
        %and3A_743 = arith.andi %add3A_737, %and3A_742 : vector<16xi32>
        %mul3A_744 = arith.constant 8.000000e+00 : f32
        %mul3A_745 = vector.broadcast %mul3A_744 : f32 to vector<16xf32>
        %mul3A_746 = arith.mulf %get3A_734, %mul3A_745 : vector<16xf32>
        tpu.vector_store_idx %arg13[%shift_right_arithmetic3A_740, %and3A_743, %add3A_686], %mul3A_746 : memref<8x8x129xf32, #tpu.memory_space<vmem>>[vector<16xi32>, vector<16xi32>, vector<16xi32>], vector<16xf32>,
        %scan3A_747 = arith.constant 5 : i32
        %scan3A_748 = arith.addi %scan3A_400, %scan3A_747 : i32
        %mul3A_749 = arith.constant 1 : i32
        %mul3A_750 = arith.muli %scan3A_748, %mul3A_749 : i32
        %add3A_751 = arith.constant 0 : i32
        %add3A_752 = arith.addi %add3A_751, %mul3A_750 : i32
        %broadcast_in_dim3A_753 = arith.constant 0 : i32
        %broadcast_in_dim3A_754 = vector.broadcast %broadcast_in_dim3A_753 : i32 to vector<16xi32>
        %add3A_755 = vector.broadcast %add3A_752 : i32 to vector<16xi32>
        %add3A_756 = arith.addi %broadcast_in_dim3A_754, %add3A_755 : vector<16xi32>
        %get3A_757 = arith.index_cast %add3A_752 : i32 to index
        %get3A_758 = arith.constant 0 : index
        %get3A_759 = tpu.vector_load %arg9[%get3A_757, %get3A_758] {strides = array<i32>} : memref<128x64xf32, #tpu.memory_space<vmem>>, vector<16xf32>,
        %add3A_760 = arith.constant 0 : i32
        %add3A_761 = vector.broadcast %add3A_760 : i32 to vector<16xi32>
        %add3A_762 = arith.addi %add3A_761, %iota3A : vector<16xi32>
        %shift_right_arithmetic3A_763 = arith.constant 3 : i32
        %shift_right_arithmetic3A_764 = vector.broadcast %shift_right_arithmetic3A_763 : i32 to vector<16xi32>
        %shift_right_arithmetic3A_765 = arith.shrsi %add3A_762, %shift_right_arithmetic3A_764 : vector<16xi32>
        %and3A_766 = arith.constant 7 : i32
        %and3A_767 = vector.broadcast %and3A_766 : i32 to vector<16xi32>
        %and3A_768 = arith.andi %add3A_762, %and3A_767 : vector<16xi32>
        %mul3A_769 = arith.constant 8.000000e+00 : f32
        %mul3A_770 = vector.broadcast %mul3A_769 : f32 to vector<16xf32>
        %mul3A_771 = arith.mulf %get3A_759, %mul3A_770 : vector<16xf32>
        tpu.vector_store_idx %arg13[%shift_right_arithmetic3A_765, %and3A_768, %add3A_756], %mul3A_771 : memref<8x8x129xf32, #tpu.memory_space<vmem>>[vector<16xi32>, vector<16xi32>, vector<16xi32>], vector<16xf32>,
        %get3A_772 = arith.index_cast %add3A_752 : i32 to index
        %get3A_773 = arith.constant 16 : index
        %get3A_774 = tpu.vector_load %arg9[%get3A_772, %get3A_773] {strides = array<i32>} : memref<128x64xf32, #tpu.memory_space<vmem>>, vector<16xf32>,
        %add3A_775 = arith.constant 16 : i32
        %add3A_776 = vector.broadcast %add3A_775 : i32 to vector<16xi32>
        %add3A_777 = arith.addi %add3A_776, %iota3A : vector<16xi32>
        %shift_right_arithmetic3A_778 = arith.constant 3 : i32
        %shift_right_arithmetic3A_779 = vector.broadcast %shift_right_arithmetic3A_778 : i32 to vector<16xi32>
        %shift_right_arithmetic3A_780 = arith.shrsi %add3A_777, %shift_right_arithmetic3A_779 : vector<16xi32>
        %and3A_781 = arith.constant 7 : i32
        %and3A_782 = vector.broadcast %and3A_781 : i32 to vector<16xi32>
        %and3A_783 = arith.andi %add3A_777, %and3A_782 : vector<16xi32>
        %mul3A_784 = arith.constant 8.000000e+00 : f32
        %mul3A_785 = vector.broadcast %mul3A_784 : f32 to vector<16xf32>
        %mul3A_786 = arith.mulf %get3A_774, %mul3A_785 : vector<16xf32>
        tpu.vector_store_idx %arg13[%shift_right_arithmetic3A_780, %and3A_783, %add3A_756], %mul3A_786 : memref<8x8x129xf32, #tpu.memory_space<vmem>>[vector<16xi32>, vector<16xi32>, vector<16xi32>], vector<16xf32>,
        %get3A_787 = arith.index_cast %add3A_752 : i32 to index
        %get3A_788 = arith.constant 32 : index
        %get3A_789 = tpu.vector_load %arg9[%get3A_787, %get3A_788] {strides = array<i32>} : memref<128x64xf32, #tpu.memory_space<vmem>>, vector<16xf32>,
        %add3A_790 = arith.constant 32 : i32
        %add3A_791 = vector.broadcast %add3A_790 : i32 to vector<16xi32>
        %add3A_792 = arith.addi %add3A_791, %iota3A : vector<16xi32>
        %shift_right_arithmetic3A_793 = arith.constant 3 : i32
        %shift_right_arithmetic3A_794 = vector.broadcast %shift_right_arithmetic3A_793 : i32 to vector<16xi32>
        %shift_right_arithmetic3A_795 = arith.shrsi %add3A_792, %shift_right_arithmetic3A_794 : vector<16xi32>
        %and3A_796 = arith.constant 7 : i32
        %and3A_797 = vector.broadcast %and3A_796 : i32 to vector<16xi32>
        %and3A_798 = arith.andi %add3A_792, %and3A_797 : vector<16xi32>
        %mul3A_799 = arith.constant 8.000000e+00 : f32
        %mul3A_800 = vector.broadcast %mul3A_799 : f32 to vector<16xf32>
        %mul3A_801 = arith.mulf %get3A_789, %mul3A_800 : vector<16xf32>
        tpu.vector_store_idx %arg13[%shift_right_arithmetic3A_795, %and3A_798, %add3A_756], %mul3A_801 : memref<8x8x129xf32, #tpu.memory_space<vmem>>[vector<16xi32>, vector<16xi32>, vector<16xi32>], vector<16xf32>,
        %get3A_802 = arith.index_cast %add3A_752 : i32 to index
        %get3A_803 = arith.constant 48 : index
        %get3A_804 = tpu.vector_load %arg9[%get3A_802, %get3A_803] {strides = array<i32>} : memref<128x64xf32, #tpu.memory_space<vmem>>, vector<16xf32>,
        %add3A_805 = arith.constant 48 : i32
        %add3A_806 = vector.broadcast %add3A_805 : i32 to vector<16xi32>
        %add3A_807 = arith.addi %add3A_806, %iota3A : vector<16xi32>
        %shift_right_arithmetic3A_808 = arith.constant 3 : i32
        %shift_right_arithmetic3A_809 = vector.broadcast %shift_right_arithmetic3A_808 : i32 to vector<16xi32>
        %shift_right_arithmetic3A_810 = arith.shrsi %add3A_807, %shift_right_arithmetic3A_809 : vector<16xi32>
        %and3A_811 = arith.constant 7 : i32
        %and3A_812 = vector.broadcast %and3A_811 : i32 to vector<16xi32>
        %and3A_813 = arith.andi %add3A_807, %and3A_812 : vector<16xi32>
        %mul3A_814 = arith.constant 8.000000e+00 : f32
        %mul3A_815 = vector.broadcast %mul3A_814 : f32 to vector<16xf32>
        %mul3A_816 = arith.mulf %get3A_804, %mul3A_815 : vector<16xf32>
        tpu.vector_store_idx %arg13[%shift_right_arithmetic3A_810, %and3A_813, %add3A_756], %mul3A_816 : memref<8x8x129xf32, #tpu.memory_space<vmem>>[vector<16xi32>, vector<16xi32>, vector<16xi32>], vector<16xf32>,
        %scan3A_817 = arith.constant 6 : i32
        %scan3A_818 = arith.addi %scan3A_400, %scan3A_817 : i32
        %mul3A_819 = arith.constant 1 : i32
        %mul3A_820 = arith.muli %scan3A_818, %mul3A_819 : i32
        %add3A_821 = arith.constant 0 : i32
        %add3A_822 = arith.addi %add3A_821, %mul3A_820 : i32
        %broadcast_in_dim3A_823 = arith.constant 0 : i32
        %broadcast_in_dim3A_824 = vector.broadcast %broadcast_in_dim3A_823 : i32 to vector<16xi32>
        %add3A_825 = vector.broadcast %add3A_822 : i32 to vector<16xi32>
        %add3A_826 = arith.addi %broadcast_in_dim3A_824, %add3A_825 : vector<16xi32>
        %get3A_827 = arith.index_cast %add3A_822 : i32 to index
        %get3A_828 = arith.constant 0 : index
        %get3A_829 = tpu.vector_load %arg9[%get3A_827, %get3A_828] {strides = array<i32>} : memref<128x64xf32, #tpu.memory_space<vmem>>, vector<16xf32>,
        %add3A_830 = arith.constant 0 : i32
        %add3A_831 = vector.broadcast %add3A_830 : i32 to vector<16xi32>
        %add3A_832 = arith.addi %add3A_831, %iota3A : vector<16xi32>
        %shift_right_arithmetic3A_833 = arith.constant 3 : i32
        %shift_right_arithmetic3A_834 = vector.broadcast %shift_right_arithmetic3A_833 : i32 to vector<16xi32>
        %shift_right_arithmetic3A_835 = arith.shrsi %add3A_832, %shift_right_arithmetic3A_834 : vector<16xi32>
        %and3A_836 = arith.constant 7 : i32
        %and3A_837 = vector.broadcast %and3A_836 : i32 to vector<16xi32>
        %and3A_838 = arith.andi %add3A_832, %and3A_837 : vector<16xi32>
        %mul3A_839 = arith.constant 8.000000e+00 : f32
        %mul3A_840 = vector.broadcast %mul3A_839 : f32 to vector<16xf32>
        %mul3A_841 = arith.mulf %get3A_829, %mul3A_840 : vector<16xf32>
        tpu.vector_store_idx %arg13[%shift_right_arithmetic3A_835, %and3A_838, %add3A_826], %mul3A_841 : memref<8x8x129xf32, #tpu.memory_space<vmem>>[vector<16xi32>, vector<16xi32>, vector<16xi32>], vector<16xf32>,
        %get3A_842 = arith.index_cast %add3A_822 : i32 to index
        %get3A_843 = arith.constant 16 : index
        %get3A_844 = tpu.vector_load %arg9[%get3A_842, %get3A_843] {strides = array<i32>} : memref<128x64xf32, #tpu.memory_space<vmem>>, vector<16xf32>,
        %add3A_845 = arith.constant 16 : i32
        %add3A_846 = vector.broadcast %add3A_845 : i32 to vector<16xi32>
        %add3A_847 = arith.addi %add3A_846, %iota3A : vector<16xi32>
        %shift_right_arithmetic3A_848 = arith.constant 3 : i32
        %shift_right_arithmetic3A_849 = vector.broadcast %shift_right_arithmetic3A_848 : i32 to vector<16xi32>
        %shift_right_arithmetic3A_850 = arith.shrsi %add3A_847, %shift_right_arithmetic3A_849 : vector<16xi32>
        %and3A_851 = arith.constant 7 : i32
        %and3A_852 = vector.broadcast %and3A_851 : i32 to vector<16xi32>
        %and3A_853 = arith.andi %add3A_847, %and3A_852 : vector<16xi32>
        %mul3A_854 = arith.constant 8.000000e+00 : f32
        %mul3A_855 = vector.broadcast %mul3A_854 : f32 to vector<16xf32>
        %mul3A_856 = arith.mulf %get3A_844, %mul3A_855 : vector<16xf32>
        tpu.vector_store_idx %arg13[%shift_right_arithmetic3A_850, %and3A_853, %add3A_826], %mul3A_856 : memref<8x8x129xf32, #tpu.memory_space<vmem>>[vector<16xi32>, vector<16xi32>, vector<16xi32>], vector<16xf32>,
        %get3A_857 = arith.index_cast %add3A_822 : i32 to index
        %get3A_858 = arith.constant 32 : index
        %get3A_859 = tpu.vector_load %arg9[%get3A_857, %get3A_858] {strides = array<i32>} : memref<128x64xf32, #tpu.memory_space<vmem>>, vector<16xf32>,
        %add3A_860 = arith.constant 32 : i32
        %add3A_861 = vector.broadcast %add3A_860 : i32 to vector<16xi32>
        %add3A_862 = arith.addi %add3A_861, %iota3A : vector<16xi32>
        %shift_right_arithmetic3A_863 = arith.constant 3 : i32
        %shift_right_arithmetic3A_864 = vector.broadcast %shift_right_arithmetic3A_863 : i32 to vector<16xi32>
        %shift_right_arithmetic3A_865 = arith.shrsi %add3A_862, %shift_right_arithmetic3A_864 : vector<16xi32>
        %and3A_866 = arith.constant 7 : i32
        %and3A_867 = vector.broadcast %and3A_866 : i32 to vector<16xi32>
        %and3A_868 = arith.andi %add3A_862, %and3A_867 : vector<16xi32>
        %mul3A_869 = arith.constant 8.000000e+00 : f32
        %mul3A_870 = vector.broadcast %mul3A_869 : f32 to vector<16xf32>
        %mul3A_871 = arith.mulf %get3A_859, %mul3A_870 : vector<16xf32>
        tpu.vector_store_idx %arg13[%shift_right_arithmetic3A_865, %and3A_868, %add3A_826], %mul3A_871 : memref<8x8x129xf32, #tpu.memory_space<vmem>>[vector<16xi32>, vector<16xi32>, vector<16xi32>], vector<16xf32>,
        %get3A_872 = arith.index_cast %add3A_822 : i32 to index
        %get3A_873 = arith.constant 48 : index
        %get3A_874 = tpu.vector_load %arg9[%get3A_872, %get3A_873] {strides = array<i32>} : memref<128x64xf32, #tpu.memory_space<vmem>>, vector<16xf32>,
        %add3A_875 = arith.constant 48 : i32
        %add3A_876 = vector.broadcast %add3A_875 : i32 to vector<16xi32>
        %add3A_877 = arith.addi %add3A_876, %iota3A : vector<16xi32>
        %shift_right_arithmetic3A_878 = arith.constant 3 : i32
        %shift_right_arithmetic3A_879 = vector.broadcast %shift_right_arithmetic3A_878 : i32 to vector<16xi32>
        %shift_right_arithmetic3A_880 = arith.shrsi %add3A_877, %shift_right_arithmetic3A_879 : vector<16xi32>
        %and3A_881 = arith.constant 7 : i32
        %and3A_882 = vector.broadcast %and3A_881 : i32 to vector<16xi32>
        %and3A_883 = arith.andi %add3A_877, %and3A_882 : vector<16xi32>
        %mul3A_884 = arith.constant 8.000000e+00 : f32
        %mul3A_885 = vector.broadcast %mul3A_884 : f32 to vector<16xf32>
        %mul3A_886 = arith.mulf %get3A_874, %mul3A_885 : vector<16xf32>
        tpu.vector_store_idx %arg13[%shift_right_arithmetic3A_880, %and3A_883, %add3A_826], %mul3A_886 : memref<8x8x129xf32, #tpu.memory_space<vmem>>[vector<16xi32>, vector<16xi32>, vector<16xi32>], vector<16xf32>,
        %scan3A_887 = arith.constant 7 : i32
        %scan3A_888 = arith.addi %scan3A_400, %scan3A_887 : i32
        %mul3A_889 = arith.constant 1 : i32
        %mul3A_890 = arith.muli %scan3A_888, %mul3A_889 : i32
        %add3A_891 = arith.constant 0 : i32
        %add3A_892 = arith.addi %add3A_891, %mul3A_890 : i32
        %broadcast_in_dim3A_893 = arith.constant 0 : i32
        %broadcast_in_dim3A_894 = vector.broadcast %broadcast_in_dim3A_893 : i32 to vector<16xi32>
        %add3A_895 = vector.broadcast %add3A_892 : i32 to vector<16xi32>
        %add3A_896 = arith.addi %broadcast_in_dim3A_894, %add3A_895 : vector<16xi32>
        %get3A_897 = arith.index_cast %add3A_892 : i32 to index
        %get3A_898 = arith.constant 0 : index
        %get3A_899 = tpu.vector_load %arg9[%get3A_897, %get3A_898] {strides = array<i32>} : memref<128x64xf32, #tpu.memory_space<vmem>>, vector<16xf32>,
        %add3A_900 = arith.constant 0 : i32
        %add3A_901 = vector.broadcast %add3A_900 : i32 to vector<16xi32>
        %add3A_902 = arith.addi %add3A_901, %iota3A : vector<16xi32>
        %shift_right_arithmetic3A_903 = arith.constant 3 : i32
        %shift_right_arithmetic3A_904 = vector.broadcast %shift_right_arithmetic3A_903 : i32 to vector<16xi32>
        %shift_right_arithmetic3A_905 = arith.shrsi %add3A_902, %shift_right_arithmetic3A_904 : vector<16xi32>
        %and3A_906 = arith.constant 7 : i32
        %and3A_907 = vector.broadcast %and3A_906 : i32 to vector<16xi32>
        %and3A_908 = arith.andi %add3A_902, %and3A_907 : vector<16xi32>
        %mul3A_909 = arith.constant 8.000000e+00 : f32
        %mul3A_910 = vector.broadcast %mul3A_909 : f32 to vector<16xf32>
        %mul3A_911 = arith.mulf %get3A_899, %mul3A_910 : vector<16xf32>
        tpu.vector_store_idx %arg13[%shift_right_arithmetic3A_905, %and3A_908, %add3A_896], %mul3A_911 : memref<8x8x129xf32, #tpu.memory_space<vmem>>[vector<16xi32>, vector<16xi32>, vector<16xi32>], vector<16xf32>,
        %get3A_912 = arith.index_cast %add3A_892 : i32 to index
        %get3A_913 = arith.constant 16 : index
        %get3A_914 = tpu.vector_load %arg9[%get3A_912, %get3A_913] {strides = array<i32>} : memref<128x64xf32, #tpu.memory_space<vmem>>, vector<16xf32>,
        %add3A_915 = arith.constant 16 : i32
        %add3A_916 = vector.broadcast %add3A_915 : i32 to vector<16xi32>
        %add3A_917 = arith.addi %add3A_916, %iota3A : vector<16xi32>
        %shift_right_arithmetic3A_918 = arith.constant 3 : i32
        %shift_right_arithmetic3A_919 = vector.broadcast %shift_right_arithmetic3A_918 : i32 to vector<16xi32>
        %shift_right_arithmetic3A_920 = arith.shrsi %add3A_917, %shift_right_arithmetic3A_919 : vector<16xi32>
        %and3A_921 = arith.constant 7 : i32
        %and3A_922 = vector.broadcast %and3A_921 : i32 to vector<16xi32>
        %and3A_923 = arith.andi %add3A_917, %and3A_922 : vector<16xi32>
        %mul3A_924 = arith.constant 8.000000e+00 : f32
        %mul3A_925 = vector.broadcast %mul3A_924 : f32 to vector<16xf32>
        %mul3A_926 = arith.mulf %get3A_914, %mul3A_925 : vector<16xf32>
        tpu.vector_store_idx %arg13[%shift_right_arithmetic3A_920, %and3A_923, %add3A_896], %mul3A_926 : memref<8x8x129xf32, #tpu.memory_space<vmem>>[vector<16xi32>, vector<16xi32>, vector<16xi32>], vector<16xf32>,
        %get3A_927 = arith.index_cast %add3A_892 : i32 to index
        %get3A_928 = arith.constant 32 : index
        %get3A_929 = tpu.vector_load %arg9[%get3A_927, %get3A_928] {strides = array<i32>} : memref<128x64xf32, #tpu.memory_space<vmem>>, vector<16xf32>,
        %add3A_930 = arith.constant 32 : i32
        %add3A_931 = vector.broadcast %add3A_930 : i32 to vector<16xi32>
        %add3A_932 = arith.addi %add3A_931, %iota3A : vector<16xi32>
        %shift_right_arithmetic3A_933 = arith.constant 3 : i32
        %shift_right_arithmetic3A_934 = vector.broadcast %shift_right_arithmetic3A_933 : i32 to vector<16xi32>
        %shift_right_arithmetic3A_935 = arith.shrsi %add3A_932, %shift_right_arithmetic3A_934 : vector<16xi32>
        %and3A_936 = arith.constant 7 : i32
        %and3A_937 = vector.broadcast %and3A_936 : i32 to vector<16xi32>
        %and3A_938 = arith.andi %add3A_932, %and3A_937 : vector<16xi32>
        %mul3A_939 = arith.constant 8.000000e+00 : f32
        %mul3A_940 = vector.broadcast %mul3A_939 : f32 to vector<16xf32>
        %mul3A_941 = arith.mulf %get3A_929, %mul3A_940 : vector<16xf32>
        tpu.vector_store_idx %arg13[%shift_right_arithmetic3A_935, %and3A_938, %add3A_896], %mul3A_941 : memref<8x8x129xf32, #tpu.memory_space<vmem>>[vector<16xi32>, vector<16xi32>, vector<16xi32>], vector<16xf32>,
        %get3A_942 = arith.index_cast %add3A_892 : i32 to index
        %get3A_943 = arith.constant 48 : index
        %get3A_944 = tpu.vector_load %arg9[%get3A_942, %get3A_943] {strides = array<i32>} : memref<128x64xf32, #tpu.memory_space<vmem>>, vector<16xf32>,
        %add3A_945 = arith.constant 48 : i32
        %add3A_946 = vector.broadcast %add3A_945 : i32 to vector<16xi32>
        %add3A_947 = arith.addi %add3A_946, %iota3A : vector<16xi32>
        %shift_right_arithmetic3A_948 = arith.constant 3 : i32
        %shift_right_arithmetic3A_949 = vector.broadcast %shift_right_arithmetic3A_948 : i32 to vector<16xi32>
        %shift_right_arithmetic3A_950 = arith.shrsi %add3A_947, %shift_right_arithmetic3A_949 : vector<16xi32>
        %and3A_951 = arith.constant 7 : i32
        %and3A_952 = vector.broadcast %and3A_951 : i32 to vector<16xi32>
        %and3A_953 = arith.andi %add3A_947, %and3A_952 : vector<16xi32>
        %mul3A_954 = arith.constant 8.000000e+00 : f32
        %mul3A_955 = vector.broadcast %mul3A_954 : f32 to vector<16xf32>
        %mul3A_956 = arith.mulf %get3A_944, %mul3A_955 : vector<16xf32>
        tpu.vector_store_idx %arg13[%shift_right_arithmetic3A_950, %and3A_953, %add3A_896], %mul3A_956 : memref<8x8x129xf32, #tpu.memory_space<vmem>>[vector<16xi32>, vector<16xi32>, vector<16xi32>], vector<16xf32>,
      }
      %scan3A_192 = arith.constant 128 : i32
      %add3A_193 = arith.addi %mul3A_2, %add3A_169 : i32
      %shift_right_arithmetic3A_194 = arith.constant 10 : i32
      %shift_right_arithmetic3A_195 = arith.shrsi %add3A_193, %shift_right_arithmetic3A_194 : i32
      %mul3A_196 = arith.constant 8 : i32
      %mul3A_197 = arith.muli %shift_right_arithmetic3A_195, %mul3A_196 : i32
      %and3A_198 = arith.constant 7 : i32
      %and3A_199 = arith.andi %add3A_193, %and3A_198 : i32
      %add3A_200 = arith.addi %mul3A_197, %and3A_199 : i32
      %shift_right_arithmetic3A_201 = arith.constant 3 : i32
      %shift_right_arithmetic3A_202 = arith.shrsi %add3A_193, %shift_right_arithmetic3A_201 : i32
      %and3A_203 = arith.constant 127 : i32
      %and3A_204 = arith.andi %shift_right_arithmetic3A_202, %and3A_203 : i32
      %dma_start3A_205 = arith.constant 0 : i32
      %dma_start3A_206 = arith.constant 0 : i32
      %dma_start3A_207 = arith.constant 0 : i32
      %dma_start3A_208 = tpu.memref_slice %arg13[%dma_start3A_205, %dma_start3A_206, %dma_start3A_207] : memref<8x8x129xf32, #tpu.memory_space<vmem>> -> memref<8x8x128xf32, #tpu.memory_space<vmem>>
      %dma_start3A_209 = arith.constant 0 : i32
      %dma_start3A_210 = arith.constant 0 : i32
      %dma_start3A_211 = arith.constant 0 : i32
      %dma_start3A_212 = tpu.memref_slice %arg4[%add3A_200, %dma_start3A_209, %and3A_204, %dma_start3A_210, %dma_start3A_211] : memref<200x8x128x8x128xf32, #tpu.memory_space<hbm>> -> memref<1x8x1x8x128xf32, #tpu.memory_space<hbm>>
      %dma_start3A_213 = tpu.memref_squeeze %dma_start3A_212 : memref<1x8x1x8x128xf32, #tpu.memory_space<hbm>> -> memref<8x8x128xf32, #tpu.memory_space<hbm>>
      %dma_start3A_214 = arith.constant 0 : i32
      %dma_start3A_215 = arith.constant 0 : i32
      %dma_start3A_216 = arith.constant 0 : i32
      %dma_start3A_217 = tpu.memref_slice %arg4[%add3A_200, %dma_start3A_214, %and3A_204, %dma_start3A_215, %dma_start3A_216] : memref<200x8x128x8x128xf32, #tpu.memory_space<hbm>> -> memref<1x8x1x8x128xf32, #tpu.memory_space<hbm>>
      %dma_start3A_218 = tpu.memref_squeeze %dma_start3A_217 : memref<1x8x1x8x128xf32, #tpu.memory_space<hbm>> -> memref<8x8x128xf32, #tpu.memory_space<hbm>>
      %dma_start3A_219 = arith.constant 0 : i32
      %dma_start3A_220 = arith.constant 0 : i32
      %dma_start3A_221 = arith.constant 0 : i32
      %dma_start3A_222 = tpu.memref_slice %arg13[%dma_start3A_219, %dma_start3A_220, %dma_start3A_221] : memref<8x8x129xf32, #tpu.memory_space<vmem>> -> memref<8x8x128xf32, #tpu.memory_space<vmem>>
      tpu.enqueue_dma source(%dma_start3A_222 : memref<8x8x128xf32, #tpu.memory_space<vmem>>) target(%dma_start3A_218 : memref<8x8x128xf32, #tpu.memory_space<hbm>>) target_semaphore(%arg25 : memref<!tpu.dma_semaphore, #tpu.memory_space<semaphore_mem>>)
      %add3A_223 = arith.constant 1 : i32
      %add3A_224 = arith.addi %add3A_167, %add3A_223 : i32
      %add3A_225 = arith.constant 3 : i32
      %add3A_226 = arith.addi %add3A_224, %add3A_225 : i32
      %lt3A_227 = arith.constant 800 : i32
      %lt3A_228 = arith.cmpi slt, %add3A_226, %lt3A_227 : i32
      %convert_element_type3A_229 = arith.extui %lt3A_228 : i1 to i32
      %cond3A_230 = arith.constant 0 : i32
      %cond3A_231 = arith.cmpi ne, %convert_element_type3A_229, %cond3A_230 : i32
      scf.if %cond3A_231 {
        %add3A_400 = arith.constant 3 : i32
        %add3A_401 = arith.addi %add3A_224, %add3A_400 : i32
        %add3A_402 = arith.addi %mul3A_2, %add3A_401 : i32
        %mul3A_403 = arith.constant 128 : i32
        %mul3A_404 = arith.muli %add3A_402, %mul3A_403 : i32
        %dma_start3A_405 = tpu.memref_slice %arg2[%mul3A_404] : memref<3276800xi32, #tpu.memory_space<hbm>> -> memref<128xi32, #tpu.memory_space<hbm>>
        %dma_start3A_406 = tpu.memref_slice %arg2[%mul3A_404] : memref<3276800xi32, #tpu.memory_space<hbm>> -> memref<128xi32, #tpu.memory_space<hbm>>
        tpu.enqueue_dma source(%dma_start3A_406 : memref<128xi32, #tpu.memory_space<hbm>>) target(%arg5 : memref<128xi32, #tpu.memory_space<vmem>>) target_semaphore(%arg17 : memref<!tpu.dma_semaphore, #tpu.memory_space<semaphore_mem>>)
      } else {
      }
      %add3A_232 = arith.constant 2 : i32
      %add3A_233 = arith.addi %add3A_224, %add3A_232 : i32
      %lt3A_234 = arith.constant 800 : i32
      %lt3A_235 = arith.cmpi slt, %add3A_233, %lt3A_234 : i32
      %convert_element_type3A_236 = arith.extui %lt3A_235 : i1 to i32
      %cond3A_237 = arith.constant 0 : i32
      %cond3A_238 = arith.cmpi ne, %convert_element_type3A_236, %cond3A_237 : i32
      scf.if %cond3A_238 {
        %add3A_400 = arith.constant 2 : i32
        %add3A_401 = arith.addi %add3A_224, %add3A_400 : i32
        %add3A_402 = arith.addi %mul3A_2, %add3A_401 : i32
        %mul3A_403 = arith.constant 128 : i32
        %mul3A_404 = arith.muli %add3A_402, %mul3A_403 : i32
        %dma_wait3A_405 = tpu.memref_slice %arg2[%mul3A_404] : memref<3276800xi32, #tpu.memory_space<hbm>> -> memref<128xi32, #tpu.memory_space<hbm>>
        %dma_wait3A_406 = tpu.memref_slice %arg2[%mul3A_404] : memref<3276800xi32, #tpu.memory_space<hbm>> -> memref<128xi32, #tpu.memory_space<hbm>>
        tpu.wait_dma2 semaphore(%arg20 : memref<!tpu.dma_semaphore, #tpu.memory_space<semaphore_mem>>) src(%dma_wait3A_406 : memref<128xi32, #tpu.memory_space<hbm>>) dst(%arg8 : memref<128xi32, #tpu.memory_space<vmem>>)
        %dma_start3A_407 = arith.constant 0 : i32
        %dma_start3A_408 = arith.constant 0 : i32
        %dma_start3A_409 = tpu.memref_slice %arg3[%dma_start3A_407, %dma_start3A_408] : memref<1000000x64xf32, #tpu.memory_space<hbm>> -> memref<1000000x64xf32, #tpu.memory_space<hbm>>
        tpu.enqueue_indirect_dma source(%dma_start3A_409 : memref<1000000x64xf32, #tpu.memory_space<hbm>>) target(%arg12 : memref<128x64xf32, #tpu.memory_space<vmem>>) offsets(%arg8 : memref<128xi32, #tpu.memory_space<vmem>>) semaphore(%arg24 : memref<!tpu.dma_semaphore, #tpu.memory_space<semaphore_mem>>)
      } else {
      }
      %ge3A_239 = arith.constant 4 : i32
      %ge3A_240 = arith.cmpi sge, %add3A_224, %ge3A_239 : i32
      %convert_element_type3A_241 = arith.extui %ge3A_240 : i1 to i32
      %cond3A_242 = arith.constant 0 : i32
      %cond3A_243 = arith.cmpi ne, %convert_element_type3A_241, %cond3A_242 : i32
      scf.if %cond3A_243 {
        %sub3A = arith.constant 4 : i32
        %sub3A_400 = arith.subi %add3A_224, %sub3A : i32
        %add3A_401 = arith.addi %mul3A_2, %sub3A_400 : i32
        %shift_right_arithmetic3A_402 = arith.constant 10 : i32
        %shift_right_arithmetic3A_403 = arith.shrsi %add3A_401, %shift_right_arithmetic3A_402 : i32
        %mul3A_404 = arith.constant 8 : i32
        %mul3A_405 = arith.muli %shift_right_arithmetic3A_403, %mul3A_404 : i32
        %and3A_406 = arith.constant 7 : i32
        %and3A_407 = arith.andi %add3A_401, %and3A_406 : i32
        %add3A_408 = arith.addi %mul3A_405, %and3A_407 : i32
        %shift_right_arithmetic3A_409 = arith.constant 3 : i32
        %shift_right_arithmetic3A_410 = arith.shrsi %add3A_401, %shift_right_arithmetic3A_409 : i32
        %and3A_411 = arith.constant 127 : i32
        %and3A_412 = arith.andi %shift_right_arithmetic3A_410, %and3A_411 : i32
        %dma_wait3A_413 = arith.constant 0 : i32
        %dma_wait3A_414 = arith.constant 0 : i32
        %dma_wait3A_415 = arith.constant 0 : i32
        %dma_wait3A_416 = tpu.memref_slice %arg14[%dma_wait3A_413, %dma_wait3A_414, %dma_wait3A_415] : memref<8x8x129xf32, #tpu.memory_space<vmem>> -> memref<8x8x128xf32, #tpu.memory_space<vmem>>
        %dma_wait3A_417 = arith.constant 0 : i32
        %dma_wait3A_418 = arith.constant 0 : i32
        %dma_wait3A_419 = arith.constant 0 : i32
        %dma_wait3A_420 = tpu.memref_slice %arg4[%add3A_408, %dma_wait3A_417, %and3A_412, %dma_wait3A_418, %dma_wait3A_419] : memref<200x8x128x8x128xf32, #tpu.memory_space<hbm>> -> memref<1x8x1x8x128xf32, #tpu.memory_space<hbm>>
        %dma_wait3A_421 = tpu.memref_squeeze %dma_wait3A_420 : memref<1x8x1x8x128xf32, #tpu.memory_space<hbm>> -> memref<8x8x128xf32, #tpu.memory_space<hbm>>
        %dma_wait3A_422 = arith.constant 0 : i32
        %dma_wait3A_423 = arith.constant 0 : i32
        %dma_wait3A_424 = arith.constant 0 : i32
        %dma_wait3A_425 = tpu.memref_slice %arg4[%add3A_408, %dma_wait3A_422, %and3A_412, %dma_wait3A_423, %dma_wait3A_424] : memref<200x8x128x8x128xf32, #tpu.memory_space<hbm>> -> memref<1x8x1x8x128xf32, #tpu.memory_space<hbm>>
        %dma_wait3A_426 = tpu.memref_squeeze %dma_wait3A_425 : memref<1x8x1x8x128xf32, #tpu.memory_space<hbm>> -> memref<8x8x128xf32, #tpu.memory_space<hbm>>
        %dma_wait3A_427 = arith.constant 0 : i32
        %dma_wait3A_428 = arith.constant 0 : i32
        %dma_wait3A_429 = arith.constant 0 : i32
        %dma_wait3A_430 = tpu.memref_slice %arg14[%dma_wait3A_427, %dma_wait3A_428, %dma_wait3A_429] : memref<8x8x129xf32, #tpu.memory_space<vmem>> -> memref<8x8x128xf32, #tpu.memory_space<vmem>>
        tpu.wait_dma2 semaphore(%arg26 : memref<!tpu.dma_semaphore, #tpu.memory_space<semaphore_mem>>) src(%dma_wait3A_430 : memref<8x8x128xf32, #tpu.memory_space<vmem>>) dst(%dma_wait3A_426 : memref<8x8x128xf32, #tpu.memory_space<hbm>>)
      } else {
      }
      %dma_wait3A_244 = arith.constant 0 : i32
      %dma_wait3A_245 = arith.constant 0 : i32
      %dma_wait3A_246 = tpu.memref_slice %arg3[%dma_wait3A_244, %dma_wait3A_245] : memref<1000000x64xf32, #tpu.memory_space<hbm>> -> memref<1000000x64xf32, #tpu.memory_space<hbm>>
      tpu.wait_indirect_dma semaphore(%arg22 : memref<!tpu.dma_semaphore, #tpu.memory_space<semaphore_mem>>) src(%dma_wait3A_246 : memref<1000000x64xf32, #tpu.memory_space<hbm>>) dst(%arg10 : memref<128x64xf32, #tpu.memory_space<vmem>>)
      %scan3A_247 = arith.constant 0 : i32
      %scan3A_248 = arith.constant 128 : i32
      %scan3A_249 = arith.addi %scan3A_247, %scan3A_248 : i32
      %scan3A_250 = arith.constant 8 : i32
      scf.for %scan3A_400 = %scan3A_247 to %scan3A_249 step %scan3A_250  : i32 {
        %mul3A_401 = arith.constant 1 : i32
        %mul3A_402 = arith.muli %scan3A_400, %mul3A_401 : i32
        %add3A_403 = arith.constant 0 : i32
        %add3A_404 = arith.addi %add3A_403, %mul3A_402 : i32
        %broadcast_in_dim3A = arith.constant 0 : i32
        %broadcast_in_dim3A_405 = vector.broadcast %broadcast_in_dim3A : i32 to vector<16xi32>
        %add3A_406 = vector.broadcast %add3A_404 : i32 to vector<16xi32>
        %add3A_407 = arith.addi %broadcast_in_dim3A_405, %add3A_406 : vector<16xi32>
        %get3A = arith.index_cast %add3A_404 : i32 to index
        %get3A_408 = arith.constant 0 : index
        %get3A_409 = tpu.vector_load %arg10[%get3A, %get3A_408] {strides = array<i32>} : memref<128x64xf32, #tpu.memory_space<vmem>>, vector<16xf32>,
        %add3A_410 = arith.constant 0 : i32
        %add3A_411 = vector.broadcast %add3A_410 : i32 to vector<16xi32>
        %add3A_412 = arith.addi %add3A_411, %iota3A : vector<16xi32>
        %shift_right_arithmetic3A_413 = arith.constant 3 : i32
        %shift_right_arithmetic3A_414 = vector.broadcast %shift_right_arithmetic3A_413 : i32 to vector<16xi32>
        %shift_right_arithmetic3A_415 = arith.shrsi %add3A_412, %shift_right_arithmetic3A_414 : vector<16xi32>
        %and3A_416 = arith.constant 7 : i32
        %and3A_417 = vector.broadcast %and3A_416 : i32 to vector<16xi32>
        %and3A_418 = arith.andi %add3A_412, %and3A_417 : vector<16xi32>
        %mul3A_419 = arith.constant 8.000000e+00 : f32
        %mul3A_420 = vector.broadcast %mul3A_419 : f32 to vector<16xf32>
        %mul3A_421 = arith.mulf %get3A_409, %mul3A_420 : vector<16xf32>
        tpu.vector_store_idx %arg14[%shift_right_arithmetic3A_415, %and3A_418, %add3A_407], %mul3A_421 : memref<8x8x129xf32, #tpu.memory_space<vmem>>[vector<16xi32>, vector<16xi32>, vector<16xi32>], vector<16xf32>,
        %get3A_422 = arith.index_cast %add3A_404 : i32 to index
        %get3A_423 = arith.constant 16 : index
        %get3A_424 = tpu.vector_load %arg10[%get3A_422, %get3A_423] {strides = array<i32>} : memref<128x64xf32, #tpu.memory_space<vmem>>, vector<16xf32>,
        %add3A_425 = arith.constant 16 : i32
        %add3A_426 = vector.broadcast %add3A_425 : i32 to vector<16xi32>
        %add3A_427 = arith.addi %add3A_426, %iota3A : vector<16xi32>
        %shift_right_arithmetic3A_428 = arith.constant 3 : i32
        %shift_right_arithmetic3A_429 = vector.broadcast %shift_right_arithmetic3A_428 : i32 to vector<16xi32>
        %shift_right_arithmetic3A_430 = arith.shrsi %add3A_427, %shift_right_arithmetic3A_429 : vector<16xi32>
        %and3A_431 = arith.constant 7 : i32
        %and3A_432 = vector.broadcast %and3A_431 : i32 to vector<16xi32>
        %and3A_433 = arith.andi %add3A_427, %and3A_432 : vector<16xi32>
        %mul3A_434 = arith.constant 8.000000e+00 : f32
        %mul3A_435 = vector.broadcast %mul3A_434 : f32 to vector<16xf32>
        %mul3A_436 = arith.mulf %get3A_424, %mul3A_435 : vector<16xf32>
        tpu.vector_store_idx %arg14[%shift_right_arithmetic3A_430, %and3A_433, %add3A_407], %mul3A_436 : memref<8x8x129xf32, #tpu.memory_space<vmem>>[vector<16xi32>, vector<16xi32>, vector<16xi32>], vector<16xf32>,
        %get3A_437 = arith.index_cast %add3A_404 : i32 to index
        %get3A_438 = arith.constant 32 : index
        %get3A_439 = tpu.vector_load %arg10[%get3A_437, %get3A_438] {strides = array<i32>} : memref<128x64xf32, #tpu.memory_space<vmem>>, vector<16xf32>,
        %add3A_440 = arith.constant 32 : i32
        %add3A_441 = vector.broadcast %add3A_440 : i32 to vector<16xi32>
        %add3A_442 = arith.addi %add3A_441, %iota3A : vector<16xi32>
        %shift_right_arithmetic3A_443 = arith.constant 3 : i32
        %shift_right_arithmetic3A_444 = vector.broadcast %shift_right_arithmetic3A_443 : i32 to vector<16xi32>
        %shift_right_arithmetic3A_445 = arith.shrsi %add3A_442, %shift_right_arithmetic3A_444 : vector<16xi32>
        %and3A_446 = arith.constant 7 : i32
        %and3A_447 = vector.broadcast %and3A_446 : i32 to vector<16xi32>
        %and3A_448 = arith.andi %add3A_442, %and3A_447 : vector<16xi32>
        %mul3A_449 = arith.constant 8.000000e+00 : f32
        %mul3A_450 = vector.broadcast %mul3A_449 : f32 to vector<16xf32>
        %mul3A_451 = arith.mulf %get3A_439, %mul3A_450 : vector<16xf32>
        tpu.vector_store_idx %arg14[%shift_right_arithmetic3A_445, %and3A_448, %add3A_407], %mul3A_451 : memref<8x8x129xf32, #tpu.memory_space<vmem>>[vector<16xi32>, vector<16xi32>, vector<16xi32>], vector<16xf32>,
        %get3A_452 = arith.index_cast %add3A_404 : i32 to index
        %get3A_453 = arith.constant 48 : index
        %get3A_454 = tpu.vector_load %arg10[%get3A_452, %get3A_453] {strides = array<i32>} : memref<128x64xf32, #tpu.memory_space<vmem>>, vector<16xf32>,
        %add3A_455 = arith.constant 48 : i32
        %add3A_456 = vector.broadcast %add3A_455 : i32 to vector<16xi32>
        %add3A_457 = arith.addi %add3A_456, %iota3A : vector<16xi32>
        %shift_right_arithmetic3A_458 = arith.constant 3 : i32
        %shift_right_arithmetic3A_459 = vector.broadcast %shift_right_arithmetic3A_458 : i32 to vector<16xi32>
        %shift_right_arithmetic3A_460 = arith.shrsi %add3A_457, %shift_right_arithmetic3A_459 : vector<16xi32>
        %and3A_461 = arith.constant 7 : i32
        %and3A_462 = vector.broadcast %and3A_461 : i32 to vector<16xi32>
        %and3A_463 = arith.andi %add3A_457, %and3A_462 : vector<16xi32>
        %mul3A_464 = arith.constant 8.000000e+00 : f32
        %mul3A_465 = vector.broadcast %mul3A_464 : f32 to vector<16xf32>
        %mul3A_466 = arith.mulf %get3A_454, %mul3A_465 : vector<16xf32>
        tpu.vector_store_idx %arg14[%shift_right_arithmetic3A_460, %and3A_463, %add3A_407], %mul3A_466 : memref<8x8x129xf32, #tpu.memory_space<vmem>>[vector<16xi32>, vector<16xi32>, vector<16xi32>], vector<16xf32>,
        %scan3A_467 = arith.constant 1 : i32
        %scan3A_468 = arith.addi %scan3A_400, %scan3A_467 : i32
        %mul3A_469 = arith.constant 1 : i32
        %mul3A_470 = arith.muli %scan3A_468, %mul3A_469 : i32
        %add3A_471 = arith.constant 0 : i32
        %add3A_472 = arith.addi %add3A_471, %mul3A_470 : i32
        %broadcast_in_dim3A_473 = arith.constant 0 : i32
        %broadcast_in_dim3A_474 = vector.broadcast %broadcast_in_dim3A_473 : i32 to vector<16xi32>
        %add3A_475 = vector.broadcast %add3A_472 : i32 to vector<16xi32>
        %add3A_476 = arith.addi %broadcast_in_dim3A_474, %add3A_475 : vector<16xi32>
        %get3A_477 = arith.index_cast %add3A_472 : i32 to index
        %get3A_478 = arith.constant 0 : index
        %get3A_479 = tpu.vector_load %arg10[%get3A_477, %get3A_478] {strides = array<i32>} : memref<128x64xf32, #tpu.memory_space<vmem>>, vector<16xf32>,
        %add3A_480 = arith.constant 0 : i32
        %add3A_481 = vector.broadcast %add3A_480 : i32 to vector<16xi32>
        %add3A_482 = arith.addi %add3A_481, %iota3A : vector<16xi32>
        %shift_right_arithmetic3A_483 = arith.constant 3 : i32
        %shift_right_arithmetic3A_484 = vector.broadcast %shift_right_arithmetic3A_483 : i32 to vector<16xi32>
        %shift_right_arithmetic3A_485 = arith.shrsi %add3A_482, %shift_right_arithmetic3A_484 : vector<16xi32>
        %and3A_486 = arith.constant 7 : i32
        %and3A_487 = vector.broadcast %and3A_486 : i32 to vector<16xi32>
        %and3A_488 = arith.andi %add3A_482, %and3A_487 : vector<16xi32>
        %mul3A_489 = arith.constant 8.000000e+00 : f32
        %mul3A_490 = vector.broadcast %mul3A_489 : f32 to vector<16xf32>
        %mul3A_491 = arith.mulf %get3A_479, %mul3A_490 : vector<16xf32>
        tpu.vector_store_idx %arg14[%shift_right_arithmetic3A_485, %and3A_488, %add3A_476], %mul3A_491 : memref<8x8x129xf32, #tpu.memory_space<vmem>>[vector<16xi32>, vector<16xi32>, vector<16xi32>], vector<16xf32>,
        %get3A_492 = arith.index_cast %add3A_472 : i32 to index
        %get3A_493 = arith.constant 16 : index
        %get3A_494 = tpu.vector_load %arg10[%get3A_492, %get3A_493] {strides = array<i32>} : memref<128x64xf32, #tpu.memory_space<vmem>>, vector<16xf32>,
        %add3A_495 = arith.constant 16 : i32
        %add3A_496 = vector.broadcast %add3A_495 : i32 to vector<16xi32>
        %add3A_497 = arith.addi %add3A_496, %iota3A : vector<16xi32>
        %shift_right_arithmetic3A_498 = arith.constant 3 : i32
        %shift_right_arithmetic3A_499 = vector.broadcast %shift_right_arithmetic3A_498 : i32 to vector<16xi32>
        %shift_right_arithmetic3A_500 = arith.shrsi %add3A_497, %shift_right_arithmetic3A_499 : vector<16xi32>
        %and3A_501 = arith.constant 7 : i32
        %and3A_502 = vector.broadcast %and3A_501 : i32 to vector<16xi32>
        %and3A_503 = arith.andi %add3A_497, %and3A_502 : vector<16xi32>
        %mul3A_504 = arith.constant 8.000000e+00 : f32
        %mul3A_505 = vector.broadcast %mul3A_504 : f32 to vector<16xf32>
        %mul3A_506 = arith.mulf %get3A_494, %mul3A_505 : vector<16xf32>
        tpu.vector_store_idx %arg14[%shift_right_arithmetic3A_500, %and3A_503, %add3A_476], %mul3A_506 : memref<8x8x129xf32, #tpu.memory_space<vmem>>[vector<16xi32>, vector<16xi32>, vector<16xi32>], vector<16xf32>,
        %get3A_507 = arith.index_cast %add3A_472 : i32 to index
        %get3A_508 = arith.constant 32 : index
        %get3A_509 = tpu.vector_load %arg10[%get3A_507, %get3A_508] {strides = array<i32>} : memref<128x64xf32, #tpu.memory_space<vmem>>, vector<16xf32>,
        %add3A_510 = arith.constant 32 : i32
        %add3A_511 = vector.broadcast %add3A_510 : i32 to vector<16xi32>
        %add3A_512 = arith.addi %add3A_511, %iota3A : vector<16xi32>
        %shift_right_arithmetic3A_513 = arith.constant 3 : i32
        %shift_right_arithmetic3A_514 = vector.broadcast %shift_right_arithmetic3A_513 : i32 to vector<16xi32>
        %shift_right_arithmetic3A_515 = arith.shrsi %add3A_512, %shift_right_arithmetic3A_514 : vector<16xi32>
        %and3A_516 = arith.constant 7 : i32
        %and3A_517 = vector.broadcast %and3A_516 : i32 to vector<16xi32>
        %and3A_518 = arith.andi %add3A_512, %and3A_517 : vector<16xi32>
        %mul3A_519 = arith.constant 8.000000e+00 : f32
        %mul3A_520 = vector.broadcast %mul3A_519 : f32 to vector<16xf32>
        %mul3A_521 = arith.mulf %get3A_509, %mul3A_520 : vector<16xf32>
        tpu.vector_store_idx %arg14[%shift_right_arithmetic3A_515, %and3A_518, %add3A_476], %mul3A_521 : memref<8x8x129xf32, #tpu.memory_space<vmem>>[vector<16xi32>, vector<16xi32>, vector<16xi32>], vector<16xf32>,
        %get3A_522 = arith.index_cast %add3A_472 : i32 to index
        %get3A_523 = arith.constant 48 : index
        %get3A_524 = tpu.vector_load %arg10[%get3A_522, %get3A_523] {strides = array<i32>} : memref<128x64xf32, #tpu.memory_space<vmem>>, vector<16xf32>,
        %add3A_525 = arith.constant 48 : i32
        %add3A_526 = vector.broadcast %add3A_525 : i32 to vector<16xi32>
        %add3A_527 = arith.addi %add3A_526, %iota3A : vector<16xi32>
        %shift_right_arithmetic3A_528 = arith.constant 3 : i32
        %shift_right_arithmetic3A_529 = vector.broadcast %shift_right_arithmetic3A_528 : i32 to vector<16xi32>
        %shift_right_arithmetic3A_530 = arith.shrsi %add3A_527, %shift_right_arithmetic3A_529 : vector<16xi32>
        %and3A_531 = arith.constant 7 : i32
        %and3A_532 = vector.broadcast %and3A_531 : i32 to vector<16xi32>
        %and3A_533 = arith.andi %add3A_527, %and3A_532 : vector<16xi32>
        %mul3A_534 = arith.constant 8.000000e+00 : f32
        %mul3A_535 = vector.broadcast %mul3A_534 : f32 to vector<16xf32>
        %mul3A_536 = arith.mulf %get3A_524, %mul3A_535 : vector<16xf32>
        tpu.vector_store_idx %arg14[%shift_right_arithmetic3A_530, %and3A_533, %add3A_476], %mul3A_536 : memref<8x8x129xf32, #tpu.memory_space<vmem>>[vector<16xi32>, vector<16xi32>, vector<16xi32>], vector<16xf32>,
        %scan3A_537 = arith.constant 2 : i32
        %scan3A_538 = arith.addi %scan3A_400, %scan3A_537 : i32
        %mul3A_539 = arith.constant 1 : i32
        %mul3A_540 = arith.muli %scan3A_538, %mul3A_539 : i32
        %add3A_541 = arith.constant 0 : i32
        %add3A_542 = arith.addi %add3A_541, %mul3A_540 : i32
        %broadcast_in_dim3A_543 = arith.constant 0 : i32
        %broadcast_in_dim3A_544 = vector.broadcast %broadcast_in_dim3A_543 : i32 to vector<16xi32>
        %add3A_545 = vector.broadcast %add3A_542 : i32 to vector<16xi32>
        %add3A_546 = arith.addi %broadcast_in_dim3A_544, %add3A_545 : vector<16xi32>
        %get3A_547 = arith.index_cast %add3A_542 : i32 to index
        %get3A_548 = arith.constant 0 : index
        %get3A_549 = tpu.vector_load %arg10[%get3A_547, %get3A_548] {strides = array<i32>} : memref<128x64xf32, #tpu.memory_space<vmem>>, vector<16xf32>,
        %add3A_550 = arith.constant 0 : i32
        %add3A_551 = vector.broadcast %add3A_550 : i32 to vector<16xi32>
        %add3A_552 = arith.addi %add3A_551, %iota3A : vector<16xi32>
        %shift_right_arithmetic3A_553 = arith.constant 3 : i32
        %shift_right_arithmetic3A_554 = vector.broadcast %shift_right_arithmetic3A_553 : i32 to vector<16xi32>
        %shift_right_arithmetic3A_555 = arith.shrsi %add3A_552, %shift_right_arithmetic3A_554 : vector<16xi32>
        %and3A_556 = arith.constant 7 : i32
        %and3A_557 = vector.broadcast %and3A_556 : i32 to vector<16xi32>
        %and3A_558 = arith.andi %add3A_552, %and3A_557 : vector<16xi32>
        %mul3A_559 = arith.constant 8.000000e+00 : f32
        %mul3A_560 = vector.broadcast %mul3A_559 : f32 to vector<16xf32>
        %mul3A_561 = arith.mulf %get3A_549, %mul3A_560 : vector<16xf32>
        tpu.vector_store_idx %arg14[%shift_right_arithmetic3A_555, %and3A_558, %add3A_546], %mul3A_561 : memref<8x8x129xf32, #tpu.memory_space<vmem>>[vector<16xi32>, vector<16xi32>, vector<16xi32>], vector<16xf32>,
        %get3A_562 = arith.index_cast %add3A_542 : i32 to index
        %get3A_563 = arith.constant 16 : index
        %get3A_564 = tpu.vector_load %arg10[%get3A_562, %get3A_563] {strides = array<i32>} : memref<128x64xf32, #tpu.memory_space<vmem>>, vector<16xf32>,
        %add3A_565 = arith.constant 16 : i32
        %add3A_566 = vector.broadcast %add3A_565 : i32 to vector<16xi32>
        %add3A_567 = arith.addi %add3A_566, %iota3A : vector<16xi32>
        %shift_right_arithmetic3A_568 = arith.constant 3 : i32
        %shift_right_arithmetic3A_569 = vector.broadcast %shift_right_arithmetic3A_568 : i32 to vector<16xi32>
        %shift_right_arithmetic3A_570 = arith.shrsi %add3A_567, %shift_right_arithmetic3A_569 : vector<16xi32>
        %and3A_571 = arith.constant 7 : i32
        %and3A_572 = vector.broadcast %and3A_571 : i32 to vector<16xi32>
        %and3A_573 = arith.andi %add3A_567, %and3A_572 : vector<16xi32>
        %mul3A_574 = arith.constant 8.000000e+00 : f32
        %mul3A_575 = vector.broadcast %mul3A_574 : f32 to vector<16xf32>
        %mul3A_576 = arith.mulf %get3A_564, %mul3A_575 : vector<16xf32>
        tpu.vector_store_idx %arg14[%shift_right_arithmetic3A_570, %and3A_573, %add3A_546], %mul3A_576 : memref<8x8x129xf32, #tpu.memory_space<vmem>>[vector<16xi32>, vector<16xi32>, vector<16xi32>], vector<16xf32>,
        %get3A_577 = arith.index_cast %add3A_542 : i32 to index
        %get3A_578 = arith.constant 32 : index
        %get3A_579 = tpu.vector_load %arg10[%get3A_577, %get3A_578] {strides = array<i32>} : memref<128x64xf32, #tpu.memory_space<vmem>>, vector<16xf32>,
        %add3A_580 = arith.constant 32 : i32
        %add3A_581 = vector.broadcast %add3A_580 : i32 to vector<16xi32>
        %add3A_582 = arith.addi %add3A_581, %iota3A : vector<16xi32>
        %shift_right_arithmetic3A_583 = arith.constant 3 : i32
        %shift_right_arithmetic3A_584 = vector.broadcast %shift_right_arithmetic3A_583 : i32 to vector<16xi32>
        %shift_right_arithmetic3A_585 = arith.shrsi %add3A_582, %shift_right_arithmetic3A_584 : vector<16xi32>
        %and3A_586 = arith.constant 7 : i32
        %and3A_587 = vector.broadcast %and3A_586 : i32 to vector<16xi32>
        %and3A_588 = arith.andi %add3A_582, %and3A_587 : vector<16xi32>
        %mul3A_589 = arith.constant 8.000000e+00 : f32
        %mul3A_590 = vector.broadcast %mul3A_589 : f32 to vector<16xf32>
        %mul3A_591 = arith.mulf %get3A_579, %mul3A_590 : vector<16xf32>
        tpu.vector_store_idx %arg14[%shift_right_arithmetic3A_585, %and3A_588, %add3A_546], %mul3A_591 : memref<8x8x129xf32, #tpu.memory_space<vmem>>[vector<16xi32>, vector<16xi32>, vector<16xi32>], vector<16xf32>,
        %get3A_592 = arith.index_cast %add3A_542 : i32 to index
        %get3A_593 = arith.constant 48 : index
        %get3A_594 = tpu.vector_load %arg10[%get3A_592, %get3A_593] {strides = array<i32>} : memref<128x64xf32, #tpu.memory_space<vmem>>, vector<16xf32>,
        %add3A_595 = arith.constant 48 : i32
        %add3A_596 = vector.broadcast %add3A_595 : i32 to vector<16xi32>
        %add3A_597 = arith.addi %add3A_596, %iota3A : vector<16xi32>
        %shift_right_arithmetic3A_598 = arith.constant 3 : i32
        %shift_right_arithmetic3A_599 = vector.broadcast %shift_right_arithmetic3A_598 : i32 to vector<16xi32>
        %shift_right_arithmetic3A_600 = arith.shrsi %add3A_597, %shift_right_arithmetic3A_599 : vector<16xi32>
        %and3A_601 = arith.constant 7 : i32
        %and3A_602 = vector.broadcast %and3A_601 : i32 to vector<16xi32>
        %and3A_603 = arith.andi %add3A_597, %and3A_602 : vector<16xi32>
        %mul3A_604 = arith.constant 8.000000e+00 : f32
        %mul3A_605 = vector.broadcast %mul3A_604 : f32 to vector<16xf32>
        %mul3A_606 = arith.mulf %get3A_594, %mul3A_605 : vector<16xf32>
        tpu.vector_store_idx %arg14[%shift_right_arithmetic3A_600, %and3A_603, %add3A_546], %mul3A_606 : memref<8x8x129xf32, #tpu.memory_space<vmem>>[vector<16xi32>, vector<16xi32>, vector<16xi32>], vector<16xf32>,
        %scan3A_607 = arith.constant 3 : i32
        %scan3A_608 = arith.addi %scan3A_400, %scan3A_607 : i32
        %mul3A_609 = arith.constant 1 : i32
        %mul3A_610 = arith.muli %scan3A_608, %mul3A_609 : i32
        %add3A_611 = arith.constant 0 : i32
        %add3A_612 = arith.addi %add3A_611, %mul3A_610 : i32
        %broadcast_in_dim3A_613 = arith.constant 0 : i32
        %broadcast_in_dim3A_614 = vector.broadcast %broadcast_in_dim3A_613 : i32 to vector<16xi32>
        %add3A_615 = vector.broadcast %add3A_612 : i32 to vector<16xi32>
        %add3A_616 = arith.addi %broadcast_in_dim3A_614, %add3A_615 : vector<16xi32>
        %get3A_617 = arith.index_cast %add3A_612 : i32 to index
        %get3A_618 = arith.constant 0 : index
        %get3A_619 = tpu.vector_load %arg10[%get3A_617, %get3A_618] {strides = array<i32>} : memref<128x64xf32, #tpu.memory_space<vmem>>, vector<16xf32>,
        %add3A_620 = arith.constant 0 : i32
        %add3A_621 = vector.broadcast %add3A_620 : i32 to vector<16xi32>
        %add3A_622 = arith.addi %add3A_621, %iota3A : vector<16xi32>
        %shift_right_arithmetic3A_623 = arith.constant 3 : i32
        %shift_right_arithmetic3A_624 = vector.broadcast %shift_right_arithmetic3A_623 : i32 to vector<16xi32>
        %shift_right_arithmetic3A_625 = arith.shrsi %add3A_622, %shift_right_arithmetic3A_624 : vector<16xi32>
        %and3A_626 = arith.constant 7 : i32
        %and3A_627 = vector.broadcast %and3A_626 : i32 to vector<16xi32>
        %and3A_628 = arith.andi %add3A_622, %and3A_627 : vector<16xi32>
        %mul3A_629 = arith.constant 8.000000e+00 : f32
        %mul3A_630 = vector.broadcast %mul3A_629 : f32 to vector<16xf32>
        %mul3A_631 = arith.mulf %get3A_619, %mul3A_630 : vector<16xf32>
        tpu.vector_store_idx %arg14[%shift_right_arithmetic3A_625, %and3A_628, %add3A_616], %mul3A_631 : memref<8x8x129xf32, #tpu.memory_space<vmem>>[vector<16xi32>, vector<16xi32>, vector<16xi32>], vector<16xf32>,
        %get3A_632 = arith.index_cast %add3A_612 : i32 to index
        %get3A_633 = arith.constant 16 : index
        %get3A_634 = tpu.vector_load %arg10[%get3A_632, %get3A_633] {strides = array<i32>} : memref<128x64xf32, #tpu.memory_space<vmem>>, vector<16xf32>,
        %add3A_635 = arith.constant 16 : i32
        %add3A_636 = vector.broadcast %add3A_635 : i32 to vector<16xi32>
        %add3A_637 = arith.addi %add3A_636, %iota3A : vector<16xi32>
        %shift_right_arithmetic3A_638 = arith.constant 3 : i32
        %shift_right_arithmetic3A_639 = vector.broadcast %shift_right_arithmetic3A_638 : i32 to vector<16xi32>
        %shift_right_arithmetic3A_640 = arith.shrsi %add3A_637, %shift_right_arithmetic3A_639 : vector<16xi32>
        %and3A_641 = arith.constant 7 : i32
        %and3A_642 = vector.broadcast %and3A_641 : i32 to vector<16xi32>
        %and3A_643 = arith.andi %add3A_637, %and3A_642 : vector<16xi32>
        %mul3A_644 = arith.constant 8.000000e+00 : f32
        %mul3A_645 = vector.broadcast %mul3A_644 : f32 to vector<16xf32>
        %mul3A_646 = arith.mulf %get3A_634, %mul3A_645 : vector<16xf32>
        tpu.vector_store_idx %arg14[%shift_right_arithmetic3A_640, %and3A_643, %add3A_616], %mul3A_646 : memref<8x8x129xf32, #tpu.memory_space<vmem>>[vector<16xi32>, vector<16xi32>, vector<16xi32>], vector<16xf32>,
        %get3A_647 = arith.index_cast %add3A_612 : i32 to index
        %get3A_648 = arith.constant 32 : index
        %get3A_649 = tpu.vector_load %arg10[%get3A_647, %get3A_648] {strides = array<i32>} : memref<128x64xf32, #tpu.memory_space<vmem>>, vector<16xf32>,
        %add3A_650 = arith.constant 32 : i32
        %add3A_651 = vector.broadcast %add3A_650 : i32 to vector<16xi32>
        %add3A_652 = arith.addi %add3A_651, %iota3A : vector<16xi32>
        %shift_right_arithmetic3A_653 = arith.constant 3 : i32
        %shift_right_arithmetic3A_654 = vector.broadcast %shift_right_arithmetic3A_653 : i32 to vector<16xi32>
        %shift_right_arithmetic3A_655 = arith.shrsi %add3A_652, %shift_right_arithmetic3A_654 : vector<16xi32>
        %and3A_656 = arith.constant 7 : i32
        %and3A_657 = vector.broadcast %and3A_656 : i32 to vector<16xi32>
        %and3A_658 = arith.andi %add3A_652, %and3A_657 : vector<16xi32>
        %mul3A_659 = arith.constant 8.000000e+00 : f32
        %mul3A_660 = vector.broadcast %mul3A_659 : f32 to vector<16xf32>
        %mul3A_661 = arith.mulf %get3A_649, %mul3A_660 : vector<16xf32>
        tpu.vector_store_idx %arg14[%shift_right_arithmetic3A_655, %and3A_658, %add3A_616], %mul3A_661 : memref<8x8x129xf32, #tpu.memory_space<vmem>>[vector<16xi32>, vector<16xi32>, vector<16xi32>], vector<16xf32>,
        %get3A_662 = arith.index_cast %add3A_612 : i32 to index
        %get3A_663 = arith.constant 48 : index
        %get3A_664 = tpu.vector_load %arg10[%get3A_662, %get3A_663] {strides = array<i32>} : memref<128x64xf32, #tpu.memory_space<vmem>>, vector<16xf32>,
        %add3A_665 = arith.constant 48 : i32
        %add3A_666 = vector.broadcast %add3A_665 : i32 to vector<16xi32>
        %add3A_667 = arith.addi %add3A_666, %iota3A : vector<16xi32>
        %shift_right_arithmetic3A_668 = arith.constant 3 : i32
        %shift_right_arithmetic3A_669 = vector.broadcast %shift_right_arithmetic3A_668 : i32 to vector<16xi32>
        %shift_right_arithmetic3A_670 = arith.shrsi %add3A_667, %shift_right_arithmetic3A_669 : vector<16xi32>
        %and3A_671 = arith.constant 7 : i32
        %and3A_672 = vector.broadcast %and3A_671 : i32 to vector<16xi32>
        %and3A_673 = arith.andi %add3A_667, %and3A_672 : vector<16xi32>
        %mul3A_674 = arith.constant 8.000000e+00 : f32
        %mul3A_675 = vector.broadcast %mul3A_674 : f32 to vector<16xf32>
        %mul3A_676 = arith.mulf %get3A_664, %mul3A_675 : vector<16xf32>
        tpu.vector_store_idx %arg14[%shift_right_arithmetic3A_670, %and3A_673, %add3A_616], %mul3A_676 : memref<8x8x129xf32, #tpu.memory_space<vmem>>[vector<16xi32>, vector<16xi32>, vector<16xi32>], vector<16xf32>,
        %scan3A_677 = arith.constant 4 : i32
        %scan3A_678 = arith.addi %scan3A_400, %scan3A_677 : i32
        %mul3A_679 = arith.constant 1 : i32
        %mul3A_680 = arith.muli %scan3A_678, %mul3A_679 : i32
        %add3A_681 = arith.constant 0 : i32
        %add3A_682 = arith.addi %add3A_681, %mul3A_680 : i32
        %broadcast_in_dim3A_683 = arith.constant 0 : i32
        %broadcast_in_dim3A_684 = vector.broadcast %broadcast_in_dim3A_683 : i32 to vector<16xi32>
        %add3A_685 = vector.broadcast %add3A_682 : i32 to vector<16xi32>
        %add3A_686 = arith.addi %broadcast_in_dim3A_684, %add3A_685 : vector<16xi32>
        %get3A_687 = arith.index_cast %add3A_682 : i32 to index
        %get3A_688 = arith.constant 0 : index
        %get3A_689 = tpu.vector_load %arg10[%get3A_687, %get3A_688] {strides = array<i32>} : memref<128x64xf32, #tpu.memory_space<vmem>>, vector<16xf32>,
        %add3A_690 = arith.constant 0 : i32
        %add3A_691 = vector.broadcast %add3A_690 : i32 to vector<16xi32>
        %add3A_692 = arith.addi %add3A_691, %iota3A : vector<16xi32>
        %shift_right_arithmetic3A_693 = arith.constant 3 : i32
        %shift_right_arithmetic3A_694 = vector.broadcast %shift_right_arithmetic3A_693 : i32 to vector<16xi32>
        %shift_right_arithmetic3A_695 = arith.shrsi %add3A_692, %shift_right_arithmetic3A_694 : vector<16xi32>
        %and3A_696 = arith.constant 7 : i32
        %and3A_697 = vector.broadcast %and3A_696 : i32 to vector<16xi32>
        %and3A_698 = arith.andi %add3A_692, %and3A_697 : vector<16xi32>
        %mul3A_699 = arith.constant 8.000000e+00 : f32
        %mul3A_700 = vector.broadcast %mul3A_699 : f32 to vector<16xf32>
        %mul3A_701 = arith.mulf %get3A_689, %mul3A_700 : vector<16xf32>
        tpu.vector_store_idx %arg14[%shift_right_arithmetic3A_695, %and3A_698, %add3A_686], %mul3A_701 : memref<8x8x129xf32, #tpu.memory_space<vmem>>[vector<16xi32>, vector<16xi32>, vector<16xi32>], vector<16xf32>,
        %get3A_702 = arith.index_cast %add3A_682 : i32 to index
        %get3A_703 = arith.constant 16 : index
        %get3A_704 = tpu.vector_load %arg10[%get3A_702, %get3A_703] {strides = array<i32>} : memref<128x64xf32, #tpu.memory_space<vmem>>, vector<16xf32>,
        %add3A_705 = arith.constant 16 : i32
        %add3A_706 = vector.broadcast %add3A_705 : i32 to vector<16xi32>
        %add3A_707 = arith.addi %add3A_706, %iota3A : vector<16xi32>
        %shift_right_arithmetic3A_708 = arith.constant 3 : i32
        %shift_right_arithmetic3A_709 = vector.broadcast %shift_right_arithmetic3A_708 : i32 to vector<16xi32>
        %shift_right_arithmetic3A_710 = arith.shrsi %add3A_707, %shift_right_arithmetic3A_709 : vector<16xi32>
        %and3A_711 = arith.constant 7 : i32
        %and3A_712 = vector.broadcast %and3A_711 : i32 to vector<16xi32>
        %and3A_713 = arith.andi %add3A_707, %and3A_712 : vector<16xi32>
        %mul3A_714 = arith.constant 8.000000e+00 : f32
        %mul3A_715 = vector.broadcast %mul3A_714 : f32 to vector<16xf32>
        %mul3A_716 = arith.mulf %get3A_704, %mul3A_715 : vector<16xf32>
        tpu.vector_store_idx %arg14[%shift_right_arithmetic3A_710, %and3A_713, %add3A_686], %mul3A_716 : memref<8x8x129xf32, #tpu.memory_space<vmem>>[vector<16xi32>, vector<16xi32>, vector<16xi32>], vector<16xf32>,
        %get3A_717 = arith.index_cast %add3A_682 : i32 to index
        %get3A_718 = arith.constant 32 : index
        %get3A_719 = tpu.vector_load %arg10[%get3A_717, %get3A_718] {strides = array<i32>} : memref<128x64xf32, #tpu.memory_space<vmem>>, vector<16xf32>,
        %add3A_720 = arith.constant 32 : i32
        %add3A_721 = vector.broadcast %add3A_720 : i32 to vector<16xi32>
        %add3A_722 = arith.addi %add3A_721, %iota3A : vector<16xi32>
        %shift_right_arithmetic3A_723 = arith.constant 3 : i32
        %shift_right_arithmetic3A_724 = vector.broadcast %shift_right_arithmetic3A_723 : i32 to vector<16xi32>
        %shift_right_arithmetic3A_725 = arith.shrsi %add3A_722, %shift_right_arithmetic3A_724 : vector<16xi32>
        %and3A_726 = arith.constant 7 : i32
        %and3A_727 = vector.broadcast %and3A_726 : i32 to vector<16xi32>
        %and3A_728 = arith.andi %add3A_722, %and3A_727 : vector<16xi32>
        %mul3A_729 = arith.constant 8.000000e+00 : f32
        %mul3A_730 = vector.broadcast %mul3A_729 : f32 to vector<16xf32>
        %mul3A_731 = arith.mulf %get3A_719, %mul3A_730 : vector<16xf32>
        tpu.vector_store_idx %arg14[%shift_right_arithmetic3A_725, %and3A_728, %add3A_686], %mul3A_731 : memref<8x8x129xf32, #tpu.memory_space<vmem>>[vector<16xi32>, vector<16xi32>, vector<16xi32>], vector<16xf32>,
        %get3A_732 = arith.index_cast %add3A_682 : i32 to index
        %get3A_733 = arith.constant 48 : index
        %get3A_734 = tpu.vector_load %arg10[%get3A_732, %get3A_733] {strides = array<i32>} : memref<128x64xf32, #tpu.memory_space<vmem>>, vector<16xf32>,
        %add3A_735 = arith.constant 48 : i32
        %add3A_736 = vector.broadcast %add3A_735 : i32 to vector<16xi32>
        %add3A_737 = arith.addi %add3A_736, %iota3A : vector<16xi32>
        %shift_right_arithmetic3A_738 = arith.constant 3 : i32
        %shift_right_arithmetic3A_739 = vector.broadcast %shift_right_arithmetic3A_738 : i32 to vector<16xi32>
        %shift_right_arithmetic3A_740 = arith.shrsi %add3A_737, %shift_right_arithmetic3A_739 : vector<16xi32>
        %and3A_741 = arith.constant 7 : i32
        %and3A_742 = vector.broadcast %and3A_741 : i32 to vector<16xi32>
        %and3A_743 = arith.andi %add3A_737, %and3A_742 : vector<16xi32>
        %mul3A_744 = arith.constant 8.000000e+00 : f32
        %mul3A_745 = vector.broadcast %mul3A_744 : f32 to vector<16xf32>
        %mul3A_746 = arith.mulf %get3A_734, %mul3A_745 : vector<16xf32>
        tpu.vector_store_idx %arg14[%shift_right_arithmetic3A_740, %and3A_743, %add3A_686], %mul3A_746 : memref<8x8x129xf32, #tpu.memory_space<vmem>>[vector<16xi32>, vector<16xi32>, vector<16xi32>], vector<16xf32>,
        %scan3A_747 = arith.constant 5 : i32
        %scan3A_748 = arith.addi %scan3A_400, %scan3A_747 : i32
        %mul3A_749 = arith.constant 1 : i32
        %mul3A_750 = arith.muli %scan3A_748, %mul3A_749 : i32
        %add3A_751 = arith.constant 0 : i32
        %add3A_752 = arith.addi %add3A_751, %mul3A_750 : i32
        %broadcast_in_dim3A_753 = arith.constant 0 : i32
        %broadcast_in_dim3A_754 = vector.broadcast %broadcast_in_dim3A_753 : i32 to vector<16xi32>
        %add3A_755 = vector.broadcast %add3A_752 : i32 to vector<16xi32>
        %add3A_756 = arith.addi %broadcast_in_dim3A_754, %add3A_755 : vector<16xi32>
        %get3A_757 = arith.index_cast %add3A_752 : i32 to index
        %get3A_758 = arith.constant 0 : index
        %get3A_759 = tpu.vector_load %arg10[%get3A_757, %get3A_758] {strides = array<i32>} : memref<128x64xf32, #tpu.memory_space<vmem>>, vector<16xf32>,
        %add3A_760 = arith.constant 0 : i32
        %add3A_761 = vector.broadcast %add3A_760 : i32 to vector<16xi32>
        %add3A_762 = arith.addi %add3A_761, %iota3A : vector<16xi32>
        %shift_right_arithmetic3A_763 = arith.constant 3 : i32
        %shift_right_arithmetic3A_764 = vector.broadcast %shift_right_arithmetic3A_763 : i32 to vector<16xi32>
        %shift_right_arithmetic3A_765 = arith.shrsi %add3A_762, %shift_right_arithmetic3A_764 : vector<16xi32>
        %and3A_766 = arith.constant 7 : i32
        %and3A_767 = vector.broadcast %and3A_766 : i32 to vector<16xi32>
        %and3A_768 = arith.andi %add3A_762, %and3A_767 : vector<16xi32>
        %mul3A_769 = arith.constant 8.000000e+00 : f32
        %mul3A_770 = vector.broadcast %mul3A_769 : f32 to vector<16xf32>
        %mul3A_771 = arith.mulf %get3A_759, %mul3A_770 : vector<16xf32>
        tpu.vector_store_idx %arg14[%shift_right_arithmetic3A_765, %and3A_768, %add3A_756], %mul3A_771 : memref<8x8x129xf32, #tpu.memory_space<vmem>>[vector<16xi32>, vector<16xi32>, vector<16xi32>], vector<16xf32>,
        %get3A_772 = arith.index_cast %add3A_752 : i32 to index
        %get3A_773 = arith.constant 16 : index
        %get3A_774 = tpu.vector_load %arg10[%get3A_772, %get3A_773] {strides = array<i32>} : memref<128x64xf32, #tpu.memory_space<vmem>>, vector<16xf32>,
        %add3A_775 = arith.constant 16 : i32
        %add3A_776 = vector.broadcast %add3A_775 : i32 to vector<16xi32>
        %add3A_777 = arith.addi %add3A_776, %iota3A : vector<16xi32>
        %shift_right_arithmetic3A_778 = arith.constant 3 : i32
        %shift_right_arithmetic3A_779 = vector.broadcast %shift_right_arithmetic3A_778 : i32 to vector<16xi32>
        %shift_right_arithmetic3A_780 = arith.shrsi %add3A_777, %shift_right_arithmetic3A_779 : vector<16xi32>
        %and3A_781 = arith.constant 7 : i32
        %and3A_782 = vector.broadcast %and3A_781 : i32 to vector<16xi32>
        %and3A_783 = arith.andi %add3A_777, %and3A_782 : vector<16xi32>
        %mul3A_784 = arith.constant 8.000000e+00 : f32
        %mul3A_785 = vector.broadcast %mul3A_784 : f32 to vector<16xf32>
        %mul3A_786 = arith.mulf %get3A_774, %mul3A_785 : vector<16xf32>
        tpu.vector_store_idx %arg14[%shift_right_arithmetic3A_780, %and3A_783, %add3A_756], %mul3A_786 : memref<8x8x129xf32, #tpu.memory_space<vmem>>[vector<16xi32>, vector<16xi32>, vector<16xi32>], vector<16xf32>,
        %get3A_787 = arith.index_cast %add3A_752 : i32 to index
        %get3A_788 = arith.constant 32 : index
        %get3A_789 = tpu.vector_load %arg10[%get3A_787, %get3A_788] {strides = array<i32>} : memref<128x64xf32, #tpu.memory_space<vmem>>, vector<16xf32>,
        %add3A_790 = arith.constant 32 : i32
        %add3A_791 = vector.broadcast %add3A_790 : i32 to vector<16xi32>
        %add3A_792 = arith.addi %add3A_791, %iota3A : vector<16xi32>
        %shift_right_arithmetic3A_793 = arith.constant 3 : i32
        %shift_right_arithmetic3A_794 = vector.broadcast %shift_right_arithmetic3A_793 : i32 to vector<16xi32>
        %shift_right_arithmetic3A_795 = arith.shrsi %add3A_792, %shift_right_arithmetic3A_794 : vector<16xi32>
        %and3A_796 = arith.constant 7 : i32
        %and3A_797 = vector.broadcast %and3A_796 : i32 to vector<16xi32>
        %and3A_798 = arith.andi %add3A_792, %and3A_797 : vector<16xi32>
        %mul3A_799 = arith.constant 8.000000e+00 : f32
        %mul3A_800 = vector.broadcast %mul3A_799 : f32 to vector<16xf32>
        %mul3A_801 = arith.mulf %get3A_789, %mul3A_800 : vector<16xf32>
        tpu.vector_store_idx %arg14[%shift_right_arithmetic3A_795, %and3A_798, %add3A_756], %mul3A_801 : memref<8x8x129xf32, #tpu.memory_space<vmem>>[vector<16xi32>, vector<16xi32>, vector<16xi32>], vector<16xf32>,
        %get3A_802 = arith.index_cast %add3A_752 : i32 to index
        %get3A_803 = arith.constant 48 : index
        %get3A_804 = tpu.vector_load %arg10[%get3A_802, %get3A_803] {strides = array<i32>} : memref<128x64xf32, #tpu.memory_space<vmem>>, vector<16xf32>,
        %add3A_805 = arith.constant 48 : i32
        %add3A_806 = vector.broadcast %add3A_805 : i32 to vector<16xi32>
        %add3A_807 = arith.addi %add3A_806, %iota3A : vector<16xi32>
        %shift_right_arithmetic3A_808 = arith.constant 3 : i32
        %shift_right_arithmetic3A_809 = vector.broadcast %shift_right_arithmetic3A_808 : i32 to vector<16xi32>
        %shift_right_arithmetic3A_810 = arith.shrsi %add3A_807, %shift_right_arithmetic3A_809 : vector<16xi32>
        %and3A_811 = arith.constant 7 : i32
        %and3A_812 = vector.broadcast %and3A_811 : i32 to vector<16xi32>
        %and3A_813 = arith.andi %add3A_807, %and3A_812 : vector<16xi32>
        %mul3A_814 = arith.constant 8.000000e+00 : f32
        %mul3A_815 = vector.broadcast %mul3A_814 : f32 to vector<16xf32>
        %mul3A_816 = arith.mulf %get3A_804, %mul3A_815 : vector<16xf32>
        tpu.vector_store_idx %arg14[%shift_right_arithmetic3A_810, %and3A_813, %add3A_756], %mul3A_816 : memref<8x8x129xf32, #tpu.memory_space<vmem>>[vector<16xi32>, vector<16xi32>, vector<16xi32>], vector<16xf32>,
        %scan3A_817 = arith.constant 6 : i32
        %scan3A_818 = arith.addi %scan3A_400, %scan3A_817 : i32
        %mul3A_819 = arith.constant 1 : i32
        %mul3A_820 = arith.muli %scan3A_818, %mul3A_819 : i32
        %add3A_821 = arith.constant 0 : i32
        %add3A_822 = arith.addi %add3A_821, %mul3A_820 : i32
        %broadcast_in_dim3A_823 = arith.constant 0 : i32
        %broadcast_in_dim3A_824 = vector.broadcast %broadcast_in_dim3A_823 : i32 to vector<16xi32>
        %add3A_825 = vector.broadcast %add3A_822 : i32 to vector<16xi32>
        %add3A_826 = arith.addi %broadcast_in_dim3A_824, %add3A_825 : vector<16xi32>
        %get3A_827 = arith.index_cast %add3A_822 : i32 to index
        %get3A_828 = arith.constant 0 : index
        %get3A_829 = tpu.vector_load %arg10[%get3A_827, %get3A_828] {strides = array<i32>} : memref<128x64xf32, #tpu.memory_space<vmem>>, vector<16xf32>,
        %add3A_830 = arith.constant 0 : i32
        %add3A_831 = vector.broadcast %add3A_830 : i32 to vector<16xi32>
        %add3A_832 = arith.addi %add3A_831, %iota3A : vector<16xi32>
        %shift_right_arithmetic3A_833 = arith.constant 3 : i32
        %shift_right_arithmetic3A_834 = vector.broadcast %shift_right_arithmetic3A_833 : i32 to vector<16xi32>
        %shift_right_arithmetic3A_835 = arith.shrsi %add3A_832, %shift_right_arithmetic3A_834 : vector<16xi32>
        %and3A_836 = arith.constant 7 : i32
        %and3A_837 = vector.broadcast %and3A_836 : i32 to vector<16xi32>
        %and3A_838 = arith.andi %add3A_832, %and3A_837 : vector<16xi32>
        %mul3A_839 = arith.constant 8.000000e+00 : f32
        %mul3A_840 = vector.broadcast %mul3A_839 : f32 to vector<16xf32>
        %mul3A_841 = arith.mulf %get3A_829, %mul3A_840 : vector<16xf32>
        tpu.vector_store_idx %arg14[%shift_right_arithmetic3A_835, %and3A_838, %add3A_826], %mul3A_841 : memref<8x8x129xf32, #tpu.memory_space<vmem>>[vector<16xi32>, vector<16xi32>, vector<16xi32>], vector<16xf32>,
        %get3A_842 = arith.index_cast %add3A_822 : i32 to index
        %get3A_843 = arith.constant 16 : index
        %get3A_844 = tpu.vector_load %arg10[%get3A_842, %get3A_843] {strides = array<i32>} : memref<128x64xf32, #tpu.memory_space<vmem>>, vector<16xf32>,
        %add3A_845 = arith.constant 16 : i32
        %add3A_846 = vector.broadcast %add3A_845 : i32 to vector<16xi32>
        %add3A_847 = arith.addi %add3A_846, %iota3A : vector<16xi32>
        %shift_right_arithmetic3A_848 = arith.constant 3 : i32
        %shift_right_arithmetic3A_849 = vector.broadcast %shift_right_arithmetic3A_848 : i32 to vector<16xi32>
        %shift_right_arithmetic3A_850 = arith.shrsi %add3A_847, %shift_right_arithmetic3A_849 : vector<16xi32>
        %and3A_851 = arith.constant 7 : i32
        %and3A_852 = vector.broadcast %and3A_851 : i32 to vector<16xi32>
        %and3A_853 = arith.andi %add3A_847, %and3A_852 : vector<16xi32>
        %mul3A_854 = arith.constant 8.000000e+00 : f32
        %mul3A_855 = vector.broadcast %mul3A_854 : f32 to vector<16xf32>
        %mul3A_856 = arith.mulf %get3A_844, %mul3A_855 : vector<16xf32>
        tpu.vector_store_idx %arg14[%shift_right_arithmetic3A_850, %and3A_853, %add3A_826], %mul3A_856 : memref<8x8x129xf32, #tpu.memory_space<vmem>>[vector<16xi32>, vector<16xi32>, vector<16xi32>], vector<16xf32>,
        %get3A_857 = arith.index_cast %add3A_822 : i32 to index
        %get3A_858 = arith.constant 32 : index
        %get3A_859 = tpu.vector_load %arg10[%get3A_857, %get3A_858] {strides = array<i32>} : memref<128x64xf32, #tpu.memory_space<vmem>>, vector<16xf32>,
        %add3A_860 = arith.constant 32 : i32
        %add3A_861 = vector.broadcast %add3A_860 : i32 to vector<16xi32>
        %add3A_862 = arith.addi %add3A_861, %iota3A : vector<16xi32>
        %shift_right_arithmetic3A_863 = arith.constant 3 : i32
        %shift_right_arithmetic3A_864 = vector.broadcast %shift_right_arithmetic3A_863 : i32 to vector<16xi32>
        %shift_right_arithmetic3A_865 = arith.shrsi %add3A_862, %shift_right_arithmetic3A_864 : vector<16xi32>
        %and3A_866 = arith.constant 7 : i32
        %and3A_867 = vector.broadcast %and3A_866 : i32 to vector<16xi32>
        %and3A_868 = arith.andi %add3A_862, %and3A_867 : vector<16xi32>
        %mul3A_869 = arith.constant 8.000000e+00 : f32
        %mul3A_870 = vector.broadcast %mul3A_869 : f32 to vector<16xf32>
        %mul3A_871 = arith.mulf %get3A_859, %mul3A_870 : vector<16xf32>
        tpu.vector_store_idx %arg14[%shift_right_arithmetic3A_865, %and3A_868, %add3A_826], %mul3A_871 : memref<8x8x129xf32, #tpu.memory_space<vmem>>[vector<16xi32>, vector<16xi32>, vector<16xi32>], vector<16xf32>,
        %get3A_872 = arith.index_cast %add3A_822 : i32 to index
        %get3A_873 = arith.constant 48 : index
        %get3A_874 = tpu.vector_load %arg10[%get3A_872, %get3A_873] {strides = array<i32>} : memref<128x64xf32, #tpu.memory_space<vmem>>, vector<16xf32>,
        %add3A_875 = arith.constant 48 : i32
        %add3A_876 = vector.broadcast %add3A_875 : i32 to vector<16xi32>
        %add3A_877 = arith.addi %add3A_876, %iota3A : vector<16xi32>
        %shift_right_arithmetic3A_878 = arith.constant 3 : i32
        %shift_right_arithmetic3A_879 = vector.broadcast %shift_right_arithmetic3A_878 : i32 to vector<16xi32>
        %shift_right_arithmetic3A_880 = arith.shrsi %add3A_877, %shift_right_arithmetic3A_879 : vector<16xi32>
        %and3A_881 = arith.constant 7 : i32
        %and3A_882 = vector.broadcast %and3A_881 : i32 to vector<16xi32>
        %and3A_883 = arith.andi %add3A_877, %and3A_882 : vector<16xi32>
        %mul3A_884 = arith.constant 8.000000e+00 : f32
        %mul3A_885 = vector.broadcast %mul3A_884 : f32 to vector<16xf32>
        %mul3A_886 = arith.mulf %get3A_874, %mul3A_885 : vector<16xf32>
        tpu.vector_store_idx %arg14[%shift_right_arithmetic3A_880, %and3A_883, %add3A_826], %mul3A_886 : memref<8x8x129xf32, #tpu.memory_space<vmem>>[vector<16xi32>, vector<16xi32>, vector<16xi32>], vector<16xf32>,
        %scan3A_887 = arith.constant 7 : i32
        %scan3A_888 = arith.addi %scan3A_400, %scan3A_887 : i32
        %mul3A_889 = arith.constant 1 : i32
        %mul3A_890 = arith.muli %scan3A_888, %mul3A_889 : i32
        %add3A_891 = arith.constant 0 : i32
        %add3A_892 = arith.addi %add3A_891, %mul3A_890 : i32
        %broadcast_in_dim3A_893 = arith.constant 0 : i32
        %broadcast_in_dim3A_894 = vector.broadcast %broadcast_in_dim3A_893 : i32 to vector<16xi32>
        %add3A_895 = vector.broadcast %add3A_892 : i32 to vector<16xi32>
        %add3A_896 = arith.addi %broadcast_in_dim3A_894, %add3A_895 : vector<16xi32>
        %get3A_897 = arith.index_cast %add3A_892 : i32 to index
        %get3A_898 = arith.constant 0 : index
        %get3A_899 = tpu.vector_load %arg10[%get3A_897, %get3A_898] {strides = array<i32>} : memref<128x64xf32, #tpu.memory_space<vmem>>, vector<16xf32>,
        %add3A_900 = arith.constant 0 : i32
        %add3A_901 = vector.broadcast %add3A_900 : i32 to vector<16xi32>
        %add3A_902 = arith.addi %add3A_901, %iota3A : vector<16xi32>
        %shift_right_arithmetic3A_903 = arith.constant 3 : i32
        %shift_right_arithmetic3A_904 = vector.broadcast %shift_right_arithmetic3A_903 : i32 to vector<16xi32>
        %shift_right_arithmetic3A_905 = arith.shrsi %add3A_902, %shift_right_arithmetic3A_904 : vector<16xi32>
        %and3A_906 = arith.constant 7 : i32
        %and3A_907 = vector.broadcast %and3A_906 : i32 to vector<16xi32>
        %and3A_908 = arith.andi %add3A_902, %and3A_907 : vector<16xi32>
        %mul3A_909 = arith.constant 8.000000e+00 : f32
        %mul3A_910 = vector.broadcast %mul3A_909 : f32 to vector<16xf32>
        %mul3A_911 = arith.mulf %get3A_899, %mul3A_910 : vector<16xf32>
        tpu.vector_store_idx %arg14[%shift_right_arithmetic3A_905, %and3A_908, %add3A_896], %mul3A_911 : memref<8x8x129xf32, #tpu.memory_space<vmem>>[vector<16xi32>, vector<16xi32>, vector<16xi32>], vector<16xf32>,
        %get3A_912 = arith.index_cast %add3A_892 : i32 to index
        %get3A_913 = arith.constant 16 : index
        %get3A_914 = tpu.vector_load %arg10[%get3A_912, %get3A_913] {strides = array<i32>} : memref<128x64xf32, #tpu.memory_space<vmem>>, vector<16xf32>,
        %add3A_915 = arith.constant 16 : i32
        %add3A_916 = vector.broadcast %add3A_915 : i32 to vector<16xi32>
        %add3A_917 = arith.addi %add3A_916, %iota3A : vector<16xi32>
        %shift_right_arithmetic3A_918 = arith.constant 3 : i32
        %shift_right_arithmetic3A_919 = vector.broadcast %shift_right_arithmetic3A_918 : i32 to vector<16xi32>
        %shift_right_arithmetic3A_920 = arith.shrsi %add3A_917, %shift_right_arithmetic3A_919 : vector<16xi32>
        %and3A_921 = arith.constant 7 : i32
        %and3A_922 = vector.broadcast %and3A_921 : i32 to vector<16xi32>
        %and3A_923 = arith.andi %add3A_917, %and3A_922 : vector<16xi32>
        %mul3A_924 = arith.constant 8.000000e+00 : f32
        %mul3A_925 = vector.broadcast %mul3A_924 : f32 to vector<16xf32>
        %mul3A_926 = arith.mulf %get3A_914, %mul3A_925 : vector<16xf32>
        tpu.vector_store_idx %arg14[%shift_right_arithmetic3A_920, %and3A_923, %add3A_896], %mul3A_926 : memref<8x8x129xf32, #tpu.memory_space<vmem>>[vector<16xi32>, vector<16xi32>, vector<16xi32>], vector<16xf32>,
        %get3A_927 = arith.index_cast %add3A_892 : i32 to index
        %get3A_928 = arith.constant 32 : index
        %get3A_929 = tpu.vector_load %arg10[%get3A_927, %get3A_928] {strides = array<i32>} : memref<128x64xf32, #tpu.memory_space<vmem>>, vector<16xf32>,
        %add3A_930 = arith.constant 32 : i32
        %add3A_931 = vector.broadcast %add3A_930 : i32 to vector<16xi32>
        %add3A_932 = arith.addi %add3A_931, %iota3A : vector<16xi32>
        %shift_right_arithmetic3A_933 = arith.constant 3 : i32
        %shift_right_arithmetic3A_934 = vector.broadcast %shift_right_arithmetic3A_933 : i32 to vector<16xi32>
        %shift_right_arithmetic3A_935 = arith.shrsi %add3A_932, %shift_right_arithmetic3A_934 : vector<16xi32>
        %and3A_936 = arith.constant 7 : i32
        %and3A_937 = vector.broadcast %and3A_936 : i32 to vector<16xi32>
        %and3A_938 = arith.andi %add3A_932, %and3A_937 : vector<16xi32>
        %mul3A_939 = arith.constant 8.000000e+00 : f32
        %mul3A_940 = vector.broadcast %mul3A_939 : f32 to vector<16xf32>
        %mul3A_941 = arith.mulf %get3A_929, %mul3A_940 : vector<16xf32>
        tpu.vector_store_idx %arg14[%shift_right_arithmetic3A_935, %and3A_938, %add3A_896], %mul3A_941 : memref<8x8x129xf32, #tpu.memory_space<vmem>>[vector<16xi32>, vector<16xi32>, vector<16xi32>], vector<16xf32>,
        %get3A_942 = arith.index_cast %add3A_892 : i32 to index
        %get3A_943 = arith.constant 48 : index
        %get3A_944 = tpu.vector_load %arg10[%get3A_942, %get3A_943] {strides = array<i32>} : memref<128x64xf32, #tpu.memory_space<vmem>>, vector<16xf32>,
        %add3A_945 = arith.constant 48 : i32
        %add3A_946 = vector.broadcast %add3A_945 : i32 to vector<16xi32>
        %add3A_947 = arith.addi %add3A_946, %iota3A : vector<16xi32>
        %shift_right_arithmetic3A_948 = arith.constant 3 : i32
        %shift_right_arithmetic3A_949 = vector.broadcast %shift_right_arithmetic3A_948 : i32 to vector<16xi32>
        %shift_right_arithmetic3A_950 = arith.shrsi %add3A_947, %shift_right_arithmetic3A_949 : vector<16xi32>
        %and3A_951 = arith.constant 7 : i32
        %and3A_952 = vector.broadcast %and3A_951 : i32 to vector<16xi32>
        %and3A_953 = arith.andi %add3A_947, %and3A_952 : vector<16xi32>
        %mul3A_954 = arith.constant 8.000000e+00 : f32
        %mul3A_955 = vector.broadcast %mul3A_954 : f32 to vector<16xf32>
        %mul3A_956 = arith.mulf %get3A_944, %mul3A_955 : vector<16xf32>
        tpu.vector_store_idx %arg14[%shift_right_arithmetic3A_950, %and3A_953, %add3A_896], %mul3A_956 : memref<8x8x129xf32, #tpu.memory_space<vmem>>[vector<16xi32>, vector<16xi32>, vector<16xi32>], vector<16xf32>,
      }
      %scan3A_251 = arith.constant 128 : i32
      %add3A_252 = arith.addi %mul3A_2, %add3A_224 : i32
      %shift_right_arithmetic3A_253 = arith.constant 10 : i32
      %shift_right_arithmetic3A_254 = arith.shrsi %add3A_252, %shift_right_arithmetic3A_253 : i32
      %mul3A_255 = arith.constant 8 : i32
      %mul3A_256 = arith.muli %shift_right_arithmetic3A_254, %mul3A_255 : i32
      %and3A_257 = arith.constant 7 : i32
      %and3A_258 = arith.andi %add3A_252, %and3A_257 : i32
      %add3A_259 = arith.addi %mul3A_256, %and3A_258 : i32
      %shift_right_arithmetic3A_260 = arith.constant 3 : i32
      %shift_right_arithmetic3A_261 = arith.shrsi %add3A_252, %shift_right_arithmetic3A_260 : i32
      %and3A_262 = arith.constant 127 : i32
      %and3A_263 = arith.andi %shift_right_arithmetic3A_261, %and3A_262 : i32
      %dma_start3A_264 = arith.constant 0 : i32
      %dma_start3A_265 = arith.constant 0 : i32
      %dma_start3A_266 = arith.constant 0 : i32
      %dma_start3A_267 = tpu.memref_slice %arg14[%dma_start3A_264, %dma_start3A_265, %dma_start3A_266] : memref<8x8x129xf32, #tpu.memory_space<vmem>> -> memref<8x8x128xf32, #tpu.memory_space<vmem>>
      %dma_start3A_268 = arith.constant 0 : i32
      %dma_start3A_269 = arith.constant 0 : i32
      %dma_start3A_270 = arith.constant 0 : i32
      %dma_start3A_271 = tpu.memref_slice %arg4[%add3A_259, %dma_start3A_268, %and3A_263, %dma_start3A_269, %dma_start3A_270] : memref<200x8x128x8x128xf32, #tpu.memory_space<hbm>> -> memref<1x8x1x8x128xf32, #tpu.memory_space<hbm>>
      %dma_start3A_272 = tpu.memref_squeeze %dma_start3A_271 : memref<1x8x1x8x128xf32, #tpu.memory_space<hbm>> -> memref<8x8x128xf32, #tpu.memory_space<hbm>>
      %dma_start3A_273 = arith.constant 0 : i32
      %dma_start3A_274 = arith.constant 0 : i32
      %dma_start3A_275 = arith.constant 0 : i32
      %dma_start3A_276 = tpu.memref_slice %arg4[%add3A_259, %dma_start3A_273, %and3A_263, %dma_start3A_274, %dma_start3A_275] : memref<200x8x128x8x128xf32, #tpu.memory_space<hbm>> -> memref<1x8x1x8x128xf32, #tpu.memory_space<hbm>>
      %dma_start3A_277 = tpu.memref_squeeze %dma_start3A_276 : memref<1x8x1x8x128xf32, #tpu.memory_space<hbm>> -> memref<8x8x128xf32, #tpu.memory_space<hbm>>
      %dma_start3A_278 = arith.constant 0 : i32
      %dma_start3A_279 = arith.constant 0 : i32
      %dma_start3A_280 = arith.constant 0 : i32
      %dma_start3A_281 = tpu.memref_slice %arg14[%dma_start3A_278, %dma_start3A_279, %dma_start3A_280] : memref<8x8x129xf32, #tpu.memory_space<vmem>> -> memref<8x8x128xf32, #tpu.memory_space<vmem>>
      tpu.enqueue_dma source(%dma_start3A_281 : memref<8x8x128xf32, #tpu.memory_space<vmem>>) target(%dma_start3A_277 : memref<8x8x128xf32, #tpu.memory_space<hbm>>) target_semaphore(%arg26 : memref<!tpu.dma_semaphore, #tpu.memory_space<semaphore_mem>>)
      %add3A_282 = arith.constant 2 : i32
      %add3A_283 = arith.addi %add3A_167, %add3A_282 : i32
      %add3A_284 = arith.constant 3 : i32
      %add3A_285 = arith.addi %add3A_283, %add3A_284 : i32
      %lt3A_286 = arith.constant 800 : i32
      %lt3A_287 = arith.cmpi slt, %add3A_285, %lt3A_286 : i32
      %convert_element_type3A_288 = arith.extui %lt3A_287 : i1 to i32
      %cond3A_289 = arith.constant 0 : i32
      %cond3A_290 = arith.cmpi ne, %convert_element_type3A_288, %cond3A_289 : i32
      scf.if %cond3A_290 {
        %add3A_400 = arith.constant 3 : i32
        %add3A_401 = arith.addi %add3A_283, %add3A_400 : i32
        %add3A_402 = arith.addi %mul3A_2, %add3A_401 : i32
        %mul3A_403 = arith.constant 128 : i32
        %mul3A_404 = arith.muli %add3A_402, %mul3A_403 : i32
        %dma_start3A_405 = tpu.memref_slice %arg2[%mul3A_404] : memref<3276800xi32, #tpu.memory_space<hbm>> -> memref<128xi32, #tpu.memory_space<hbm>>
        %dma_start3A_406 = tpu.memref_slice %arg2[%mul3A_404] : memref<3276800xi32, #tpu.memory_space<hbm>> -> memref<128xi32, #tpu.memory_space<hbm>>
        tpu.enqueue_dma source(%dma_start3A_406 : memref<128xi32, #tpu.memory_space<hbm>>) target(%arg6 : memref<128xi32, #tpu.memory_space<vmem>>) target_semaphore(%arg18 : memref<!tpu.dma_semaphore, #tpu.memory_space<semaphore_mem>>)
      } else {
      }
      %add3A_291 = arith.constant 2 : i32
      %add3A_292 = arith.addi %add3A_283, %add3A_291 : i32
      %lt3A_293 = arith.constant 800 : i32
      %lt3A_294 = arith.cmpi slt, %add3A_292, %lt3A_293 : i32
      %convert_element_type3A_295 = arith.extui %lt3A_294 : i1 to i32
      %cond3A_296 = arith.constant 0 : i32
      %cond3A_297 = arith.cmpi ne, %convert_element_type3A_295, %cond3A_296 : i32
      scf.if %cond3A_297 {
        %add3A_400 = arith.constant 2 : i32
        %add3A_401 = arith.addi %add3A_283, %add3A_400 : i32
        %add3A_402 = arith.addi %mul3A_2, %add3A_401 : i32
        %mul3A_403 = arith.constant 128 : i32
        %mul3A_404 = arith.muli %add3A_402, %mul3A_403 : i32
        %dma_wait3A_405 = tpu.memref_slice %arg2[%mul3A_404] : memref<3276800xi32, #tpu.memory_space<hbm>> -> memref<128xi32, #tpu.memory_space<hbm>>
        %dma_wait3A_406 = tpu.memref_slice %arg2[%mul3A_404] : memref<3276800xi32, #tpu.memory_space<hbm>> -> memref<128xi32, #tpu.memory_space<hbm>>
        tpu.wait_dma2 semaphore(%arg17 : memref<!tpu.dma_semaphore, #tpu.memory_space<semaphore_mem>>) src(%dma_wait3A_406 : memref<128xi32, #tpu.memory_space<hbm>>) dst(%arg5 : memref<128xi32, #tpu.memory_space<vmem>>)
        %dma_start3A_407 = arith.constant 0 : i32
        %dma_start3A_408 = arith.constant 0 : i32
        %dma_start3A_409 = tpu.memref_slice %arg3[%dma_start3A_407, %dma_start3A_408] : memref<1000000x64xf32, #tpu.memory_space<hbm>> -> memref<1000000x64xf32, #tpu.memory_space<hbm>>
        tpu.enqueue_indirect_dma source(%dma_start3A_409 : memref<1000000x64xf32, #tpu.memory_space<hbm>>) target(%arg9 : memref<128x64xf32, #tpu.memory_space<vmem>>) offsets(%arg5 : memref<128xi32, #tpu.memory_space<vmem>>) semaphore(%arg21 : memref<!tpu.dma_semaphore, #tpu.memory_space<semaphore_mem>>)
      } else {
      }
      %ge3A_298 = arith.constant 4 : i32
      %ge3A_299 = arith.cmpi sge, %add3A_283, %ge3A_298 : i32
      %convert_element_type3A_300 = arith.extui %ge3A_299 : i1 to i32
      %cond3A_301 = arith.constant 0 : i32
      %cond3A_302 = arith.cmpi ne, %convert_element_type3A_300, %cond3A_301 : i32
      scf.if %cond3A_302 {
        %sub3A = arith.constant 4 : i32
        %sub3A_400 = arith.subi %add3A_283, %sub3A : i32
        %add3A_401 = arith.addi %mul3A_2, %sub3A_400 : i32
        %shift_right_arithmetic3A_402 = arith.constant 10 : i32
        %shift_right_arithmetic3A_403 = arith.shrsi %add3A_401, %shift_right_arithmetic3A_402 : i32
        %mul3A_404 = arith.constant 8 : i32
        %mul3A_405 = arith.muli %shift_right_arithmetic3A_403, %mul3A_404 : i32
        %and3A_406 = arith.constant 7 : i32
        %and3A_407 = arith.andi %add3A_401, %and3A_406 : i32
        %add3A_408 = arith.addi %mul3A_405, %and3A_407 : i32
        %shift_right_arithmetic3A_409 = arith.constant 3 : i32
        %shift_right_arithmetic3A_410 = arith.shrsi %add3A_401, %shift_right_arithmetic3A_409 : i32
        %and3A_411 = arith.constant 127 : i32
        %and3A_412 = arith.andi %shift_right_arithmetic3A_410, %and3A_411 : i32
        %dma_wait3A_413 = arith.constant 0 : i32
        %dma_wait3A_414 = arith.constant 0 : i32
        %dma_wait3A_415 = arith.constant 0 : i32
        %dma_wait3A_416 = tpu.memref_slice %arg15[%dma_wait3A_413, %dma_wait3A_414, %dma_wait3A_415] : memref<8x8x129xf32, #tpu.memory_space<vmem>> -> memref<8x8x128xf32, #tpu.memory_space<vmem>>
        %dma_wait3A_417 = arith.constant 0 : i32
        %dma_wait3A_418 = arith.constant 0 : i32
        %dma_wait3A_419 = arith.constant 0 : i32
        %dma_wait3A_420 = tpu.memref_slice %arg4[%add3A_408, %dma_wait3A_417, %and3A_412, %dma_wait3A_418, %dma_wait3A_419] : memref<200x8x128x8x128xf32, #tpu.memory_space<hbm>> -> memref<1x8x1x8x128xf32, #tpu.memory_space<hbm>>
        %dma_wait3A_421 = tpu.memref_squeeze %dma_wait3A_420 : memref<1x8x1x8x128xf32, #tpu.memory_space<hbm>> -> memref<8x8x128xf32, #tpu.memory_space<hbm>>
        %dma_wait3A_422 = arith.constant 0 : i32
        %dma_wait3A_423 = arith.constant 0 : i32
        %dma_wait3A_424 = arith.constant 0 : i32
        %dma_wait3A_425 = tpu.memref_slice %arg4[%add3A_408, %dma_wait3A_422, %and3A_412, %dma_wait3A_423, %dma_wait3A_424] : memref<200x8x128x8x128xf32, #tpu.memory_space<hbm>> -> memref<1x8x1x8x128xf32, #tpu.memory_space<hbm>>
        %dma_wait3A_426 = tpu.memref_squeeze %dma_wait3A_425 : memref<1x8x1x8x128xf32, #tpu.memory_space<hbm>> -> memref<8x8x128xf32, #tpu.memory_space<hbm>>
        %dma_wait3A_427 = arith.constant 0 : i32
        %dma_wait3A_428 = arith.constant 0 : i32
        %dma_wait3A_429 = arith.constant 0 : i32
        %dma_wait3A_430 = tpu.memref_slice %arg15[%dma_wait3A_427, %dma_wait3A_428, %dma_wait3A_429] : memref<8x8x129xf32, #tpu.memory_space<vmem>> -> memref<8x8x128xf32, #tpu.memory_space<vmem>>
        tpu.wait_dma2 semaphore(%arg27 : memref<!tpu.dma_semaphore, #tpu.memory_space<semaphore_mem>>) src(%dma_wait3A_430 : memref<8x8x128xf32, #tpu.memory_space<vmem>>) dst(%dma_wait3A_426 : memref<8x8x128xf32, #tpu.memory_space<hbm>>)
      } else {
      }
      %dma_wait3A_303 = arith.constant 0 : i32
      %dma_wait3A_304 = arith.constant 0 : i32
      %dma_wait3A_305 = tpu.memref_slice %arg3[%dma_wait3A_303, %dma_wait3A_304] : memref<1000000x64xf32, #tpu.memory_space<hbm>> -> memref<1000000x64xf32, #tpu.memory_space<hbm>>
      tpu.wait_indirect_dma semaphore(%arg23 : memref<!tpu.dma_semaphore, #tpu.memory_space<semaphore_mem>>) src(%dma_wait3A_305 : memref<1000000x64xf32, #tpu.memory_space<hbm>>) dst(%arg11 : memref<128x64xf32, #tpu.memory_space<vmem>>)
      %scan3A_306 = arith.constant 0 : i32
      %scan3A_307 = arith.constant 128 : i32
      %scan3A_308 = arith.addi %scan3A_306, %scan3A_307 : i32
      %scan3A_309 = arith.constant 8 : i32
      scf.for %scan3A_400 = %scan3A_306 to %scan3A_308 step %scan3A_309  : i32 {
        %mul3A_401 = arith.constant 1 : i32
        %mul3A_402 = arith.muli %scan3A_400, %mul3A_401 : i32
        %add3A_403 = arith.constant 0 : i32
        %add3A_404 = arith.addi %add3A_403, %mul3A_402 : i32
        %broadcast_in_dim3A = arith.constant 0 : i32
        %broadcast_in_dim3A_405 = vector.broadcast %broadcast_in_dim3A : i32 to vector<16xi32>
        %add3A_406 = vector.broadcast %add3A_404 : i32 to vector<16xi32>
        %add3A_407 = arith.addi %broadcast_in_dim3A_405, %add3A_406 : vector<16xi32>
        %get3A = arith.index_cast %add3A_404 : i32 to index
        %get3A_408 = arith.constant 0 : index
        %get3A_409 = tpu.vector_load %arg11[%get3A, %get3A_408] {strides = array<i32>} : memref<128x64xf32, #tpu.memory_space<vmem>>, vector<16xf32>,
        %add3A_410 = arith.constant 0 : i32
        %add3A_411 = vector.broadcast %add3A_410 : i32 to vector<16xi32>
        %add3A_412 = arith.addi %add3A_411, %iota3A : vector<16xi32>
        %shift_right_arithmetic3A_413 = arith.constant 3 : i32
        %shift_right_arithmetic3A_414 = vector.broadcast %shift_right_arithmetic3A_413 : i32 to vector<16xi32>
        %shift_right_arithmetic3A_415 = arith.shrsi %add3A_412, %shift_right_arithmetic3A_414 : vector<16xi32>
        %and3A_416 = arith.constant 7 : i32
        %and3A_417 = vector.broadcast %and3A_416 : i32 to vector<16xi32>
        %and3A_418 = arith.andi %add3A_412, %and3A_417 : vector<16xi32>
        %mul3A_419 = arith.constant 8.000000e+00 : f32
        %mul3A_420 = vector.broadcast %mul3A_419 : f32 to vector<16xf32>
        %mul3A_421 = arith.mulf %get3A_409, %mul3A_420 : vector<16xf32>
        tpu.vector_store_idx %arg15[%shift_right_arithmetic3A_415, %and3A_418, %add3A_407], %mul3A_421 : memref<8x8x129xf32, #tpu.memory_space<vmem>>[vector<16xi32>, vector<16xi32>, vector<16xi32>], vector<16xf32>,
        %get3A_422 = arith.index_cast %add3A_404 : i32 to index
        %get3A_423 = arith.constant 16 : index
        %get3A_424 = tpu.vector_load %arg11[%get3A_422, %get3A_423] {strides = array<i32>} : memref<128x64xf32, #tpu.memory_space<vmem>>, vector<16xf32>,
        %add3A_425 = arith.constant 16 : i32
        %add3A_426 = vector.broadcast %add3A_425 : i32 to vector<16xi32>
        %add3A_427 = arith.addi %add3A_426, %iota3A : vector<16xi32>
        %shift_right_arithmetic3A_428 = arith.constant 3 : i32
        %shift_right_arithmetic3A_429 = vector.broadcast %shift_right_arithmetic3A_428 : i32 to vector<16xi32>
        %shift_right_arithmetic3A_430 = arith.shrsi %add3A_427, %shift_right_arithmetic3A_429 : vector<16xi32>
        %and3A_431 = arith.constant 7 : i32
        %and3A_432 = vector.broadcast %and3A_431 : i32 to vector<16xi32>
        %and3A_433 = arith.andi %add3A_427, %and3A_432 : vector<16xi32>
        %mul3A_434 = arith.constant 8.000000e+00 : f32
        %mul3A_435 = vector.broadcast %mul3A_434 : f32 to vector<16xf32>
        %mul3A_436 = arith.mulf %get3A_424, %mul3A_435 : vector<16xf32>
        tpu.vector_store_idx %arg15[%shift_right_arithmetic3A_430, %and3A_433, %add3A_407], %mul3A_436 : memref<8x8x129xf32, #tpu.memory_space<vmem>>[vector<16xi32>, vector<16xi32>, vector<16xi32>], vector<16xf32>,
        %get3A_437 = arith.index_cast %add3A_404 : i32 to index
        %get3A_438 = arith.constant 32 : index
        %get3A_439 = tpu.vector_load %arg11[%get3A_437, %get3A_438] {strides = array<i32>} : memref<128x64xf32, #tpu.memory_space<vmem>>, vector<16xf32>,
        %add3A_440 = arith.constant 32 : i32
        %add3A_441 = vector.broadcast %add3A_440 : i32 to vector<16xi32>
        %add3A_442 = arith.addi %add3A_441, %iota3A : vector<16xi32>
        %shift_right_arithmetic3A_443 = arith.constant 3 : i32
        %shift_right_arithmetic3A_444 = vector.broadcast %shift_right_arithmetic3A_443 : i32 to vector<16xi32>
        %shift_right_arithmetic3A_445 = arith.shrsi %add3A_442, %shift_right_arithmetic3A_444 : vector<16xi32>
        %and3A_446 = arith.constant 7 : i32
        %and3A_447 = vector.broadcast %and3A_446 : i32 to vector<16xi32>
        %and3A_448 = arith.andi %add3A_442, %and3A_447 : vector<16xi32>
        %mul3A_449 = arith.constant 8.000000e+00 : f32
        %mul3A_450 = vector.broadcast %mul3A_449 : f32 to vector<16xf32>
        %mul3A_451 = arith.mulf %get3A_439, %mul3A_450 : vector<16xf32>
        tpu.vector_store_idx %arg15[%shift_right_arithmetic3A_445, %and3A_448, %add3A_407], %mul3A_451 : memref<8x8x129xf32, #tpu.memory_space<vmem>>[vector<16xi32>, vector<16xi32>, vector<16xi32>], vector<16xf32>,
        %get3A_452 = arith.index_cast %add3A_404 : i32 to index
        %get3A_453 = arith.constant 48 : index
        %get3A_454 = tpu.vector_load %arg11[%get3A_452, %get3A_453] {strides = array<i32>} : memref<128x64xf32, #tpu.memory_space<vmem>>, vector<16xf32>,
        %add3A_455 = arith.constant 48 : i32
        %add3A_456 = vector.broadcast %add3A_455 : i32 to vector<16xi32>
        %add3A_457 = arith.addi %add3A_456, %iota3A : vector<16xi32>
        %shift_right_arithmetic3A_458 = arith.constant 3 : i32
        %shift_right_arithmetic3A_459 = vector.broadcast %shift_right_arithmetic3A_458 : i32 to vector<16xi32>
        %shift_right_arithmetic3A_460 = arith.shrsi %add3A_457, %shift_right_arithmetic3A_459 : vector<16xi32>
        %and3A_461 = arith.constant 7 : i32
        %and3A_462 = vector.broadcast %and3A_461 : i32 to vector<16xi32>
        %and3A_463 = arith.andi %add3A_457, %and3A_462 : vector<16xi32>
        %mul3A_464 = arith.constant 8.000000e+00 : f32
        %mul3A_465 = vector.broadcast %mul3A_464 : f32 to vector<16xf32>
        %mul3A_466 = arith.mulf %get3A_454, %mul3A_465 : vector<16xf32>
        tpu.vector_store_idx %arg15[%shift_right_arithmetic3A_460, %and3A_463, %add3A_407], %mul3A_466 : memref<8x8x129xf32, #tpu.memory_space<vmem>>[vector<16xi32>, vector<16xi32>, vector<16xi32>], vector<16xf32>,
        %scan3A_467 = arith.constant 1 : i32
        %scan3A_468 = arith.addi %scan3A_400, %scan3A_467 : i32
        %mul3A_469 = arith.constant 1 : i32
        %mul3A_470 = arith.muli %scan3A_468, %mul3A_469 : i32
        %add3A_471 = arith.constant 0 : i32
        %add3A_472 = arith.addi %add3A_471, %mul3A_470 : i32
        %broadcast_in_dim3A_473 = arith.constant 0 : i32
        %broadcast_in_dim3A_474 = vector.broadcast %broadcast_in_dim3A_473 : i32 to vector<16xi32>
        %add3A_475 = vector.broadcast %add3A_472 : i32 to vector<16xi32>
        %add3A_476 = arith.addi %broadcast_in_dim3A_474, %add3A_475 : vector<16xi32>
        %get3A_477 = arith.index_cast %add3A_472 : i32 to index
        %get3A_478 = arith.constant 0 : index
        %get3A_479 = tpu.vector_load %arg11[%get3A_477, %get3A_478] {strides = array<i32>} : memref<128x64xf32, #tpu.memory_space<vmem>>, vector<16xf32>,
        %add3A_480 = arith.constant 0 : i32
        %add3A_481 = vector.broadcast %add3A_480 : i32 to vector<16xi32>
        %add3A_482 = arith.addi %add3A_481, %iota3A : vector<16xi32>
        %shift_right_arithmetic3A_483 = arith.constant 3 : i32
        %shift_right_arithmetic3A_484 = vector.broadcast %shift_right_arithmetic3A_483 : i32 to vector<16xi32>
        %shift_right_arithmetic3A_485 = arith.shrsi %add3A_482, %shift_right_arithmetic3A_484 : vector<16xi32>
        %and3A_486 = arith.constant 7 : i32
        %and3A_487 = vector.broadcast %and3A_486 : i32 to vector<16xi32>
        %and3A_488 = arith.andi %add3A_482, %and3A_487 : vector<16xi32>
        %mul3A_489 = arith.constant 8.000000e+00 : f32
        %mul3A_490 = vector.broadcast %mul3A_489 : f32 to vector<16xf32>
        %mul3A_491 = arith.mulf %get3A_479, %mul3A_490 : vector<16xf32>
        tpu.vector_store_idx %arg15[%shift_right_arithmetic3A_485, %and3A_488, %add3A_476], %mul3A_491 : memref<8x8x129xf32, #tpu.memory_space<vmem>>[vector<16xi32>, vector<16xi32>, vector<16xi32>], vector<16xf32>,
        %get3A_492 = arith.index_cast %add3A_472 : i32 to index
        %get3A_493 = arith.constant 16 : index
        %get3A_494 = tpu.vector_load %arg11[%get3A_492, %get3A_493] {strides = array<i32>} : memref<128x64xf32, #tpu.memory_space<vmem>>, vector<16xf32>,
        %add3A_495 = arith.constant 16 : i32
        %add3A_496 = vector.broadcast %add3A_495 : i32 to vector<16xi32>
        %add3A_497 = arith.addi %add3A_496, %iota3A : vector<16xi32>
        %shift_right_arithmetic3A_498 = arith.constant 3 : i32
        %shift_right_arithmetic3A_499 = vector.broadcast %shift_right_arithmetic3A_498 : i32 to vector<16xi32>
        %shift_right_arithmetic3A_500 = arith.shrsi %add3A_497, %shift_right_arithmetic3A_499 : vector<16xi32>
        %and3A_501 = arith.constant 7 : i32
        %and3A_502 = vector.broadcast %and3A_501 : i32 to vector<16xi32>
        %and3A_503 = arith.andi %add3A_497, %and3A_502 : vector<16xi32>
        %mul3A_504 = arith.constant 8.000000e+00 : f32
        %mul3A_505 = vector.broadcast %mul3A_504 : f32 to vector<16xf32>
        %mul3A_506 = arith.mulf %get3A_494, %mul3A_505 : vector<16xf32>
        tpu.vector_store_idx %arg15[%shift_right_arithmetic3A_500, %and3A_503, %add3A_476], %mul3A_506 : memref<8x8x129xf32, #tpu.memory_space<vmem>>[vector<16xi32>, vector<16xi32>, vector<16xi32>], vector<16xf32>,
        %get3A_507 = arith.index_cast %add3A_472 : i32 to index
        %get3A_508 = arith.constant 32 : index
        %get3A_509 = tpu.vector_load %arg11[%get3A_507, %get3A_508] {strides = array<i32>} : memref<128x64xf32, #tpu.memory_space<vmem>>, vector<16xf32>,
        %add3A_510 = arith.constant 32 : i32
        %add3A_511 = vector.broadcast %add3A_510 : i32 to vector<16xi32>
        %add3A_512 = arith.addi %add3A_511, %iota3A : vector<16xi32>
        %shift_right_arithmetic3A_513 = arith.constant 3 : i32
        %shift_right_arithmetic3A_514 = vector.broadcast %shift_right_arithmetic3A_513 : i32 to vector<16xi32>
        %shift_right_arithmetic3A_515 = arith.shrsi %add3A_512, %shift_right_arithmetic3A_514 : vector<16xi32>
        %and3A_516 = arith.constant 7 : i32
        %and3A_517 = vector.broadcast %and3A_516 : i32 to vector<16xi32>
        %and3A_518 = arith.andi %add3A_512, %and3A_517 : vector<16xi32>
        %mul3A_519 = arith.constant 8.000000e+00 : f32
        %mul3A_520 = vector.broadcast %mul3A_519 : f32 to vector<16xf32>
        %mul3A_521 = arith.mulf %get3A_509, %mul3A_520 : vector<16xf32>
        tpu.vector_store_idx %arg15[%shift_right_arithmetic3A_515, %and3A_518, %add3A_476], %mul3A_521 : memref<8x8x129xf32, #tpu.memory_space<vmem>>[vector<16xi32>, vector<16xi32>, vector<16xi32>], vector<16xf32>,
        %get3A_522 = arith.index_cast %add3A_472 : i32 to index
        %get3A_523 = arith.constant 48 : index
        %get3A_524 = tpu.vector_load %arg11[%get3A_522, %get3A_523] {strides = array<i32>} : memref<128x64xf32, #tpu.memory_space<vmem>>, vector<16xf32>,
        %add3A_525 = arith.constant 48 : i32
        %add3A_526 = vector.broadcast %add3A_525 : i32 to vector<16xi32>
        %add3A_527 = arith.addi %add3A_526, %iota3A : vector<16xi32>
        %shift_right_arithmetic3A_528 = arith.constant 3 : i32
        %shift_right_arithmetic3A_529 = vector.broadcast %shift_right_arithmetic3A_528 : i32 to vector<16xi32>
        %shift_right_arithmetic3A_530 = arith.shrsi %add3A_527, %shift_right_arithmetic3A_529 : vector<16xi32>
        %and3A_531 = arith.constant 7 : i32
        %and3A_532 = vector.broadcast %and3A_531 : i32 to vector<16xi32>
        %and3A_533 = arith.andi %add3A_527, %and3A_532 : vector<16xi32>
        %mul3A_534 = arith.constant 8.000000e+00 : f32
        %mul3A_535 = vector.broadcast %mul3A_534 : f32 to vector<16xf32>
        %mul3A_536 = arith.mulf %get3A_524, %mul3A_535 : vector<16xf32>
        tpu.vector_store_idx %arg15[%shift_right_arithmetic3A_530, %and3A_533, %add3A_476], %mul3A_536 : memref<8x8x129xf32, #tpu.memory_space<vmem>>[vector<16xi32>, vector<16xi32>, vector<16xi32>], vector<16xf32>,
        %scan3A_537 = arith.constant 2 : i32
        %scan3A_538 = arith.addi %scan3A_400, %scan3A_537 : i32
        %mul3A_539 = arith.constant 1 : i32
        %mul3A_540 = arith.muli %scan3A_538, %mul3A_539 : i32
        %add3A_541 = arith.constant 0 : i32
        %add3A_542 = arith.addi %add3A_541, %mul3A_540 : i32
        %broadcast_in_dim3A_543 = arith.constant 0 : i32
        %broadcast_in_dim3A_544 = vector.broadcast %broadcast_in_dim3A_543 : i32 to vector<16xi32>
        %add3A_545 = vector.broadcast %add3A_542 : i32 to vector<16xi32>
        %add3A_546 = arith.addi %broadcast_in_dim3A_544, %add3A_545 : vector<16xi32>
        %get3A_547 = arith.index_cast %add3A_542 : i32 to index
        %get3A_548 = arith.constant 0 : index
        %get3A_549 = tpu.vector_load %arg11[%get3A_547, %get3A_548] {strides = array<i32>} : memref<128x64xf32, #tpu.memory_space<vmem>>, vector<16xf32>,
        %add3A_550 = arith.constant 0 : i32
        %add3A_551 = vector.broadcast %add3A_550 : i32 to vector<16xi32>
        %add3A_552 = arith.addi %add3A_551, %iota3A : vector<16xi32>
        %shift_right_arithmetic3A_553 = arith.constant 3 : i32
        %shift_right_arithmetic3A_554 = vector.broadcast %shift_right_arithmetic3A_553 : i32 to vector<16xi32>
        %shift_right_arithmetic3A_555 = arith.shrsi %add3A_552, %shift_right_arithmetic3A_554 : vector<16xi32>
        %and3A_556 = arith.constant 7 : i32
        %and3A_557 = vector.broadcast %and3A_556 : i32 to vector<16xi32>
        %and3A_558 = arith.andi %add3A_552, %and3A_557 : vector<16xi32>
        %mul3A_559 = arith.constant 8.000000e+00 : f32
        %mul3A_560 = vector.broadcast %mul3A_559 : f32 to vector<16xf32>
        %mul3A_561 = arith.mulf %get3A_549, %mul3A_560 : vector<16xf32>
        tpu.vector_store_idx %arg15[%shift_right_arithmetic3A_555, %and3A_558, %add3A_546], %mul3A_561 : memref<8x8x129xf32, #tpu.memory_space<vmem>>[vector<16xi32>, vector<16xi32>, vector<16xi32>], vector<16xf32>,
        %get3A_562 = arith.index_cast %add3A_542 : i32 to index
        %get3A_563 = arith.constant 16 : index
        %get3A_564 = tpu.vector_load %arg11[%get3A_562, %get3A_563] {strides = array<i32>} : memref<128x64xf32, #tpu.memory_space<vmem>>, vector<16xf32>,
        %add3A_565 = arith.constant 16 : i32
        %add3A_566 = vector.broadcast %add3A_565 : i32 to vector<16xi32>
        %add3A_567 = arith.addi %add3A_566, %iota3A : vector<16xi32>
        %shift_right_arithmetic3A_568 = arith.constant 3 : i32
        %shift_right_arithmetic3A_569 = vector.broadcast %shift_right_arithmetic3A_568 : i32 to vector<16xi32>
        %shift_right_arithmetic3A_570 = arith.shrsi %add3A_567, %shift_right_arithmetic3A_569 : vector<16xi32>
        %and3A_571 = arith.constant 7 : i32
        %and3A_572 = vector.broadcast %and3A_571 : i32 to vector<16xi32>
        %and3A_573 = arith.andi %add3A_567, %and3A_572 : vector<16xi32>
        %mul3A_574 = arith.constant 8.000000e+00 : f32
        %mul3A_575 = vector.broadcast %mul3A_574 : f32 to vector<16xf32>
        %mul3A_576 = arith.mulf %get3A_564, %mul3A_575 : vector<16xf32>
        tpu.vector_store_idx %arg15[%shift_right_arithmetic3A_570, %and3A_573, %add3A_546], %mul3A_576 : memref<8x8x129xf32, #tpu.memory_space<vmem>>[vector<16xi32>, vector<16xi32>, vector<16xi32>], vector<16xf32>,
        %get3A_577 = arith.index_cast %add3A_542 : i32 to index
        %get3A_578 = arith.constant 32 : index
        %get3A_579 = tpu.vector_load %arg11[%get3A_577, %get3A_578] {strides = array<i32>} : memref<128x64xf32, #tpu.memory_space<vmem>>, vector<16xf32>,
        %add3A_580 = arith.constant 32 : i32
        %add3A_581 = vector.broadcast %add3A_580 : i32 to vector<16xi32>
        %add3A_582 = arith.addi %add3A_581, %iota3A : vector<16xi32>
        %shift_right_arithmetic3A_583 = arith.constant 3 : i32
        %shift_right_arithmetic3A_584 = vector.broadcast %shift_right_arithmetic3A_583 : i32 to vector<16xi32>
        %shift_right_arithmetic3A_585 = arith.shrsi %add3A_582, %shift_right_arithmetic3A_584 : vector<16xi32>
        %and3A_586 = arith.constant 7 : i32
        %and3A_587 = vector.broadcast %and3A_586 : i32 to vector<16xi32>
        %and3A_588 = arith.andi %add3A_582, %and3A_587 : vector<16xi32>
        %mul3A_589 = arith.constant 8.000000e+00 : f32
        %mul3A_590 = vector.broadcast %mul3A_589 : f32 to vector<16xf32>
        %mul3A_591 = arith.mulf %get3A_579, %mul3A_590 : vector<16xf32>
        tpu.vector_store_idx %arg15[%shift_right_arithmetic3A_585, %and3A_588, %add3A_546], %mul3A_591 : memref<8x8x129xf32, #tpu.memory_space<vmem>>[vector<16xi32>, vector<16xi32>, vector<16xi32>], vector<16xf32>,
        %get3A_592 = arith.index_cast %add3A_542 : i32 to index
        %get3A_593 = arith.constant 48 : index
        %get3A_594 = tpu.vector_load %arg11[%get3A_592, %get3A_593] {strides = array<i32>} : memref<128x64xf32, #tpu.memory_space<vmem>>, vector<16xf32>,
        %add3A_595 = arith.constant 48 : i32
        %add3A_596 = vector.broadcast %add3A_595 : i32 to vector<16xi32>
        %add3A_597 = arith.addi %add3A_596, %iota3A : vector<16xi32>
        %shift_right_arithmetic3A_598 = arith.constant 3 : i32
        %shift_right_arithmetic3A_599 = vector.broadcast %shift_right_arithmetic3A_598 : i32 to vector<16xi32>
        %shift_right_arithmetic3A_600 = arith.shrsi %add3A_597, %shift_right_arithmetic3A_599 : vector<16xi32>
        %and3A_601 = arith.constant 7 : i32
        %and3A_602 = vector.broadcast %and3A_601 : i32 to vector<16xi32>
        %and3A_603 = arith.andi %add3A_597, %and3A_602 : vector<16xi32>
        %mul3A_604 = arith.constant 8.000000e+00 : f32
        %mul3A_605 = vector.broadcast %mul3A_604 : f32 to vector<16xf32>
        %mul3A_606 = arith.mulf %get3A_594, %mul3A_605 : vector<16xf32>
        tpu.vector_store_idx %arg15[%shift_right_arithmetic3A_600, %and3A_603, %add3A_546], %mul3A_606 : memref<8x8x129xf32, #tpu.memory_space<vmem>>[vector<16xi32>, vector<16xi32>, vector<16xi32>], vector<16xf32>,
        %scan3A_607 = arith.constant 3 : i32
        %scan3A_608 = arith.addi %scan3A_400, %scan3A_607 : i32
        %mul3A_609 = arith.constant 1 : i32
        %mul3A_610 = arith.muli %scan3A_608, %mul3A_609 : i32
        %add3A_611 = arith.constant 0 : i32
        %add3A_612 = arith.addi %add3A_611, %mul3A_610 : i32
        %broadcast_in_dim3A_613 = arith.constant 0 : i32
        %broadcast_in_dim3A_614 = vector.broadcast %broadcast_in_dim3A_613 : i32 to vector<16xi32>
        %add3A_615 = vector.broadcast %add3A_612 : i32 to vector<16xi32>
        %add3A_616 = arith.addi %broadcast_in_dim3A_614, %add3A_615 : vector<16xi32>
        %get3A_617 = arith.index_cast %add3A_612 : i32 to index
        %get3A_618 = arith.constant 0 : index
        %get3A_619 = tpu.vector_load %arg11[%get3A_617, %get3A_618] {strides = array<i32>} : memref<128x64xf32, #tpu.memory_space<vmem>>, vector<16xf32>,
        %add3A_620 = arith.constant 0 : i32
        %add3A_621 = vector.broadcast %add3A_620 : i32 to vector<16xi32>
        %add3A_622 = arith.addi %add3A_621, %iota3A : vector<16xi32>
        %shift_right_arithmetic3A_623 = arith.constant 3 : i32
        %shift_right_arithmetic3A_624 = vector.broadcast %shift_right_arithmetic3A_623 : i32 to vector<16xi32>
        %shift_right_arithmetic3A_625 = arith.shrsi %add3A_622, %shift_right_arithmetic3A_624 : vector<16xi32>
        %and3A_626 = arith.constant 7 : i32
        %and3A_627 = vector.broadcast %and3A_626 : i32 to vector<16xi32>
        %and3A_628 = arith.andi %add3A_622, %and3A_627 : vector<16xi32>
        %mul3A_629 = arith.constant 8.000000e+00 : f32
        %mul3A_630 = vector.broadcast %mul3A_629 : f32 to vector<16xf32>
        %mul3A_631 = arith.mulf %get3A_619, %mul3A_630 : vector<16xf32>
        tpu.vector_store_idx %arg15[%shift_right_arithmetic3A_625, %and3A_628, %add3A_616], %mul3A_631 : memref<8x8x129xf32, #tpu.memory_space<vmem>>[vector<16xi32>, vector<16xi32>, vector<16xi32>], vector<16xf32>,
        %get3A_632 = arith.index_cast %add3A_612 : i32 to index
        %get3A_633 = arith.constant 16 : index
        %get3A_634 = tpu.vector_load %arg11[%get3A_632, %get3A_633] {strides = array<i32>} : memref<128x64xf32, #tpu.memory_space<vmem>>, vector<16xf32>,
        %add3A_635 = arith.constant 16 : i32
        %add3A_636 = vector.broadcast %add3A_635 : i32 to vector<16xi32>
        %add3A_637 = arith.addi %add3A_636, %iota3A : vector<16xi32>
        %shift_right_arithmetic3A_638 = arith.constant 3 : i32
        %shift_right_arithmetic3A_639 = vector.broadcast %shift_right_arithmetic3A_638 : i32 to vector<16xi32>
        %shift_right_arithmetic3A_640 = arith.shrsi %add3A_637, %shift_right_arithmetic3A_639 : vector<16xi32>
        %and3A_641 = arith.constant 7 : i32
        %and3A_642 = vector.broadcast %and3A_641 : i32 to vector<16xi32>
        %and3A_643 = arith.andi %add3A_637, %and3A_642 : vector<16xi32>
        %mul3A_644 = arith.constant 8.000000e+00 : f32
        %mul3A_645 = vector.broadcast %mul3A_644 : f32 to vector<16xf32>
        %mul3A_646 = arith.mulf %get3A_634, %mul3A_645 : vector<16xf32>
        tpu.vector_store_idx %arg15[%shift_right_arithmetic3A_640, %and3A_643, %add3A_616], %mul3A_646 : memref<8x8x129xf32, #tpu.memory_space<vmem>>[vector<16xi32>, vector<16xi32>, vector<16xi32>], vector<16xf32>,
        %get3A_647 = arith.index_cast %add3A_612 : i32 to index
        %get3A_648 = arith.constant 32 : index
        %get3A_649 = tpu.vector_load %arg11[%get3A_647, %get3A_648] {strides = array<i32>} : memref<128x64xf32, #tpu.memory_space<vmem>>, vector<16xf32>,
        %add3A_650 = arith.constant 32 : i32
        %add3A_651 = vector.broadcast %add3A_650 : i32 to vector<16xi32>
        %add3A_652 = arith.addi %add3A_651, %iota3A : vector<16xi32>
        %shift_right_arithmetic3A_653 = arith.constant 3 : i32
        %shift_right_arithmetic3A_654 = vector.broadcast %shift_right_arithmetic3A_653 : i32 to vector<16xi32>
        %shift_right_arithmetic3A_655 = arith.shrsi %add3A_652, %shift_right_arithmetic3A_654 : vector<16xi32>
        %and3A_656 = arith.constant 7 : i32
        %and3A_657 = vector.broadcast %and3A_656 : i32 to vector<16xi32>
        %and3A_658 = arith.andi %add3A_652, %and3A_657 : vector<16xi32>
        %mul3A_659 = arith.constant 8.000000e+00 : f32
        %mul3A_660 = vector.broadcast %mul3A_659 : f32 to vector<16xf32>
        %mul3A_661 = arith.mulf %get3A_649, %mul3A_660 : vector<16xf32>
        tpu.vector_store_idx %arg15[%shift_right_arithmetic3A_655, %and3A_658, %add3A_616], %mul3A_661 : memref<8x8x129xf32, #tpu.memory_space<vmem>>[vector<16xi32>, vector<16xi32>, vector<16xi32>], vector<16xf32>,
        %get3A_662 = arith.index_cast %add3A_612 : i32 to index
        %get3A_663 = arith.constant 48 : index
        %get3A_664 = tpu.vector_load %arg11[%get3A_662, %get3A_663] {strides = array<i32>} : memref<128x64xf32, #tpu.memory_space<vmem>>, vector<16xf32>,
        %add3A_665 = arith.constant 48 : i32
        %add3A_666 = vector.broadcast %add3A_665 : i32 to vector<16xi32>
        %add3A_667 = arith.addi %add3A_666, %iota3A : vector<16xi32>
        %shift_right_arithmetic3A_668 = arith.constant 3 : i32
        %shift_right_arithmetic3A_669 = vector.broadcast %shift_right_arithmetic3A_668 : i32 to vector<16xi32>
        %shift_right_arithmetic3A_670 = arith.shrsi %add3A_667, %shift_right_arithmetic3A_669 : vector<16xi32>
        %and3A_671 = arith.constant 7 : i32
        %and3A_672 = vector.broadcast %and3A_671 : i32 to vector<16xi32>
        %and3A_673 = arith.andi %add3A_667, %and3A_672 : vector<16xi32>
        %mul3A_674 = arith.constant 8.000000e+00 : f32
        %mul3A_675 = vector.broadcast %mul3A_674 : f32 to vector<16xf32>
        %mul3A_676 = arith.mulf %get3A_664, %mul3A_675 : vector<16xf32>
        tpu.vector_store_idx %arg15[%shift_right_arithmetic3A_670, %and3A_673, %add3A_616], %mul3A_676 : memref<8x8x129xf32, #tpu.memory_space<vmem>>[vector<16xi32>, vector<16xi32>, vector<16xi32>], vector<16xf32>,
        %scan3A_677 = arith.constant 4 : i32
        %scan3A_678 = arith.addi %scan3A_400, %scan3A_677 : i32
        %mul3A_679 = arith.constant 1 : i32
        %mul3A_680 = arith.muli %scan3A_678, %mul3A_679 : i32
        %add3A_681 = arith.constant 0 : i32
        %add3A_682 = arith.addi %add3A_681, %mul3A_680 : i32
        %broadcast_in_dim3A_683 = arith.constant 0 : i32
        %broadcast_in_dim3A_684 = vector.broadcast %broadcast_in_dim3A_683 : i32 to vector<16xi32>
        %add3A_685 = vector.broadcast %add3A_682 : i32 to vector<16xi32>
        %add3A_686 = arith.addi %broadcast_in_dim3A_684, %add3A_685 : vector<16xi32>
        %get3A_687 = arith.index_cast %add3A_682 : i32 to index
        %get3A_688 = arith.constant 0 : index
        %get3A_689 = tpu.vector_load %arg11[%get3A_687, %get3A_688] {strides = array<i32>} : memref<128x64xf32, #tpu.memory_space<vmem>>, vector<16xf32>,
        %add3A_690 = arith.constant 0 : i32
        %add3A_691 = vector.broadcast %add3A_690 : i32 to vector<16xi32>
        %add3A_692 = arith.addi %add3A_691, %iota3A : vector<16xi32>
        %shift_right_arithmetic3A_693 = arith.constant 3 : i32
        %shift_right_arithmetic3A_694 = vector.broadcast %shift_right_arithmetic3A_693 : i32 to vector<16xi32>
        %shift_right_arithmetic3A_695 = arith.shrsi %add3A_692, %shift_right_arithmetic3A_694 : vector<16xi32>
        %and3A_696 = arith.constant 7 : i32
        %and3A_697 = vector.broadcast %and3A_696 : i32 to vector<16xi32>
        %and3A_698 = arith.andi %add3A_692, %and3A_697 : vector<16xi32>
        %mul3A_699 = arith.constant 8.000000e+00 : f32
        %mul3A_700 = vector.broadcast %mul3A_699 : f32 to vector<16xf32>
        %mul3A_701 = arith.mulf %get3A_689, %mul3A_700 : vector<16xf32>
        tpu.vector_store_idx %arg15[%shift_right_arithmetic3A_695, %and3A_698, %add3A_686], %mul3A_701 : memref<8x8x129xf32, #tpu.memory_space<vmem>>[vector<16xi32>, vector<16xi32>, vector<16xi32>], vector<16xf32>,
        %get3A_702 = arith.index_cast %add3A_682 : i32 to index
        %get3A_703 = arith.constant 16 : index
        %get3A_704 = tpu.vector_load %arg11[%get3A_702, %get3A_703] {strides = array<i32>} : memref<128x64xf32, #tpu.memory_space<vmem>>, vector<16xf32>,
        %add3A_705 = arith.constant 16 : i32
        %add3A_706 = vector.broadcast %add3A_705 : i32 to vector<16xi32>
        %add3A_707 = arith.addi %add3A_706, %iota3A : vector<16xi32>
        %shift_right_arithmetic3A_708 = arith.constant 3 : i32
        %shift_right_arithmetic3A_709 = vector.broadcast %shift_right_arithmetic3A_708 : i32 to vector<16xi32>
        %shift_right_arithmetic3A_710 = arith.shrsi %add3A_707, %shift_right_arithmetic3A_709 : vector<16xi32>
        %and3A_711 = arith.constant 7 : i32
        %and3A_712 = vector.broadcast %and3A_711 : i32 to vector<16xi32>
        %and3A_713 = arith.andi %add3A_707, %and3A_712 : vector<16xi32>
        %mul3A_714 = arith.constant 8.000000e+00 : f32
        %mul3A_715 = vector.broadcast %mul3A_714 : f32 to vector<16xf32>
        %mul3A_716 = arith.mulf %get3A_704, %mul3A_715 : vector<16xf32>
        tpu.vector_store_idx %arg15[%shift_right_arithmetic3A_710, %and3A_713, %add3A_686], %mul3A_716 : memref<8x8x129xf32, #tpu.memory_space<vmem>>[vector<16xi32>, vector<16xi32>, vector<16xi32>], vector<16xf32>,
        %get3A_717 = arith.index_cast %add3A_682 : i32 to index
        %get3A_718 = arith.constant 32 : index
        %get3A_719 = tpu.vector_load %arg11[%get3A_717, %get3A_718] {strides = array<i32>} : memref<128x64xf32, #tpu.memory_space<vmem>>, vector<16xf32>,
        %add3A_720 = arith.constant 32 : i32
        %add3A_721 = vector.broadcast %add3A_720 : i32 to vector<16xi32>
        %add3A_722 = arith.addi %add3A_721, %iota3A : vector<16xi32>
        %shift_right_arithmetic3A_723 = arith.constant 3 : i32
        %shift_right_arithmetic3A_724 = vector.broadcast %shift_right_arithmetic3A_723 : i32 to vector<16xi32>
        %shift_right_arithmetic3A_725 = arith.shrsi %add3A_722, %shift_right_arithmetic3A_724 : vector<16xi32>
        %and3A_726 = arith.constant 7 : i32
        %and3A_727 = vector.broadcast %and3A_726 : i32 to vector<16xi32>
        %and3A_728 = arith.andi %add3A_722, %and3A_727 : vector<16xi32>
        %mul3A_729 = arith.constant 8.000000e+00 : f32
        %mul3A_730 = vector.broadcast %mul3A_729 : f32 to vector<16xf32>
        %mul3A_731 = arith.mulf %get3A_719, %mul3A_730 : vector<16xf32>
        tpu.vector_store_idx %arg15[%shift_right_arithmetic3A_725, %and3A_728, %add3A_686], %mul3A_731 : memref<8x8x129xf32, #tpu.memory_space<vmem>>[vector<16xi32>, vector<16xi32>, vector<16xi32>], vector<16xf32>,
        %get3A_732 = arith.index_cast %add3A_682 : i32 to index
        %get3A_733 = arith.constant 48 : index
        %get3A_734 = tpu.vector_load %arg11[%get3A_732, %get3A_733] {strides = array<i32>} : memref<128x64xf32, #tpu.memory_space<vmem>>, vector<16xf32>,
        %add3A_735 = arith.constant 48 : i32
        %add3A_736 = vector.broadcast %add3A_735 : i32 to vector<16xi32>
        %add3A_737 = arith.addi %add3A_736, %iota3A : vector<16xi32>
        %shift_right_arithmetic3A_738 = arith.constant 3 : i32
        %shift_right_arithmetic3A_739 = vector.broadcast %shift_right_arithmetic3A_738 : i32 to vector<16xi32>
        %shift_right_arithmetic3A_740 = arith.shrsi %add3A_737, %shift_right_arithmetic3A_739 : vector<16xi32>
        %and3A_741 = arith.constant 7 : i32
        %and3A_742 = vector.broadcast %and3A_741 : i32 to vector<16xi32>
        %and3A_743 = arith.andi %add3A_737, %and3A_742 : vector<16xi32>
        %mul3A_744 = arith.constant 8.000000e+00 : f32
        %mul3A_745 = vector.broadcast %mul3A_744 : f32 to vector<16xf32>
        %mul3A_746 = arith.mulf %get3A_734, %mul3A_745 : vector<16xf32>
        tpu.vector_store_idx %arg15[%shift_right_arithmetic3A_740, %and3A_743, %add3A_686], %mul3A_746 : memref<8x8x129xf32, #tpu.memory_space<vmem>>[vector<16xi32>, vector<16xi32>, vector<16xi32>], vector<16xf32>,
        %scan3A_747 = arith.constant 5 : i32
        %scan3A_748 = arith.addi %scan3A_400, %scan3A_747 : i32
        %mul3A_749 = arith.constant 1 : i32
        %mul3A_750 = arith.muli %scan3A_748, %mul3A_749 : i32
        %add3A_751 = arith.constant 0 : i32
        %add3A_752 = arith.addi %add3A_751, %mul3A_750 : i32
        %broadcast_in_dim3A_753 = arith.constant 0 : i32
        %broadcast_in_dim3A_754 = vector.broadcast %broadcast_in_dim3A_753 : i32 to vector<16xi32>
        %add3A_755 = vector.broadcast %add3A_752 : i32 to vector<16xi32>
        %add3A_756 = arith.addi %broadcast_in_dim3A_754, %add3A_755 : vector<16xi32>
        %get3A_757 = arith.index_cast %add3A_752 : i32 to index
        %get3A_758 = arith.constant 0 : index
        %get3A_759 = tpu.vector_load %arg11[%get3A_757, %get3A_758] {strides = array<i32>} : memref<128x64xf32, #tpu.memory_space<vmem>>, vector<16xf32>,
        %add3A_760 = arith.constant 0 : i32
        %add3A_761 = vector.broadcast %add3A_760 : i32 to vector<16xi32>
        %add3A_762 = arith.addi %add3A_761, %iota3A : vector<16xi32>
        %shift_right_arithmetic3A_763 = arith.constant 3 : i32
        %shift_right_arithmetic3A_764 = vector.broadcast %shift_right_arithmetic3A_763 : i32 to vector<16xi32>
        %shift_right_arithmetic3A_765 = arith.shrsi %add3A_762, %shift_right_arithmetic3A_764 : vector<16xi32>
        %and3A_766 = arith.constant 7 : i32
        %and3A_767 = vector.broadcast %and3A_766 : i32 to vector<16xi32>
        %and3A_768 = arith.andi %add3A_762, %and3A_767 : vector<16xi32>
        %mul3A_769 = arith.constant 8.000000e+00 : f32
        %mul3A_770 = vector.broadcast %mul3A_769 : f32 to vector<16xf32>
        %mul3A_771 = arith.mulf %get3A_759, %mul3A_770 : vector<16xf32>
        tpu.vector_store_idx %arg15[%shift_right_arithmetic3A_765, %and3A_768, %add3A_756], %mul3A_771 : memref<8x8x129xf32, #tpu.memory_space<vmem>>[vector<16xi32>, vector<16xi32>, vector<16xi32>], vector<16xf32>,
        %get3A_772 = arith.index_cast %add3A_752 : i32 to index
        %get3A_773 = arith.constant 16 : index
        %get3A_774 = tpu.vector_load %arg11[%get3A_772, %get3A_773] {strides = array<i32>} : memref<128x64xf32, #tpu.memory_space<vmem>>, vector<16xf32>,
        %add3A_775 = arith.constant 16 : i32
        %add3A_776 = vector.broadcast %add3A_775 : i32 to vector<16xi32>
        %add3A_777 = arith.addi %add3A_776, %iota3A : vector<16xi32>
        %shift_right_arithmetic3A_778 = arith.constant 3 : i32
        %shift_right_arithmetic3A_779 = vector.broadcast %shift_right_arithmetic3A_778 : i32 to vector<16xi32>
        %shift_right_arithmetic3A_780 = arith.shrsi %add3A_777, %shift_right_arithmetic3A_779 : vector<16xi32>
        %and3A_781 = arith.constant 7 : i32
        %and3A_782 = vector.broadcast %and3A_781 : i32 to vector<16xi32>
        %and3A_783 = arith.andi %add3A_777, %and3A_782 : vector<16xi32>
        %mul3A_784 = arith.constant 8.000000e+00 : f32
        %mul3A_785 = vector.broadcast %mul3A_784 : f32 to vector<16xf32>
        %mul3A_786 = arith.mulf %get3A_774, %mul3A_785 : vector<16xf32>
        tpu.vector_store_idx %arg15[%shift_right_arithmetic3A_780, %and3A_783, %add3A_756], %mul3A_786 : memref<8x8x129xf32, #tpu.memory_space<vmem>>[vector<16xi32>, vector<16xi32>, vector<16xi32>], vector<16xf32>,
        %get3A_787 = arith.index_cast %add3A_752 : i32 to index
        %get3A_788 = arith.constant 32 : index
        %get3A_789 = tpu.vector_load %arg11[%get3A_787, %get3A_788] {strides = array<i32>} : memref<128x64xf32, #tpu.memory_space<vmem>>, vector<16xf32>,
        %add3A_790 = arith.constant 32 : i32
        %add3A_791 = vector.broadcast %add3A_790 : i32 to vector<16xi32>
        %add3A_792 = arith.addi %add3A_791, %iota3A : vector<16xi32>
        %shift_right_arithmetic3A_793 = arith.constant 3 : i32
        %shift_right_arithmetic3A_794 = vector.broadcast %shift_right_arithmetic3A_793 : i32 to vector<16xi32>
        %shift_right_arithmetic3A_795 = arith.shrsi %add3A_792, %shift_right_arithmetic3A_794 : vector<16xi32>
        %and3A_796 = arith.constant 7 : i32
        %and3A_797 = vector.broadcast %and3A_796 : i32 to vector<16xi32>
        %and3A_798 = arith.andi %add3A_792, %and3A_797 : vector<16xi32>
        %mul3A_799 = arith.constant 8.000000e+00 : f32
        %mul3A_800 = vector.broadcast %mul3A_799 : f32 to vector<16xf32>
        %mul3A_801 = arith.mulf %get3A_789, %mul3A_800 : vector<16xf32>
        tpu.vector_store_idx %arg15[%shift_right_arithmetic3A_795, %and3A_798, %add3A_756], %mul3A_801 : memref<8x8x129xf32, #tpu.memory_space<vmem>>[vector<16xi32>, vector<16xi32>, vector<16xi32>], vector<16xf32>,
        %get3A_802 = arith.index_cast %add3A_752 : i32 to index
        %get3A_803 = arith.constant 48 : index
        %get3A_804 = tpu.vector_load %arg11[%get3A_802, %get3A_803] {strides = array<i32>} : memref<128x64xf32, #tpu.memory_space<vmem>>, vector<16xf32>,
        %add3A_805 = arith.constant 48 : i32
        %add3A_806 = vector.broadcast %add3A_805 : i32 to vector<16xi32>
        %add3A_807 = arith.addi %add3A_806, %iota3A : vector<16xi32>
        %shift_right_arithmetic3A_808 = arith.constant 3 : i32
        %shift_right_arithmetic3A_809 = vector.broadcast %shift_right_arithmetic3A_808 : i32 to vector<16xi32>
        %shift_right_arithmetic3A_810 = arith.shrsi %add3A_807, %shift_right_arithmetic3A_809 : vector<16xi32>
        %and3A_811 = arith.constant 7 : i32
        %and3A_812 = vector.broadcast %and3A_811 : i32 to vector<16xi32>
        %and3A_813 = arith.andi %add3A_807, %and3A_812 : vector<16xi32>
        %mul3A_814 = arith.constant 8.000000e+00 : f32
        %mul3A_815 = vector.broadcast %mul3A_814 : f32 to vector<16xf32>
        %mul3A_816 = arith.mulf %get3A_804, %mul3A_815 : vector<16xf32>
        tpu.vector_store_idx %arg15[%shift_right_arithmetic3A_810, %and3A_813, %add3A_756], %mul3A_816 : memref<8x8x129xf32, #tpu.memory_space<vmem>>[vector<16xi32>, vector<16xi32>, vector<16xi32>], vector<16xf32>,
        %scan3A_817 = arith.constant 6 : i32
        %scan3A_818 = arith.addi %scan3A_400, %scan3A_817 : i32
        %mul3A_819 = arith.constant 1 : i32
        %mul3A_820 = arith.muli %scan3A_818, %mul3A_819 : i32
        %add3A_821 = arith.constant 0 : i32
        %add3A_822 = arith.addi %add3A_821, %mul3A_820 : i32
        %broadcast_in_dim3A_823 = arith.constant 0 : i32
        %broadcast_in_dim3A_824 = vector.broadcast %broadcast_in_dim3A_823 : i32 to vector<16xi32>
        %add3A_825 = vector.broadcast %add3A_822 : i32 to vector<16xi32>
        %add3A_826 = arith.addi %broadcast_in_dim3A_824, %add3A_825 : vector<16xi32>
        %get3A_827 = arith.index_cast %add3A_822 : i32 to index
        %get3A_828 = arith.constant 0 : index
        %get3A_829 = tpu.vector_load %arg11[%get3A_827, %get3A_828] {strides = array<i32>} : memref<128x64xf32, #tpu.memory_space<vmem>>, vector<16xf32>,
        %add3A_830 = arith.constant 0 : i32
        %add3A_831 = vector.broadcast %add3A_830 : i32 to vector<16xi32>
        %add3A_832 = arith.addi %add3A_831, %iota3A : vector<16xi32>
        %shift_right_arithmetic3A_833 = arith.constant 3 : i32
        %shift_right_arithmetic3A_834 = vector.broadcast %shift_right_arithmetic3A_833 : i32 to vector<16xi32>
        %shift_right_arithmetic3A_835 = arith.shrsi %add3A_832, %shift_right_arithmetic3A_834 : vector<16xi32>
        %and3A_836 = arith.constant 7 : i32
        %and3A_837 = vector.broadcast %and3A_836 : i32 to vector<16xi32>
        %and3A_838 = arith.andi %add3A_832, %and3A_837 : vector<16xi32>
        %mul3A_839 = arith.constant 8.000000e+00 : f32
        %mul3A_840 = vector.broadcast %mul3A_839 : f32 to vector<16xf32>
        %mul3A_841 = arith.mulf %get3A_829, %mul3A_840 : vector<16xf32>
        tpu.vector_store_idx %arg15[%shift_right_arithmetic3A_835, %and3A_838, %add3A_826], %mul3A_841 : memref<8x8x129xf32, #tpu.memory_space<vmem>>[vector<16xi32>, vector<16xi32>, vector<16xi32>], vector<16xf32>,
        %get3A_842 = arith.index_cast %add3A_822 : i32 to index
        %get3A_843 = arith.constant 16 : index
        %get3A_844 = tpu.vector_load %arg11[%get3A_842, %get3A_843] {strides = array<i32>} : memref<128x64xf32, #tpu.memory_space<vmem>>, vector<16xf32>,
        %add3A_845 = arith.constant 16 : i32
        %add3A_846 = vector.broadcast %add3A_845 : i32 to vector<16xi32>
        %add3A_847 = arith.addi %add3A_846, %iota3A : vector<16xi32>
        %shift_right_arithmetic3A_848 = arith.constant 3 : i32
        %shift_right_arithmetic3A_849 = vector.broadcast %shift_right_arithmetic3A_848 : i32 to vector<16xi32>
        %shift_right_arithmetic3A_850 = arith.shrsi %add3A_847, %shift_right_arithmetic3A_849 : vector<16xi32>
        %and3A_851 = arith.constant 7 : i32
        %and3A_852 = vector.broadcast %and3A_851 : i32 to vector<16xi32>
        %and3A_853 = arith.andi %add3A_847, %and3A_852 : vector<16xi32>
        %mul3A_854 = arith.constant 8.000000e+00 : f32
        %mul3A_855 = vector.broadcast %mul3A_854 : f32 to vector<16xf32>
        %mul3A_856 = arith.mulf %get3A_844, %mul3A_855 : vector<16xf32>
        tpu.vector_store_idx %arg15[%shift_right_arithmetic3A_850, %and3A_853, %add3A_826], %mul3A_856 : memref<8x8x129xf32, #tpu.memory_space<vmem>>[vector<16xi32>, vector<16xi32>, vector<16xi32>], vector<16xf32>,
        %get3A_857 = arith.index_cast %add3A_822 : i32 to index
        %get3A_858 = arith.constant 32 : index
        %get3A_859 = tpu.vector_load %arg11[%get3A_857, %get3A_858] {strides = array<i32>} : memref<128x64xf32, #tpu.memory_space<vmem>>, vector<16xf32>,
        %add3A_860 = arith.constant 32 : i32
        %add3A_861 = vector.broadcast %add3A_860 : i32 to vector<16xi32>
        %add3A_862 = arith.addi %add3A_861, %iota3A : vector<16xi32>
        %shift_right_arithmetic3A_863 = arith.constant 3 : i32
        %shift_right_arithmetic3A_864 = vector.broadcast %shift_right_arithmetic3A_863 : i32 to vector<16xi32>
        %shift_right_arithmetic3A_865 = arith.shrsi %add3A_862, %shift_right_arithmetic3A_864 : vector<16xi32>
        %and3A_866 = arith.constant 7 : i32
        %and3A_867 = vector.broadcast %and3A_866 : i32 to vector<16xi32>
        %and3A_868 = arith.andi %add3A_862, %and3A_867 : vector<16xi32>
        %mul3A_869 = arith.constant 8.000000e+00 : f32
        %mul3A_870 = vector.broadcast %mul3A_869 : f32 to vector<16xf32>
        %mul3A_871 = arith.mulf %get3A_859, %mul3A_870 : vector<16xf32>
        tpu.vector_store_idx %arg15[%shift_right_arithmetic3A_865, %and3A_868, %add3A_826], %mul3A_871 : memref<8x8x129xf32, #tpu.memory_space<vmem>>[vector<16xi32>, vector<16xi32>, vector<16xi32>], vector<16xf32>,
        %get3A_872 = arith.index_cast %add3A_822 : i32 to index
        %get3A_873 = arith.constant 48 : index
        %get3A_874 = tpu.vector_load %arg11[%get3A_872, %get3A_873] {strides = array<i32>} : memref<128x64xf32, #tpu.memory_space<vmem>>, vector<16xf32>,
        %add3A_875 = arith.constant 48 : i32
        %add3A_876 = vector.broadcast %add3A_875 : i32 to vector<16xi32>
        %add3A_877 = arith.addi %add3A_876, %iota3A : vector<16xi32>
        %shift_right_arithmetic3A_878 = arith.constant 3 : i32
        %shift_right_arithmetic3A_879 = vector.broadcast %shift_right_arithmetic3A_878 : i32 to vector<16xi32>
        %shift_right_arithmetic3A_880 = arith.shrsi %add3A_877, %shift_right_arithmetic3A_879 : vector<16xi32>
        %and3A_881 = arith.constant 7 : i32
        %and3A_882 = vector.broadcast %and3A_881 : i32 to vector<16xi32>
        %and3A_883 = arith.andi %add3A_877, %and3A_882 : vector<16xi32>
        %mul3A_884 = arith.constant 8.000000e+00 : f32
        %mul3A_885 = vector.broadcast %mul3A_884 : f32 to vector<16xf32>
        %mul3A_886 = arith.mulf %get3A_874, %mul3A_885 : vector<16xf32>
        tpu.vector_store_idx %arg15[%shift_right_arithmetic3A_880, %and3A_883, %add3A_826], %mul3A_886 : memref<8x8x129xf32, #tpu.memory_space<vmem>>[vector<16xi32>, vector<16xi32>, vector<16xi32>], vector<16xf32>,
        %scan3A_887 = arith.constant 7 : i32
        %scan3A_888 = arith.addi %scan3A_400, %scan3A_887 : i32
        %mul3A_889 = arith.constant 1 : i32
        %mul3A_890 = arith.muli %scan3A_888, %mul3A_889 : i32
        %add3A_891 = arith.constant 0 : i32
        %add3A_892 = arith.addi %add3A_891, %mul3A_890 : i32
        %broadcast_in_dim3A_893 = arith.constant 0 : i32
        %broadcast_in_dim3A_894 = vector.broadcast %broadcast_in_dim3A_893 : i32 to vector<16xi32>
        %add3A_895 = vector.broadcast %add3A_892 : i32 to vector<16xi32>
        %add3A_896 = arith.addi %broadcast_in_dim3A_894, %add3A_895 : vector<16xi32>
        %get3A_897 = arith.index_cast %add3A_892 : i32 to index
        %get3A_898 = arith.constant 0 : index
        %get3A_899 = tpu.vector_load %arg11[%get3A_897, %get3A_898] {strides = array<i32>} : memref<128x64xf32, #tpu.memory_space<vmem>>, vector<16xf32>,
        %add3A_900 = arith.constant 0 : i32
        %add3A_901 = vector.broadcast %add3A_900 : i32 to vector<16xi32>
        %add3A_902 = arith.addi %add3A_901, %iota3A : vector<16xi32>
        %shift_right_arithmetic3A_903 = arith.constant 3 : i32
        %shift_right_arithmetic3A_904 = vector.broadcast %shift_right_arithmetic3A_903 : i32 to vector<16xi32>
        %shift_right_arithmetic3A_905 = arith.shrsi %add3A_902, %shift_right_arithmetic3A_904 : vector<16xi32>
        %and3A_906 = arith.constant 7 : i32
        %and3A_907 = vector.broadcast %and3A_906 : i32 to vector<16xi32>
        %and3A_908 = arith.andi %add3A_902, %and3A_907 : vector<16xi32>
        %mul3A_909 = arith.constant 8.000000e+00 : f32
        %mul3A_910 = vector.broadcast %mul3A_909 : f32 to vector<16xf32>
        %mul3A_911 = arith.mulf %get3A_899, %mul3A_910 : vector<16xf32>
        tpu.vector_store_idx %arg15[%shift_right_arithmetic3A_905, %and3A_908, %add3A_896], %mul3A_911 : memref<8x8x129xf32, #tpu.memory_space<vmem>>[vector<16xi32>, vector<16xi32>, vector<16xi32>], vector<16xf32>,
        %get3A_912 = arith.index_cast %add3A_892 : i32 to index
        %get3A_913 = arith.constant 16 : index
        %get3A_914 = tpu.vector_load %arg11[%get3A_912, %get3A_913] {strides = array<i32>} : memref<128x64xf32, #tpu.memory_space<vmem>>, vector<16xf32>,
        %add3A_915 = arith.constant 16 : i32
        %add3A_916 = vector.broadcast %add3A_915 : i32 to vector<16xi32>
        %add3A_917 = arith.addi %add3A_916, %iota3A : vector<16xi32>
        %shift_right_arithmetic3A_918 = arith.constant 3 : i32
        %shift_right_arithmetic3A_919 = vector.broadcast %shift_right_arithmetic3A_918 : i32 to vector<16xi32>
        %shift_right_arithmetic3A_920 = arith.shrsi %add3A_917, %shift_right_arithmetic3A_919 : vector<16xi32>
        %and3A_921 = arith.constant 7 : i32
        %and3A_922 = vector.broadcast %and3A_921 : i32 to vector<16xi32>
        %and3A_923 = arith.andi %add3A_917, %and3A_922 : vector<16xi32>
        %mul3A_924 = arith.constant 8.000000e+00 : f32
        %mul3A_925 = vector.broadcast %mul3A_924 : f32 to vector<16xf32>
        %mul3A_926 = arith.mulf %get3A_914, %mul3A_925 : vector<16xf32>
        tpu.vector_store_idx %arg15[%shift_right_arithmetic3A_920, %and3A_923, %add3A_896], %mul3A_926 : memref<8x8x129xf32, #tpu.memory_space<vmem>>[vector<16xi32>, vector<16xi32>, vector<16xi32>], vector<16xf32>,
        %get3A_927 = arith.index_cast %add3A_892 : i32 to index
        %get3A_928 = arith.constant 32 : index
        %get3A_929 = tpu.vector_load %arg11[%get3A_927, %get3A_928] {strides = array<i32>} : memref<128x64xf32, #tpu.memory_space<vmem>>, vector<16xf32>,
        %add3A_930 = arith.constant 32 : i32
        %add3A_931 = vector.broadcast %add3A_930 : i32 to vector<16xi32>
        %add3A_932 = arith.addi %add3A_931, %iota3A : vector<16xi32>
        %shift_right_arithmetic3A_933 = arith.constant 3 : i32
        %shift_right_arithmetic3A_934 = vector.broadcast %shift_right_arithmetic3A_933 : i32 to vector<16xi32>
        %shift_right_arithmetic3A_935 = arith.shrsi %add3A_932, %shift_right_arithmetic3A_934 : vector<16xi32>
        %and3A_936 = arith.constant 7 : i32
        %and3A_937 = vector.broadcast %and3A_936 : i32 to vector<16xi32>
        %and3A_938 = arith.andi %add3A_932, %and3A_937 : vector<16xi32>
        %mul3A_939 = arith.constant 8.000000e+00 : f32
        %mul3A_940 = vector.broadcast %mul3A_939 : f32 to vector<16xf32>
        %mul3A_941 = arith.mulf %get3A_929, %mul3A_940 : vector<16xf32>
        tpu.vector_store_idx %arg15[%shift_right_arithmetic3A_935, %and3A_938, %add3A_896], %mul3A_941 : memref<8x8x129xf32, #tpu.memory_space<vmem>>[vector<16xi32>, vector<16xi32>, vector<16xi32>], vector<16xf32>,
        %get3A_942 = arith.index_cast %add3A_892 : i32 to index
        %get3A_943 = arith.constant 48 : index
        %get3A_944 = tpu.vector_load %arg11[%get3A_942, %get3A_943] {strides = array<i32>} : memref<128x64xf32, #tpu.memory_space<vmem>>, vector<16xf32>,
        %add3A_945 = arith.constant 48 : i32
        %add3A_946 = vector.broadcast %add3A_945 : i32 to vector<16xi32>
        %add3A_947 = arith.addi %add3A_946, %iota3A : vector<16xi32>
        %shift_right_arithmetic3A_948 = arith.constant 3 : i32
        %shift_right_arithmetic3A_949 = vector.broadcast %shift_right_arithmetic3A_948 : i32 to vector<16xi32>
        %shift_right_arithmetic3A_950 = arith.shrsi %add3A_947, %shift_right_arithmetic3A_949 : vector<16xi32>
        %and3A_951 = arith.constant 7 : i32
        %and3A_952 = vector.broadcast %and3A_951 : i32 to vector<16xi32>
        %and3A_953 = arith.andi %add3A_947, %and3A_952 : vector<16xi32>
        %mul3A_954 = arith.constant 8.000000e+00 : f32
        %mul3A_955 = vector.broadcast %mul3A_954 : f32 to vector<16xf32>
        %mul3A_956 = arith.mulf %get3A_944, %mul3A_955 : vector<16xf32>
        tpu.vector_store_idx %arg15[%shift_right_arithmetic3A_950, %and3A_953, %add3A_896], %mul3A_956 : memref<8x8x129xf32, #tpu.memory_space<vmem>>[vector<16xi32>, vector<16xi32>, vector<16xi32>], vector<16xf32>,
      }
      %scan3A_310 = arith.constant 128 : i32
      %add3A_311 = arith.addi %mul3A_2, %add3A_283 : i32
      %shift_right_arithmetic3A_312 = arith.constant 10 : i32
      %shift_right_arithmetic3A_313 = arith.shrsi %add3A_311, %shift_right_arithmetic3A_312 : i32
      %mul3A_314 = arith.constant 8 : i32
      %mul3A_315 = arith.muli %shift_right_arithmetic3A_313, %mul3A_314 : i32
      %and3A_316 = arith.constant 7 : i32
      %and3A_317 = arith.andi %add3A_311, %and3A_316 : i32
      %add3A_318 = arith.addi %mul3A_315, %and3A_317 : i32
      %shift_right_arithmetic3A_319 = arith.constant 3 : i32
      %shift_right_arithmetic3A_320 = arith.shrsi %add3A_311, %shift_right_arithmetic3A_319 : i32
      %and3A_321 = arith.constant 127 : i32
      %and3A_322 = arith.andi %shift_right_arithmetic3A_320, %and3A_321 : i32
      %dma_start3A_323 = arith.constant 0 : i32
      %dma_start3A_324 = arith.constant 0 : i32
      %dma_start3A_325 = arith.constant 0 : i32
      %dma_start3A_326 = tpu.memref_slice %arg15[%dma_start3A_323, %dma_start3A_324, %dma_start3A_325] : memref<8x8x129xf32, #tpu.memory_space<vmem>> -> memref<8x8x128xf32, #tpu.memory_space<vmem>>
      %dma_start3A_327 = arith.constant 0 : i32
      %dma_start3A_328 = arith.constant 0 : i32
      %dma_start3A_329 = arith.constant 0 : i32
      %dma_start3A_330 = tpu.memref_slice %arg4[%add3A_318, %dma_start3A_327, %and3A_322, %dma_start3A_328, %dma_start3A_329] : memref<200x8x128x8x128xf32, #tpu.memory_space<hbm>> -> memref<1x8x1x8x128xf32, #tpu.memory_space<hbm>>
      %dma_start3A_331 = tpu.memref_squeeze %dma_start3A_330 : memref<1x8x1x8x128xf32, #tpu.memory_space<hbm>> -> memref<8x8x128xf32, #tpu.memory_space<hbm>>
      %dma_start3A_332 = arith.constant 0 : i32
      %dma_start3A_333 = arith.constant 0 : i32
      %dma_start3A_334 = arith.constant 0 : i32
      %dma_start3A_335 = tpu.memref_slice %arg4[%add3A_318, %dma_start3A_332, %and3A_322, %dma_start3A_333, %dma_start3A_334] : memref<200x8x128x8x128xf32, #tpu.memory_space<hbm>> -> memref<1x8x1x8x128xf32, #tpu.memory_space<hbm>>
      %dma_start3A_336 = tpu.memref_squeeze %dma_start3A_335 : memref<1x8x1x8x128xf32, #tpu.memory_space<hbm>> -> memref<8x8x128xf32, #tpu.memory_space<hbm>>
      %dma_start3A_337 = arith.constant 0 : i32
      %dma_start3A_338 = arith.constant 0 : i32
      %dma_start3A_339 = arith.constant 0 : i32
      %dma_start3A_340 = tpu.memref_slice %arg15[%dma_start3A_337, %dma_start3A_338, %dma_start3A_339] : memref<8x8x129xf32, #tpu.memory_space<vmem>> -> memref<8x8x128xf32, #tpu.memory_space<vmem>>
      tpu.enqueue_dma source(%dma_start3A_340 : memref<8x8x128xf32, #tpu.memory_space<vmem>>) target(%dma_start3A_336 : memref<8x8x128xf32, #tpu.memory_space<hbm>>) target_semaphore(%arg27 : memref<!tpu.dma_semaphore, #tpu.memory_space<semaphore_mem>>)
      %add3A_341 = arith.constant 3 : i32
      %add3A_342 = arith.addi %add3A_167, %add3A_341 : i32
      %add3A_343 = arith.constant 3 : i32
      %add3A_344 = arith.addi %add3A_342, %add3A_343 : i32
      %lt3A_345 = arith.constant 800 : i32
      %lt3A_346 = arith.cmpi slt, %add3A_344, %lt3A_345 : i32
      %convert_element_type3A_347 = arith.extui %lt3A_346 : i1 to i32
      %cond3A_348 = arith.constant 0 : i32
      %cond3A_349 = arith.cmpi ne, %convert_element_type3A_347, %cond3A_348 : i32
      scf.if %cond3A_349 {
        %add3A_400 = arith.constant 3 : i32
        %add3A_401 = arith.addi %add3A_342, %add3A_400 : i32
        %add3A_402 = arith.addi %mul3A_2, %add3A_401 : i32
        %mul3A_403 = arith.constant 128 : i32
        %mul3A_404 = arith.muli %add3A_402, %mul3A_403 : i32
        %dma_start3A_405 = tpu.memref_slice %arg2[%mul3A_404] : memref<3276800xi32, #tpu.memory_space<hbm>> -> memref<128xi32, #tpu.memory_space<hbm>>
        %dma_start3A_406 = tpu.memref_slice %arg2[%mul3A_404] : memref<3276800xi32, #tpu.memory_space<hbm>> -> memref<128xi32, #tpu.memory_space<hbm>>
        tpu.enqueue_dma source(%dma_start3A_406 : memref<128xi32, #tpu.memory_space<hbm>>) target(%arg7 : memref<128xi32, #tpu.memory_space<vmem>>) target_semaphore(%arg19 : memref<!tpu.dma_semaphore, #tpu.memory_space<semaphore_mem>>)
      } else {
      }
      %add3A_350 = arith.constant 2 : i32
      %add3A_351 = arith.addi %add3A_342, %add3A_350 : i32
      %lt3A_352 = arith.constant 800 : i32
      %lt3A_353 = arith.cmpi slt, %add3A_351, %lt3A_352 : i32
      %convert_element_type3A_354 = arith.extui %lt3A_353 : i1 to i32
      %cond3A_355 = arith.constant 0 : i32
      %cond3A_356 = arith.cmpi ne, %convert_element_type3A_354, %cond3A_355 : i32
      scf.if %cond3A_356 {
        %add3A_400 = arith.constant 2 : i32
        %add3A_401 = arith.addi %add3A_342, %add3A_400 : i32
        %add3A_402 = arith.addi %mul3A_2, %add3A_401 : i32
        %mul3A_403 = arith.constant 128 : i32
        %mul3A_404 = arith.muli %add3A_402, %mul3A_403 : i32
        %dma_wait3A_405 = tpu.memref_slice %arg2[%mul3A_404] : memref<3276800xi32, #tpu.memory_space<hbm>> -> memref<128xi32, #tpu.memory_space<hbm>>
        %dma_wait3A_406 = tpu.memref_slice %arg2[%mul3A_404] : memref<3276800xi32, #tpu.memory_space<hbm>> -> memref<128xi32, #tpu.memory_space<hbm>>
        tpu.wait_dma2 semaphore(%arg18 : memref<!tpu.dma_semaphore, #tpu.memory_space<semaphore_mem>>) src(%dma_wait3A_406 : memref<128xi32, #tpu.memory_space<hbm>>) dst(%arg6 : memref<128xi32, #tpu.memory_space<vmem>>)
        %dma_start3A_407 = arith.constant 0 : i32
        %dma_start3A_408 = arith.constant 0 : i32
        %dma_start3A_409 = tpu.memref_slice %arg3[%dma_start3A_407, %dma_start3A_408] : memref<1000000x64xf32, #tpu.memory_space<hbm>> -> memref<1000000x64xf32, #tpu.memory_space<hbm>>
        tpu.enqueue_indirect_dma source(%dma_start3A_409 : memref<1000000x64xf32, #tpu.memory_space<hbm>>) target(%arg10 : memref<128x64xf32, #tpu.memory_space<vmem>>) offsets(%arg6 : memref<128xi32, #tpu.memory_space<vmem>>) semaphore(%arg22 : memref<!tpu.dma_semaphore, #tpu.memory_space<semaphore_mem>>)
      } else {
      }
      %ge3A_357 = arith.constant 4 : i32
      %ge3A_358 = arith.cmpi sge, %add3A_342, %ge3A_357 : i32
      %convert_element_type3A_359 = arith.extui %ge3A_358 : i1 to i32
      %cond3A_360 = arith.constant 0 : i32
      %cond3A_361 = arith.cmpi ne, %convert_element_type3A_359, %cond3A_360 : i32
      scf.if %cond3A_361 {
        %sub3A = arith.constant 4 : i32
        %sub3A_400 = arith.subi %add3A_342, %sub3A : i32
        %add3A_401 = arith.addi %mul3A_2, %sub3A_400 : i32
        %shift_right_arithmetic3A_402 = arith.constant 10 : i32
        %shift_right_arithmetic3A_403 = arith.shrsi %add3A_401, %shift_right_arithmetic3A_402 : i32
        %mul3A_404 = arith.constant 8 : i32
        %mul3A_405 = arith.muli %shift_right_arithmetic3A_403, %mul3A_404 : i32
        %and3A_406 = arith.constant 7 : i32
        %and3A_407 = arith.andi %add3A_401, %and3A_406 : i32
        %add3A_408 = arith.addi %mul3A_405, %and3A_407 : i32
        %shift_right_arithmetic3A_409 = arith.constant 3 : i32
        %shift_right_arithmetic3A_410 = arith.shrsi %add3A_401, %shift_right_arithmetic3A_409 : i32
        %and3A_411 = arith.constant 127 : i32
        %and3A_412 = arith.andi %shift_right_arithmetic3A_410, %and3A_411 : i32
        %dma_wait3A_413 = arith.constant 0 : i32
        %dma_wait3A_414 = arith.constant 0 : i32
        %dma_wait3A_415 = arith.constant 0 : i32
        %dma_wait3A_416 = tpu.memref_slice %arg16[%dma_wait3A_413, %dma_wait3A_414, %dma_wait3A_415] : memref<8x8x129xf32, #tpu.memory_space<vmem>> -> memref<8x8x128xf32, #tpu.memory_space<vmem>>
        %dma_wait3A_417 = arith.constant 0 : i32
        %dma_wait3A_418 = arith.constant 0 : i32
        %dma_wait3A_419 = arith.constant 0 : i32
        %dma_wait3A_420 = tpu.memref_slice %arg4[%add3A_408, %dma_wait3A_417, %and3A_412, %dma_wait3A_418, %dma_wait3A_419] : memref<200x8x128x8x128xf32, #tpu.memory_space<hbm>> -> memref<1x8x1x8x128xf32, #tpu.memory_space<hbm>>
        %dma_wait3A_421 = tpu.memref_squeeze %dma_wait3A_420 : memref<1x8x1x8x128xf32, #tpu.memory_space<hbm>> -> memref<8x8x128xf32, #tpu.memory_space<hbm>>
        %dma_wait3A_422 = arith.constant 0 : i32
        %dma_wait3A_423 = arith.constant 0 : i32
        %dma_wait3A_424 = arith.constant 0 : i32
        %dma_wait3A_425 = tpu.memref_slice %arg4[%add3A_408, %dma_wait3A_422, %and3A_412, %dma_wait3A_423, %dma_wait3A_424] : memref<200x8x128x8x128xf32, #tpu.memory_space<hbm>> -> memref<1x8x1x8x128xf32, #tpu.memory_space<hbm>>
        %dma_wait3A_426 = tpu.memref_squeeze %dma_wait3A_425 : memref<1x8x1x8x128xf32, #tpu.memory_space<hbm>> -> memref<8x8x128xf32, #tpu.memory_space<hbm>>
        %dma_wait3A_427 = arith.constant 0 : i32
        %dma_wait3A_428 = arith.constant 0 : i32
        %dma_wait3A_429 = arith.constant 0 : i32
        %dma_wait3A_430 = tpu.memref_slice %arg16[%dma_wait3A_427, %dma_wait3A_428, %dma_wait3A_429] : memref<8x8x129xf32, #tpu.memory_space<vmem>> -> memref<8x8x128xf32, #tpu.memory_space<vmem>>
        tpu.wait_dma2 semaphore(%arg28 : memref<!tpu.dma_semaphore, #tpu.memory_space<semaphore_mem>>) src(%dma_wait3A_430 : memref<8x8x128xf32, #tpu.memory_space<vmem>>) dst(%dma_wait3A_426 : memref<8x8x128xf32, #tpu.memory_space<hbm>>)
      } else {
      }
      %dma_wait3A_362 = arith.constant 0 : i32
      %dma_wait3A_363 = arith.constant 0 : i32
      %dma_wait3A_364 = tpu.memref_slice %arg3[%dma_wait3A_362, %dma_wait3A_363] : memref<1000000x64xf32, #tpu.memory_space<hbm>> -> memref<1000000x64xf32, #tpu.memory_space<hbm>>
      tpu.wait_indirect_dma semaphore(%arg24 : memref<!tpu.dma_semaphore, #tpu.memory_space<semaphore_mem>>) src(%dma_wait3A_364 : memref<1000000x64xf32, #tpu.memory_space<hbm>>) dst(%arg12 : memref<128x64xf32, #tpu.memory_space<vmem>>)
      %scan3A_365 = arith.constant 0 : i32
      %scan3A_366 = arith.constant 128 : i32
      %scan3A_367 = arith.addi %scan3A_365, %scan3A_366 : i32
      %scan3A_368 = arith.constant 8 : i32
      scf.for %scan3A_400 = %scan3A_365 to %scan3A_367 step %scan3A_368  : i32 {
        %mul3A_401 = arith.constant 1 : i32
        %mul3A_402 = arith.muli %scan3A_400, %mul3A_401 : i32
        %add3A_403 = arith.constant 0 : i32
        %add3A_404 = arith.addi %add3A_403, %mul3A_402 : i32
        %broadcast_in_dim3A = arith.constant 0 : i32
        %broadcast_in_dim3A_405 = vector.broadcast %broadcast_in_dim3A : i32 to vector<16xi32>
        %add3A_406 = vector.broadcast %add3A_404 : i32 to vector<16xi32>
        %add3A_407 = arith.addi %broadcast_in_dim3A_405, %add3A_406 : vector<16xi32>
        %get3A = arith.index_cast %add3A_404 : i32 to index
        %get3A_408 = arith.constant 0 : index
        %get3A_409 = tpu.vector_load %arg12[%get3A, %get3A_408] {strides = array<i32>} : memref<128x64xf32, #tpu.memory_space<vmem>>, vector<16xf32>,
        %add3A_410 = arith.constant 0 : i32
        %add3A_411 = vector.broadcast %add3A_410 : i32 to vector<16xi32>
        %add3A_412 = arith.addi %add3A_411, %iota3A : vector<16xi32>
        %shift_right_arithmetic3A_413 = arith.constant 3 : i32
        %shift_right_arithmetic3A_414 = vector.broadcast %shift_right_arithmetic3A_413 : i32 to vector<16xi32>
        %shift_right_arithmetic3A_415 = arith.shrsi %add3A_412, %shift_right_arithmetic3A_414 : vector<16xi32>
        %and3A_416 = arith.constant 7 : i32
        %and3A_417 = vector.broadcast %and3A_416 : i32 to vector<16xi32>
        %and3A_418 = arith.andi %add3A_412, %and3A_417 : vector<16xi32>
        %mul3A_419 = arith.constant 8.000000e+00 : f32
        %mul3A_420 = vector.broadcast %mul3A_419 : f32 to vector<16xf32>
        %mul3A_421 = arith.mulf %get3A_409, %mul3A_420 : vector<16xf32>
        tpu.vector_store_idx %arg16[%shift_right_arithmetic3A_415, %and3A_418, %add3A_407], %mul3A_421 : memref<8x8x129xf32, #tpu.memory_space<vmem>>[vector<16xi32>, vector<16xi32>, vector<16xi32>], vector<16xf32>,
        %get3A_422 = arith.index_cast %add3A_404 : i32 to index
        %get3A_423 = arith.constant 16 : index
        %get3A_424 = tpu.vector_load %arg12[%get3A_422, %get3A_423] {strides = array<i32>} : memref<128x64xf32, #tpu.memory_space<vmem>>, vector<16xf32>,
        %add3A_425 = arith.constant 16 : i32
        %add3A_426 = vector.broadcast %add3A_425 : i32 to vector<16xi32>
        %add3A_427 = arith.addi %add3A_426, %iota3A : vector<16xi32>
        %shift_right_arithmetic3A_428 = arith.constant 3 : i32
        %shift_right_arithmetic3A_429 = vector.broadcast %shift_right_arithmetic3A_428 : i32 to vector<16xi32>
        %shift_right_arithmetic3A_430 = arith.shrsi %add3A_427, %shift_right_arithmetic3A_429 : vector<16xi32>
        %and3A_431 = arith.constant 7 : i32
        %and3A_432 = vector.broadcast %and3A_431 : i32 to vector<16xi32>
        %and3A_433 = arith.andi %add3A_427, %and3A_432 : vector<16xi32>
        %mul3A_434 = arith.constant 8.000000e+00 : f32
        %mul3A_435 = vector.broadcast %mul3A_434 : f32 to vector<16xf32>
        %mul3A_436 = arith.mulf %get3A_424, %mul3A_435 : vector<16xf32>
        tpu.vector_store_idx %arg16[%shift_right_arithmetic3A_430, %and3A_433, %add3A_407], %mul3A_436 : memref<8x8x129xf32, #tpu.memory_space<vmem>>[vector<16xi32>, vector<16xi32>, vector<16xi32>], vector<16xf32>,
        %get3A_437 = arith.index_cast %add3A_404 : i32 to index
        %get3A_438 = arith.constant 32 : index
        %get3A_439 = tpu.vector_load %arg12[%get3A_437, %get3A_438] {strides = array<i32>} : memref<128x64xf32, #tpu.memory_space<vmem>>, vector<16xf32>,
        %add3A_440 = arith.constant 32 : i32
        %add3A_441 = vector.broadcast %add3A_440 : i32 to vector<16xi32>
        %add3A_442 = arith.addi %add3A_441, %iota3A : vector<16xi32>
        %shift_right_arithmetic3A_443 = arith.constant 3 : i32
        %shift_right_arithmetic3A_444 = vector.broadcast %shift_right_arithmetic3A_443 : i32 to vector<16xi32>
        %shift_right_arithmetic3A_445 = arith.shrsi %add3A_442, %shift_right_arithmetic3A_444 : vector<16xi32>
        %and3A_446 = arith.constant 7 : i32
        %and3A_447 = vector.broadcast %and3A_446 : i32 to vector<16xi32>
        %and3A_448 = arith.andi %add3A_442, %and3A_447 : vector<16xi32>
        %mul3A_449 = arith.constant 8.000000e+00 : f32
        %mul3A_450 = vector.broadcast %mul3A_449 : f32 to vector<16xf32>
        %mul3A_451 = arith.mulf %get3A_439, %mul3A_450 : vector<16xf32>
        tpu.vector_store_idx %arg16[%shift_right_arithmetic3A_445, %and3A_448, %add3A_407], %mul3A_451 : memref<8x8x129xf32, #tpu.memory_space<vmem>>[vector<16xi32>, vector<16xi32>, vector<16xi32>], vector<16xf32>,
        %get3A_452 = arith.index_cast %add3A_404 : i32 to index
        %get3A_453 = arith.constant 48 : index
        %get3A_454 = tpu.vector_load %arg12[%get3A_452, %get3A_453] {strides = array<i32>} : memref<128x64xf32, #tpu.memory_space<vmem>>, vector<16xf32>,
        %add3A_455 = arith.constant 48 : i32
        %add3A_456 = vector.broadcast %add3A_455 : i32 to vector<16xi32>
        %add3A_457 = arith.addi %add3A_456, %iota3A : vector<16xi32>
        %shift_right_arithmetic3A_458 = arith.constant 3 : i32
        %shift_right_arithmetic3A_459 = vector.broadcast %shift_right_arithmetic3A_458 : i32 to vector<16xi32>
        %shift_right_arithmetic3A_460 = arith.shrsi %add3A_457, %shift_right_arithmetic3A_459 : vector<16xi32>
        %and3A_461 = arith.constant 7 : i32
        %and3A_462 = vector.broadcast %and3A_461 : i32 to vector<16xi32>
        %and3A_463 = arith.andi %add3A_457, %and3A_462 : vector<16xi32>
        %mul3A_464 = arith.constant 8.000000e+00 : f32
        %mul3A_465 = vector.broadcast %mul3A_464 : f32 to vector<16xf32>
        %mul3A_466 = arith.mulf %get3A_454, %mul3A_465 : vector<16xf32>
        tpu.vector_store_idx %arg16[%shift_right_arithmetic3A_460, %and3A_463, %add3A_407], %mul3A_466 : memref<8x8x129xf32, #tpu.memory_space<vmem>>[vector<16xi32>, vector<16xi32>, vector<16xi32>], vector<16xf32>,
        %scan3A_467 = arith.constant 1 : i32
        %scan3A_468 = arith.addi %scan3A_400, %scan3A_467 : i32
        %mul3A_469 = arith.constant 1 : i32
        %mul3A_470 = arith.muli %scan3A_468, %mul3A_469 : i32
        %add3A_471 = arith.constant 0 : i32
        %add3A_472 = arith.addi %add3A_471, %mul3A_470 : i32
        %broadcast_in_dim3A_473 = arith.constant 0 : i32
        %broadcast_in_dim3A_474 = vector.broadcast %broadcast_in_dim3A_473 : i32 to vector<16xi32>
        %add3A_475 = vector.broadcast %add3A_472 : i32 to vector<16xi32>
        %add3A_476 = arith.addi %broadcast_in_dim3A_474, %add3A_475 : vector<16xi32>
        %get3A_477 = arith.index_cast %add3A_472 : i32 to index
        %get3A_478 = arith.constant 0 : index
        %get3A_479 = tpu.vector_load %arg12[%get3A_477, %get3A_478] {strides = array<i32>} : memref<128x64xf32, #tpu.memory_space<vmem>>, vector<16xf32>,
        %add3A_480 = arith.constant 0 : i32
        %add3A_481 = vector.broadcast %add3A_480 : i32 to vector<16xi32>
        %add3A_482 = arith.addi %add3A_481, %iota3A : vector<16xi32>
        %shift_right_arithmetic3A_483 = arith.constant 3 : i32
        %shift_right_arithmetic3A_484 = vector.broadcast %shift_right_arithmetic3A_483 : i32 to vector<16xi32>
        %shift_right_arithmetic3A_485 = arith.shrsi %add3A_482, %shift_right_arithmetic3A_484 : vector<16xi32>
        %and3A_486 = arith.constant 7 : i32
        %and3A_487 = vector.broadcast %and3A_486 : i32 to vector<16xi32>
        %and3A_488 = arith.andi %add3A_482, %and3A_487 : vector<16xi32>
        %mul3A_489 = arith.constant 8.000000e+00 : f32
        %mul3A_490 = vector.broadcast %mul3A_489 : f32 to vector<16xf32>
        %mul3A_491 = arith.mulf %get3A_479, %mul3A_490 : vector<16xf32>
        tpu.vector_store_idx %arg16[%shift_right_arithmetic3A_485, %and3A_488, %add3A_476], %mul3A_491 : memref<8x8x129xf32, #tpu.memory_space<vmem>>[vector<16xi32>, vector<16xi32>, vector<16xi32>], vector<16xf32>,
        %get3A_492 = arith.index_cast %add3A_472 : i32 to index
        %get3A_493 = arith.constant 16 : index
        %get3A_494 = tpu.vector_load %arg12[%get3A_492, %get3A_493] {strides = array<i32>} : memref<128x64xf32, #tpu.memory_space<vmem>>, vector<16xf32>,
        %add3A_495 = arith.constant 16 : i32
        %add3A_496 = vector.broadcast %add3A_495 : i32 to vector<16xi32>
        %add3A_497 = arith.addi %add3A_496, %iota3A : vector<16xi32>
        %shift_right_arithmetic3A_498 = arith.constant 3 : i32
        %shift_right_arithmetic3A_499 = vector.broadcast %shift_right_arithmetic3A_498 : i32 to vector<16xi32>
        %shift_right_arithmetic3A_500 = arith.shrsi %add3A_497, %shift_right_arithmetic3A_499 : vector<16xi32>
        %and3A_501 = arith.constant 7 : i32
        %and3A_502 = vector.broadcast %and3A_501 : i32 to vector<16xi32>
        %and3A_503 = arith.andi %add3A_497, %and3A_502 : vector<16xi32>
        %mul3A_504 = arith.constant 8.000000e+00 : f32
        %mul3A_505 = vector.broadcast %mul3A_504 : f32 to vector<16xf32>
        %mul3A_506 = arith.mulf %get3A_494, %mul3A_505 : vector<16xf32>
        tpu.vector_store_idx %arg16[%shift_right_arithmetic3A_500, %and3A_503, %add3A_476], %mul3A_506 : memref<8x8x129xf32, #tpu.memory_space<vmem>>[vector<16xi32>, vector<16xi32>, vector<16xi32>], vector<16xf32>,
        %get3A_507 = arith.index_cast %add3A_472 : i32 to index
        %get3A_508 = arith.constant 32 : index
        %get3A_509 = tpu.vector_load %arg12[%get3A_507, %get3A_508] {strides = array<i32>} : memref<128x64xf32, #tpu.memory_space<vmem>>, vector<16xf32>,
        %add3A_510 = arith.constant 32 : i32
        %add3A_511 = vector.broadcast %add3A_510 : i32 to vector<16xi32>
        %add3A_512 = arith.addi %add3A_511, %iota3A : vector<16xi32>
        %shift_right_arithmetic3A_513 = arith.constant 3 : i32
        %shift_right_arithmetic3A_514 = vector.broadcast %shift_right_arithmetic3A_513 : i32 to vector<16xi32>
        %shift_right_arithmetic3A_515 = arith.shrsi %add3A_512, %shift_right_arithmetic3A_514 : vector<16xi32>
        %and3A_516 = arith.constant 7 : i32
        %and3A_517 = vector.broadcast %and3A_516 : i32 to vector<16xi32>
        %and3A_518 = arith.andi %add3A_512, %and3A_517 : vector<16xi32>
        %mul3A_519 = arith.constant 8.000000e+00 : f32
        %mul3A_520 = vector.broadcast %mul3A_519 : f32 to vector<16xf32>
        %mul3A_521 = arith.mulf %get3A_509, %mul3A_520 : vector<16xf32>
        tpu.vector_store_idx %arg16[%shift_right_arithmetic3A_515, %and3A_518, %add3A_476], %mul3A_521 : memref<8x8x129xf32, #tpu.memory_space<vmem>>[vector<16xi32>, vector<16xi32>, vector<16xi32>], vector<16xf32>,
        %get3A_522 = arith.index_cast %add3A_472 : i32 to index
        %get3A_523 = arith.constant 48 : index
        %get3A_524 = tpu.vector_load %arg12[%get3A_522, %get3A_523] {strides = array<i32>} : memref<128x64xf32, #tpu.memory_space<vmem>>, vector<16xf32>,
        %add3A_525 = arith.constant 48 : i32
        %add3A_526 = vector.broadcast %add3A_525 : i32 to vector<16xi32>
        %add3A_527 = arith.addi %add3A_526, %iota3A : vector<16xi32>
        %shift_right_arithmetic3A_528 = arith.constant 3 : i32
        %shift_right_arithmetic3A_529 = vector.broadcast %shift_right_arithmetic3A_528 : i32 to vector<16xi32>
        %shift_right_arithmetic3A_530 = arith.shrsi %add3A_527, %shift_right_arithmetic3A_529 : vector<16xi32>
        %and3A_531 = arith.constant 7 : i32
        %and3A_532 = vector.broadcast %and3A_531 : i32 to vector<16xi32>
        %and3A_533 = arith.andi %add3A_527, %and3A_532 : vector<16xi32>
        %mul3A_534 = arith.constant 8.000000e+00 : f32
        %mul3A_535 = vector.broadcast %mul3A_534 : f32 to vector<16xf32>
        %mul3A_536 = arith.mulf %get3A_524, %mul3A_535 : vector<16xf32>
        tpu.vector_store_idx %arg16[%shift_right_arithmetic3A_530, %and3A_533, %add3A_476], %mul3A_536 : memref<8x8x129xf32, #tpu.memory_space<vmem>>[vector<16xi32>, vector<16xi32>, vector<16xi32>], vector<16xf32>,
        %scan3A_537 = arith.constant 2 : i32
        %scan3A_538 = arith.addi %scan3A_400, %scan3A_537 : i32
        %mul3A_539 = arith.constant 1 : i32
        %mul3A_540 = arith.muli %scan3A_538, %mul3A_539 : i32
        %add3A_541 = arith.constant 0 : i32
        %add3A_542 = arith.addi %add3A_541, %mul3A_540 : i32
        %broadcast_in_dim3A_543 = arith.constant 0 : i32
        %broadcast_in_dim3A_544 = vector.broadcast %broadcast_in_dim3A_543 : i32 to vector<16xi32>
        %add3A_545 = vector.broadcast %add3A_542 : i32 to vector<16xi32>
        %add3A_546 = arith.addi %broadcast_in_dim3A_544, %add3A_545 : vector<16xi32>
        %get3A_547 = arith.index_cast %add3A_542 : i32 to index
        %get3A_548 = arith.constant 0 : index
        %get3A_549 = tpu.vector_load %arg12[%get3A_547, %get3A_548] {strides = array<i32>} : memref<128x64xf32, #tpu.memory_space<vmem>>, vector<16xf32>,
        %add3A_550 = arith.constant 0 : i32
        %add3A_551 = vector.broadcast %add3A_550 : i32 to vector<16xi32>
        %add3A_552 = arith.addi %add3A_551, %iota3A : vector<16xi32>
        %shift_right_arithmetic3A_553 = arith.constant 3 : i32
        %shift_right_arithmetic3A_554 = vector.broadcast %shift_right_arithmetic3A_553 : i32 to vector<16xi32>
        %shift_right_arithmetic3A_555 = arith.shrsi %add3A_552, %shift_right_arithmetic3A_554 : vector<16xi32>
        %and3A_556 = arith.constant 7 : i32
        %and3A_557 = vector.broadcast %and3A_556 : i32 to vector<16xi32>
        %and3A_558 = arith.andi %add3A_552, %and3A_557 : vector<16xi32>
        %mul3A_559 = arith.constant 8.000000e+00 : f32
        %mul3A_560 = vector.broadcast %mul3A_559 : f32 to vector<16xf32>
        %mul3A_561 = arith.mulf %get3A_549, %mul3A_560 : vector<16xf32>
        tpu.vector_store_idx %arg16[%shift_right_arithmetic3A_555, %and3A_558, %add3A_546], %mul3A_561 : memref<8x8x129xf32, #tpu.memory_space<vmem>>[vector<16xi32>, vector<16xi32>, vector<16xi32>], vector<16xf32>,
        %get3A_562 = arith.index_cast %add3A_542 : i32 to index
        %get3A_563 = arith.constant 16 : index
        %get3A_564 = tpu.vector_load %arg12[%get3A_562, %get3A_563] {strides = array<i32>} : memref<128x64xf32, #tpu.memory_space<vmem>>, vector<16xf32>,
        %add3A_565 = arith.constant 16 : i32
        %add3A_566 = vector.broadcast %add3A_565 : i32 to vector<16xi32>
        %add3A_567 = arith.addi %add3A_566, %iota3A : vector<16xi32>
        %shift_right_arithmetic3A_568 = arith.constant 3 : i32
        %shift_right_arithmetic3A_569 = vector.broadcast %shift_right_arithmetic3A_568 : i32 to vector<16xi32>
        %shift_right_arithmetic3A_570 = arith.shrsi %add3A_567, %shift_right_arithmetic3A_569 : vector<16xi32>
        %and3A_571 = arith.constant 7 : i32
        %and3A_572 = vector.broadcast %and3A_571 : i32 to vector<16xi32>
        %and3A_573 = arith.andi %add3A_567, %and3A_572 : vector<16xi32>
        %mul3A_574 = arith.constant 8.000000e+00 : f32
        %mul3A_575 = vector.broadcast %mul3A_574 : f32 to vector<16xf32>
        %mul3A_576 = arith.mulf %get3A_564, %mul3A_575 : vector<16xf32>
        tpu.vector_store_idx %arg16[%shift_right_arithmetic3A_570, %and3A_573, %add3A_546], %mul3A_576 : memref<8x8x129xf32, #tpu.memory_space<vmem>>[vector<16xi32>, vector<16xi32>, vector<16xi32>], vector<16xf32>,
        %get3A_577 = arith.index_cast %add3A_542 : i32 to index
        %get3A_578 = arith.constant 32 : index
        %get3A_579 = tpu.vector_load %arg12[%get3A_577, %get3A_578] {strides = array<i32>} : memref<128x64xf32, #tpu.memory_space<vmem>>, vector<16xf32>,
        %add3A_580 = arith.constant 32 : i32
        %add3A_581 = vector.broadcast %add3A_580 : i32 to vector<16xi32>
        %add3A_582 = arith.addi %add3A_581, %iota3A : vector<16xi32>
        %shift_right_arithmetic3A_583 = arith.constant 3 : i32
        %shift_right_arithmetic3A_584 = vector.broadcast %shift_right_arithmetic3A_583 : i32 to vector<16xi32>
        %shift_right_arithmetic3A_585 = arith.shrsi %add3A_582, %shift_right_arithmetic3A_584 : vector<16xi32>
        %and3A_586 = arith.constant 7 : i32
        %and3A_587 = vector.broadcast %and3A_586 : i32 to vector<16xi32>
        %and3A_588 = arith.andi %add3A_582, %and3A_587 : vector<16xi32>
        %mul3A_589 = arith.constant 8.000000e+00 : f32
        %mul3A_590 = vector.broadcast %mul3A_589 : f32 to vector<16xf32>
        %mul3A_591 = arith.mulf %get3A_579, %mul3A_590 : vector<16xf32>
        tpu.vector_store_idx %arg16[%shift_right_arithmetic3A_585, %and3A_588, %add3A_546], %mul3A_591 : memref<8x8x129xf32, #tpu.memory_space<vmem>>[vector<16xi32>, vector<16xi32>, vector<16xi32>], vector<16xf32>,
        %get3A_592 = arith.index_cast %add3A_542 : i32 to index
        %get3A_593 = arith.constant 48 : index
        %get3A_594 = tpu.vector_load %arg12[%get3A_592, %get3A_593] {strides = array<i32>} : memref<128x64xf32, #tpu.memory_space<vmem>>, vector<16xf32>,
        %add3A_595 = arith.constant 48 : i32
        %add3A_596 = vector.broadcast %add3A_595 : i32 to vector<16xi32>
        %add3A_597 = arith.addi %add3A_596, %iota3A : vector<16xi32>
        %shift_right_arithmetic3A_598 = arith.constant 3 : i32
        %shift_right_arithmetic3A_599 = vector.broadcast %shift_right_arithmetic3A_598 : i32 to vector<16xi32>
        %shift_right_arithmetic3A_600 = arith.shrsi %add3A_597, %shift_right_arithmetic3A_599 : vector<16xi32>
        %and3A_601 = arith.constant 7 : i32
        %and3A_602 = vector.broadcast %and3A_601 : i32 to vector<16xi32>
        %and3A_603 = arith.andi %add3A_597, %and3A_602 : vector<16xi32>
        %mul3A_604 = arith.constant 8.000000e+00 : f32
        %mul3A_605 = vector.broadcast %mul3A_604 : f32 to vector<16xf32>
        %mul3A_606 = arith.mulf %get3A_594, %mul3A_605 : vector<16xf32>
        tpu.vector_store_idx %arg16[%shift_right_arithmetic3A_600, %and3A_603, %add3A_546], %mul3A_606 : memref<8x8x129xf32, #tpu.memory_space<vmem>>[vector<16xi32>, vector<16xi32>, vector<16xi32>], vector<16xf32>,
        %scan3A_607 = arith.constant 3 : i32
        %scan3A_608 = arith.addi %scan3A_400, %scan3A_607 : i32
        %mul3A_609 = arith.constant 1 : i32
        %mul3A_610 = arith.muli %scan3A_608, %mul3A_609 : i32
        %add3A_611 = arith.constant 0 : i32
        %add3A_612 = arith.addi %add3A_611, %mul3A_610 : i32
        %broadcast_in_dim3A_613 = arith.constant 0 : i32
        %broadcast_in_dim3A_614 = vector.broadcast %broadcast_in_dim3A_613 : i32 to vector<16xi32>
        %add3A_615 = vector.broadcast %add3A_612 : i32 to vector<16xi32>
        %add3A_616 = arith.addi %broadcast_in_dim3A_614, %add3A_615 : vector<16xi32>
        %get3A_617 = arith.index_cast %add3A_612 : i32 to index
        %get3A_618 = arith.constant 0 : index
        %get3A_619 = tpu.vector_load %arg12[%get3A_617, %get3A_618] {strides = array<i32>} : memref<128x64xf32, #tpu.memory_space<vmem>>, vector<16xf32>,
        %add3A_620 = arith.constant 0 : i32
        %add3A_621 = vector.broadcast %add3A_620 : i32 to vector<16xi32>
        %add3A_622 = arith.addi %add3A_621, %iota3A : vector<16xi32>
        %shift_right_arithmetic3A_623 = arith.constant 3 : i32
        %shift_right_arithmetic3A_624 = vector.broadcast %shift_right_arithmetic3A_623 : i32 to vector<16xi32>
        %shift_right_arithmetic3A_625 = arith.shrsi %add3A_622, %shift_right_arithmetic3A_624 : vector<16xi32>
        %and3A_626 = arith.constant 7 : i32
        %and3A_627 = vector.broadcast %and3A_626 : i32 to vector<16xi32>
        %and3A_628 = arith.andi %add3A_622, %and3A_627 : vector<16xi32>
        %mul3A_629 = arith.constant 8.000000e+00 : f32
        %mul3A_630 = vector.broadcast %mul3A_629 : f32 to vector<16xf32>
        %mul3A_631 = arith.mulf %get3A_619, %mul3A_630 : vector<16xf32>
        tpu.vector_store_idx %arg16[%shift_right_arithmetic3A_625, %and3A_628, %add3A_616], %mul3A_631 : memref<8x8x129xf32, #tpu.memory_space<vmem>>[vector<16xi32>, vector<16xi32>, vector<16xi32>], vector<16xf32>,
        %get3A_632 = arith.index_cast %add3A_612 : i32 to index
        %get3A_633 = arith.constant 16 : index
        %get3A_634 = tpu.vector_load %arg12[%get3A_632, %get3A_633] {strides = array<i32>} : memref<128x64xf32, #tpu.memory_space<vmem>>, vector<16xf32>,
        %add3A_635 = arith.constant 16 : i32
        %add3A_636 = vector.broadcast %add3A_635 : i32 to vector<16xi32>
        %add3A_637 = arith.addi %add3A_636, %iota3A : vector<16xi32>
        %shift_right_arithmetic3A_638 = arith.constant 3 : i32
        %shift_right_arithmetic3A_639 = vector.broadcast %shift_right_arithmetic3A_638 : i32 to vector<16xi32>
        %shift_right_arithmetic3A_640 = arith.shrsi %add3A_637, %shift_right_arithmetic3A_639 : vector<16xi32>
        %and3A_641 = arith.constant 7 : i32
        %and3A_642 = vector.broadcast %and3A_641 : i32 to vector<16xi32>
        %and3A_643 = arith.andi %add3A_637, %and3A_642 : vector<16xi32>
        %mul3A_644 = arith.constant 8.000000e+00 : f32
        %mul3A_645 = vector.broadcast %mul3A_644 : f32 to vector<16xf32>
        %mul3A_646 = arith.mulf %get3A_634, %mul3A_645 : vector<16xf32>
        tpu.vector_store_idx %arg16[%shift_right_arithmetic3A_640, %and3A_643, %add3A_616], %mul3A_646 : memref<8x8x129xf32, #tpu.memory_space<vmem>>[vector<16xi32>, vector<16xi32>, vector<16xi32>], vector<16xf32>,
        %get3A_647 = arith.index_cast %add3A_612 : i32 to index
        %get3A_648 = arith.constant 32 : index
        %get3A_649 = tpu.vector_load %arg12[%get3A_647, %get3A_648] {strides = array<i32>} : memref<128x64xf32, #tpu.memory_space<vmem>>, vector<16xf32>,
        %add3A_650 = arith.constant 32 : i32
        %add3A_651 = vector.broadcast %add3A_650 : i32 to vector<16xi32>
        %add3A_652 = arith.addi %add3A_651, %iota3A : vector<16xi32>
        %shift_right_arithmetic3A_653 = arith.constant 3 : i32
        %shift_right_arithmetic3A_654 = vector.broadcast %shift_right_arithmetic3A_653 : i32 to vector<16xi32>
        %shift_right_arithmetic3A_655 = arith.shrsi %add3A_652, %shift_right_arithmetic3A_654 : vector<16xi32>
        %and3A_656 = arith.constant 7 : i32
        %and3A_657 = vector.broadcast %and3A_656 : i32 to vector<16xi32>
        %and3A_658 = arith.andi %add3A_652, %and3A_657 : vector<16xi32>
        %mul3A_659 = arith.constant 8.000000e+00 : f32
        %mul3A_660 = vector.broadcast %mul3A_659 : f32 to vector<16xf32>
        %mul3A_661 = arith.mulf %get3A_649, %mul3A_660 : vector<16xf32>
        tpu.vector_store_idx %arg16[%shift_right_arithmetic3A_655, %and3A_658, %add3A_616], %mul3A_661 : memref<8x8x129xf32, #tpu.memory_space<vmem>>[vector<16xi32>, vector<16xi32>, vector<16xi32>], vector<16xf32>,
        %get3A_662 = arith.index_cast %add3A_612 : i32 to index
        %get3A_663 = arith.constant 48 : index
        %get3A_664 = tpu.vector_load %arg12[%get3A_662, %get3A_663] {strides = array<i32>} : memref<128x64xf32, #tpu.memory_space<vmem>>, vector<16xf32>,
        %add3A_665 = arith.constant 48 : i32
        %add3A_666 = vector.broadcast %add3A_665 : i32 to vector<16xi32>
        %add3A_667 = arith.addi %add3A_666, %iota3A : vector<16xi32>
        %shift_right_arithmetic3A_668 = arith.constant 3 : i32
        %shift_right_arithmetic3A_669 = vector.broadcast %shift_right_arithmetic3A_668 : i32 to vector<16xi32>
        %shift_right_arithmetic3A_670 = arith.shrsi %add3A_667, %shift_right_arithmetic3A_669 : vector<16xi32>
        %and3A_671 = arith.constant 7 : i32
        %and3A_672 = vector.broadcast %and3A_671 : i32 to vector<16xi32>
        %and3A_673 = arith.andi %add3A_667, %and3A_672 : vector<16xi32>
        %mul3A_674 = arith.constant 8.000000e+00 : f32
        %mul3A_675 = vector.broadcast %mul3A_674 : f32 to vector<16xf32>
        %mul3A_676 = arith.mulf %get3A_664, %mul3A_675 : vector<16xf32>
        tpu.vector_store_idx %arg16[%shift_right_arithmetic3A_670, %and3A_673, %add3A_616], %mul3A_676 : memref<8x8x129xf32, #tpu.memory_space<vmem>>[vector<16xi32>, vector<16xi32>, vector<16xi32>], vector<16xf32>,
        %scan3A_677 = arith.constant 4 : i32
        %scan3A_678 = arith.addi %scan3A_400, %scan3A_677 : i32
        %mul3A_679 = arith.constant 1 : i32
        %mul3A_680 = arith.muli %scan3A_678, %mul3A_679 : i32
        %add3A_681 = arith.constant 0 : i32
        %add3A_682 = arith.addi %add3A_681, %mul3A_680 : i32
        %broadcast_in_dim3A_683 = arith.constant 0 : i32
        %broadcast_in_dim3A_684 = vector.broadcast %broadcast_in_dim3A_683 : i32 to vector<16xi32>
        %add3A_685 = vector.broadcast %add3A_682 : i32 to vector<16xi32>
        %add3A_686 = arith.addi %broadcast_in_dim3A_684, %add3A_685 : vector<16xi32>
        %get3A_687 = arith.index_cast %add3A_682 : i32 to index
        %get3A_688 = arith.constant 0 : index
        %get3A_689 = tpu.vector_load %arg12[%get3A_687, %get3A_688] {strides = array<i32>} : memref<128x64xf32, #tpu.memory_space<vmem>>, vector<16xf32>,
        %add3A_690 = arith.constant 0 : i32
        %add3A_691 = vector.broadcast %add3A_690 : i32 to vector<16xi32>
        %add3A_692 = arith.addi %add3A_691, %iota3A : vector<16xi32>
        %shift_right_arithmetic3A_693 = arith.constant 3 : i32
        %shift_right_arithmetic3A_694 = vector.broadcast %shift_right_arithmetic3A_693 : i32 to vector<16xi32>
        %shift_right_arithmetic3A_695 = arith.shrsi %add3A_692, %shift_right_arithmetic3A_694 : vector<16xi32>
        %and3A_696 = arith.constant 7 : i32
        %and3A_697 = vector.broadcast %and3A_696 : i32 to vector<16xi32>
        %and3A_698 = arith.andi %add3A_692, %and3A_697 : vector<16xi32>
        %mul3A_699 = arith.constant 8.000000e+00 : f32
        %mul3A_700 = vector.broadcast %mul3A_699 : f32 to vector<16xf32>
        %mul3A_701 = arith.mulf %get3A_689, %mul3A_700 : vector<16xf32>
        tpu.vector_store_idx %arg16[%shift_right_arithmetic3A_695, %and3A_698, %add3A_686], %mul3A_701 : memref<8x8x129xf32, #tpu.memory_space<vmem>>[vector<16xi32>, vector<16xi32>, vector<16xi32>], vector<16xf32>,
        %get3A_702 = arith.index_cast %add3A_682 : i32 to index
        %get3A_703 = arith.constant 16 : index
        %get3A_704 = tpu.vector_load %arg12[%get3A_702, %get3A_703] {strides = array<i32>} : memref<128x64xf32, #tpu.memory_space<vmem>>, vector<16xf32>,
        %add3A_705 = arith.constant 16 : i32
        %add3A_706 = vector.broadcast %add3A_705 : i32 to vector<16xi32>
        %add3A_707 = arith.addi %add3A_706, %iota3A : vector<16xi32>
        %shift_right_arithmetic3A_708 = arith.constant 3 : i32
        %shift_right_arithmetic3A_709 = vector.broadcast %shift_right_arithmetic3A_708 : i32 to vector<16xi32>
        %shift_right_arithmetic3A_710 = arith.shrsi %add3A_707, %shift_right_arithmetic3A_709 : vector<16xi32>
        %and3A_711 = arith.constant 7 : i32
        %and3A_712 = vector.broadcast %and3A_711 : i32 to vector<16xi32>
        %and3A_713 = arith.andi %add3A_707, %and3A_712 : vector<16xi32>
        %mul3A_714 = arith.constant 8.000000e+00 : f32
        %mul3A_715 = vector.broadcast %mul3A_714 : f32 to vector<16xf32>
        %mul3A_716 = arith.mulf %get3A_704, %mul3A_715 : vector<16xf32>
        tpu.vector_store_idx %arg16[%shift_right_arithmetic3A_710, %and3A_713, %add3A_686], %mul3A_716 : memref<8x8x129xf32, #tpu.memory_space<vmem>>[vector<16xi32>, vector<16xi32>, vector<16xi32>], vector<16xf32>,
        %get3A_717 = arith.index_cast %add3A_682 : i32 to index
        %get3A_718 = arith.constant 32 : index
        %get3A_719 = tpu.vector_load %arg12[%get3A_717, %get3A_718] {strides = array<i32>} : memref<128x64xf32, #tpu.memory_space<vmem>>, vector<16xf32>,
        %add3A_720 = arith.constant 32 : i32
        %add3A_721 = vector.broadcast %add3A_720 : i32 to vector<16xi32>
        %add3A_722 = arith.addi %add3A_721, %iota3A : vector<16xi32>
        %shift_right_arithmetic3A_723 = arith.constant 3 : i32
        %shift_right_arithmetic3A_724 = vector.broadcast %shift_right_arithmetic3A_723 : i32 to vector<16xi32>
        %shift_right_arithmetic3A_725 = arith.shrsi %add3A_722, %shift_right_arithmetic3A_724 : vector<16xi32>
        %and3A_726 = arith.constant 7 : i32
        %and3A_727 = vector.broadcast %and3A_726 : i32 to vector<16xi32>
        %and3A_728 = arith.andi %add3A_722, %and3A_727 : vector<16xi32>
        %mul3A_729 = arith.constant 8.000000e+00 : f32
        %mul3A_730 = vector.broadcast %mul3A_729 : f32 to vector<16xf32>
        %mul3A_731 = arith.mulf %get3A_719, %mul3A_730 : vector<16xf32>
        tpu.vector_store_idx %arg16[%shift_right_arithmetic3A_725, %and3A_728, %add3A_686], %mul3A_731 : memref<8x8x129xf32, #tpu.memory_space<vmem>>[vector<16xi32>, vector<16xi32>, vector<16xi32>], vector<16xf32>,
        %get3A_732 = arith.index_cast %add3A_682 : i32 to index
        %get3A_733 = arith.constant 48 : index
        %get3A_734 = tpu.vector_load %arg12[%get3A_732, %get3A_733] {strides = array<i32>} : memref<128x64xf32, #tpu.memory_space<vmem>>, vector<16xf32>,
        %add3A_735 = arith.constant 48 : i32
        %add3A_736 = vector.broadcast %add3A_735 : i32 to vector<16xi32>
        %add3A_737 = arith.addi %add3A_736, %iota3A : vector<16xi32>
        %shift_right_arithmetic3A_738 = arith.constant 3 : i32
        %shift_right_arithmetic3A_739 = vector.broadcast %shift_right_arithmetic3A_738 : i32 to vector<16xi32>
        %shift_right_arithmetic3A_740 = arith.shrsi %add3A_737, %shift_right_arithmetic3A_739 : vector<16xi32>
        %and3A_741 = arith.constant 7 : i32
        %and3A_742 = vector.broadcast %and3A_741 : i32 to vector<16xi32>
        %and3A_743 = arith.andi %add3A_737, %and3A_742 : vector<16xi32>
        %mul3A_744 = arith.constant 8.000000e+00 : f32
        %mul3A_745 = vector.broadcast %mul3A_744 : f32 to vector<16xf32>
        %mul3A_746 = arith.mulf %get3A_734, %mul3A_745 : vector<16xf32>
        tpu.vector_store_idx %arg16[%shift_right_arithmetic3A_740, %and3A_743, %add3A_686], %mul3A_746 : memref<8x8x129xf32, #tpu.memory_space<vmem>>[vector<16xi32>, vector<16xi32>, vector<16xi32>], vector<16xf32>,
        %scan3A_747 = arith.constant 5 : i32
        %scan3A_748 = arith.addi %scan3A_400, %scan3A_747 : i32
        %mul3A_749 = arith.constant 1 : i32
        %mul3A_750 = arith.muli %scan3A_748, %mul3A_749 : i32
        %add3A_751 = arith.constant 0 : i32
        %add3A_752 = arith.addi %add3A_751, %mul3A_750 : i32
        %broadcast_in_dim3A_753 = arith.constant 0 : i32
        %broadcast_in_dim3A_754 = vector.broadcast %broadcast_in_dim3A_753 : i32 to vector<16xi32>
        %add3A_755 = vector.broadcast %add3A_752 : i32 to vector<16xi32>
        %add3A_756 = arith.addi %broadcast_in_dim3A_754, %add3A_755 : vector<16xi32>
        %get3A_757 = arith.index_cast %add3A_752 : i32 to index
        %get3A_758 = arith.constant 0 : index
        %get3A_759 = tpu.vector_load %arg12[%get3A_757, %get3A_758] {strides = array<i32>} : memref<128x64xf32, #tpu.memory_space<vmem>>, vector<16xf32>,
        %add3A_760 = arith.constant 0 : i32
        %add3A_761 = vector.broadcast %add3A_760 : i32 to vector<16xi32>
        %add3A_762 = arith.addi %add3A_761, %iota3A : vector<16xi32>
        %shift_right_arithmetic3A_763 = arith.constant 3 : i32
        %shift_right_arithmetic3A_764 = vector.broadcast %shift_right_arithmetic3A_763 : i32 to vector<16xi32>
        %shift_right_arithmetic3A_765 = arith.shrsi %add3A_762, %shift_right_arithmetic3A_764 : vector<16xi32>
        %and3A_766 = arith.constant 7 : i32
        %and3A_767 = vector.broadcast %and3A_766 : i32 to vector<16xi32>
        %and3A_768 = arith.andi %add3A_762, %and3A_767 : vector<16xi32>
        %mul3A_769 = arith.constant 8.000000e+00 : f32
        %mul3A_770 = vector.broadcast %mul3A_769 : f32 to vector<16xf32>
        %mul3A_771 = arith.mulf %get3A_759, %mul3A_770 : vector<16xf32>
        tpu.vector_store_idx %arg16[%shift_right_arithmetic3A_765, %and3A_768, %add3A_756], %mul3A_771 : memref<8x8x129xf32, #tpu.memory_space<vmem>>[vector<16xi32>, vector<16xi32>, vector<16xi32>], vector<16xf32>,
        %get3A_772 = arith.index_cast %add3A_752 : i32 to index
        %get3A_773 = arith.constant 16 : index
        %get3A_774 = tpu.vector_load %arg12[%get3A_772, %get3A_773] {strides = array<i32>} : memref<128x64xf32, #tpu.memory_space<vmem>>, vector<16xf32>,
        %add3A_775 = arith.constant 16 : i32
        %add3A_776 = vector.broadcast %add3A_775 : i32 to vector<16xi32>
        %add3A_777 = arith.addi %add3A_776, %iota3A : vector<16xi32>
        %shift_right_arithmetic3A_778 = arith.constant 3 : i32
        %shift_right_arithmetic3A_779 = vector.broadcast %shift_right_arithmetic3A_778 : i32 to vector<16xi32>
        %shift_right_arithmetic3A_780 = arith.shrsi %add3A_777, %shift_right_arithmetic3A_779 : vector<16xi32>
        %and3A_781 = arith.constant 7 : i32
        %and3A_782 = vector.broadcast %and3A_781 : i32 to vector<16xi32>
        %and3A_783 = arith.andi %add3A_777, %and3A_782 : vector<16xi32>
        %mul3A_784 = arith.constant 8.000000e+00 : f32
        %mul3A_785 = vector.broadcast %mul3A_784 : f32 to vector<16xf32>
        %mul3A_786 = arith.mulf %get3A_774, %mul3A_785 : vector<16xf32>
        tpu.vector_store_idx %arg16[%shift_right_arithmetic3A_780, %and3A_783, %add3A_756], %mul3A_786 : memref<8x8x129xf32, #tpu.memory_space<vmem>>[vector<16xi32>, vector<16xi32>, vector<16xi32>], vector<16xf32>,
        %get3A_787 = arith.index_cast %add3A_752 : i32 to index
        %get3A_788 = arith.constant 32 : index
        %get3A_789 = tpu.vector_load %arg12[%get3A_787, %get3A_788] {strides = array<i32>} : memref<128x64xf32, #tpu.memory_space<vmem>>, vector<16xf32>,
        %add3A_790 = arith.constant 32 : i32
        %add3A_791 = vector.broadcast %add3A_790 : i32 to vector<16xi32>
        %add3A_792 = arith.addi %add3A_791, %iota3A : vector<16xi32>
        %shift_right_arithmetic3A_793 = arith.constant 3 : i32
        %shift_right_arithmetic3A_794 = vector.broadcast %shift_right_arithmetic3A_793 : i32 to vector<16xi32>
        %shift_right_arithmetic3A_795 = arith.shrsi %add3A_792, %shift_right_arithmetic3A_794 : vector<16xi32>
        %and3A_796 = arith.constant 7 : i32
        %and3A_797 = vector.broadcast %and3A_796 : i32 to vector<16xi32>
        %and3A_798 = arith.andi %add3A_792, %and3A_797 : vector<16xi32>
        %mul3A_799 = arith.constant 8.000000e+00 : f32
        %mul3A_800 = vector.broadcast %mul3A_799 : f32 to vector<16xf32>
        %mul3A_801 = arith.mulf %get3A_789, %mul3A_800 : vector<16xf32>
        tpu.vector_store_idx %arg16[%shift_right_arithmetic3A_795, %and3A_798, %add3A_756], %mul3A_801 : memref<8x8x129xf32, #tpu.memory_space<vmem>>[vector<16xi32>, vector<16xi32>, vector<16xi32>], vector<16xf32>,
        %get3A_802 = arith.index_cast %add3A_752 : i32 to index
        %get3A_803 = arith.constant 48 : index
        %get3A_804 = tpu.vector_load %arg12[%get3A_802, %get3A_803] {strides = array<i32>} : memref<128x64xf32, #tpu.memory_space<vmem>>, vector<16xf32>,
        %add3A_805 = arith.constant 48 : i32
        %add3A_806 = vector.broadcast %add3A_805 : i32 to vector<16xi32>
        %add3A_807 = arith.addi %add3A_806, %iota3A : vector<16xi32>
        %shift_right_arithmetic3A_808 = arith.constant 3 : i32
        %shift_right_arithmetic3A_809 = vector.broadcast %shift_right_arithmetic3A_808 : i32 to vector<16xi32>
        %shift_right_arithmetic3A_810 = arith.shrsi %add3A_807, %shift_right_arithmetic3A_809 : vector<16xi32>
        %and3A_811 = arith.constant 7 : i32
        %and3A_812 = vector.broadcast %and3A_811 : i32 to vector<16xi32>
        %and3A_813 = arith.andi %add3A_807, %and3A_812 : vector<16xi32>
        %mul3A_814 = arith.constant 8.000000e+00 : f32
        %mul3A_815 = vector.broadcast %mul3A_814 : f32 to vector<16xf32>
        %mul3A_816 = arith.mulf %get3A_804, %mul3A_815 : vector<16xf32>
        tpu.vector_store_idx %arg16[%shift_right_arithmetic3A_810, %and3A_813, %add3A_756], %mul3A_816 : memref<8x8x129xf32, #tpu.memory_space<vmem>>[vector<16xi32>, vector<16xi32>, vector<16xi32>], vector<16xf32>,
        %scan3A_817 = arith.constant 6 : i32
        %scan3A_818 = arith.addi %scan3A_400, %scan3A_817 : i32
        %mul3A_819 = arith.constant 1 : i32
        %mul3A_820 = arith.muli %scan3A_818, %mul3A_819 : i32
        %add3A_821 = arith.constant 0 : i32
        %add3A_822 = arith.addi %add3A_821, %mul3A_820 : i32
        %broadcast_in_dim3A_823 = arith.constant 0 : i32
        %broadcast_in_dim3A_824 = vector.broadcast %broadcast_in_dim3A_823 : i32 to vector<16xi32>
        %add3A_825 = vector.broadcast %add3A_822 : i32 to vector<16xi32>
        %add3A_826 = arith.addi %broadcast_in_dim3A_824, %add3A_825 : vector<16xi32>
        %get3A_827 = arith.index_cast %add3A_822 : i32 to index
        %get3A_828 = arith.constant 0 : index
        %get3A_829 = tpu.vector_load %arg12[%get3A_827, %get3A_828] {strides = array<i32>} : memref<128x64xf32, #tpu.memory_space<vmem>>, vector<16xf32>,
        %add3A_830 = arith.constant 0 : i32
        %add3A_831 = vector.broadcast %add3A_830 : i32 to vector<16xi32>
        %add3A_832 = arith.addi %add3A_831, %iota3A : vector<16xi32>
        %shift_right_arithmetic3A_833 = arith.constant 3 : i32
        %shift_right_arithmetic3A_834 = vector.broadcast %shift_right_arithmetic3A_833 : i32 to vector<16xi32>
        %shift_right_arithmetic3A_835 = arith.shrsi %add3A_832, %shift_right_arithmetic3A_834 : vector<16xi32>
        %and3A_836 = arith.constant 7 : i32
        %and3A_837 = vector.broadcast %and3A_836 : i32 to vector<16xi32>
        %and3A_838 = arith.andi %add3A_832, %and3A_837 : vector<16xi32>
        %mul3A_839 = arith.constant 8.000000e+00 : f32
        %mul3A_840 = vector.broadcast %mul3A_839 : f32 to vector<16xf32>
        %mul3A_841 = arith.mulf %get3A_829, %mul3A_840 : vector<16xf32>
        tpu.vector_store_idx %arg16[%shift_right_arithmetic3A_835, %and3A_838, %add3A_826], %mul3A_841 : memref<8x8x129xf32, #tpu.memory_space<vmem>>[vector<16xi32>, vector<16xi32>, vector<16xi32>], vector<16xf32>,
        %get3A_842 = arith.index_cast %add3A_822 : i32 to index
        %get3A_843 = arith.constant 16 : index
        %get3A_844 = tpu.vector_load %arg12[%get3A_842, %get3A_843] {strides = array<i32>} : memref<128x64xf32, #tpu.memory_space<vmem>>, vector<16xf32>,
        %add3A_845 = arith.constant 16 : i32
        %add3A_846 = vector.broadcast %add3A_845 : i32 to vector<16xi32>
        %add3A_847 = arith.addi %add3A_846, %iota3A : vector<16xi32>
        %shift_right_arithmetic3A_848 = arith.constant 3 : i32
        %shift_right_arithmetic3A_849 = vector.broadcast %shift_right_arithmetic3A_848 : i32 to vector<16xi32>
        %shift_right_arithmetic3A_850 = arith.shrsi %add3A_847, %shift_right_arithmetic3A_849 : vector<16xi32>
        %and3A_851 = arith.constant 7 : i32
        %and3A_852 = vector.broadcast %and3A_851 : i32 to vector<16xi32>
        %and3A_853 = arith.andi %add3A_847, %and3A_852 : vector<16xi32>
        %mul3A_854 = arith.constant 8.000000e+00 : f32
        %mul3A_855 = vector.broadcast %mul3A_854 : f32 to vector<16xf32>
        %mul3A_856 = arith.mulf %get3A_844, %mul3A_855 : vector<16xf32>
        tpu.vector_store_idx %arg16[%shift_right_arithmetic3A_850, %and3A_853, %add3A_826], %mul3A_856 : memref<8x8x129xf32, #tpu.memory_space<vmem>>[vector<16xi32>, vector<16xi32>, vector<16xi32>], vector<16xf32>,
        %get3A_857 = arith.index_cast %add3A_822 : i32 to index
        %get3A_858 = arith.constant 32 : index
        %get3A_859 = tpu.vector_load %arg12[%get3A_857, %get3A_858] {strides = array<i32>} : memref<128x64xf32, #tpu.memory_space<vmem>>, vector<16xf32>,
        %add3A_860 = arith.constant 32 : i32
        %add3A_861 = vector.broadcast %add3A_860 : i32 to vector<16xi32>
        %add3A_862 = arith.addi %add3A_861, %iota3A : vector<16xi32>
        %shift_right_arithmetic3A_863 = arith.constant 3 : i32
        %shift_right_arithmetic3A_864 = vector.broadcast %shift_right_arithmetic3A_863 : i32 to vector<16xi32>
        %shift_right_arithmetic3A_865 = arith.shrsi %add3A_862, %shift_right_arithmetic3A_864 : vector<16xi32>
        %and3A_866 = arith.constant 7 : i32
        %and3A_867 = vector.broadcast %and3A_866 : i32 to vector<16xi32>
        %and3A_868 = arith.andi %add3A_862, %and3A_867 : vector<16xi32>
        %mul3A_869 = arith.constant 8.000000e+00 : f32
        %mul3A_870 = vector.broadcast %mul3A_869 : f32 to vector<16xf32>
        %mul3A_871 = arith.mulf %get3A_859, %mul3A_870 : vector<16xf32>
        tpu.vector_store_idx %arg16[%shift_right_arithmetic3A_865, %and3A_868, %add3A_826], %mul3A_871 : memref<8x8x129xf32, #tpu.memory_space<vmem>>[vector<16xi32>, vector<16xi32>, vector<16xi32>], vector<16xf32>,
        %get3A_872 = arith.index_cast %add3A_822 : i32 to index
        %get3A_873 = arith.constant 48 : index
        %get3A_874 = tpu.vector_load %arg12[%get3A_872, %get3A_873] {strides = array<i32>} : memref<128x64xf32, #tpu.memory_space<vmem>>, vector<16xf32>,
        %add3A_875 = arith.constant 48 : i32
        %add3A_876 = vector.broadcast %add3A_875 : i32 to vector<16xi32>
        %add3A_877 = arith.addi %add3A_876, %iota3A : vector<16xi32>
        %shift_right_arithmetic3A_878 = arith.constant 3 : i32
        %shift_right_arithmetic3A_879 = vector.broadcast %shift_right_arithmetic3A_878 : i32 to vector<16xi32>
        %shift_right_arithmetic3A_880 = arith.shrsi %add3A_877, %shift_right_arithmetic3A_879 : vector<16xi32>
        %and3A_881 = arith.constant 7 : i32
        %and3A_882 = vector.broadcast %and3A_881 : i32 to vector<16xi32>
        %and3A_883 = arith.andi %add3A_877, %and3A_882 : vector<16xi32>
        %mul3A_884 = arith.constant 8.000000e+00 : f32
        %mul3A_885 = vector.broadcast %mul3A_884 : f32 to vector<16xf32>
        %mul3A_886 = arith.mulf %get3A_874, %mul3A_885 : vector<16xf32>
        tpu.vector_store_idx %arg16[%shift_right_arithmetic3A_880, %and3A_883, %add3A_826], %mul3A_886 : memref<8x8x129xf32, #tpu.memory_space<vmem>>[vector<16xi32>, vector<16xi32>, vector<16xi32>], vector<16xf32>,
        %scan3A_887 = arith.constant 7 : i32
        %scan3A_888 = arith.addi %scan3A_400, %scan3A_887 : i32
        %mul3A_889 = arith.constant 1 : i32
        %mul3A_890 = arith.muli %scan3A_888, %mul3A_889 : i32
        %add3A_891 = arith.constant 0 : i32
        %add3A_892 = arith.addi %add3A_891, %mul3A_890 : i32
        %broadcast_in_dim3A_893 = arith.constant 0 : i32
        %broadcast_in_dim3A_894 = vector.broadcast %broadcast_in_dim3A_893 : i32 to vector<16xi32>
        %add3A_895 = vector.broadcast %add3A_892 : i32 to vector<16xi32>
        %add3A_896 = arith.addi %broadcast_in_dim3A_894, %add3A_895 : vector<16xi32>
        %get3A_897 = arith.index_cast %add3A_892 : i32 to index
        %get3A_898 = arith.constant 0 : index
        %get3A_899 = tpu.vector_load %arg12[%get3A_897, %get3A_898] {strides = array<i32>} : memref<128x64xf32, #tpu.memory_space<vmem>>, vector<16xf32>,
        %add3A_900 = arith.constant 0 : i32
        %add3A_901 = vector.broadcast %add3A_900 : i32 to vector<16xi32>
        %add3A_902 = arith.addi %add3A_901, %iota3A : vector<16xi32>
        %shift_right_arithmetic3A_903 = arith.constant 3 : i32
        %shift_right_arithmetic3A_904 = vector.broadcast %shift_right_arithmetic3A_903 : i32 to vector<16xi32>
        %shift_right_arithmetic3A_905 = arith.shrsi %add3A_902, %shift_right_arithmetic3A_904 : vector<16xi32>
        %and3A_906 = arith.constant 7 : i32
        %and3A_907 = vector.broadcast %and3A_906 : i32 to vector<16xi32>
        %and3A_908 = arith.andi %add3A_902, %and3A_907 : vector<16xi32>
        %mul3A_909 = arith.constant 8.000000e+00 : f32
        %mul3A_910 = vector.broadcast %mul3A_909 : f32 to vector<16xf32>
        %mul3A_911 = arith.mulf %get3A_899, %mul3A_910 : vector<16xf32>
        tpu.vector_store_idx %arg16[%shift_right_arithmetic3A_905, %and3A_908, %add3A_896], %mul3A_911 : memref<8x8x129xf32, #tpu.memory_space<vmem>>[vector<16xi32>, vector<16xi32>, vector<16xi32>], vector<16xf32>,
        %get3A_912 = arith.index_cast %add3A_892 : i32 to index
        %get3A_913 = arith.constant 16 : index
        %get3A_914 = tpu.vector_load %arg12[%get3A_912, %get3A_913] {strides = array<i32>} : memref<128x64xf32, #tpu.memory_space<vmem>>, vector<16xf32>,
        %add3A_915 = arith.constant 16 : i32
        %add3A_916 = vector.broadcast %add3A_915 : i32 to vector<16xi32>
        %add3A_917 = arith.addi %add3A_916, %iota3A : vector<16xi32>
        %shift_right_arithmetic3A_918 = arith.constant 3 : i32
        %shift_right_arithmetic3A_919 = vector.broadcast %shift_right_arithmetic3A_918 : i32 to vector<16xi32>
        %shift_right_arithmetic3A_920 = arith.shrsi %add3A_917, %shift_right_arithmetic3A_919 : vector<16xi32>
        %and3A_921 = arith.constant 7 : i32
        %and3A_922 = vector.broadcast %and3A_921 : i32 to vector<16xi32>
        %and3A_923 = arith.andi %add3A_917, %and3A_922 : vector<16xi32>
        %mul3A_924 = arith.constant 8.000000e+00 : f32
        %mul3A_925 = vector.broadcast %mul3A_924 : f32 to vector<16xf32>
        %mul3A_926 = arith.mulf %get3A_914, %mul3A_925 : vector<16xf32>
        tpu.vector_store_idx %arg16[%shift_right_arithmetic3A_920, %and3A_923, %add3A_896], %mul3A_926 : memref<8x8x129xf32, #tpu.memory_space<vmem>>[vector<16xi32>, vector<16xi32>, vector<16xi32>], vector<16xf32>,
        %get3A_927 = arith.index_cast %add3A_892 : i32 to index
        %get3A_928 = arith.constant 32 : index
        %get3A_929 = tpu.vector_load %arg12[%get3A_927, %get3A_928] {strides = array<i32>} : memref<128x64xf32, #tpu.memory_space<vmem>>, vector<16xf32>,
        %add3A_930 = arith.constant 32 : i32
        %add3A_931 = vector.broadcast %add3A_930 : i32 to vector<16xi32>
        %add3A_932 = arith.addi %add3A_931, %iota3A : vector<16xi32>
        %shift_right_arithmetic3A_933 = arith.constant 3 : i32
        %shift_right_arithmetic3A_934 = vector.broadcast %shift_right_arithmetic3A_933 : i32 to vector<16xi32>
        %shift_right_arithmetic3A_935 = arith.shrsi %add3A_932, %shift_right_arithmetic3A_934 : vector<16xi32>
        %and3A_936 = arith.constant 7 : i32
        %and3A_937 = vector.broadcast %and3A_936 : i32 to vector<16xi32>
        %and3A_938 = arith.andi %add3A_932, %and3A_937 : vector<16xi32>
        %mul3A_939 = arith.constant 8.000000e+00 : f32
        %mul3A_940 = vector.broadcast %mul3A_939 : f32 to vector<16xf32>
        %mul3A_941 = arith.mulf %get3A_929, %mul3A_940 : vector<16xf32>
        tpu.vector_store_idx %arg16[%shift_right_arithmetic3A_935, %and3A_938, %add3A_896], %mul3A_941 : memref<8x8x129xf32, #tpu.memory_space<vmem>>[vector<16xi32>, vector<16xi32>, vector<16xi32>], vector<16xf32>,
        %get3A_942 = arith.index_cast %add3A_892 : i32 to index
        %get3A_943 = arith.constant 48 : index
        %get3A_944 = tpu.vector_load %arg12[%get3A_942, %get3A_943] {strides = array<i32>} : memref<128x64xf32, #tpu.memory_space<vmem>>, vector<16xf32>,
        %add3A_945 = arith.constant 48 : i32
        %add3A_946 = vector.broadcast %add3A_945 : i32 to vector<16xi32>
        %add3A_947 = arith.addi %add3A_946, %iota3A : vector<16xi32>
        %shift_right_arithmetic3A_948 = arith.constant 3 : i32
        %shift_right_arithmetic3A_949 = vector.broadcast %shift_right_arithmetic3A_948 : i32 to vector<16xi32>
        %shift_right_arithmetic3A_950 = arith.shrsi %add3A_947, %shift_right_arithmetic3A_949 : vector<16xi32>
        %and3A_951 = arith.constant 7 : i32
        %and3A_952 = vector.broadcast %and3A_951 : i32 to vector<16xi32>
        %and3A_953 = arith.andi %add3A_947, %and3A_952 : vector<16xi32>
        %mul3A_954 = arith.constant 8.000000e+00 : f32
        %mul3A_955 = vector.broadcast %mul3A_954 : f32 to vector<16xf32>
        %mul3A_956 = arith.mulf %get3A_944, %mul3A_955 : vector<16xf32>
        tpu.vector_store_idx %arg16[%shift_right_arithmetic3A_950, %and3A_953, %add3A_896], %mul3A_956 : memref<8x8x129xf32, #tpu.memory_space<vmem>>[vector<16xi32>, vector<16xi32>, vector<16xi32>], vector<16xf32>,
      }
      %scan3A_369 = arith.constant 128 : i32
      %add3A_370 = arith.addi %mul3A_2, %add3A_342 : i32
      %shift_right_arithmetic3A_371 = arith.constant 10 : i32
      %shift_right_arithmetic3A_372 = arith.shrsi %add3A_370, %shift_right_arithmetic3A_371 : i32
      %mul3A_373 = arith.constant 8 : i32
      %mul3A_374 = arith.muli %shift_right_arithmetic3A_372, %mul3A_373 : i32
      %and3A_375 = arith.constant 7 : i32
      %and3A_376 = arith.andi %add3A_370, %and3A_375 : i32
      %add3A_377 = arith.addi %mul3A_374, %and3A_376 : i32
      %shift_right_arithmetic3A_378 = arith.constant 3 : i32
      %shift_right_arithmetic3A_379 = arith.shrsi %add3A_370, %shift_right_arithmetic3A_378 : i32
      %and3A_380 = arith.constant 127 : i32
      %and3A_381 = arith.andi %shift_right_arithmetic3A_379, %and3A_380 : i32
      %dma_start3A_382 = arith.constant 0 : i32
      %dma_start3A_383 = arith.constant 0 : i32
      %dma_start3A_384 = arith.constant 0 : i32
      %dma_start3A_385 = tpu.memref_slice %arg16[%dma_start3A_382, %dma_start3A_383, %dma_start3A_384] : memref<8x8x129xf32, #tpu.memory_space<vmem>> -> memref<8x8x128xf32, #tpu.memory_space<vmem>>
      %dma_start3A_386 = arith.constant 0 : i32
      %dma_start3A_387 = arith.constant 0 : i32
      %dma_start3A_388 = arith.constant 0 : i32
      %dma_start3A_389 = tpu.memref_slice %arg4[%add3A_377, %dma_start3A_386, %and3A_381, %dma_start3A_387, %dma_start3A_388] : memref<200x8x128x8x128xf32, #tpu.memory_space<hbm>> -> memref<1x8x1x8x128xf32, #tpu.memory_space<hbm>>
      %dma_start3A_390 = tpu.memref_squeeze %dma_start3A_389 : memref<1x8x1x8x128xf32, #tpu.memory_space<hbm>> -> memref<8x8x128xf32, #tpu.memory_space<hbm>>
      %dma_start3A_391 = arith.constant 0 : i32
      %dma_start3A_392 = arith.constant 0 : i32
      %dma_start3A_393 = arith.constant 0 : i32
      %dma_start3A_394 = tpu.memref_slice %arg4[%add3A_377, %dma_start3A_391, %and3A_381, %dma_start3A_392, %dma_start3A_393] : memref<200x8x128x8x128xf32, #tpu.memory_space<hbm>> -> memref<1x8x1x8x128xf32, #tpu.memory_space<hbm>>
      %dma_start3A_395 = tpu.memref_squeeze %dma_start3A_394 : memref<1x8x1x8x128xf32, #tpu.memory_space<hbm>> -> memref<8x8x128xf32, #tpu.memory_space<hbm>>
      %dma_start3A_396 = arith.constant 0 : i32
      %dma_start3A_397 = arith.constant 0 : i32
      %dma_start3A_398 = arith.constant 0 : i32
      %dma_start3A_399 = tpu.memref_slice %arg16[%dma_start3A_396, %dma_start3A_397, %dma_start3A_398] : memref<8x8x129xf32, #tpu.memory_space<vmem>> -> memref<8x8x128xf32, #tpu.memory_space<vmem>>
      tpu.enqueue_dma source(%dma_start3A_399 : memref<8x8x128xf32, #tpu.memory_space<vmem>>) target(%dma_start3A_395 : memref<8x8x128xf32, #tpu.memory_space<hbm>>) target_semaphore(%arg28 : memref<!tpu.dma_semaphore, #tpu.memory_space<semaphore_mem>>)
    }
    %scan3A_40 = arith.constant 200 : i32
    %add3A_41 = arith.constant 796 : i32
    %add3A_42 = arith.addi %mul3A_2, %add3A_41 : i32
    %shift_right_arithmetic3A = arith.constant 10 : i32
    %shift_right_arithmetic3A_43 = arith.shrsi %add3A_42, %shift_right_arithmetic3A : i32
    %mul3A_44 = arith.constant 8 : i32
    %mul3A_45 = arith.muli %shift_right_arithmetic3A_43, %mul3A_44 : i32
    %and3A = arith.constant 7 : i32
    %and3A_46 = arith.andi %add3A_42, %and3A : i32
    %add3A_47 = arith.addi %mul3A_45, %and3A_46 : i32
    %shift_right_arithmetic3A_48 = arith.constant 3 : i32
    %shift_right_arithmetic3A_49 = arith.shrsi %add3A_42, %shift_right_arithmetic3A_48 : i32
    %and3A_50 = arith.constant 127 : i32
    %and3A_51 = arith.andi %shift_right_arithmetic3A_49, %and3A_50 : i32
    %dma_wait3A_52 = arith.constant 0 : i32
    %dma_wait3A_53 = arith.constant 0 : i32
    %dma_wait3A_54 = arith.constant 0 : i32
    %dma_wait3A_55 = tpu.memref_slice %arg13[%dma_wait3A_52, %dma_wait3A_53, %dma_wait3A_54] : memref<8x8x129xf32, #tpu.memory_space<vmem>> -> memref<8x8x128xf32, #tpu.memory_space<vmem>>
    %dma_wait3A_56 = arith.constant 0 : i32
    %dma_wait3A_57 = arith.constant 0 : i32
    %dma_wait3A_58 = arith.constant 0 : i32
    %dma_wait3A_59 = tpu.memref_slice %arg4[%add3A_47, %dma_wait3A_56, %and3A_51, %dma_wait3A_57, %dma_wait3A_58] : memref<200x8x128x8x128xf32, #tpu.memory_space<hbm>> -> memref<1x8x1x8x128xf32, #tpu.memory_space<hbm>>
    %dma_wait3A_60 = tpu.memref_squeeze %dma_wait3A_59 : memref<1x8x1x8x128xf32, #tpu.memory_space<hbm>> -> memref<8x8x128xf32, #tpu.memory_space<hbm>>
    %dma_wait3A_61 = arith.constant 0 : i32
    %dma_wait3A_62 = arith.constant 0 : i32
    %dma_wait3A_63 = arith.constant 0 : i32
    %dma_wait3A_64 = tpu.memref_slice %arg4[%add3A_47, %dma_wait3A_61, %and3A_51, %dma_wait3A_62, %dma_wait3A_63] : memref<200x8x128x8x128xf32, #tpu.memory_space<hbm>> -> memref<1x8x1x8x128xf32, #tpu.memory_space<hbm>>
    %dma_wait3A_65 = tpu.memref_squeeze %dma_wait3A_64 : memref<1x8x1x8x128xf32, #tpu.memory_space<hbm>> -> memref<8x8x128xf32, #tpu.memory_space<hbm>>
    %dma_wait3A_66 = arith.constant 0 : i32
    %dma_wait3A_67 = arith.constant 0 : i32
    %dma_wait3A_68 = arith.constant 0 : i32
    %dma_wait3A_69 = tpu.memref_slice %arg13[%dma_wait3A_66, %dma_wait3A_67, %dma_wait3A_68] : memref<8x8x129xf32, #tpu.memory_space<vmem>> -> memref<8x8x128xf32, #tpu.memory_space<vmem>>
    tpu.wait_dma2 semaphore(%arg25 : memref<!tpu.dma_semaphore, #tpu.memory_space<semaphore_mem>>) src(%dma_wait3A_69 : memref<8x8x128xf32, #tpu.memory_space<vmem>>) dst(%dma_wait3A_65 : memref<8x8x128xf32, #tpu.memory_space<hbm>>)
    %add3A_70 = arith.constant 797 : i32
    %add3A_71 = arith.addi %mul3A_2, %add3A_70 : i32
    %shift_right_arithmetic3A_72 = arith.constant 10 : i32
    %shift_right_arithmetic3A_73 = arith.shrsi %add3A_71, %shift_right_arithmetic3A_72 : i32
    %mul3A_74 = arith.constant 8 : i32
    %mul3A_75 = arith.muli %shift_right_arithmetic3A_73, %mul3A_74 : i32
    %and3A_76 = arith.constant 7 : i32
    %and3A_77 = arith.andi %add3A_71, %and3A_76 : i32
    %add3A_78 = arith.addi %mul3A_75, %and3A_77 : i32
    %shift_right_arithmetic3A_79 = arith.constant 3 : i32
    %shift_right_arithmetic3A_80 = arith.shrsi %add3A_71, %shift_right_arithmetic3A_79 : i32
    %and3A_81 = arith.constant 127 : i32
    %and3A_82 = arith.andi %shift_right_arithmetic3A_80, %and3A_81 : i32
    %dma_wait3A_83 = arith.constant 0 : i32
    %dma_wait3A_84 = arith.constant 0 : i32
    %dma_wait3A_85 = arith.constant 0 : i32
    %dma_wait3A_86 = tpu.memref_slice %arg14[%dma_wait3A_83, %dma_wait3A_84, %dma_wait3A_85] : memref<8x8x129xf32, #tpu.memory_space<vmem>> -> memref<8x8x128xf32, #tpu.memory_space<vmem>>
    %dma_wait3A_87 = arith.constant 0 : i32
    %dma_wait3A_88 = arith.constant 0 : i32
    %dma_wait3A_89 = arith.constant 0 : i32
    %dma_wait3A_90 = tpu.memref_slice %arg4[%add3A_78, %dma_wait3A_87, %and3A_82, %dma_wait3A_88, %dma_wait3A_89] : memref<200x8x128x8x128xf32, #tpu.memory_space<hbm>> -> memref<1x8x1x8x128xf32, #tpu.memory_space<hbm>>
    %dma_wait3A_91 = tpu.memref_squeeze %dma_wait3A_90 : memref<1x8x1x8x128xf32, #tpu.memory_space<hbm>> -> memref<8x8x128xf32, #tpu.memory_space<hbm>>
    %dma_wait3A_92 = arith.constant 0 : i32
    %dma_wait3A_93 = arith.constant 0 : i32
    %dma_wait3A_94 = arith.constant 0 : i32
    %dma_wait3A_95 = tpu.memref_slice %arg4[%add3A_78, %dma_wait3A_92, %and3A_82, %dma_wait3A_93, %dma_wait3A_94] : memref<200x8x128x8x128xf32, #tpu.memory_space<hbm>> -> memref<1x8x1x8x128xf32, #tpu.memory_space<hbm>>
    %dma_wait3A_96 = tpu.memref_squeeze %dma_wait3A_95 : memref<1x8x1x8x128xf32, #tpu.memory_space<hbm>> -> memref<8x8x128xf32, #tpu.memory_space<hbm>>
    %dma_wait3A_97 = arith.constant 0 : i32
    %dma_wait3A_98 = arith.constant 0 : i32
    %dma_wait3A_99 = arith.constant 0 : i32
    %dma_wait3A_100 = tpu.memref_slice %arg14[%dma_wait3A_97, %dma_wait3A_98, %dma_wait3A_99] : memref<8x8x129xf32, #tpu.memory_space<vmem>> -> memref<8x8x128xf32, #tpu.memory_space<vmem>>
    tpu.wait_dma2 semaphore(%arg26 : memref<!tpu.dma_semaphore, #tpu.memory_space<semaphore_mem>>) src(%dma_wait3A_100 : memref<8x8x128xf32, #tpu.memory_space<vmem>>) dst(%dma_wait3A_96 : memref<8x8x128xf32, #tpu.memory_space<hbm>>)
    %add3A_101 = arith.constant 798 : i32
    %add3A_102 = arith.addi %mul3A_2, %add3A_101 : i32
    %shift_right_arithmetic3A_103 = arith.constant 10 : i32
    %shift_right_arithmetic3A_104 = arith.shrsi %add3A_102, %shift_right_arithmetic3A_103 : i32
    %mul3A_105 = arith.constant 8 : i32
    %mul3A_106 = arith.muli %shift_right_arithmetic3A_104, %mul3A_105 : i32
    %and3A_107 = arith.constant 7 : i32
    %and3A_108 = arith.andi %add3A_102, %and3A_107 : i32
    %add3A_109 = arith.addi %mul3A_106, %and3A_108 : i32
    %shift_right_arithmetic3A_110 = arith.constant 3 : i32
    %shift_right_arithmetic3A_111 = arith.shrsi %add3A_102, %shift_right_arithmetic3A_110 : i32
    %and3A_112 = arith.constant 127 : i32
    %and3A_113 = arith.andi %shift_right_arithmetic3A_111, %and3A_112 : i32
    %dma_wait3A_114 = arith.constant 0 : i32
    %dma_wait3A_115 = arith.constant 0 : i32
    %dma_wait3A_116 = arith.constant 0 : i32
    %dma_wait3A_117 = tpu.memref_slice %arg15[%dma_wait3A_114, %dma_wait3A_115, %dma_wait3A_116] : memref<8x8x129xf32, #tpu.memory_space<vmem>> -> memref<8x8x128xf32, #tpu.memory_space<vmem>>
    %dma_wait3A_118 = arith.constant 0 : i32
    %dma_wait3A_119 = arith.constant 0 : i32
    %dma_wait3A_120 = arith.constant 0 : i32
    %dma_wait3A_121 = tpu.memref_slice %arg4[%add3A_109, %dma_wait3A_118, %and3A_113, %dma_wait3A_119, %dma_wait3A_120] : memref<200x8x128x8x128xf32, #tpu.memory_space<hbm>> -> memref<1x8x1x8x128xf32, #tpu.memory_space<hbm>>
    %dma_wait3A_122 = tpu.memref_squeeze %dma_wait3A_121 : memref<1x8x1x8x128xf32, #tpu.memory_space<hbm>> -> memref<8x8x128xf32, #tpu.memory_space<hbm>>
    %dma_wait3A_123 = arith.constant 0 : i32
    %dma_wait3A_124 = arith.constant 0 : i32
    %dma_wait3A_125 = arith.constant 0 : i32
    %dma_wait3A_126 = tpu.memref_slice %arg4[%add3A_109, %dma_wait3A_123, %and3A_113, %dma_wait3A_124, %dma_wait3A_125] : memref<200x8x128x8x128xf32, #tpu.memory_space<hbm>> -> memref<1x8x1x8x128xf32, #tpu.memory_space<hbm>>
    %dma_wait3A_127 = tpu.memref_squeeze %dma_wait3A_126 : memref<1x8x1x8x128xf32, #tpu.memory_space<hbm>> -> memref<8x8x128xf32, #tpu.memory_space<hbm>>
    %dma_wait3A_128 = arith.constant 0 : i32
    %dma_wait3A_129 = arith.constant 0 : i32
    %dma_wait3A_130 = arith.constant 0 : i32
    %dma_wait3A_131 = tpu.memref_slice %arg15[%dma_wait3A_128, %dma_wait3A_129, %dma_wait3A_130] : memref<8x8x129xf32, #tpu.memory_space<vmem>> -> memref<8x8x128xf32, #tpu.memory_space<vmem>>
    tpu.wait_dma2 semaphore(%arg27 : memref<!tpu.dma_semaphore, #tpu.memory_space<semaphore_mem>>) src(%dma_wait3A_131 : memref<8x8x128xf32, #tpu.memory_space<vmem>>) dst(%dma_wait3A_127 : memref<8x8x128xf32, #tpu.memory_space<hbm>>)
    %add3A_132 = arith.constant 799 : i32
    %add3A_133 = arith.addi %mul3A_2, %add3A_132 : i32
    %shift_right_arithmetic3A_134 = arith.constant 10 : i32
    %shift_right_arithmetic3A_135 = arith.shrsi %add3A_133, %shift_right_arithmetic3A_134 : i32
    %mul3A_136 = arith.constant 8 : i32
    %mul3A_137 = arith.muli %shift_right_arithmetic3A_135, %mul3A_136 : i32
    %and3A_138 = arith.constant 7 : i32
    %and3A_139 = arith.andi %add3A_133, %and3A_138 : i32
    %add3A_140 = arith.addi %mul3A_137, %and3A_139 : i32
    %shift_right_arithmetic3A_141 = arith.constant 3 : i32
    %shift_right_arithmetic3A_142 = arith.shrsi %add3A_133, %shift_right_arithmetic3A_141 : i32
    %and3A_143 = arith.constant 127 : i32
    %and3A_144 = arith.andi %shift_right_arithmetic3A_142, %and3A_143 : i32
    %dma_wait3A_145 = arith.constant 0 : i32
    %dma_wait3A_146 = arith.constant 0 : i32
    %dma_wait3A_147 = arith.constant 0 : i32
    %dma_wait3A_148 = tpu.memref_slice %arg16[%dma_wait3A_145, %dma_wait3A_146, %dma_wait3A_147] : memref<8x8x129xf32, #tpu.memory_space<vmem>> -> memref<8x8x128xf32, #tpu.memory_space<vmem>>
    %dma_wait3A_149 = arith.constant 0 : i32
    %dma_wait3A_150 = arith.constant 0 : i32
    %dma_wait3A_151 = arith.constant 0 : i32
    %dma_wait3A_152 = tpu.memref_slice %arg4[%add3A_140, %dma_wait3A_149, %and3A_144, %dma_wait3A_150, %dma_wait3A_151] : memref<200x8x128x8x128xf32, #tpu.memory_space<hbm>> -> memref<1x8x1x8x128xf32, #tpu.memory_space<hbm>>
    %dma_wait3A_153 = tpu.memref_squeeze %dma_wait3A_152 : memref<1x8x1x8x128xf32, #tpu.memory_space<hbm>> -> memref<8x8x128xf32, #tpu.memory_space<hbm>>
    %dma_wait3A_154 = arith.constant 0 : i32
    %dma_wait3A_155 = arith.constant 0 : i32
    %dma_wait3A_156 = arith.constant 0 : i32
    %dma_wait3A_157 = tpu.memref_slice %arg4[%add3A_140, %dma_wait3A_154, %and3A_144, %dma_wait3A_155, %dma_wait3A_156] : memref<200x8x128x8x128xf32, #tpu.memory_space<hbm>> -> memref<1x8x1x8x128xf32, #tpu.memory_space<hbm>>
    %dma_wait3A_158 = tpu.memref_squeeze %dma_wait3A_157 : memref<1x8x1x8x128xf32, #tpu.memory_space<hbm>> -> memref<8x8x128xf32, #tpu.memory_space<hbm>>
    %dma_wait3A_159 = arith.constant 0 : i32
    %dma_wait3A_160 = arith.constant 0 : i32
    %dma_wait3A_161 = arith.constant 0 : i32
    %dma_wait3A_162 = tpu.memref_slice %arg16[%dma_wait3A_159, %dma_wait3A_160, %dma_wait3A_161] : memref<8x8x129xf32, #tpu.memory_space<vmem>> -> memref<8x8x128xf32, #tpu.memory_space<vmem>>
    tpu.wait_dma2 semaphore(%arg28 : memref<!tpu.dma_semaphore, #tpu.memory_space<semaphore_mem>>) src(%dma_wait3A_162 : memref<8x8x128xf32, #tpu.memory_space<vmem>>) dst(%dma_wait3A_158 : memref<8x8x128xf32, #tpu.memory_space<hbm>>)
    return
  }
}

</mosaic_0001>

<sc_bundles>
// kernel: _embed_lookup.3.cloned.1.call-start
scs
__scs_entry_jumppad:
0x0: {  	(pc) =	sbr.rel $0x88, $3  }
0x1: {  	(tag) =	ssettag $0x0;
	lr =	simm.s32 $0x1  }
0x2: {  	[smem:$0x3F9F] =	sst lr;
	_ =	strace $0xD0000000  }
0x3: {  	_ = 	snop  }
0x4: {  	_ = 	snop  }
0x5: {  	_ = 	snop  }
0x6: {  	_ = 	snop  }
0x7: {  	_ = 	snop  }
__scs_overlays_trampoline_lowered:
0x8: {  	[smem:$0x3FAE] =	sst s0  }
0x9: {  	[smem:$0x3FAF] =	sst s1  }
0xa: {  	[smem:$0x3FB0] =	sst s2  }
0xb: {  	[smem:$0x3FB1] =	sst s3  }
0xc: {  	[smem:$0x3FB2] =	sst s4  }
0xd: {  	[smem:$0x3FB3] =	sst s5  }
0xe: {  	[smem:$0x3FB4] =	sst s6  }
0xf: {  	[smem:$0x3FB5] =	sst s7  }
0x10: {  	[smem:$0x3FB6] =	sst s8  }
0x11: {  	[smem:$0x3FB7] =	sst s9;
	s0 =	simm.s32 @!p0 $0x0  }
0x12: {  	s1 =	sld [smem:$0x3F9D];
	s0 =	simm.s32 @p0 $0x1  }
0x13: {  	[smem:$0x3FB8] =	sst s0;
	s0 =	simm.s32 @!p1 $0x0  }
0x14: {  	s2 =	sld [smem:$0x3F9C];
	s0 =	simm.s32 @p1 $0x1  }
0x15: {  	[smem:$0x3FB9] =	sst s0;
	s0 =	simm.s32 @!p2 $0x0  }
0x16: {  	s3 =	sld [smem:$0x3FDB];
	s0 =	simm.s32 @p2 $0x1  }
0x17: {  	s4 =	simm.s32 $0x1BF5;
	[smem:$0x3FBB] =	sst s0  }
0x18: {  	s0 =	sld [smem:$0x3F9E];
	_ =	swait.ge [sflag:s4], $0x0  }
0x19: {  	s7 =	sld [smem:$0x3F9F]  }
0x1a: {  	s8 =	sadd.s32 $0xFFFFE003, lr  }
0x1b: {  	s9 =	sadd.s32 $0xFFFFFEF7, lr;
	s5 =	simm.s32 $0xFFFFFFFF;
	p2 =	slt.u32 s8, $0xFFFFF086  }
0x1c: {  	p1 =	slt.u32 s9, $0xF7A;
	s5 =	simm.s32 @!p2 $0x0  }
0x1d: {  	s5 =	simm.s32 @p1 $0x1;
	p0 =	seq.s32 s7, s2  }
0x1e: {  	s7 =	smul.u32 @!p0 $0xF7A, s2;
	p2 =	seq.s32 @!p0 s5, $0x0  }
0x1f: {  	s9 =	smul.u32 $0xF7A, s1;
	s8 =	simm.s32 @!p0 $0x1BF5;
	p2 =	por !p2, p0  }
0x20: {  	[sflag:s8] =	ssyncset.s32 @!p0 $0xFFFFF086;
	s6 =	sadd.s32 @!p0 s3, s7;
	s7 =	simm.s32 @!p0 $0x108  }
0x21: {  	s3 =	sadd.s32 s3, s9;
	s6 =	sadd.s32 @!p0 $0x88, s6;
	s7 =	simm.s32 @p2 $0x1082  }
0x22: {  	[simem:s7], [sflag:s8] =	dma.local @!p0 [hbm:s6], $0xF7A  }
0x23: {  	s9 =	sor.u32 $0xD0000000, s2;
	s6 =	simm.s32 $0x108;
	_ =	swait.ge @!p0 [sflag:s8], $0x0  }
0x24: {  	s3 =	sadd.s32 $0x88, s3;
	s6 =	simm.s32 @!p1 $0x1082;
	[sflag:s4] =	ssyncset.s32 $0xFFFFF086  }
0x25: {  	[simem:s6], [sflag:s4] =	dma.local [hbm:s3], $0xF7A  }
0x26: {  	[smem:$0x3F9F] =	sst s1;
	(tag) =	ssettag s2;
	_ =	strace s9  }
0x27: {  	s1 =	sld [smem:$0x3FAF]  }
0x28: {  	s2 =	sld [smem:$0x3FB0]  }
0x29: {  	s4 =	sld [smem:$0x3FB2]  }
0x2a: {  	p0 =	seq.s32 s5, $0x0;
	s5 =	sld [smem:$0x3FB3]  }
0x2b: {  	s6 =	sld [smem:$0x3FB4]  }
0x2c: {  	s7 =	sld [smem:$0x3FB5]  }
0x2d: {  	s3 =	simm.s32 $0x108;
	s8 =	sld [smem:$0x3FB6]  }
0x2e: {  	s3 =	simm.s32 @!p0 $0x1082;
	s9 =	sld [smem:$0x3FB7]  }
0x2f: {  	lr =	sadd.s32 s0, s3;
	s0 =	sld [smem:$0x3FAE]  }
0x30: {  	s3 =	sld [smem:$0x3FB1]  }
0x31: {  	[smem:$0x3FBA] =	sst s10  }
0x32: {  	s10 =	sld [smem:$0x3FB8];
	_ =	sdelay $0x3  }
0x33: {  	p0 =	seq.s32 s10, $0x1;
	s10 =	sld [smem:$0x3FBA];
	_ =	sdelay $0x3  }
0x34: {  	[smem:$0x3FBA] =	sst s10  }
0x35: {  	s10 =	sld [smem:$0x3FB9];
	_ =	sdelay $0x3  }
0x36: {  	p1 =	seq.s32 s10, $0x1;
	s10 =	sld [smem:$0x3FBA];
	_ =	sdelay $0x3  }
0x37: {  	[smem:$0x3FBA] =	sst s10  }
0x38: {  	s10 =	sld [smem:$0x3FBB]  }
0x39: {  	_ = 	snop;
	(pc) =	sbr.ind lr, $3  }
0x3a: {  	_ = 	snop  }
0x3b: {  	_ = 	snop  }
0x3c: {  	p2 =	seq.s32 s10, $0x1;
	s10 =	sld [smem:$0x3FBA]  }
0x3d: {  	_ =	shalt  }
0x3e: {  	_ =	shalt  }
0x3f: {  	_ =	shalt  }
0x40: {  	_ =	shalt  }
0x41: {  	_ =	shalt  }
0x42: {  	_ =	shalt  }
0x43: {  	_ =	shalt  }
0x44: {  	_ =	shalt  }
0x45: {  	_ =	shalt  }
0x46: {  	_ =	shalt  }
0x47: {  	_ =	shalt  }
0x48: {  	_ =	shalt  }
0x49: {  	_ =	shalt  }
0x4a: {  	_ =	shalt  }
0x4b: {  	_ =	shalt  }
0x4c: {  	_ =	shalt  }
0x4d: {  	_ =	shalt  }
0x4e: {  	_ =	shalt  }
0x4f: {  	_ =	shalt  }
0x50: {  	_ =	shalt  }
0x51: {  	_ =	shalt  }
0x52: {  	_ =	shalt  }
0x53: {  	_ =	shalt  }
0x54: {  	_ =	shalt  }
0x55: {  	_ =	shalt  }
0x56: {  	_ =	shalt  }
0x57: {  	_ =	shalt  }
0x58: {  	_ =	shalt  }
0x59: {  	_ =	shalt  }
0x5a: {  	_ =	shalt  }
0x5b: {  	_ =	shalt  }
0x5c: {  	_ =	shalt  }
0x5d: {  	_ =	shalt  }
0x5e: {  	_ =	shalt  }
0x5f: {  	_ =	shalt  }
0x60: {  	_ =	shalt  }
0x61: {  	_ =	shalt  }
0x62: {  	_ =	shalt  }
0x63: {  	_ =	shalt  }
0x64: {  	_ =	shalt  }
0x65: {  	_ =	shalt  }
0x66: {  	_ =	shalt  }
0x67: {  	_ =	shalt  }
0x68: {  	_ =	shalt  }
0x69: {  	_ =	shalt  }
0x6a: {  	_ =	shalt  }
0x6b: {  	_ =	shalt  }
0x6c: {  	_ =	shalt  }
0x6d: {  	_ =	shalt  }
0x6e: {  	_ =	shalt  }
0x6f: {  	_ =	shalt  }
0x70: {  	_ =	shalt  }
0x71: {  	_ =	shalt  }
0x72: {  	_ =	shalt  }
0x73: {  	_ =	shalt  }
0x74: {  	_ =	shalt  }
0x75: {  	_ =	shalt  }
0x76: {  	_ =	shalt  }
0x77: {  	_ =	shalt  }
0x78: {  	_ =	shalt  }
0x79: {  	_ =	shalt  }
0x7a: {  	_ =	shalt  }
0x7b: {  	_ =	shalt  }
0x7c: {  	_ =	shalt  }
0x7d: {  	_ =	shalt  }
0x7e: {  	_ =	shalt  }
0x7f: {  	_ =	shalt  }
0x80: {  	_ =	shalt  }
0x81: {  	_ =	shalt  }
0x82: {  	_ =	shalt  }
0x83: {  	_ =	shalt  }
0x84: {  	_ =	shalt  }
0x85: {  	_ =	shalt  }
0x86: {  	_ =	shalt  }
0x87: {  	_ =	shalt  }
.Lfunc_end0:
.L_simem_size_0:
called_computation_lowered:
.L_overlay_start_0:
0x88: {  	s2 =	sld [smem:$0x3FD9]  }
0x89: {  	s3 =	sld [smem:$0x3FFE];
	_ =	sdelay $0x1  }
0x8a: {  	s1 =	srdreg.scid  }
0x8b: {  	s0 =	sand.u32 $0x1, s1  }
0x8c: {  	s17 =	sshll.u32 s0, $0xA;
	s2 =	sadd.s32 s3, s2  }
0x8d: {  	s2 =	sadd.s32 s2, s17  }
0x8e: {  	[smem:$0x3FC6] =	sst s2  }
0x8f: {  	_ = 	snop  }
0x90: {  	s2 =	sld [smem:$0x3FC9]  }
0x91: {  	s18 =	sld [smem:$0x3FD0];
	(tm) =	ssettm $0x1  }
0x92: {  	s4 =	sld [smem:$0x3FFB];
	_ =	sdelay $0x3  }
0x93: {  	_ =	strace s4  }
0x94: {  	s4 =	sld [smem:$0x3FFC];
	_ =	sdelay $0x3  }
0x95: {  	_ =	strace s4  }
0x96: {  	s4 =	sld [smem:$0x3FFD];
	_ =	sdelay $0x3  }
0x97: {  	_ =	strace s4  }
0x98: {  	_ =	strace $0x8FFFFFFF  }
0x99: {  	s19 =	sld [smem:$0x3FDB];
	_ =	sdelay $0x1  }
0x9a: {  	s5 =	simm.s32 $_scs_section_size  }
0x9b: {  	s6 =	simm.s32 $_size__tile_overlayer_lowered;
	s7 =	simm.s32 $_tile_overlayer_lowered  }
0x9c: {  	s22 =	simm.s32 $0x1BFF;
	s21 =	sshll.u32 s7, $0x1;
	s4 =	sadd.s32 s5, s19  }
0x9d: {  	s8 =	simm.s32 $0x0;
	s20 =	sshll.u32 s6, $0x1;
	s6 =	sadd.s32 s21, s4  }
0x9e: {  	[timem:s8], [sflag:s22] =	dma.local [hbm:s6], s20  }
0x9f: {  	_ =	swait.ge [sflag:s22], s20  }
0xa0: {  	s5 =	ssub.s32 $0x0, s20;
	[sflag:s22] =	ssyncset.done $0x0  }
0xa1: {  	[sflag:s22] =	ssyncadd.s32 s5;
	_ =	sdelay $0x1  }
0xa2: {  	s23 =	simm.s32 $0x1B8B  }
0xa3: {  	_ =	swait.ge [sflag:s23], $0x1  }
0xa4: {  	[sflag:s23] =	ssyncset.done $0x0  }
0xa5: {  	s25 =	simm.s32 $0x1B8E;
	s24 =	sld [smem:$0x3FFE];
	[sflag:s23] =	ssyncadd.s32 $0xFFFFFFFF  }
0xa6: {  	s26 =	simm.s32 $execute0_lowered;
	[smem:$0x3FD2] =	sst s25  }
0xa7: {  	s6 =	sshll.u32 s26, $0x1;
	_ =	strace $0x80000046;
	[dreg:$0x1] =	wrdreg $0xFFFFFFFF  }
0xa8: {  	s28 =	simm.s32 $_size_execute0_lowered;
	s4 =	sadd.s32 s4, s6;
	[dreg:$0x0] =	wrdreg $0x0  }
0xa9: {  	s6 =	sshll.u32 s28, $0x1;
	[dreg:$0x2] =	wrdreg s4  }
0xaa: {  	[dreg:$0x3] =	wrdreg s6  }
0xab: {  	[dreg:$0x4] =	wrdreg $0xC0  }
0xac: {  	_ =	task [dreg:s8], $0x5FFFF  }
0xad: {  	[dreg:$0x1] =	wrdreg $0xFFFFFFFF  }
0xae: {  	[dreg:$0x0] =	wrdreg $0x60  }
0xaf: {  	[dreg:$0x2] =	wrdreg s2  }
0xb0: {  	[dreg:$0x3] =	wrdreg s24  }
0xb1: {  	[dreg:$0x4] =	wrdreg s18  }
0xb2: {  	[dreg:$0x5] =	wrdreg $0x9  }
0xb3: {  	_ =	task.clear_ibuf [dreg:s8], $0x6FFFF;
	_ =	strace $0x90000046  }
0xb4: {  	s29 =	simm.s32 $0x9;
	_ =	strace $0x80000048  }
0xb5: {  	_ =	swait.ge [sflag:s29], $0x1  }
0xb6: {  	[sflag:s29] =	ssyncadd.s32 $0xFFFFFFFF  }
0xb7: {  	_ =	strace $0x90000048  }
0xb8: {  	_ =	sfence  }
0xb9: {  	s30 =	sld [smem:$0x0];
	_ =	sdelay $0x2  }
0xba: {  	s31 =	sshll.u32 s1, $0xD;
	s1 =	sshrl.u32 s1, $0x2  }
0xbb: {  	s3 =	sand.u32 $0x4000, s31;
	s1 =	sadd.s32 s1, s30  }
0xbc: {  	s0 =	sor.u32 s3, s0;
	s1 =	sshll.u32 s1, $0x11  }
0xbd: {  	s0 =	sor.u32 s1, s0  }
0xbe: {  	s0 =	sadd.s32 $0x8F2B, s0  }
0xbf: {  	[sflag:s0] =	ssyncadd.remote.s32 $0x1  }
0xc0: {  	_ =	sfence.sel $0xFFFF  }
0xc1: {  	[dreg:$0x0] =	wrdreg $0xFFFFFFFF;
	(pc) =	sbr.abs _section_cstart, $3  }
0xc2: {  	[dreg:$0x1] =	wrdreg $0xFFFFFFFF  }
0xc3: {  	_ =	task.clear_ibuf [dreg:s8], $0x2FFFF;
	_ =	strace $0x9FFFFFFF  }
0xc4: {  	(tm) =	ssettm $0x7FFFFFFF  }
0xc5: {  	_ =	shalt  }
tec
execute0_lowered:
.L_overlay_start_1:
0x0: {  	(tag) =	ssettag $0x1  }
0x1: {  	s1 =	rddreg [dreg:$0x0]  }
0x2: {  	s0 =	rddreg [dreg:$0x1];
	s2 =	srdreg.scid;
	v0 =	vlaneseq.u32  }
0x3: {  	s4 =	stileid.u32;
	s3 =	rddreg [dreg:$0x2];
	s14 =	simm.s32 $0x80;
	v0 =	vmul.u32 $0x88, v0  }
0x4: {  	v1 =	vimm.s32 $0x0;
	vm0 =	vcmask $0x300;
	s20 =	simm.s32 $0x180;
	s21 =	simm.s32 $0x3;
	s23 =	simm.s32 $0x5  }
0x5: {  	s28 =	simm.s32 $0x6;
	s29 =	simm.s32 $0xA400;
	s30 =	simm.s32 $0x7;
	v1 =	vsel vm0, $0x3, v1;
	v2 =	vadd.s32 $0x880, v0  }
0x6: {  	s31 =	simm.s32 $0xC600;
	s2 =	sand.u32 $0x1, s2;
	s5 =	sshll.u32 s4, $0x1;
	v3 =	vadd.s32 $0x1100, v0;
	v4 =	vadd.s32 $0x1980, v0;
	v5 =	vor.u32 $0x1, v0  }
0x7: {  	s9 =	simm.s32 $0x0;
	s4 =	simm.s32 $0x0;
	s5 =	sor.u32 s2, s5;
	v6 =	vadd.s32 $0x881, v0;
	v7 =	vadd.s32 $0x1101, v0;
	v8 =	vadd.s32 $0x1981, v0  }
0x8: {  	s6 =	sadd.s32 $0x400, s0;
	s2 =	ssub.s32 $0x2, s2;
	s7 =	smul.u32 $0x3200, s5;
	v9 =	vor.u32 $0x2, v0;
	v10 =	vadd.s32 $0x882, v0;
	v11 =	vadd.s32 $0x1102, v0  }
0x9: {  	[smem:$0x7FF] =	sst s4;
	s8 =	sshrl.u32 s2, $0x1;
	s5 =	smul.u32 $0x320, s5;
	v12 =	vadd.s32 $0x1982, v0;
	v13 =	vor.u32 $0x3, v0;
	v14 =	vadd.s32 $0x883, v0  }
0xa: {  	_ =	strace $0x80000047;
	v15 =	vadd.s32 $0x1103, v0;
	v16 =	vadd.s32 $0x1983, v0;
	v17 =	vor.u32 $0x4, v0;
	s24 =	ssub.s32 s2, s8;
	s25 =	sadd.s32 s1, s7  }
0xb: {  	v18 =	vadd.s32 $0x884, v0;
	v19 =	vadd.s32 $0x1104, v0;
	v20 =	vadd.s32 $0x1984, v0;
	s26 =	sor.u32 $0x4, s5;
	s11 =	sor.u32 $0x5, s5;
	[dreg:$0x4] =	wrdreg s25  }
0xc: {  	v21 =	vor.u32 $0x5, v0;
	v22 =	vadd.s32 $0x885, v0;
	v23 =	vadd.s32 $0x1105, v0;
	s12 =	sor.u32 $0x6, s5;
	s0 =	smax.u32 s24, $0x1;
	[dreg:$0x7] =	wrdreg s26  }
0xd: {  	v24 =	vadd.s32 $0x1985, v0;
	v25 =	vor.u32 $0x6, v0;
	v26 =	vadd.s32 $0x886, v0;
	s24 =	simm.s32 $0x8200;
	s7 =	sadd.s32 $0x10, s25;
	[dreg:$0x8] =	wrdreg s0  }
0xe: {  	v27 =	vadd.s32 $0x1106, v0;
	v28 =	vadd.s32 $0x1986, v0;
	v29 =	vor.u32 $0x7, v0;
	s2 =	sadd.s32 $0x20, s25;
	s25 =	simm.s32 $0x4;
	[dreg:$0x5] =	wrdreg s7  }
0xf: {  	v30 =	vadd.s32 $0x887, v0;
	v31 =	vadd.s32 $0x1107, v0;
	v32 =	vadd.s32 $0x1987, v0;
	s0 =	simm.s32 $0xE800;
	[dreg:$0x6] =	wrdreg s2;
	s2 =	simm.s32 $0x8  }
.LBB2_1:
0x10: {  	[dreg:$0x9] =	wrdreg s9  }
0x11: {  	s7 =	rddreg [dreg:$0x4]  }
0x12: {  	[tilespmem:s4], [sflag:$0x1] =	stream.linear.gather [hbm4b:s7+s4], $0x80, $0x38;
	[tilespmem:$0x10A00] =	vst v63  }
0x13: {  	s16 =	rddreg [dreg:$0x5]  }
0x14: {  	[tilespmem:s14], [sflag:$0x2] =	stream.linear.gather [hbm4b:s16+s4], $0x80, $0x38;
	[tilespmem:$0x10A00] =	vst v63  }
0x15: {  	s17 =	rddreg [dreg:$0x6];
	s8 =	simm.s32 $0x100;
	s18 =	simm.s32 $0x1  }
0x16: {  	[tilespmem:s8], [sflag:$0x3] =	stream.linear.gather [hbm4b:s17+s4], $0x80, $0x38;
	[tilespmem:$0x10A00] =	vst v63  }
0x17: {  	_ =	swait.ge [sflag:s18], $0x80  }
0x18: {  	[sflag:s18] =	ssyncset.done $0x0  }
0x19: {  	s19 =	simm.s32 $0x200;
	s22 =	simm.s32 $0x2;
	[sflag:s18] =	ssyncadd.s32 $0xFFFFFF80  }
0x1a: {  	[tilespmem:s19], [sflag:$0x5] =	stream.indirect.gather [hbm4b:s6+s14], $0x40, s4, s14, $0xb8;
	[tilespmem:$0x10A00] =	vst v63  }
0x1b: {  	_ =	swait.ge [sflag:s22], $0x80  }
0x1c: {  	[sflag:s22] =	ssyncset.done $0x0  }
0x1d: {  	s26 =	simm.s32 $0x2200;
	s7 =	simm.s32 $0x0;
	[sflag:s22] =	ssyncadd.s32 $0xFFFFFF80  }
0x1e: {  	[tilespmem:s26], [sflag:$0x6] =	stream.indirect.gather [hbm4b:s6+s14], $0x40, s14, s14, $0xb8;
	[tilespmem:$0x10A00] =	vst v63  }
.LBB2_2:
0x1f: {  	s18 =	sshllo.u32 s7, $0x2  }
0x20: {  	s16 =	sadd.s32 s5, s18  }
0x21: {  	s8 =	sshll.u32 s16, $0x4  }
0x22: {  	s8 =	sand.u32 $0x1FFFFFF0, s8  }
0x23: {  	s8 =	sadd.s32 s1, s8  }
0x24: {  	[tilespmem:s20], [sflag:$0x4] =	stream.linear.gather [hbm4b:s8+s4], $0x80, $0x38;
	[tilespmem:$0x10A00] =	vst v63  }
0x25: {  	_ =	swait.ge [sflag:s21], $0x80  }
0x26: {  	s22 =	simm.s32 $0x100;
	p1 =	seq.s32 s7, $0x0;
	[sflag:s21] =	ssyncset.done $0x0  }
0x27: {  	s9 =	simm.s32 $0x4200;
	s8 =	simm.s32 @!p1 $0x9;
	[sflag:s21] =	ssyncadd.s32 $0xFFFFFF80  }
0x28: {  	[tilespmem:s9], [sflag:$0x7] =	stream.indirect.gather [hbm4b:s6+s14], $0x40, s22, s14, $0xb8;
	[tilespmem:$0x10A00] =	vst v63  }
0x29: {  	_ =	swait.ge @!p1 [sflag:s8], $0x2000  }
0x2a: {  	[sflag:s8] =	ssyncset.done @!p1 $0x0  }
0x2b: {  	s26 =	simm.s32 $0x0;
	[sflag:s8] =	ssyncadd.s32 @!p1 $0xFFFFE000  }
0x2c: {  	v33 =	vmov s26;
	_ =	swait.ge [sflag:s23], $0x2000  }
0x2d: {  	v33 =	vshrl.u32 v33, $0x3;
	[sflag:s23] =	ssyncset.done $0x0  }
0x2e: {  	s13 =	simm.s32 $0x300;
	v33 =	vshll.u32 v33, v1;
	[sflag:s23] =	ssyncadd.s32 $0xFFFFE000  }
0x2f: {  	v33 =	vbroadcast v33, $0x0;
	v34 =	vld [tilespmem:s13+$0xFFFFFF00];
	_ =	sdelay $0x1  }
0x30: {  	v35 =	vadd.s32 v0, v33;
	_ =	sdelay $0x2  }
0x31: {  	v34 =	vmul.f32 $8.000000000e+00, v34;
	_ =	sdelay $0x1  }
0x32: {  	[tilespmem:v35+s24+$0x0] =	vst.idx.msk $0xffff, v34  }
0x33: {  	v34 =	vld [tilespmem:s13+$0xFFFFFF10];
	_ =	sdelay $0x1  }
0x34: {  	v54 =	vadd.s32 v2, v33;
	_ =	sdelay $0x2  }
0x35: {  	v34 =	vmul.f32 $8.000000000e+00, v34;
	_ =	sdelay $0x1  }
0x36: {  	[tilespmem:v54+s24+$0x0] =	vst.idx.msk $0xffff, v34  }
0x37: {  	v34 =	vld [tilespmem:s13+$0xFFFFFF20];
	_ =	sdelay $0x1  }
0x38: {  	v55 =	vadd.s32 v3, v33;
	_ =	sdelay $0x2  }
0x39: {  	v34 =	vmul.f32 $8.000000000e+00, v34;
	_ =	sdelay $0x1  }
0x3a: {  	[tilespmem:v55+s24+$0x0] =	vst.idx.msk $0xffff, v34  }
0x3b: {  	v34 =	vld [tilespmem:s13+$0xFFFFFF30];
	_ =	sdelay $0x1  }
0x3c: {  	v33 =	vadd.s32 v4, v33;
	_ =	sdelay $0x1  }
0x3d: {  	s9 =	simm.s32 $0x1  }
0x3e: {  	v56 =	vmov s9;
	v34 =	vmul.f32 $8.000000000e+00, v34  }
0x3f: {  	v35 =	vshrl.u32 v56, $0x3  }
0x40: {  	v57 =	vshll.u32 v35, v1;
	[tilespmem:v33+s24+$0x0] =	vst.idx.msk $0xffff, v34  }
0x41: {  	v33 =	vbroadcast v57, $0x0;
	v34 =	vld [tilespmem:s13+$0xFFFFFF40];
	_ =	sdelay $0x1  }
0x42: {  	v58 =	vadd.s32 v5, v33;
	_ =	sdelay $0x2  }
0x43: {  	v34 =	vmul.f32 $8.000000000e+00, v34;
	_ =	sdelay $0x1  }
0x44: {  	[tilespmem:v58+s24+$0x0] =	vst.idx.msk $0xffff, v34  }
0x45: {  	v34 =	vld [tilespmem:s13+$0xFFFFFF50];
	_ =	sdelay $0x1  }
0x46: {  	v59 =	vadd.s32 v6, v33;
	_ =	sdelay $0x2  }
0x47: {  	v34 =	vmul.f32 $8.000000000e+00, v34;
	_ =	sdelay $0x1  }
0x48: {  	[tilespmem:v59+s24+$0x0] =	vst.idx.msk $0xffff, v34  }
0x49: {  	v34 =	vld [tilespmem:s13+$0xFFFFFF60];
	_ =	sdelay $0x1  }
0x4a: {  	v60 =	vadd.s32 v7, v33;
	_ =	sdelay $0x2  }
0x4b: {  	v34 =	vmul.f32 $8.000000000e+00, v34;
	_ =	sdelay $0x1  }
0x4c: {  	[tilespmem:v60+s24+$0x0] =	vst.idx.msk $0xffff, v34  }
0x4d: {  	v34 =	vld [tilespmem:s13+$0xFFFFFF70];
	_ =	sdelay $0x1  }
0x4e: {  	v33 =	vadd.s32 v8, v33;
	_ =	sdelay $0x1  }
0x4f: {  	s10 =	simm.s32 $0x2  }
0x50: {  	v61 =	vmov s10;
	v34 =	vmul.f32 $8.000000000e+00, v34  }
0x51: {  	v35 =	vshrl.u32 v61, $0x3  }
0x52: {  	v62 =	vshll.u32 v35, v1;
	[tilespmem:v33+s24+$0x0] =	vst.idx.msk $0xffff, v34  }
0x53: {  	v33 =	vbroadcast v62, $0x0;
	v34 =	vld [tilespmem:s13+$0xFFFFFF80];
	_ =	sdelay $0x1  }
0x54: {  	v63 =	vadd.s32 v9, v33;
	_ =	sdelay $0x2  }
0x55: {  	v34 =	vmul.f32 $8.000000000e+00, v34;
	_ =	sdelay $0x1  }
0x56: {  	[tilespmem:v63+s24+$0x0] =	vst.idx.msk $0xffff, v34  }
0x57: {  	v34 =	vld [tilespmem:s13+$0xFFFFFF90];
	_ =	sdelay $0x1  }
0x58: {  	v36 =	vadd.s32 v10, v33;
	_ =	sdelay $0x2  }
0x59: {  	v34 =	vmul.f32 $8.000000000e+00, v34;
	_ =	sdelay $0x1  }
0x5a: {  	[tilespmem:v36+s24+$0x0] =	vst.idx.msk $0xffff, v34  }
0x5b: {  	v34 =	vld [tilespmem:s13+$0xFFFFFFA0];
	_ =	sdelay $0x1  }
0x5c: {  	v37 =	vadd.s32 v11, v33;
	_ =	sdelay $0x2  }
0x5d: {  	v34 =	vmul.f32 $8.000000000e+00, v34;
	_ =	sdelay $0x1  }
0x5e: {  	[tilespmem:v37+s24+$0x0] =	vst.idx.msk $0xffff, v34  }
0x5f: {  	v34 =	vld [tilespmem:s13+$0xFFFFFFB0];
	_ =	sdelay $0x1  }
0x60: {  	v33 =	vadd.s32 v12, v33;
	_ =	sdelay $0x1  }
0x61: {  	s15 =	simm.s32 $0x3  }
0x62: {  	v38 =	vmov s15;
	v34 =	vmul.f32 $8.000000000e+00, v34  }
0x63: {  	v35 =	vshrl.u32 v38, $0x3  }
0x64: {  	v39 =	vshll.u32 v35, v1;
	[tilespmem:v33+s24+$0x0] =	vst.idx.msk $0xffff, v34  }
0x65: {  	v33 =	vbroadcast v39, $0x0;
	v34 =	vld [tilespmem:s13+$0xFFFFFFC0];
	_ =	sdelay $0x1  }
0x66: {  	v40 =	vadd.s32 v13, v33;
	_ =	sdelay $0x2  }
0x67: {  	v34 =	vmul.f32 $8.000000000e+00, v34;
	_ =	sdelay $0x1  }
0x68: {  	[tilespmem:v40+s24+$0x0] =	vst.idx.msk $0xffff, v34  }
0x69: {  	v34 =	vld [tilespmem:s13+$0xFFFFFFD0];
	_ =	sdelay $0x1  }
0x6a: {  	v41 =	vadd.s32 v14, v33;
	_ =	sdelay $0x2  }
0x6b: {  	v34 =	vmul.f32 $8.000000000e+00, v34;
	_ =	sdelay $0x1  }
0x6c: {  	[tilespmem:v41+s24+$0x0] =	vst.idx.msk $0xffff, v34  }
0x6d: {  	v34 =	vld [tilespmem:s13+$0xFFFFFFE0];
	_ =	sdelay $0x1  }
0x6e: {  	v42 =	vadd.s32 v15, v33;
	_ =	sdelay $0x2  }
0x6f: {  	v34 =	vmul.f32 $8.000000000e+00, v34;
	_ =	sdelay $0x1  }
0x70: {  	[tilespmem:v42+s24+$0x0] =	vst.idx.msk $0xffff, v34  }
0x71: {  	v34 =	vld [tilespmem:s13+$0xFFFFFFF0];
	_ =	sdelay $0x1  }
0x72: {  	v33 =	vadd.s32 v16, v33;
	_ =	sdelay $0x1  }
0x73: {  	s17 =	simm.s32 $0x4  }
0x74: {  	v43 =	vmov s17;
	v34 =	vmul.f32 $8.000000000e+00, v34  }
0x75: {  	v35 =	vshrl.u32 v43, $0x3  }
0x76: {  	v44 =	vshll.u32 v35, v1;
	[tilespmem:v33+s24+$0x0] =	vst.idx.msk $0xffff, v34  }
0x77: {  	v33 =	vbroadcast v44, $0x0;
	v34 =	vld [tilespmem:s13+$0x0];
	_ =	sdelay $0x1  }
0x78: {  	v45 =	vadd.s32 v17, v33;
	_ =	sdelay $0x2  }
0x79: {  	v34 =	vmul.f32 $8.000000000e+00, v34;
	_ =	sdelay $0x1  }
0x7a: {  	[tilespmem:v45+s24+$0x0] =	vst.idx.msk $0xffff, v34  }
0x7b: {  	v34 =	vld [tilespmem:s13+$0x10];
	_ =	sdelay $0x1  }
0x7c: {  	v46 =	vadd.s32 v18, v33;
	_ =	sdelay $0x2  }
0x7d: {  	v34 =	vmul.f32 $8.000000000e+00, v34;
	_ =	sdelay $0x1  }
0x7e: {  	[tilespmem:v46+s24+$0x0] =	vst.idx.msk $0xffff, v34  }
0x7f: {  	v34 =	vld [tilespmem:s13+$0x20];
	_ =	sdelay $0x1  }
0x80: {  	v47 =	vadd.s32 v19, v33;
	_ =	sdelay $0x2  }
0x81: {  	v34 =	vmul.f32 $8.000000000e+00, v34;
	_ =	sdelay $0x1  }
0x82: {  	[tilespmem:v47+s24+$0x0] =	vst.idx.msk $0xffff, v34  }
0x83: {  	v34 =	vld [tilespmem:s13+$0x30];
	_ =	sdelay $0x1  }
0x84: {  	v33 =	vadd.s32 v20, v33;
	_ =	sdelay $0x1  }
0x85: {  	s19 =	simm.s32 $0x5  }
0x86: {  	v48 =	vmov s19;
	v34 =	vmul.f32 $8.000000000e+00, v34  }
0x87: {  	v35 =	vshrl.u32 v48, $0x3  }
0x88: {  	v49 =	vshll.u32 v35, v1;
	[tilespmem:v33+s24+$0x0] =	vst.idx.msk $0xffff, v34  }
0x89: {  	v33 =	vbroadcast v49, $0x0;
	v34 =	vld [tilespmem:s13+$0x40];
	_ =	sdelay $0x1  }
0x8a: {  	v50 =	vadd.s32 v21, v33;
	_ =	sdelay $0x2  }
0x8b: {  	v34 =	vmul.f32 $8.000000000e+00, v34;
	_ =	sdelay $0x1  }
0x8c: {  	[tilespmem:v50+s24+$0x0] =	vst.idx.msk $0xffff, v34  }
0x8d: {  	v34 =	vld [tilespmem:s13+$0x50];
	_ =	sdelay $0x1  }
0x8e: {  	v51 =	vadd.s32 v22, v33;
	_ =	sdelay $0x2  }
0x8f: {  	v34 =	vmul.f32 $8.000000000e+00, v34;
	_ =	sdelay $0x1  }
0x90: {  	[tilespmem:v51+s24+$0x0] =	vst.idx.msk $0xffff, v34  }
0x91: {  	v34 =	vld [tilespmem:s13+$0x60];
	_ =	sdelay $0x1  }
0x92: {  	v52 =	vadd.s32 v23, v33;
	_ =	sdelay $0x2  }
0x93: {  	v34 =	vmul.f32 $8.000000000e+00, v34;
	_ =	sdelay $0x1  }
0x94: {  	[tilespmem:v52+s24+$0x0] =	vst.idx.msk $0xffff, v34  }
0x95: {  	v34 =	vld [tilespmem:s13+$0x70];
	_ =	sdelay $0x1  }
0x96: {  	v33 =	vadd.s32 v24, v33;
	_ =	sdelay $0x1  }
0x97: {  	s22 =	simm.s32 $0x6  }
0x98: {  	v53 =	vmov s22;
	v34 =	vmul.f32 $8.000000000e+00, v34  }
0x99: {  	v35 =	vshrl.u32 v53, $0x3  }
0x9a: {  	v54 =	vshll.u32 v35, v1;
	[tilespmem:v33+s24+$0x0] =	vst.idx.msk $0xffff, v34  }
0x9b: {  	v33 =	vbroadcast v54, $0x0;
	v34 =	vld [tilespmem:s13+$0x80];
	_ =	sdelay $0x1  }
0x9c: {  	v55 =	vadd.s32 v25, v33;
	_ =	sdelay $0x2  }
0x9d: {  	v34 =	vmul.f32 $8.000000000e+00, v34;
	_ =	sdelay $0x1  }
0x9e: {  	[tilespmem:v55+s24+$0x0] =	vst.idx.msk $0xffff, v34  }
0x9f: {  	v34 =	vld [tilespmem:s13+$0x90];
	_ =	sdelay $0x1  }
0xa0: {  	v56 =	vadd.s32 v26, v33;
	_ =	sdelay $0x2  }
0xa1: {  	v34 =	vmul.f32 $8.000000000e+00, v34;
	_ =	sdelay $0x1  }
0xa2: {  	[tilespmem:v56+s24+$0x0] =	vst.idx.msk $0xffff, v34  }
0xa3: {  	v34 =	vld [tilespmem:s13+$0xA0];
	_ =	sdelay $0x1  }
0xa4: {  	v57 =	vadd.s32 v27, v33;
	_ =	sdelay $0x2  }
0xa5: {  	v34 =	vmul.f32 $8.000000000e+00, v34;
	_ =	sdelay $0x1  }
0xa6: {  	[tilespmem:v57+s24+$0x0] =	vst.idx.msk $0xffff, v34  }
0xa7: {  	v34 =	vld [tilespmem:s13+$0xB0];
	_ =	sdelay $0x1  }
0xa8: {  	v33 =	vadd.s32 v28, v33;
	_ =	sdelay $0x1  }
0xa9: {  	s26 =	simm.s32 $0x7  }
0xaa: {  	v58 =	vmov s26;
	v34 =	vmul.f32 $8.000000000e+00, v34  }
0xab: {  	v35 =	vshrl.u32 v58, $0x3  }
0xac: {  	v59 =	vshll.u32 v35, v1;
	[tilespmem:v33+s24+$0x0] =	vst.idx.msk $0xffff, v34  }
0xad: {  	v33 =	vbroadcast v59, $0x0;
	v34 =	vld [tilespmem:s13+$0xC0];
	_ =	sdelay $0x1  }
0xae: {  	v60 =	vadd.s32 v29, v33;
	_ =	sdelay $0x2  }
0xaf: {  	v34 =	vmul.f32 $8.000000000e+00, v34;
	_ =	sdelay $0x1  }
0xb0: {  	[tilespmem:v60+s24+$0x0] =	vst.idx.msk $0xffff, v34  }
0xb1: {  	v34 =	vld [tilespmem:s13+$0xD0];
	_ =	sdelay $0x1  }
0xb2: {  	v61 =	vadd.s32 v30, v33;
	_ =	sdelay $0x2  }
0xb3: {  	v34 =	vmul.f32 $8.000000000e+00, v34;
	_ =	sdelay $0x1  }
0xb4: {  	[tilespmem:v61+s24+$0x0] =	vst.idx.msk $0xffff, v34  }
0xb5: {  	v34 =	vld [tilespmem:s13+$0xE0];
	_ =	sdelay $0x1  }
0xb6: {  	v62 =	vadd.s32 v31, v33;
	_ =	sdelay $0x2  }
0xb7: {  	v34 =	vmul.f32 $8.000000000e+00, v34;
	_ =	sdelay $0x1  }
0xb8: {  	[tilespmem:v62+s24+$0x0] =	vst.idx.msk $0xffff, v34  }
0xb9: {  	v34 =	vld [tilespmem:s13+$0xF0];
	_ =	sdelay $0x1  }
0xba: {  	v33 =	vadd.s32 v32, v33  }
0xbb: {  	s22 =	simm.s32 $0x8  }
0xbc: {  	s17 =	sshll.u32 s7, $0x2;
	v63 =	vmov s22  }
0xbd: {  	s19 =	sor.u32 $0x2, s17;
	s26 =	simm.s32 $0x10;
	v35 =	vshrl.u32 v63, $0x3;
	v34 =	vmul.f32 $8.000000000e+00, v34  }
.LBB2_3:
0xbe: {  	p0 =	slt.u32 s26, $0x78  }
0xbf: {  	v35 =	vshll.u32 v35, v1;
	[tilespmem:v33+s24+$0x0] =	vst.idx.msk $0xffff, v34;
	s13 =	sadd.s32 $0x200, s13;
	s15 =	smov.u32 s26;
	s26 =	sadd.s32 $0x8, s26  }
0xc0: {  	v33 =	vld [tilespmem:s13+$0xFFFFFF00];
	v34 =	vbroadcast v35, $0x0;
	_ =	sdelay $0x1  }
0xc1: {  	v35 =	vadd.s32 v0, v34;
	_ =	sdelay $0x2  }
0xc2: {  	v33 =	vmul.f32 $8.000000000e+00, v33;
	_ =	sdelay $0x1  }
0xc3: {  	[tilespmem:v35+s24+$0x0] =	vst.idx.msk $0xffff, v33  }
0xc4: {  	v33 =	vld [tilespmem:s13+$0xFFFFFF10];
	_ =	sdelay $0x1  }
0xc5: {  	v35 =	vadd.s32 v2, v34;
	_ =	sdelay $0x2  }
0xc6: {  	v33 =	vmul.f32 $8.000000000e+00, v33;
	_ =	sdelay $0x1  }
0xc7: {  	[tilespmem:v35+s24+$0x0] =	vst.idx.msk $0xffff, v33  }
0xc8: {  	v33 =	vld [tilespmem:s13+$0xFFFFFF20];
	_ =	sdelay $0x1  }
0xc9: {  	v35 =	vadd.s32 v3, v34;
	_ =	sdelay $0x2  }
0xca: {  	v33 =	vmul.f32 $8.000000000e+00, v33;
	_ =	sdelay $0x1  }
0xcb: {  	[tilespmem:v35+s24+$0x0] =	vst.idx.msk $0xffff, v33  }
0xcc: {  	v33 =	vld [tilespmem:s13+$0xFFFFFF30];
	_ =	sdelay $0x1  }
0xcd: {  	v34 =	vadd.s32 v4, v34;
	_ =	sdelay $0x1  }
0xce: {  	s8 =	sadd.s32 $0x1, s22  }
0xcf: {  	v35 =	vmov s8;
	v33 =	vmul.f32 $8.000000000e+00, v33  }
0xd0: {  	v35 =	vshrl.u32 v35, $0x3  }
0xd1: {  	[tilespmem:v34+s24+$0x0] =	vst.idx.msk $0xffff, v33;
	v33 =	vshll.u32 v35, v1  }
0xd2: {  	v34 =	vld [tilespmem:s13+$0xFFFFFF40];
	v33 =	vbroadcast v33, $0x0;
	_ =	sdelay $0x1  }
0xd3: {  	v35 =	vadd.s32 v5, v33;
	_ =	sdelay $0x2  }
0xd4: {  	v34 =	vmul.f32 $8.000000000e+00, v34;
	_ =	sdelay $0x1  }
0xd5: {  	[tilespmem:v35+s24+$0x0] =	vst.idx.msk $0xffff, v34  }
0xd6: {  	v34 =	vld [tilespmem:s13+$0xFFFFFF50];
	_ =	sdelay $0x1  }
0xd7: {  	v35 =	vadd.s32 v6, v33;
	_ =	sdelay $0x2  }
0xd8: {  	v34 =	vmul.f32 $8.000000000e+00, v34;
	_ =	sdelay $0x1  }
0xd9: {  	[tilespmem:v35+s24+$0x0] =	vst.idx.msk $0xffff, v34  }
0xda: {  	v34 =	vld [tilespmem:s13+$0xFFFFFF60];
	_ =	sdelay $0x1  }
0xdb: {  	v35 =	vadd.s32 v7, v33;
	_ =	sdelay $0x2  }
0xdc: {  	v34 =	vmul.f32 $8.000000000e+00, v34;
	_ =	sdelay $0x1  }
0xdd: {  	[tilespmem:v35+s24+$0x0] =	vst.idx.msk $0xffff, v34  }
0xde: {  	v34 =	vld [tilespmem:s13+$0xFFFFFF70];
	_ =	sdelay $0x1  }
0xdf: {  	v33 =	vadd.s32 v8, v33;
	_ =	sdelay $0x1  }
0xe0: {  	s8 =	sadd.s32 $0x2, s22  }
0xe1: {  	v35 =	vmov s8;
	v34 =	vmul.f32 $8.000000000e+00, v34  }
0xe2: {  	v35 =	vshrl.u32 v35, $0x3  }
0xe3: {  	[tilespmem:v33+s24+$0x0] =	vst.idx.msk $0xffff, v34;
	v33 =	vshll.u32 v35, v1  }
0xe4: {  	v34 =	vld [tilespmem:s13+$0xFFFFFF80];
	v33 =	vbroadcast v33, $0x0;
	_ =	sdelay $0x1  }
0xe5: {  	v35 =	vadd.s32 v9, v33;
	_ =	sdelay $0x2  }
0xe6: {  	v34 =	vmul.f32 $8.000000000e+00, v34;
	_ =	sdelay $0x1  }
0xe7: {  	[tilespmem:v35+s24+$0x0] =	vst.idx.msk $0xffff, v34  }
0xe8: {  	v34 =	vld [tilespmem:s13+$0xFFFFFF90];
	_ =	sdelay $0x1  }
0xe9: {  	v35 =	vadd.s32 v10, v33;
	_ =	sdelay $0x2  }
0xea: {  	v34 =	vmul.f32 $8.000000000e+00, v34;
	_ =	sdelay $0x1  }
0xeb: {  	[tilespmem:v35+s24+$0x0] =	vst.idx.msk $0xffff, v34  }
0xec: {  	v34 =	vld [tilespmem:s13+$0xFFFFFFA0];
	_ =	sdelay $0x1  }
0xed: {  	v35 =	vadd.s32 v11, v33;
	_ =	sdelay $0x2  }
0xee: {  	v34 =	vmul.f32 $8.000000000e+00, v34;
	_ =	sdelay $0x1  }
0xef: {  	[tilespmem:v35+s24+$0x0] =	vst.idx.msk $0xffff, v34  }
0xf0: {  	v34 =	vld [tilespmem:s13+$0xFFFFFFB0];
	_ =	sdelay $0x1  }
0xf1: {  	v33 =	vadd.s32 v12, v33;
	_ =	sdelay $0x1  }
0xf2: {  	s8 =	sadd.s32 $0x3, s22  }
0xf3: {  	v35 =	vmov s8;
	v34 =	vmul.f32 $8.000000000e+00, v34  }
0xf4: {  	v35 =	vshrl.u32 v35, $0x3  }
0xf5: {  	[tilespmem:v33+s24+$0x0] =	vst.idx.msk $0xffff, v34;
	v33 =	vshll.u32 v35, v1  }
0xf6: {  	v34 =	vld [tilespmem:s13+$0xFFFFFFC0];
	v33 =	vbroadcast v33, $0x0;
	_ =	sdelay $0x1  }
0xf7: {  	v35 =	vadd.s32 v13, v33;
	_ =	sdelay $0x2  }
0xf8: {  	v34 =	vmul.f32 $8.000000000e+00, v34;
	_ =	sdelay $0x1  }
0xf9: {  	[tilespmem:v35+s24+$0x0] =	vst.idx.msk $0xffff, v34  }
0xfa: {  	v34 =	vld [tilespmem:s13+$0xFFFFFFD0];
	_ =	sdelay $0x1  }
0xfb: {  	v35 =	vadd.s32 v14, v33;
	_ =	sdelay $0x2  }
0xfc: {  	v34 =	vmul.f32 $8.000000000e+00, v34;
	_ =	sdelay $0x1  }
0xfd: {  	[tilespmem:v35+s24+$0x0] =	vst.idx.msk $0xffff, v34  }
0xfe: {  	v34 =	vld [tilespmem:s13+$0xFFFFFFE0];
	_ =	sdelay $0x1  }
0xff: {  	v35 =	vadd.s32 v15, v33;
	_ =	sdelay $0x2  }
0x100: {  	v34 =	vmul.f32 $8.000000000e+00, v34;
	_ =	sdelay $0x1  }
0x101: {  	[tilespmem:v35+s24+$0x0] =	vst.idx.msk $0xffff, v34  }
0x102: {  	v34 =	vld [tilespmem:s13+$0xFFFFFFF0];
	_ =	sdelay $0x1  }
0x103: {  	v33 =	vadd.s32 v16, v33;
	_ =	sdelay $0x1  }
0x104: {  	s8 =	sadd.s32 $0x4, s22  }
0x105: {  	v35 =	vmov s8;
	v34 =	vmul.f32 $8.000000000e+00, v34  }
0x106: {  	v35 =	vshrl.u32 v35, $0x3  }
0x107: {  	[tilespmem:v33+s24+$0x0] =	vst.idx.msk $0xffff, v34;
	v33 =	vshll.u32 v35, v1  }
0x108: {  	v34 =	vld [tilespmem:s13+$0x0];
	v33 =	vbroadcast v33, $0x0;
	_ =	sdelay $0x1  }
0x109: {  	v35 =	vadd.s32 v17, v33;
	_ =	sdelay $0x2  }
0x10a: {  	v34 =	vmul.f32 $8.000000000e+00, v34;
	_ =	sdelay $0x1  }
0x10b: {  	[tilespmem:v35+s24+$0x0] =	vst.idx.msk $0xffff, v34  }
0x10c: {  	v34 =	vld [tilespmem:s13+$0x10];
	_ =	sdelay $0x1  }
0x10d: {  	v35 =	vadd.s32 v18, v33;
	_ =	sdelay $0x2  }
0x10e: {  	v34 =	vmul.f32 $8.000000000e+00, v34;
	_ =	sdelay $0x1  }
0x10f: {  	[tilespmem:v35+s24+$0x0] =	vst.idx.msk $0xffff, v34  }
0x110: {  	v34 =	vld [tilespmem:s13+$0x20];
	_ =	sdelay $0x1  }
0x111: {  	v35 =	vadd.s32 v19, v33;
	_ =	sdelay $0x2  }
0x112: {  	v34 =	vmul.f32 $8.000000000e+00, v34;
	_ =	sdelay $0x1  }
0x113: {  	[tilespmem:v35+s24+$0x0] =	vst.idx.msk $0xffff, v34  }
0x114: {  	v34 =	vld [tilespmem:s13+$0x30];
	_ =	sdelay $0x1  }
0x115: {  	v33 =	vadd.s32 v20, v33;
	_ =	sdelay $0x1  }
0x116: {  	s8 =	sadd.s32 $0x5, s22  }
0x117: {  	v35 =	vmov s8;
	v34 =	vmul.f32 $8.000000000e+00, v34  }
0x118: {  	v35 =	vshrl.u32 v35, $0x3  }
0x119: {  	[tilespmem:v33+s24+$0x0] =	vst.idx.msk $0xffff, v34;
	v33 =	vshll.u32 v35, v1  }
0x11a: {  	v34 =	vld [tilespmem:s13+$0x40];
	v33 =	vbroadcast v33, $0x0;
	_ =	sdelay $0x1  }
0x11b: {  	v35 =	vadd.s32 v21, v33;
	_ =	sdelay $0x2  }
0x11c: {  	v34 =	vmul.f32 $8.000000000e+00, v34;
	_ =	sdelay $0x1  }
0x11d: {  	[tilespmem:v35+s24+$0x0] =	vst.idx.msk $0xffff, v34  }
0x11e: {  	v34 =	vld [tilespmem:s13+$0x50];
	_ =	sdelay $0x1  }
0x11f: {  	v35 =	vadd.s32 v22, v33;
	_ =	sdelay $0x2  }
0x120: {  	v34 =	vmul.f32 $8.000000000e+00, v34;
	_ =	sdelay $0x1  }
0x121: {  	[tilespmem:v35+s24+$0x0] =	vst.idx.msk $0xffff, v34  }
0x122: {  	v34 =	vld [tilespmem:s13+$0x60];
	_ =	sdelay $0x1  }
0x123: {  	v35 =	vadd.s32 v23, v33;
	_ =	sdelay $0x2  }
0x124: {  	v34 =	vmul.f32 $8.000000000e+00, v34;
	_ =	sdelay $0x1  }
0x125: {  	[tilespmem:v35+s24+$0x0] =	vst.idx.msk $0xffff, v34  }
0x126: {  	v34 =	vld [tilespmem:s13+$0x70];
	_ =	sdelay $0x1  }
0x127: {  	v33 =	vadd.s32 v24, v33;
	_ =	sdelay $0x1  }
0x128: {  	s8 =	sadd.s32 $0x6, s22  }
0x129: {  	v35 =	vmov s8;
	v34 =	vmul.f32 $8.000000000e+00, v34  }
0x12a: {  	v35 =	vshrl.u32 v35, $0x3  }
0x12b: {  	[tilespmem:v33+s24+$0x0] =	vst.idx.msk $0xffff, v34;
	v33 =	vshll.u32 v35, v1  }
0x12c: {  	v34 =	vld [tilespmem:s13+$0x80];
	v33 =	vbroadcast v33, $0x0;
	_ =	sdelay $0x1  }
0x12d: {  	v35 =	vadd.s32 v25, v33;
	_ =	sdelay $0x2  }
0x12e: {  	v34 =	vmul.f32 $8.000000000e+00, v34;
	_ =	sdelay $0x1  }
0x12f: {  	[tilespmem:v35+s24+$0x0] =	vst.idx.msk $0xffff, v34  }
0x130: {  	v34 =	vld [tilespmem:s13+$0x90];
	_ =	sdelay $0x1  }
0x131: {  	v35 =	vadd.s32 v26, v33;
	_ =	sdelay $0x2  }
0x132: {  	v34 =	vmul.f32 $8.000000000e+00, v34;
	_ =	sdelay $0x1  }
0x133: {  	[tilespmem:v35+s24+$0x0] =	vst.idx.msk $0xffff, v34  }
0x134: {  	v34 =	vld [tilespmem:s13+$0xA0];
	_ =	sdelay $0x1  }
0x135: {  	v35 =	vadd.s32 v27, v33;
	_ =	sdelay $0x2  }
0x136: {  	v34 =	vmul.f32 $8.000000000e+00, v34;
	_ =	sdelay $0x1  }
0x137: {  	[tilespmem:v35+s24+$0x0] =	vst.idx.msk $0xffff, v34  }
0x138: {  	v34 =	vld [tilespmem:s13+$0xB0];
	_ =	sdelay $0x1  }
0x139: {  	v33 =	vadd.s32 v28, v33;
	_ =	sdelay $0x1  }
0x13a: {  	s8 =	sadd.s32 $0x7, s22;
	s22 =	smov.u32 s15  }
0x13b: {  	v35 =	vmov s8;
	v34 =	vmul.f32 $8.000000000e+00, v34  }
0x13c: {  	v35 =	vshrl.u32 v35, $0x3  }
0x13d: {  	[tilespmem:v33+s24+$0x0] =	vst.idx.msk $0xffff, v34;
	v33 =	vshll.u32 v35, v1  }
0x13e: {  	v34 =	vld [tilespmem:s13+$0xC0];
	v33 =	vbroadcast v33, $0x0;
	_ =	sdelay $0x1  }
0x13f: {  	v35 =	vadd.s32 v29, v33;
	_ =	sdelay $0x2  }
0x140: {  	v34 =	vmul.f32 $8.000000000e+00, v34;
	_ =	sdelay $0x1  }
0x141: {  	[tilespmem:v35+s24+$0x0] =	vst.idx.msk $0xffff, v34  }
0x142: {  	v34 =	vld [tilespmem:s13+$0xD0];
	_ =	sdelay $0x1  }
0x143: {  	v35 =	vadd.s32 v30, v33;
	_ =	sdelay $0x2  }
0x144: {  	v34 =	vmul.f32 $8.000000000e+00, v34;
	_ =	sdelay $0x1  }
0x145: {  	[tilespmem:v35+s24+$0x0] =	vst.idx.msk $0xffff, v34  }
0x146: {  	v34 =	vld [tilespmem:s13+$0xE0];
	_ =	sdelay $0x1  }
0x147: {  	v35 =	vadd.s32 v31, v33;
	_ =	sdelay $0x2  }
0x148: {  	v34 =	vmul.f32 $8.000000000e+00, v34;
	_ =	sdelay $0x1  }
0x149: {  	[tilespmem:v35+s24+$0x0] =	vst.idx.msk $0xffff, v34  }
0x14a: {  	v34 =	vld [tilespmem:s13+$0xF0];
	_ =	sdelay $0x1  }
.Ltmp0:
0x14b: {  	v33 =	vadd.s32 v32, v33;
	(pc) =	sbr.rel @p0 .LBB2_3-.Ltmp0, $3  }
0x14c: {  	_ =	sdelay $0x1  }
0x14d: {  	v35 =	vmov s22;
	v34 =	vmul.f32 $8.000000000e+00, v34  }
0x14e: {  	v35 =	vshrl.u32 v35, $0x3  }
0x14f: {  	_ =	sdelay $0x3  }
0x150: {  	v35 =	vshll.u32 v35, v1;
	[tilespmem:v33+s24+$0x0] =	vst.idx.msk $0xffff, v34;
	s8 =	sadd.s32 $0x200, s13  }
0x151: {  	v33 =	vld [tilespmem:s8+$0xFFFFFF00];
	v54 =	vbroadcast v35, $0x0;
	_ =	sdelay $0x1  }
0x152: {  	v35 =	vadd.s32 v0, v54;
	_ =	sdelay $0x2  }
0x153: {  	v33 =	vmul.f32 $8.000000000e+00, v33;
	_ =	sdelay $0x1  }
0x154: {  	[tilespmem:v35+s24+$0x0] =	vst.idx.msk $0xffff, v33  }
0x155: {  	v33 =	vld [tilespmem:s8+$0xFFFFFF10];
	_ =	sdelay $0x1  }
0x156: {  	v55 =	vadd.s32 v2, v54;
	_ =	sdelay $0x2  }
0x157: {  	v33 =	vmul.f32 $8.000000000e+00, v33;
	_ =	sdelay $0x1  }
0x158: {  	[tilespmem:v55+s24+$0x0] =	vst.idx.msk $0xffff, v33  }
0x159: {  	v33 =	vld [tilespmem:s8+$0xFFFFFF20];
	_ =	sdelay $0x1  }
0x15a: {  	v56 =	vadd.s32 v3, v54;
	_ =	sdelay $0x2  }
0x15b: {  	v33 =	vmul.f32 $8.000000000e+00, v33;
	_ =	sdelay $0x1  }
0x15c: {  	[tilespmem:v56+s24+$0x0] =	vst.idx.msk $0xffff, v33  }
0x15d: {  	v33 =	vld [tilespmem:s8+$0xFFFFFF30];
	_ =	sdelay $0x1  }
0x15e: {  	v34 =	vadd.s32 v4, v54;
	_ =	sdelay $0x1  }
0x15f: {  	s15 =	sadd.s32 $0x1, s22  }
0x160: {  	v57 =	vmov s15;
	v33 =	vmul.f32 $8.000000000e+00, v33  }
0x161: {  	v35 =	vshrl.u32 v57, $0x3  }
0x162: {  	v58 =	vshll.u32 v35, v1;
	[tilespmem:v34+s24+$0x0] =	vst.idx.msk $0xffff, v33  }
0x163: {  	v33 =	vbroadcast v58, $0x0;
	v34 =	vld [tilespmem:s8+$0xFFFFFF40];
	_ =	sdelay $0x1  }
0x164: {  	v59 =	vadd.s32 v5, v33;
	_ =	sdelay $0x2  }
0x165: {  	v34 =	vmul.f32 $8.000000000e+00, v34;
	_ =	sdelay $0x1  }
0x166: {  	[tilespmem:v59+s24+$0x0] =	vst.idx.msk $0xffff, v34  }
0x167: {  	v34 =	vld [tilespmem:s8+$0xFFFFFF50];
	_ =	sdelay $0x1  }
0x168: {  	v60 =	vadd.s32 v6, v33;
	_ =	sdelay $0x2  }
0x169: {  	v34 =	vmul.f32 $8.000000000e+00, v34;
	_ =	sdelay $0x1  }
0x16a: {  	[tilespmem:v60+s24+$0x0] =	vst.idx.msk $0xffff, v34  }
0x16b: {  	v34 =	vld [tilespmem:s8+$0xFFFFFF60];
	_ =	sdelay $0x1  }
0x16c: {  	v61 =	vadd.s32 v7, v33;
	_ =	sdelay $0x2  }
0x16d: {  	v34 =	vmul.f32 $8.000000000e+00, v34;
	_ =	sdelay $0x1  }
0x16e: {  	[tilespmem:v61+s24+$0x0] =	vst.idx.msk $0xffff, v34  }
0x16f: {  	v34 =	vld [tilespmem:s8+$0xFFFFFF70];
	_ =	sdelay $0x1  }
0x170: {  	v33 =	vadd.s32 v8, v33;
	_ =	sdelay $0x1  }
0x171: {  	s26 =	sadd.s32 $0x2, s22  }
0x172: {  	v62 =	vmov s26;
	v34 =	vmul.f32 $8.000000000e+00, v34  }
0x173: {  	v35 =	vshrl.u32 v62, $0x3  }
0x174: {  	v63 =	vshll.u32 v35, v1;
	[tilespmem:v33+s24+$0x0] =	vst.idx.msk $0xffff, v34  }
0x175: {  	v33 =	vbroadcast v63, $0x0;
	v34 =	vld [tilespmem:s8+$0xFFFFFF80];
	_ =	sdelay $0x1  }
0x176: {  	v36 =	vadd.s32 v9, v33;
	_ =	sdelay $0x2  }
0x177: {  	v34 =	vmul.f32 $8.000000000e+00, v34;
	_ =	sdelay $0x1  }
0x178: {  	[tilespmem:v36+s24+$0x0] =	vst.idx.msk $0xffff, v34  }
0x179: {  	v34 =	vld [tilespmem:s8+$0xFFFFFF90];
	_ =	sdelay $0x1  }
0x17a: {  	v37 =	vadd.s32 v10, v33;
	_ =	sdelay $0x2  }
0x17b: {  	v34 =	vmul.f32 $8.000000000e+00, v34;
	_ =	sdelay $0x1  }
0x17c: {  	[tilespmem:v37+s24+$0x0] =	vst.idx.msk $0xffff, v34  }
0x17d: {  	v34 =	vld [tilespmem:s8+$0xFFFFFFA0];
	_ =	sdelay $0x1  }
0x17e: {  	v38 =	vadd.s32 v11, v33;
	_ =	sdelay $0x2  }
0x17f: {  	v34 =	vmul.f32 $8.000000000e+00, v34;
	_ =	sdelay $0x1  }
0x180: {  	[tilespmem:v38+s24+$0x0] =	vst.idx.msk $0xffff, v34  }
0x181: {  	v34 =	vld [tilespmem:s8+$0xFFFFFFB0];
	_ =	sdelay $0x1  }
0x182: {  	v33 =	vadd.s32 v12, v33;
	_ =	sdelay $0x1  }
0x183: {  	s9 =	sadd.s32 $0x3, s22  }
0x184: {  	v39 =	vmov s9;
	v34 =	vmul.f32 $8.000000000e+00, v34  }
0x185: {  	v35 =	vshrl.u32 v39, $0x3  }
0x186: {  	v40 =	vshll.u32 v35, v1;
	[tilespmem:v33+s24+$0x0] =	vst.idx.msk $0xffff, v34  }
0x187: {  	v33 =	vbroadcast v40, $0x0;
	v34 =	vld [tilespmem:s8+$0xFFFFFFC0];
	_ =	sdelay $0x1  }
0x188: {  	v41 =	vadd.s32 v13, v33;
	_ =	sdelay $0x2  }
0x189: {  	v34 =	vmul.f32 $8.000000000e+00, v34;
	_ =	sdelay $0x1  }
0x18a: {  	[tilespmem:v41+s24+$0x0] =	vst.idx.msk $0xffff, v34  }
0x18b: {  	v34 =	vld [tilespmem:s8+$0xFFFFFFD0];
	_ =	sdelay $0x1  }
0x18c: {  	v42 =	vadd.s32 v14, v33;
	_ =	sdelay $0x2  }
0x18d: {  	v34 =	vmul.f32 $8.000000000e+00, v34;
	_ =	sdelay $0x1  }
0x18e: {  	[tilespmem:v42+s24+$0x0] =	vst.idx.msk $0xffff, v34  }
0x18f: {  	v34 =	vld [tilespmem:s8+$0xFFFFFFE0];
	_ =	sdelay $0x1  }
0x190: {  	v43 =	vadd.s32 v15, v33;
	_ =	sdelay $0x2  }
0x191: {  	v34 =	vmul.f32 $8.000000000e+00, v34;
	_ =	sdelay $0x1  }
0x192: {  	[tilespmem:v43+s24+$0x0] =	vst.idx.msk $0xffff, v34  }
0x193: {  	v34 =	vld [tilespmem:s8+$0xFFFFFFF0];
	_ =	sdelay $0x1  }
0x194: {  	v33 =	vadd.s32 v16, v33;
	_ =	sdelay $0x1  }
0x195: {  	s10 =	sadd.s32 $0x4, s22  }
0x196: {  	v44 =	vmov s10;
	v34 =	vmul.f32 $8.000000000e+00, v34  }
0x197: {  	v35 =	vshrl.u32 v44, $0x3  }
0x198: {  	v45 =	vshll.u32 v35, v1;
	[tilespmem:v33+s24+$0x0] =	vst.idx.msk $0xffff, v34  }
0x199: {  	v33 =	vbroadcast v45, $0x0;
	v34 =	vld [tilespmem:s8+$0x0];
	_ =	sdelay $0x1  }
0x19a: {  	v46 =	vadd.s32 v17, v33;
	_ =	sdelay $0x2  }
0x19b: {  	v34 =	vmul.f32 $8.000000000e+00, v34;
	_ =	sdelay $0x1  }
0x19c: {  	[tilespmem:v46+s24+$0x0] =	vst.idx.msk $0xffff, v34  }
0x19d: {  	v34 =	vld [tilespmem:s8+$0x10];
	_ =	sdelay $0x1  }
0x19e: {  	v47 =	vadd.s32 v18, v33;
	_ =	sdelay $0x2  }
0x19f: {  	v34 =	vmul.f32 $8.000000000e+00, v34;
	_ =	sdelay $0x1  }
0x1a0: {  	[tilespmem:v47+s24+$0x0] =	vst.idx.msk $0xffff, v34  }
0x1a1: {  	v34 =	vld [tilespmem:s8+$0x20];
	_ =	sdelay $0x1  }
0x1a2: {  	v48 =	vadd.s32 v19, v33;
	_ =	sdelay $0x2  }
0x1a3: {  	v34 =	vmul.f32 $8.000000000e+00, v34;
	_ =	sdelay $0x1  }
0x1a4: {  	[tilespmem:v48+s24+$0x0] =	vst.idx.msk $0xffff, v34  }
0x1a5: {  	v34 =	vld [tilespmem:s8+$0x30];
	_ =	sdelay $0x1  }
0x1a6: {  	v33 =	vadd.s32 v20, v33;
	_ =	sdelay $0x1  }
0x1a7: {  	s15 =	sadd.s32 $0x5, s22  }
0x1a8: {  	v49 =	vmov s15;
	v34 =	vmul.f32 $8.000000000e+00, v34  }
0x1a9: {  	v35 =	vshrl.u32 v49, $0x3  }
0x1aa: {  	v50 =	vshll.u32 v35, v1;
	[tilespmem:v33+s24+$0x0] =	vst.idx.msk $0xffff, v34  }
0x1ab: {  	v33 =	vbroadcast v50, $0x0;
	v34 =	vld [tilespmem:s8+$0x40];
	_ =	sdelay $0x1  }
0x1ac: {  	v51 =	vadd.s32 v21, v33;
	_ =	sdelay $0x2  }
0x1ad: {  	v34 =	vmul.f32 $8.000000000e+00, v34;
	_ =	sdelay $0x1  }
0x1ae: {  	[tilespmem:v51+s24+$0x0] =	vst.idx.msk $0xffff, v34  }
0x1af: {  	v34 =	vld [tilespmem:s8+$0x50];
	_ =	sdelay $0x1  }
0x1b0: {  	v52 =	vadd.s32 v22, v33;
	_ =	sdelay $0x2  }
0x1b1: {  	v34 =	vmul.f32 $8.000000000e+00, v34;
	_ =	sdelay $0x1  }
0x1b2: {  	[tilespmem:v52+s24+$0x0] =	vst.idx.msk $0xffff, v34  }
0x1b3: {  	v34 =	vld [tilespmem:s8+$0x60];
	_ =	sdelay $0x1  }
0x1b4: {  	v53 =	vadd.s32 v23, v33;
	_ =	sdelay $0x2  }
0x1b5: {  	v34 =	vmul.f32 $8.000000000e+00, v34;
	_ =	sdelay $0x1  }
0x1b6: {  	[tilespmem:v53+s24+$0x0] =	vst.idx.msk $0xffff, v34  }
0x1b7: {  	v34 =	vld [tilespmem:s8+$0x70];
	_ =	sdelay $0x1  }
0x1b8: {  	v33 =	vadd.s32 v24, v33;
	_ =	sdelay $0x1  }
0x1b9: {  	s26 =	sadd.s32 $0x6, s22  }
0x1ba: {  	v54 =	vmov s26;
	v34 =	vmul.f32 $8.000000000e+00, v34  }
0x1bb: {  	v35 =	vshrl.u32 v54, $0x3  }
0x1bc: {  	v55 =	vshll.u32 v35, v1;
	[tilespmem:v33+s24+$0x0] =	vst.idx.msk $0xffff, v34  }
0x1bd: {  	v33 =	vbroadcast v55, $0x0;
	v34 =	vld [tilespmem:s8+$0x80];
	_ =	sdelay $0x1  }
0x1be: {  	v56 =	vadd.s32 v25, v33;
	_ =	sdelay $0x2  }
0x1bf: {  	v34 =	vmul.f32 $8.000000000e+00, v34;
	_ =	sdelay $0x1  }
0x1c0: {  	[tilespmem:v56+s24+$0x0] =	vst.idx.msk $0xffff, v34  }
0x1c1: {  	v34 =	vld [tilespmem:s8+$0x90];
	_ =	sdelay $0x1  }
0x1c2: {  	v57 =	vadd.s32 v26, v33;
	_ =	sdelay $0x2  }
0x1c3: {  	v34 =	vmul.f32 $8.000000000e+00, v34;
	_ =	sdelay $0x1  }
0x1c4: {  	[tilespmem:v57+s24+$0x0] =	vst.idx.msk $0xffff, v34  }
0x1c5: {  	v34 =	vld [tilespmem:s8+$0xA0];
	_ =	sdelay $0x1  }
0x1c6: {  	v58 =	vadd.s32 v27, v33;
	_ =	sdelay $0x2  }
0x1c7: {  	v34 =	vmul.f32 $8.000000000e+00, v34;
	_ =	sdelay $0x1  }
0x1c8: {  	[tilespmem:v58+s24+$0x0] =	vst.idx.msk $0xffff, v34  }
0x1c9: {  	v34 =	vld [tilespmem:s8+$0xB0];
	_ =	sdelay $0x1  }
0x1ca: {  	v33 =	vadd.s32 v28, v33;
	_ =	sdelay $0x1  }
0x1cb: {  	s9 =	sadd.s32 $0x7, s22  }
0x1cc: {  	v59 =	vmov s9;
	v34 =	vmul.f32 $8.000000000e+00, v34  }
0x1cd: {  	v35 =	vshrl.u32 v59, $0x3  }
0x1ce: {  	v60 =	vshll.u32 v35, v1;
	[tilespmem:v33+s24+$0x0] =	vst.idx.msk $0xffff, v34  }
0x1cf: {  	v33 =	vbroadcast v60, $0x0;
	v34 =	vld [tilespmem:s8+$0xC0];
	_ =	sdelay $0x1  }
0x1d0: {  	v61 =	vadd.s32 v29, v33;
	_ =	sdelay $0x2  }
0x1d1: {  	v34 =	vmul.f32 $8.000000000e+00, v34;
	_ =	sdelay $0x1  }
0x1d2: {  	[tilespmem:v61+s24+$0x0] =	vst.idx.msk $0xffff, v34  }
0x1d3: {  	v34 =	vld [tilespmem:s8+$0xD0];
	_ =	sdelay $0x1  }
0x1d4: {  	v62 =	vadd.s32 v30, v33;
	_ =	sdelay $0x2  }
0x1d5: {  	v34 =	vmul.f32 $8.000000000e+00, v34;
	_ =	sdelay $0x1  }
0x1d6: {  	[tilespmem:v62+s24+$0x0] =	vst.idx.msk $0xffff, v34  }
0x1d7: {  	v34 =	vld [tilespmem:s8+$0xE0];
	_ =	sdelay $0x1  }
0x1d8: {  	v63 =	vadd.s32 v31, v33;
	_ =	sdelay $0x2  }
0x1d9: {  	v34 =	vmul.f32 $8.000000000e+00, v34;
	_ =	sdelay $0x1  }
0x1da: {  	[tilespmem:v63+s24+$0x0] =	vst.idx.msk $0xffff, v34  }
0x1db: {  	s10 =	sadd.s32 s5, s17;
	v34 =	vld [tilespmem:s8+$0xF0]  }
0x1dc: {  	s22 =	sshrl.u32 s10, $0x7  }
0x1dd: {  	s15 =	sand.u32 $0x4, s17;
	s13 =	sand.u32 $0xFF8, s22;
	v33 =	vadd.s32 v32, v33  }
0x1de: {  	s13 =	sor.u32 s15, s13;
	s8 =	sshll.u32 s10, $0x7  }
0x1df: {  	s13 =	sshll.u32 s13, $0x14;
	s8 =	sand.u32 $0x1FC00, s8  }
0x1e0: {  	s8 =	sor.u32 s8, s13;
	v34 =	vmul.f32 $8.000000000e+00, v34  }
0x1e1: {  	s8 =	sshrl.u32 s8, $0x3  }
0x1e2: {  	s26 =	simm.s32 $0x8200;
	s13 =	sadd.s32 s3, s8;
	[tilespmem:v33+s24+$0x0] =	vst.idx.msk $0xffff, v34  }
0x1e3: {  	[hbm4b:s13+s4] =	stream.linear.scatter [tilespmem:s26], [sflag:$0x9], $0x80, $0x38;
	[tilespmem:$0x10A00] =	vst v63  }
0x1e4: {  	s9 =	simm.s32 $0x8288;
	s10 =	sadd.s32 $0x10, s13  }
0x1e5: {  	[hbm4b:s10+s4] =	stream.linear.scatter [tilespmem:s9], [sflag:$0x9], $0x80, $0x38;
	[tilespmem:$0x10A00] =	vst v63  }
0x1e6: {  	s22 =	simm.s32 $0x8310;
	s26 =	sadd.s32 $0x20, s13  }
0x1e7: {  	[hbm4b:s26+s4] =	stream.linear.scatter [tilespmem:s22], [sflag:$0x9], $0x80, $0x38;
	[tilespmem:$0x10A00] =	vst v63  }
0x1e8: {  	s9 =	simm.s32 $0x8398;
	s10 =	sadd.s32 $0x30, s13  }
0x1e9: {  	[hbm4b:s10+s4] =	stream.linear.scatter [tilespmem:s9], [sflag:$0x9], $0x80, $0x38;
	[tilespmem:$0x10A00] =	vst v63  }
0x1ea: {  	s22 =	simm.s32 $0x8420;
	s26 =	sadd.s32 $0x40, s13  }
0x1eb: {  	[hbm4b:s26+s4] =	stream.linear.scatter [tilespmem:s22], [sflag:$0x9], $0x80, $0x38;
	[tilespmem:$0x10A00] =	vst v63  }
0x1ec: {  	s15 =	simm.s32 $0x2200;
	s9 =	simm.s32 $0x84A8;
	s10 =	sadd.s32 $0x50, s13  }
0x1ed: {  	[hbm4b:s10+s4] =	stream.linear.scatter [tilespmem:s9], [sflag:$0x9], $0x80, $0x38;
	[tilespmem:$0x10A00] =	vst v63  }
0x1ee: {  	s8 =	simm.s32 $0x440;
	s22 =	simm.s32 $0x8530;
	s26 =	sadd.s32 $0x60, s13  }
0x1ef: {  	[hbm4b:s26+s4] =	stream.linear.scatter [tilespmem:s22], [sflag:$0x9], $0x80, $0x38;
	[tilespmem:$0x10A00] =	vst v63  }
0x1f0: {  	s22 =	simm.s32 $0x85B8;
	s26 =	sadd.s32 $0x70, s13;
	s13 =	sadd.s32 $0x4000, s13  }
.LBB2_5:
0x1f1: {  	[hbm4b:s26+s4] =	stream.linear.scatter [tilespmem:s22], [sflag:$0x9], $0x80, $0x38;
	[tilespmem:$0x10A00] =	vst v63  }
0x1f2: {  	s22 =	smov.u32 s8;
	s8 =	smov.u32 s15  }
0x1f3: {  	s9 =	sadd.s32 $0x1100, s15;
	s8 =	sshra.s32 s8, $0x2;
	s26 =	sadd.s32 $0x8200, s22  }
0x1f4: {  	[hbm4b:s13+s4] =	stream.linear.scatter [tilespmem:s26], [sflag:$0x9], $0x80, $0x38;
	[tilespmem:$0x10A00] =	vst v63  }
0x1f5: {  	p0 =	sne.s32 s15, $0x7700;
	s15 =	sadd.s32 $0x8288, s22;
	s26 =	sadd.s32 $0x10, s13  }
0x1f6: {  	[hbm4b:s26+s4] =	stream.linear.scatter [tilespmem:s15], [sflag:$0x9], $0x80, $0x38;
	[tilespmem:$0x10A00] =	vst v63  }
0x1f7: {  	s15 =	sadd.s32 $0x8310, s22;
	s26 =	sadd.s32 $0x20, s13  }
0x1f8: {  	[hbm4b:s26+s4] =	stream.linear.scatter [tilespmem:s15], [sflag:$0x9], $0x80, $0x38;
	[tilespmem:$0x10A00] =	vst v63  }
0x1f9: {  	s15 =	sadd.s32 $0x8398, s22;
	s26 =	sadd.s32 $0x30, s13  }
0x1fa: {  	[hbm4b:s26+s4] =	stream.linear.scatter [tilespmem:s15], [sflag:$0x9], $0x80, $0x38;
	[tilespmem:$0x10A00] =	vst v63  }
0x1fb: {  	s15 =	sadd.s32 $0x8420, s22;
	s26 =	sadd.s32 $0x40, s13  }
0x1fc: {  	[hbm4b:s26+s4] =	stream.linear.scatter [tilespmem:s15], [sflag:$0x9], $0x80, $0x38;
	[tilespmem:$0x10A00] =	vst v63  }
.Ltmp1:
0x1fd: {  	s15 =	sadd.s32 $0x84A8, s22;
	s26 =	sadd.s32 $0x50, s13;
	(pc) =	sbr.rel @p0 .LBB2_5-.Ltmp1, $4  }
0x1fe: {  	[hbm4b:s26+s4] =	stream.linear.scatter [tilespmem:s15], [sflag:$0x9], $0x80, $0x38;
	[tilespmem:$0x10A00] =	vst v63  }
0x1ff: {  	s15 =	sadd.s32 $0x8530, s22;
	s26 =	sadd.s32 $0x60, s13;
	s22 =	sadd.s32 $0x85B8, s22  }
0x200: {  	[hbm4b:s26+s4] =	stream.linear.scatter [tilespmem:s15], [sflag:$0x9], $0x80, $0x38;
	[tilespmem:$0x10A00] =	vst v63  }
0x201: {  	s26 =	sadd.s32 $0x70, s13;
	s13 =	sadd.s32 $0x4000, s13;
	s15 =	smov.u32 s9  }
0x202: {  	[hbm4b:s26+s4] =	stream.linear.scatter [tilespmem:s22], [sflag:$0x9], $0x80, $0x38;
	[tilespmem:$0x10A00] =	vst v63  }
0x203: {  	s9 =	sadd.s32 $0x8200, s8  }
0x204: {  	[hbm4b:s13+s4] =	stream.linear.scatter [tilespmem:s9], [sflag:$0x9], $0x80, $0x38;
	[tilespmem:$0x10A00] =	vst v63  }
0x205: {  	s22 =	sadd.s32 $0x8288, s8;
	s15 =	sadd.s32 $0x10, s13  }
0x206: {  	[hbm4b:s15+s4] =	stream.linear.scatter [tilespmem:s22], [sflag:$0x9], $0x80, $0x38;
	[tilespmem:$0x10A00] =	vst v63  }
0x207: {  	s26 =	sadd.s32 $0x8310, s8;
	s10 =	sadd.s32 $0x20, s13  }
0x208: {  	[hbm4b:s10+s4] =	stream.linear.scatter [tilespmem:s26], [sflag:$0x9], $0x80, $0x38;
	[tilespmem:$0x10A00] =	vst v63  }
0x209: {  	s15 =	sadd.s32 $0x8398, s8;
	s22 =	sadd.s32 $0x30, s13  }
0x20a: {  	[hbm4b:s22+s4] =	stream.linear.scatter [tilespmem:s15], [sflag:$0x9], $0x80, $0x38;
	[tilespmem:$0x10A00] =	vst v63  }
0x20b: {  	s26 =	sadd.s32 $0x8420, s8;
	s10 =	sadd.s32 $0x40, s13  }
0x20c: {  	[hbm4b:s10+s4] =	stream.linear.scatter [tilespmem:s26], [sflag:$0x9], $0x80, $0x38;
	[tilespmem:$0x10A00] =	vst v63  }
0x20d: {  	p0 =	seq.s32 s7, $0xC7;
	s15 =	sadd.s32 $0x84A8, s8;
	s22 =	sadd.s32 $0x50, s13  }
0x20e: {  	[hbm4b:s22+s4] =	stream.linear.scatter [tilespmem:s15], [sflag:$0x9], $0x80, $0x38;
	[tilespmem:$0x10A00] =	vst v63  }
0x20f: {  	s26 =	sadd.s32 $0x8530, s8;
	s22 =	sadd.s32 $0x85B8, s8;
	s8 =	rddreg [dreg:$0x7]  }
0x210: {  	s10 =	sadd.s32 $0x60, s13;
	s8 =	sadd.s32 @!p0 s17, s8  }
0x211: {  	[hbm4b:s10+s4] =	stream.linear.scatter [tilespmem:s26], [sflag:$0x9], $0x80, $0x38;
	[tilespmem:$0x10A00] =	vst v63  }
0x212: {  	s8 =	sshll.u32 @!p0 s8, $0x4  }
0x213: {  	s26 =	sadd.s32 $0x70, s13;
	s8 =	sand.u32 @!p0 $0x1FFFFFC0, s8  }
0x214: {  	[hbm4b:s26+s4] =	stream.linear.scatter [tilespmem:s22], [sflag:$0x9], $0x80, $0x38;
	[tilespmem:$0x10A00] =	vst v63  }
0x215: {  	s9 =	simm.s32 @!p0 $0x0;
	s8 =	sadd.s32 @!p0 s1, s8  }
0x216: {  	[tilespmem:s9], [sflag:$0x1] =	stream.linear.gather @!p0 [hbm4b:s8+s9], $0x80, $0x38;
	[tilespmem:$0x10A00] =	vst v63  }
0x217: {  	_ =	swait.ge [sflag:s25], $0x80  }
0x218: {  	[sflag:s25] =	ssyncset.done $0x0  }
0x219: {  	s10 =	simm.s32 $0x6200;
	s8 =	simm.s32 @!p1 $0xA;
	[sflag:s25] =	ssyncadd.s32 $0xFFFFFF80  }
0x21a: {  	[tilespmem:s10], [sflag:$0x8] =	stream.indirect.gather [hbm4b:s6+s14], $0x40, s20, s14, $0xb8;
	[tilespmem:$0x10A00] =	vst v63  }
0x21b: {  	_ =	swait.ge @!p1 [sflag:s8], $0x2000  }
0x21c: {  	[sflag:s8] =	ssyncset.done @!p1 $0x0  }
0x21d: {  	s13 =	simm.s32 $0x0;
	[sflag:s8] =	ssyncadd.s32 @!p1 $0xFFFFE000  }
0x21e: {  	v33 =	vmov s13;
	_ =	swait.ge [sflag:s28], $0x2000  }
0x21f: {  	v33 =	vshrl.u32 v33, $0x3;
	[sflag:s28] =	ssyncset.done $0x0  }
0x220: {  	s22 =	simm.s32 $0x2300;
	v33 =	vshll.u32 v33, v1;
	[sflag:s28] =	ssyncadd.s32 $0xFFFFE000  }
0x221: {  	v33 =	vbroadcast v33, $0x0;
	v34 =	vld [tilespmem:s22+$0xFFFFFF00];
	_ =	sdelay $0x1  }
0x222: {  	v35 =	vadd.s32 v0, v33;
	_ =	sdelay $0x2  }
0x223: {  	v34 =	vmul.f32 $8.000000000e+00, v34;
	_ =	sdelay $0x1  }
0x224: {  	[tilespmem:v35+s29+$0x0] =	vst.idx.msk $0xffff, v34  }
0x225: {  	v34 =	vld [tilespmem:s22+$0xFFFFFF10];
	_ =	sdelay $0x1  }
0x226: {  	v54 =	vadd.s32 v2, v33;
	_ =	sdelay $0x2  }
0x227: {  	v34 =	vmul.f32 $8.000000000e+00, v34;
	_ =	sdelay $0x1  }
0x228: {  	[tilespmem:v54+s29+$0x0] =	vst.idx.msk $0xffff, v34  }
0x229: {  	v34 =	vld [tilespmem:s22+$0xFFFFFF20];
	_ =	sdelay $0x1  }
0x22a: {  	v55 =	vadd.s32 v3, v33;
	_ =	sdelay $0x2  }
0x22b: {  	v34 =	vmul.f32 $8.000000000e+00, v34;
	_ =	sdelay $0x1  }
0x22c: {  	[tilespmem:v55+s29+$0x0] =	vst.idx.msk $0xffff, v34  }
0x22d: {  	v34 =	vld [tilespmem:s22+$0xFFFFFF30];
	_ =	sdelay $0x1  }
0x22e: {  	v33 =	vadd.s32 v4, v33;
	_ =	sdelay $0x1  }
0x22f: {  	s15 =	simm.s32 $0x1  }
0x230: {  	v56 =	vmov s15;
	v34 =	vmul.f32 $8.000000000e+00, v34  }
0x231: {  	v35 =	vshrl.u32 v56, $0x3  }
0x232: {  	v57 =	vshll.u32 v35, v1;
	[tilespmem:v33+s29+$0x0] =	vst.idx.msk $0xffff, v34  }
0x233: {  	v33 =	vbroadcast v57, $0x0;
	v34 =	vld [tilespmem:s22+$0xFFFFFF40];
	_ =	sdelay $0x1  }
0x234: {  	v58 =	vadd.s32 v5, v33;
	_ =	sdelay $0x2  }
0x235: {  	v34 =	vmul.f32 $8.000000000e+00, v34;
	_ =	sdelay $0x1  }
0x236: {  	[tilespmem:v58+s29+$0x0] =	vst.idx.msk $0xffff, v34  }
0x237: {  	v34 =	vld [tilespmem:s22+$0xFFFFFF50];
	_ =	sdelay $0x1  }
0x238: {  	v59 =	vadd.s32 v6, v33;
	_ =	sdelay $0x2  }
0x239: {  	v34 =	vmul.f32 $8.000000000e+00, v34;
	_ =	sdelay $0x1  }
0x23a: {  	[tilespmem:v59+s29+$0x0] =	vst.idx.msk $0xffff, v34  }
0x23b: {  	v34 =	vld [tilespmem:s22+$0xFFFFFF60];
	_ =	sdelay $0x1  }
0x23c: {  	v60 =	vadd.s32 v7, v33;
	_ =	sdelay $0x2  }
0x23d: {  	v34 =	vmul.f32 $8.000000000e+00, v34;
	_ =	sdelay $0x1  }
0x23e: {  	[tilespmem:v60+s29+$0x0] =	vst.idx.msk $0xffff, v34  }
0x23f: {  	v34 =	vld [tilespmem:s22+$0xFFFFFF70];
	_ =	sdelay $0x1  }
0x240: {  	v33 =	vadd.s32 v8, v33;
	_ =	sdelay $0x1  }
0x241: {  	s26 =	simm.s32 $0x2  }
0x242: {  	v61 =	vmov s26;
	v34 =	vmul.f32 $8.000000000e+00, v34  }
0x243: {  	v35 =	vshrl.u32 v61, $0x3  }
0x244: {  	v62 =	vshll.u32 v35, v1;
	[tilespmem:v33+s29+$0x0] =	vst.idx.msk $0xffff, v34  }
0x245: {  	v33 =	vbroadcast v62, $0x0;
	v34 =	vld [tilespmem:s22+$0xFFFFFF80];
	_ =	sdelay $0x1  }
0x246: {  	v63 =	vadd.s32 v9, v33;
	_ =	sdelay $0x2  }
0x247: {  	v34 =	vmul.f32 $8.000000000e+00, v34;
	_ =	sdelay $0x1  }
0x248: {  	[tilespmem:v63+s29+$0x0] =	vst.idx.msk $0xffff, v34  }
0x249: {  	v34 =	vld [tilespmem:s22+$0xFFFFFF90];
	_ =	sdelay $0x1  }
0x24a: {  	v36 =	vadd.s32 v10, v33;
	_ =	sdelay $0x2  }
0x24b: {  	v34 =	vmul.f32 $8.000000000e+00, v34;
	_ =	sdelay $0x1  }
0x24c: {  	[tilespmem:v36+s29+$0x0] =	vst.idx.msk $0xffff, v34  }
0x24d: {  	v34 =	vld [tilespmem:s22+$0xFFFFFFA0];
	_ =	sdelay $0x1  }
0x24e: {  	v37 =	vadd.s32 v11, v33;
	_ =	sdelay $0x2  }
0x24f: {  	v34 =	vmul.f32 $8.000000000e+00, v34;
	_ =	sdelay $0x1  }
0x250: {  	[tilespmem:v37+s29+$0x0] =	vst.idx.msk $0xffff, v34  }
0x251: {  	v34 =	vld [tilespmem:s22+$0xFFFFFFB0];
	_ =	sdelay $0x1  }
0x252: {  	v33 =	vadd.s32 v12, v33;
	_ =	sdelay $0x1  }
0x253: {  	s9 =	simm.s32 $0x3  }
0x254: {  	v38 =	vmov s9;
	v34 =	vmul.f32 $8.000000000e+00, v34  }
0x255: {  	v35 =	vshrl.u32 v38, $0x3  }
0x256: {  	v39 =	vshll.u32 v35, v1;
	[tilespmem:v33+s29+$0x0] =	vst.idx.msk $0xffff, v34  }
0x257: {  	v33 =	vbroadcast v39, $0x0;
	v34 =	vld [tilespmem:s22+$0xFFFFFFC0];
	_ =	sdelay $0x1  }
0x258: {  	v40 =	vadd.s32 v13, v33;
	_ =	sdelay $0x2  }
0x259: {  	v34 =	vmul.f32 $8.000000000e+00, v34;
	_ =	sdelay $0x1  }
0x25a: {  	[tilespmem:v40+s29+$0x0] =	vst.idx.msk $0xffff, v34  }
0x25b: {  	v34 =	vld [tilespmem:s22+$0xFFFFFFD0];
	_ =	sdelay $0x1  }
0x25c: {  	v41 =	vadd.s32 v14, v33;
	_ =	sdelay $0x2  }
0x25d: {  	v34 =	vmul.f32 $8.000000000e+00, v34;
	_ =	sdelay $0x1  }
0x25e: {  	[tilespmem:v41+s29+$0x0] =	vst.idx.msk $0xffff, v34  }
0x25f: {  	v34 =	vld [tilespmem:s22+$0xFFFFFFE0];
	_ =	sdelay $0x1  }
0x260: {  	v42 =	vadd.s32 v15, v33;
	_ =	sdelay $0x2  }
0x261: {  	v34 =	vmul.f32 $8.000000000e+00, v34;
	_ =	sdelay $0x1  }
0x262: {  	[tilespmem:v42+s29+$0x0] =	vst.idx.msk $0xffff, v34  }
0x263: {  	v34 =	vld [tilespmem:s22+$0xFFFFFFF0];
	_ =	sdelay $0x1  }
0x264: {  	v33 =	vadd.s32 v16, v33;
	_ =	sdelay $0x1  }
0x265: {  	s10 =	simm.s32 $0x4  }
0x266: {  	v43 =	vmov s10;
	v34 =	vmul.f32 $8.000000000e+00, v34  }
0x267: {  	v35 =	vshrl.u32 v43, $0x3  }
0x268: {  	v44 =	vshll.u32 v35, v1;
	[tilespmem:v33+s29+$0x0] =	vst.idx.msk $0xffff, v34  }
0x269: {  	v33 =	vbroadcast v44, $0x0;
	v34 =	vld [tilespmem:s22+$0x0];
	_ =	sdelay $0x1  }
0x26a: {  	v45 =	vadd.s32 v17, v33;
	_ =	sdelay $0x2  }
0x26b: {  	v34 =	vmul.f32 $8.000000000e+00, v34;
	_ =	sdelay $0x1  }
0x26c: {  	[tilespmem:v45+s29+$0x0] =	vst.idx.msk $0xffff, v34  }
0x26d: {  	v34 =	vld [tilespmem:s22+$0x10];
	_ =	sdelay $0x1  }
0x26e: {  	v46 =	vadd.s32 v18, v33;
	_ =	sdelay $0x2  }
0x26f: {  	v34 =	vmul.f32 $8.000000000e+00, v34;
	_ =	sdelay $0x1  }
0x270: {  	[tilespmem:v46+s29+$0x0] =	vst.idx.msk $0xffff, v34  }
0x271: {  	v34 =	vld [tilespmem:s22+$0x20];
	_ =	sdelay $0x1  }
0x272: {  	v47 =	vadd.s32 v19, v33;
	_ =	sdelay $0x2  }
0x273: {  	v34 =	vmul.f32 $8.000000000e+00, v34;
	_ =	sdelay $0x1  }
0x274: {  	[tilespmem:v47+s29+$0x0] =	vst.idx.msk $0xffff, v34  }
0x275: {  	v34 =	vld [tilespmem:s22+$0x30];
	_ =	sdelay $0x1  }
0x276: {  	v33 =	vadd.s32 v20, v33;
	_ =	sdelay $0x1  }
0x277: {  	s13 =	simm.s32 $0x5  }
0x278: {  	v48 =	vmov s13;
	v34 =	vmul.f32 $8.000000000e+00, v34  }
0x279: {  	v35 =	vshrl.u32 v48, $0x3  }
0x27a: {  	v49 =	vshll.u32 v35, v1;
	[tilespmem:v33+s29+$0x0] =	vst.idx.msk $0xffff, v34  }
0x27b: {  	v33 =	vbroadcast v49, $0x0;
	v34 =	vld [tilespmem:s22+$0x40];
	_ =	sdelay $0x1  }
0x27c: {  	v50 =	vadd.s32 v21, v33;
	_ =	sdelay $0x2  }
0x27d: {  	v34 =	vmul.f32 $8.000000000e+00, v34;
	_ =	sdelay $0x1  }
0x27e: {  	[tilespmem:v50+s29+$0x0] =	vst.idx.msk $0xffff, v34  }
0x27f: {  	v34 =	vld [tilespmem:s22+$0x50];
	_ =	sdelay $0x1  }
0x280: {  	v51 =	vadd.s32 v22, v33;
	_ =	sdelay $0x2  }
0x281: {  	v34 =	vmul.f32 $8.000000000e+00, v34;
	_ =	sdelay $0x1  }
0x282: {  	[tilespmem:v51+s29+$0x0] =	vst.idx.msk $0xffff, v34  }
0x283: {  	v34 =	vld [tilespmem:s22+$0x60];
	_ =	sdelay $0x1  }
0x284: {  	v52 =	vadd.s32 v23, v33;
	_ =	sdelay $0x2  }
0x285: {  	v34 =	vmul.f32 $8.000000000e+00, v34;
	_ =	sdelay $0x1  }
0x286: {  	[tilespmem:v52+s29+$0x0] =	vst.idx.msk $0xffff, v34  }
0x287: {  	v34 =	vld [tilespmem:s22+$0x70];
	_ =	sdelay $0x1  }
0x288: {  	v33 =	vadd.s32 v24, v33;
	_ =	sdelay $0x1  }
0x289: {  	s15 =	simm.s32 $0x6  }
0x28a: {  	v53 =	vmov s15;
	v34 =	vmul.f32 $8.000000000e+00, v34  }
0x28b: {  	v35 =	vshrl.u32 v53, $0x3  }
0x28c: {  	v54 =	vshll.u32 v35, v1;
	[tilespmem:v33+s29+$0x0] =	vst.idx.msk $0xffff, v34  }
0x28d: {  	v33 =	vbroadcast v54, $0x0;
	v34 =	vld [tilespmem:s22+$0x80];
	_ =	sdelay $0x1  }
0x28e: {  	v55 =	vadd.s32 v25, v33;
	_ =	sdelay $0x2  }
0x28f: {  	v34 =	vmul.f32 $8.000000000e+00, v34;
	_ =	sdelay $0x1  }
0x290: {  	[tilespmem:v55+s29+$0x0] =	vst.idx.msk $0xffff, v34  }
0x291: {  	v34 =	vld [tilespmem:s22+$0x90];
	_ =	sdelay $0x1  }
0x292: {  	v56 =	vadd.s32 v26, v33;
	_ =	sdelay $0x2  }
0x293: {  	v34 =	vmul.f32 $8.000000000e+00, v34;
	_ =	sdelay $0x1  }
0x294: {  	[tilespmem:v56+s29+$0x0] =	vst.idx.msk $0xffff, v34  }
0x295: {  	v34 =	vld [tilespmem:s22+$0xA0];
	_ =	sdelay $0x1  }
0x296: {  	v57 =	vadd.s32 v27, v33;
	_ =	sdelay $0x2  }
0x297: {  	v34 =	vmul.f32 $8.000000000e+00, v34;
	_ =	sdelay $0x1  }
0x298: {  	[tilespmem:v57+s29+$0x0] =	vst.idx.msk $0xffff, v34  }
0x299: {  	v34 =	vld [tilespmem:s22+$0xB0];
	_ =	sdelay $0x1  }
0x29a: {  	v33 =	vadd.s32 v28, v33;
	_ =	sdelay $0x1  }
0x29b: {  	s26 =	simm.s32 $0x7  }
0x29c: {  	v58 =	vmov s26;
	v34 =	vmul.f32 $8.000000000e+00, v34  }
0x29d: {  	v35 =	vshrl.u32 v58, $0x3  }
0x29e: {  	v59 =	vshll.u32 v35, v1;
	[tilespmem:v33+s29+$0x0] =	vst.idx.msk $0xffff, v34  }
0x29f: {  	v33 =	vbroadcast v59, $0x0;
	v34 =	vld [tilespmem:s22+$0xC0];
	_ =	sdelay $0x1  }
0x2a0: {  	v60 =	vadd.s32 v29, v33;
	_ =	sdelay $0x2  }
0x2a1: {  	v34 =	vmul.f32 $8.000000000e+00, v34;
	_ =	sdelay $0x1  }
0x2a2: {  	[tilespmem:v60+s29+$0x0] =	vst.idx.msk $0xffff, v34  }
0x2a3: {  	v34 =	vld [tilespmem:s22+$0xD0];
	_ =	sdelay $0x1  }
0x2a4: {  	v61 =	vadd.s32 v30, v33;
	_ =	sdelay $0x2  }
0x2a5: {  	v34 =	vmul.f32 $8.000000000e+00, v34;
	_ =	sdelay $0x1  }
0x2a6: {  	[tilespmem:v61+s29+$0x0] =	vst.idx.msk $0xffff, v34  }
0x2a7: {  	v34 =	vld [tilespmem:s22+$0xE0];
	_ =	sdelay $0x1  }
0x2a8: {  	v62 =	vadd.s32 v31, v33;
	_ =	sdelay $0x2  }
0x2a9: {  	v34 =	vmul.f32 $8.000000000e+00, v34;
	_ =	sdelay $0x1  }
0x2aa: {  	[tilespmem:v62+s29+$0x0] =	vst.idx.msk $0xffff, v34  }
0x2ab: {  	v34 =	vld [tilespmem:s22+$0xF0];
	_ =	sdelay $0x1  }
0x2ac: {  	v33 =	vadd.s32 v32, v33  }
0x2ad: {  	s26 =	simm.s32 $0x8  }
0x2ae: {  	v63 =	vmov s26  }
0x2af: {  	s15 =	simm.s32 $0x10;
	s13 =	sor.u32 $0x1, s17;
	v35 =	vshrl.u32 v63, $0x3;
	v34 =	vmul.f32 $8.000000000e+00, v34  }
.LBB2_7:
0x2b0: {  	p1 =	slt.u32 s15, $0x78  }
0x2b1: {  	v35 =	vshll.u32 v35, v1;
	[tilespmem:v33+s29+$0x0] =	vst.idx.msk $0xffff, v34;
	s22 =	sadd.s32 $0x200, s22;
	s8 =	smov.u32 s15;
	s15 =	sadd.s32 $0x8, s15  }
0x2b2: {  	v33 =	vld [tilespmem:s22+$0xFFFFFF00];
	v34 =	vbroadcast v35, $0x0;
	_ =	sdelay $0x1  }
0x2b3: {  	v35 =	vadd.s32 v0, v34;
	_ =	sdelay $0x2  }
0x2b4: {  	v33 =	vmul.f32 $8.000000000e+00, v33;
	_ =	sdelay $0x1  }
0x2b5: {  	[tilespmem:v35+s29+$0x0] =	vst.idx.msk $0xffff, v33  }
0x2b6: {  	v33 =	vld [tilespmem:s22+$0xFFFFFF10];
	_ =	sdelay $0x1  }
0x2b7: {  	v35 =	vadd.s32 v2, v34;
	_ =	sdelay $0x2  }
0x2b8: {  	v33 =	vmul.f32 $8.000000000e+00, v33;
	_ =	sdelay $0x1  }
0x2b9: {  	[tilespmem:v35+s29+$0x0] =	vst.idx.msk $0xffff, v33  }
0x2ba: {  	v33 =	vld [tilespmem:s22+$0xFFFFFF20];
	_ =	sdelay $0x1  }
0x2bb: {  	v35 =	vadd.s32 v3, v34;
	_ =	sdelay $0x2  }
0x2bc: {  	v33 =	vmul.f32 $8.000000000e+00, v33;
	_ =	sdelay $0x1  }
0x2bd: {  	[tilespmem:v35+s29+$0x0] =	vst.idx.msk $0xffff, v33  }
0x2be: {  	v33 =	vld [tilespmem:s22+$0xFFFFFF30];
	_ =	sdelay $0x1  }
0x2bf: {  	v34 =	vadd.s32 v4, v34;
	_ =	sdelay $0x1  }
0x2c0: {  	s9 =	sadd.s32 $0x1, s26  }
0x2c1: {  	v35 =	vmov s9;
	v33 =	vmul.f32 $8.000000000e+00, v33  }
0x2c2: {  	v35 =	vshrl.u32 v35, $0x3  }
0x2c3: {  	[tilespmem:v34+s29+$0x0] =	vst.idx.msk $0xffff, v33;
	v33 =	vshll.u32 v35, v1  }
0x2c4: {  	v34 =	vld [tilespmem:s22+$0xFFFFFF40];
	v33 =	vbroadcast v33, $0x0;
	_ =	sdelay $0x1  }
0x2c5: {  	v35 =	vadd.s32 v5, v33;
	_ =	sdelay $0x2  }
0x2c6: {  	v34 =	vmul.f32 $8.000000000e+00, v34;
	_ =	sdelay $0x1  }
0x2c7: {  	[tilespmem:v35+s29+$0x0] =	vst.idx.msk $0xffff, v34  }
0x2c8: {  	v34 =	vld [tilespmem:s22+$0xFFFFFF50];
	_ =	sdelay $0x1  }
0x2c9: {  	v35 =	vadd.s32 v6, v33;
	_ =	sdelay $0x2  }
0x2ca: {  	v34 =	vmul.f32 $8.000000000e+00, v34;
	_ =	sdelay $0x1  }
0x2cb: {  	[tilespmem:v35+s29+$0x0] =	vst.idx.msk $0xffff, v34  }
0x2cc: {  	v34 =	vld [tilespmem:s22+$0xFFFFFF60];
	_ =	sdelay $0x1  }
0x2cd: {  	v35 =	vadd.s32 v7, v33;
	_ =	sdelay $0x2  }
0x2ce: {  	v34 =	vmul.f32 $8.000000000e+00, v34;
	_ =	sdelay $0x1  }
0x2cf: {  	[tilespmem:v35+s29+$0x0] =	vst.idx.msk $0xffff, v34  }
0x2d0: {  	v34 =	vld [tilespmem:s22+$0xFFFFFF70];
	_ =	sdelay $0x1  }
0x2d1: {  	v33 =	vadd.s32 v8, v33;
	_ =	sdelay $0x1  }
0x2d2: {  	s9 =	sadd.s32 $0x2, s26  }
0x2d3: {  	v35 =	vmov s9;
	v34 =	vmul.f32 $8.000000000e+00, v34  }
0x2d4: {  	v35 =	vshrl.u32 v35, $0x3  }
0x2d5: {  	[tilespmem:v33+s29+$0x0] =	vst.idx.msk $0xffff, v34;
	v33 =	vshll.u32 v35, v1  }
0x2d6: {  	v34 =	vld [tilespmem:s22+$0xFFFFFF80];
	v33 =	vbroadcast v33, $0x0;
	_ =	sdelay $0x1  }
0x2d7: {  	v35 =	vadd.s32 v9, v33;
	_ =	sdelay $0x2  }
0x2d8: {  	v34 =	vmul.f32 $8.000000000e+00, v34;
	_ =	sdelay $0x1  }
0x2d9: {  	[tilespmem:v35+s29+$0x0] =	vst.idx.msk $0xffff, v34  }
0x2da: {  	v34 =	vld [tilespmem:s22+$0xFFFFFF90];
	_ =	sdelay $0x1  }
0x2db: {  	v35 =	vadd.s32 v10, v33;
	_ =	sdelay $0x2  }
0x2dc: {  	v34 =	vmul.f32 $8.000000000e+00, v34;
	_ =	sdelay $0x1  }
0x2dd: {  	[tilespmem:v35+s29+$0x0] =	vst.idx.msk $0xffff, v34  }
0x2de: {  	v34 =	vld [tilespmem:s22+$0xFFFFFFA0];
	_ =	sdelay $0x1  }
0x2df: {  	v35 =	vadd.s32 v11, v33;
	_ =	sdelay $0x2  }
0x2e0: {  	v34 =	vmul.f32 $8.000000000e+00, v34;
	_ =	sdelay $0x1  }
0x2e1: {  	[tilespmem:v35+s29+$0x0] =	vst.idx.msk $0xffff, v34  }
0x2e2: {  	v34 =	vld [tilespmem:s22+$0xFFFFFFB0];
	_ =	sdelay $0x1  }
0x2e3: {  	v33 =	vadd.s32 v12, v33;
	_ =	sdelay $0x1  }
0x2e4: {  	s9 =	sadd.s32 $0x3, s26  }
0x2e5: {  	v35 =	vmov s9;
	v34 =	vmul.f32 $8.000000000e+00, v34  }
0x2e6: {  	v35 =	vshrl.u32 v35, $0x3  }
0x2e7: {  	[tilespmem:v33+s29+$0x0] =	vst.idx.msk $0xffff, v34;
	v33 =	vshll.u32 v35, v1  }
0x2e8: {  	v34 =	vld [tilespmem:s22+$0xFFFFFFC0];
	v33 =	vbroadcast v33, $0x0;
	_ =	sdelay $0x1  }
0x2e9: {  	v35 =	vadd.s32 v13, v33;
	_ =	sdelay $0x2  }
0x2ea: {  	v34 =	vmul.f32 $8.000000000e+00, v34;
	_ =	sdelay $0x1  }
0x2eb: {  	[tilespmem:v35+s29+$0x0] =	vst.idx.msk $0xffff, v34  }
0x2ec: {  	v34 =	vld [tilespmem:s22+$0xFFFFFFD0];
	_ =	sdelay $0x1  }
0x2ed: {  	v35 =	vadd.s32 v14, v33;
	_ =	sdelay $0x2  }
0x2ee: {  	v34 =	vmul.f32 $8.000000000e+00, v34;
	_ =	sdelay $0x1  }
0x2ef: {  	[tilespmem:v35+s29+$0x0] =	vst.idx.msk $0xffff, v34  }
0x2f0: {  	v34 =	vld [tilespmem:s22+$0xFFFFFFE0];
	_ =	sdelay $0x1  }
0x2f1: {  	v35 =	vadd.s32 v15, v33;
	_ =	sdelay $0x2  }
0x2f2: {  	v34 =	vmul.f32 $8.000000000e+00, v34;
	_ =	sdelay $0x1  }
0x2f3: {  	[tilespmem:v35+s29+$0x0] =	vst.idx.msk $0xffff, v34  }
0x2f4: {  	v34 =	vld [tilespmem:s22+$0xFFFFFFF0];
	_ =	sdelay $0x1  }
0x2f5: {  	v33 =	vadd.s32 v16, v33;
	_ =	sdelay $0x1  }
0x2f6: {  	s9 =	sadd.s32 $0x4, s26  }
0x2f7: {  	v35 =	vmov s9;
	v34 =	vmul.f32 $8.000000000e+00, v34  }
0x2f8: {  	v35 =	vshrl.u32 v35, $0x3  }
0x2f9: {  	[tilespmem:v33+s29+$0x0] =	vst.idx.msk $0xffff, v34;
	v33 =	vshll.u32 v35, v1  }
0x2fa: {  	v34 =	vld [tilespmem:s22+$0x0];
	v33 =	vbroadcast v33, $0x0;
	_ =	sdelay $0x1  }
0x2fb: {  	v35 =	vadd.s32 v17, v33;
	_ =	sdelay $0x2  }
0x2fc: {  	v34 =	vmul.f32 $8.000000000e+00, v34;
	_ =	sdelay $0x1  }
0x2fd: {  	[tilespmem:v35+s29+$0x0] =	vst.idx.msk $0xffff, v34  }
0x2fe: {  	v34 =	vld [tilespmem:s22+$0x10];
	_ =	sdelay $0x1  }
0x2ff: {  	v35 =	vadd.s32 v18, v33;
	_ =	sdelay $0x2  }
0x300: {  	v34 =	vmul.f32 $8.000000000e+00, v34;
	_ =	sdelay $0x1  }
0x301: {  	[tilespmem:v35+s29+$0x0] =	vst.idx.msk $0xffff, v34  }
0x302: {  	v34 =	vld [tilespmem:s22+$0x20];
	_ =	sdelay $0x1  }
0x303: {  	v35 =	vadd.s32 v19, v33;
	_ =	sdelay $0x2  }
0x304: {  	v34 =	vmul.f32 $8.000000000e+00, v34;
	_ =	sdelay $0x1  }
0x305: {  	[tilespmem:v35+s29+$0x0] =	vst.idx.msk $0xffff, v34  }
0x306: {  	v34 =	vld [tilespmem:s22+$0x30];
	_ =	sdelay $0x1  }
0x307: {  	v33 =	vadd.s32 v20, v33;
	_ =	sdelay $0x1  }
0x308: {  	s9 =	sadd.s32 $0x5, s26  }
0x309: {  	v35 =	vmov s9;
	v34 =	vmul.f32 $8.000000000e+00, v34  }
0x30a: {  	v35 =	vshrl.u32 v35, $0x3  }
0x30b: {  	[tilespmem:v33+s29+$0x0] =	vst.idx.msk $0xffff, v34;
	v33 =	vshll.u32 v35, v1  }
0x30c: {  	v34 =	vld [tilespmem:s22+$0x40];
	v33 =	vbroadcast v33, $0x0;
	_ =	sdelay $0x1  }
0x30d: {  	v35 =	vadd.s32 v21, v33;
	_ =	sdelay $0x2  }
0x30e: {  	v34 =	vmul.f32 $8.000000000e+00, v34;
	_ =	sdelay $0x1  }
0x30f: {  	[tilespmem:v35+s29+$0x0] =	vst.idx.msk $0xffff, v34  }
0x310: {  	v34 =	vld [tilespmem:s22+$0x50];
	_ =	sdelay $0x1  }
0x311: {  	v35 =	vadd.s32 v22, v33;
	_ =	sdelay $0x2  }
0x312: {  	v34 =	vmul.f32 $8.000000000e+00, v34;
	_ =	sdelay $0x1  }
0x313: {  	[tilespmem:v35+s29+$0x0] =	vst.idx.msk $0xffff, v34  }
0x314: {  	v34 =	vld [tilespmem:s22+$0x60];
	_ =	sdelay $0x1  }
0x315: {  	v35 =	vadd.s32 v23, v33;
	_ =	sdelay $0x2  }
0x316: {  	v34 =	vmul.f32 $8.000000000e+00, v34;
	_ =	sdelay $0x1  }
0x317: {  	[tilespmem:v35+s29+$0x0] =	vst.idx.msk $0xffff, v34  }
0x318: {  	v34 =	vld [tilespmem:s22+$0x70];
	_ =	sdelay $0x1  }
0x319: {  	v33 =	vadd.s32 v24, v33;
	_ =	sdelay $0x1  }
0x31a: {  	s9 =	sadd.s32 $0x6, s26  }
0x31b: {  	v35 =	vmov s9;
	v34 =	vmul.f32 $8.000000000e+00, v34  }
0x31c: {  	v35 =	vshrl.u32 v35, $0x3  }
0x31d: {  	[tilespmem:v33+s29+$0x0] =	vst.idx.msk $0xffff, v34;
	v33 =	vshll.u32 v35, v1  }
0x31e: {  	v34 =	vld [tilespmem:s22+$0x80];
	v33 =	vbroadcast v33, $0x0;
	_ =	sdelay $0x1  }
0x31f: {  	v35 =	vadd.s32 v25, v33;
	_ =	sdelay $0x2  }
0x320: {  	v34 =	vmul.f32 $8.000000000e+00, v34;
	_ =	sdelay $0x1  }
0x321: {  	[tilespmem:v35+s29+$0x0] =	vst.idx.msk $0xffff, v34  }
0x322: {  	v34 =	vld [tilespmem:s22+$0x90];
	_ =	sdelay $0x1  }
0x323: {  	v35 =	vadd.s32 v26, v33;
	_ =	sdelay $0x2  }
0x324: {  	v34 =	vmul.f32 $8.000000000e+00, v34;
	_ =	sdelay $0x1  }
0x325: {  	[tilespmem:v35+s29+$0x0] =	vst.idx.msk $0xffff, v34  }
0x326: {  	v34 =	vld [tilespmem:s22+$0xA0];
	_ =	sdelay $0x1  }
0x327: {  	v35 =	vadd.s32 v27, v33;
	_ =	sdelay $0x2  }
0x328: {  	v34 =	vmul.f32 $8.000000000e+00, v34;
	_ =	sdelay $0x1  }
0x329: {  	[tilespmem:v35+s29+$0x0] =	vst.idx.msk $0xffff, v34  }
0x32a: {  	v34 =	vld [tilespmem:s22+$0xB0];
	_ =	sdelay $0x1  }
0x32b: {  	v33 =	vadd.s32 v28, v33;
	_ =	sdelay $0x1  }
0x32c: {  	s9 =	sadd.s32 $0x7, s26;
	s26 =	smov.u32 s8  }
0x32d: {  	v35 =	vmov s9;
	v34 =	vmul.f32 $8.000000000e+00, v34  }
0x32e: {  	v35 =	vshrl.u32 v35, $0x3  }
0x32f: {  	[tilespmem:v33+s29+$0x0] =	vst.idx.msk $0xffff, v34;
	v33 =	vshll.u32 v35, v1  }
0x330: {  	v34 =	vld [tilespmem:s22+$0xC0];
	v33 =	vbroadcast v33, $0x0;
	_ =	sdelay $0x1  }
0x331: {  	v35 =	vadd.s32 v29, v33;
	_ =	sdelay $0x2  }
0x332: {  	v34 =	vmul.f32 $8.000000000e+00, v34;
	_ =	sdelay $0x1  }
0x333: {  	[tilespmem:v35+s29+$0x0] =	vst.idx.msk $0xffff, v34  }
0x334: {  	v34 =	vld [tilespmem:s22+$0xD0];
	_ =	sdelay $0x1  }
0x335: {  	v35 =	vadd.s32 v30, v33;
	_ =	sdelay $0x2  }
0x336: {  	v34 =	vmul.f32 $8.000000000e+00, v34;
	_ =	sdelay $0x1  }
0x337: {  	[tilespmem:v35+s29+$0x0] =	vst.idx.msk $0xffff, v34  }
0x338: {  	v34 =	vld [tilespmem:s22+$0xE0];
	_ =	sdelay $0x1  }
0x339: {  	v35 =	vadd.s32 v31, v33;
	_ =	sdelay $0x2  }
0x33a: {  	v34 =	vmul.f32 $8.000000000e+00, v34;
	_ =	sdelay $0x1  }
0x33b: {  	[tilespmem:v35+s29+$0x0] =	vst.idx.msk $0xffff, v34  }
0x33c: {  	v34 =	vld [tilespmem:s22+$0xF0];
	_ =	sdelay $0x1  }
.Ltmp2:
0x33d: {  	v33 =	vadd.s32 v32, v33;
	(pc) =	sbr.rel @p1 .LBB2_7-.Ltmp2, $3  }
0x33e: {  	_ =	sdelay $0x1  }
0x33f: {  	v35 =	vmov s26;
	v34 =	vmul.f32 $8.000000000e+00, v34  }
0x340: {  	v35 =	vshrl.u32 v35, $0x3  }
0x341: {  	_ =	sdelay $0x3  }
0x342: {  	v35 =	vshll.u32 v35, v1;
	[tilespmem:v33+s29+$0x0] =	vst.idx.msk $0xffff, v34;
	s8 =	sadd.s32 $0x200, s22  }
0x343: {  	v33 =	vld [tilespmem:s8+$0xFFFFFF00];
	v54 =	vbroadcast v35, $0x0;
	_ =	sdelay $0x1  }
0x344: {  	v35 =	vadd.s32 v0, v54;
	_ =	sdelay $0x2  }
0x345: {  	v33 =	vmul.f32 $8.000000000e+00, v33;
	_ =	sdelay $0x1  }
0x346: {  	[tilespmem:v35+s29+$0x0] =	vst.idx.msk $0xffff, v33  }
0x347: {  	v33 =	vld [tilespmem:s8+$0xFFFFFF10];
	_ =	sdelay $0x1  }
0x348: {  	v55 =	vadd.s32 v2, v54;
	_ =	sdelay $0x2  }
0x349: {  	v33 =	vmul.f32 $8.000000000e+00, v33;
	_ =	sdelay $0x1  }
0x34a: {  	[tilespmem:v55+s29+$0x0] =	vst.idx.msk $0xffff, v33  }
0x34b: {  	v33 =	vld [tilespmem:s8+$0xFFFFFF20];
	_ =	sdelay $0x1  }
0x34c: {  	v56 =	vadd.s32 v3, v54;
	_ =	sdelay $0x2  }
0x34d: {  	v33 =	vmul.f32 $8.000000000e+00, v33;
	_ =	sdelay $0x1  }
0x34e: {  	[tilespmem:v56+s29+$0x0] =	vst.idx.msk $0xffff, v33  }
0x34f: {  	v33 =	vld [tilespmem:s8+$0xFFFFFF30];
	_ =	sdelay $0x1  }
0x350: {  	v34 =	vadd.s32 v4, v54;
	_ =	sdelay $0x1  }
0x351: {  	s9 =	sadd.s32 $0x1, s26  }
0x352: {  	v57 =	vmov s9;
	v33 =	vmul.f32 $8.000000000e+00, v33  }
0x353: {  	v35 =	vshrl.u32 v57, $0x3  }
0x354: {  	v58 =	vshll.u32 v35, v1;
	[tilespmem:v34+s29+$0x0] =	vst.idx.msk $0xffff, v33  }
0x355: {  	v33 =	vbroadcast v58, $0x0;
	v34 =	vld [tilespmem:s8+$0xFFFFFF40];
	_ =	sdelay $0x1  }
0x356: {  	v59 =	vadd.s32 v5, v33;
	_ =	sdelay $0x2  }
0x357: {  	v34 =	vmul.f32 $8.000000000e+00, v34;
	_ =	sdelay $0x1  }
0x358: {  	[tilespmem:v59+s29+$0x0] =	vst.idx.msk $0xffff, v34  }
0x359: {  	v34 =	vld [tilespmem:s8+$0xFFFFFF50];
	_ =	sdelay $0x1  }
0x35a: {  	v60 =	vadd.s32 v6, v33;
	_ =	sdelay $0x2  }
0x35b: {  	v34 =	vmul.f32 $8.000000000e+00, v34;
	_ =	sdelay $0x1  }
0x35c: {  	[tilespmem:v60+s29+$0x0] =	vst.idx.msk $0xffff, v34  }
0x35d: {  	v34 =	vld [tilespmem:s8+$0xFFFFFF60];
	_ =	sdelay $0x1  }
0x35e: {  	v61 =	vadd.s32 v7, v33;
	_ =	sdelay $0x2  }
0x35f: {  	v34 =	vmul.f32 $8.000000000e+00, v34;
	_ =	sdelay $0x1  }
0x360: {  	[tilespmem:v61+s29+$0x0] =	vst.idx.msk $0xffff, v34  }
0x361: {  	v34 =	vld [tilespmem:s8+$0xFFFFFF70];
	_ =	sdelay $0x1  }
0x362: {  	v33 =	vadd.s32 v8, v33;
	_ =	sdelay $0x1  }
0x363: {  	s22 =	sadd.s32 $0x2, s26  }
0x364: {  	v62 =	vmov s22;
	v34 =	vmul.f32 $8.000000000e+00, v34  }
0x365: {  	v35 =	vshrl.u32 v62, $0x3  }
0x366: {  	v63 =	vshll.u32 v35, v1;
	[tilespmem:v33+s29+$0x0] =	vst.idx.msk $0xffff, v34  }
0x367: {  	v33 =	vbroadcast v63, $0x0;
	v34 =	vld [tilespmem:s8+$0xFFFFFF80];
	_ =	sdelay $0x1  }
0x368: {  	v36 =	vadd.s32 v9, v33;
	_ =	sdelay $0x2  }
0x369: {  	v34 =	vmul.f32 $8.000000000e+00, v34;
	_ =	sdelay $0x1  }
0x36a: {  	[tilespmem:v36+s29+$0x0] =	vst.idx.msk $0xffff, v34  }
0x36b: {  	v34 =	vld [tilespmem:s8+$0xFFFFFF90];
	_ =	sdelay $0x1  }
0x36c: {  	v37 =	vadd.s32 v10, v33;
	_ =	sdelay $0x2  }
0x36d: {  	v34 =	vmul.f32 $8.000000000e+00, v34;
	_ =	sdelay $0x1  }
0x36e: {  	[tilespmem:v37+s29+$0x0] =	vst.idx.msk $0xffff, v34  }
0x36f: {  	v34 =	vld [tilespmem:s8+$0xFFFFFFA0];
	_ =	sdelay $0x1  }
0x370: {  	v38 =	vadd.s32 v11, v33;
	_ =	sdelay $0x2  }
0x371: {  	v34 =	vmul.f32 $8.000000000e+00, v34;
	_ =	sdelay $0x1  }
0x372: {  	[tilespmem:v38+s29+$0x0] =	vst.idx.msk $0xffff, v34  }
0x373: {  	v34 =	vld [tilespmem:s8+$0xFFFFFFB0];
	_ =	sdelay $0x1  }
0x374: {  	v33 =	vadd.s32 v12, v33;
	_ =	sdelay $0x1  }
0x375: {  	s10 =	sadd.s32 $0x3, s26  }
0x376: {  	v39 =	vmov s10;
	v34 =	vmul.f32 $8.000000000e+00, v34  }
0x377: {  	v35 =	vshrl.u32 v39, $0x3  }
0x378: {  	v40 =	vshll.u32 v35, v1;
	[tilespmem:v33+s29+$0x0] =	vst.idx.msk $0xffff, v34  }
0x379: {  	v33 =	vbroadcast v40, $0x0;
	v34 =	vld [tilespmem:s8+$0xFFFFFFC0];
	_ =	sdelay $0x1  }
0x37a: {  	v41 =	vadd.s32 v13, v33;
	_ =	sdelay $0x2  }
0x37b: {  	v34 =	vmul.f32 $8.000000000e+00, v34;
	_ =	sdelay $0x1  }
0x37c: {  	[tilespmem:v41+s29+$0x0] =	vst.idx.msk $0xffff, v34  }
0x37d: {  	v34 =	vld [tilespmem:s8+$0xFFFFFFD0];
	_ =	sdelay $0x1  }
0x37e: {  	v42 =	vadd.s32 v14, v33;
	_ =	sdelay $0x2  }
0x37f: {  	v34 =	vmul.f32 $8.000000000e+00, v34;
	_ =	sdelay $0x1  }
0x380: {  	[tilespmem:v42+s29+$0x0] =	vst.idx.msk $0xffff, v34  }
0x381: {  	v34 =	vld [tilespmem:s8+$0xFFFFFFE0];
	_ =	sdelay $0x1  }
0x382: {  	v43 =	vadd.s32 v15, v33;
	_ =	sdelay $0x2  }
0x383: {  	v34 =	vmul.f32 $8.000000000e+00, v34;
	_ =	sdelay $0x1  }
0x384: {  	[tilespmem:v43+s29+$0x0] =	vst.idx.msk $0xffff, v34  }
0x385: {  	v34 =	vld [tilespmem:s8+$0xFFFFFFF0];
	_ =	sdelay $0x1  }
0x386: {  	v33 =	vadd.s32 v16, v33;
	_ =	sdelay $0x1  }
0x387: {  	s15 =	sadd.s32 $0x4, s26  }
0x388: {  	v44 =	vmov s15;
	v34 =	vmul.f32 $8.000000000e+00, v34  }
0x389: {  	v35 =	vshrl.u32 v44, $0x3  }
0x38a: {  	v45 =	vshll.u32 v35, v1;
	[tilespmem:v33+s29+$0x0] =	vst.idx.msk $0xffff, v34  }
0x38b: {  	v33 =	vbroadcast v45, $0x0;
	v34 =	vld [tilespmem:s8+$0x0];
	_ =	sdelay $0x1  }
0x38c: {  	v46 =	vadd.s32 v17, v33;
	_ =	sdelay $0x2  }
0x38d: {  	v34 =	vmul.f32 $8.000000000e+00, v34;
	_ =	sdelay $0x1  }
0x38e: {  	[tilespmem:v46+s29+$0x0] =	vst.idx.msk $0xffff, v34  }
0x38f: {  	v34 =	vld [tilespmem:s8+$0x10];
	_ =	sdelay $0x1  }
0x390: {  	v47 =	vadd.s32 v18, v33;
	_ =	sdelay $0x2  }
0x391: {  	v34 =	vmul.f32 $8.000000000e+00, v34;
	_ =	sdelay $0x1  }
0x392: {  	[tilespmem:v47+s29+$0x0] =	vst.idx.msk $0xffff, v34  }
0x393: {  	v34 =	vld [tilespmem:s8+$0x20];
	_ =	sdelay $0x1  }
0x394: {  	v48 =	vadd.s32 v19, v33;
	_ =	sdelay $0x2  }
0x395: {  	v34 =	vmul.f32 $8.000000000e+00, v34;
	_ =	sdelay $0x1  }
0x396: {  	[tilespmem:v48+s29+$0x0] =	vst.idx.msk $0xffff, v34  }
0x397: {  	v34 =	vld [tilespmem:s8+$0x30];
	_ =	sdelay $0x1  }
0x398: {  	v33 =	vadd.s32 v20, v33;
	_ =	sdelay $0x1  }
0x399: {  	s22 =	sadd.s32 $0x5, s26  }
0x39a: {  	v49 =	vmov s22;
	v34 =	vmul.f32 $8.000000000e+00, v34  }
0x39b: {  	v35 =	vshrl.u32 v49, $0x3  }
0x39c: {  	v50 =	vshll.u32 v35, v1;
	[tilespmem:v33+s29+$0x0] =	vst.idx.msk $0xffff, v34  }
0x39d: {  	v33 =	vbroadcast v50, $0x0;
	v34 =	vld [tilespmem:s8+$0x40];
	_ =	sdelay $0x1  }
0x39e: {  	v51 =	vadd.s32 v21, v33;
	_ =	sdelay $0x2  }
0x39f: {  	v34 =	vmul.f32 $8.000000000e+00, v34;
	_ =	sdelay $0x1  }
0x3a0: {  	[tilespmem:v51+s29+$0x0] =	vst.idx.msk $0xffff, v34  }
0x3a1: {  	v34 =	vld [tilespmem:s8+$0x50];
	_ =	sdelay $0x1  }
0x3a2: {  	v52 =	vadd.s32 v22, v33;
	_ =	sdelay $0x2  }
0x3a3: {  	v34 =	vmul.f32 $8.000000000e+00, v34;
	_ =	sdelay $0x1  }
0x3a4: {  	[tilespmem:v52+s29+$0x0] =	vst.idx.msk $0xffff, v34  }
0x3a5: {  	v34 =	vld [tilespmem:s8+$0x60];
	_ =	sdelay $0x1  }
0x3a6: {  	v53 =	vadd.s32 v23, v33;
	_ =	sdelay $0x2  }
0x3a7: {  	v34 =	vmul.f32 $8.000000000e+00, v34;
	_ =	sdelay $0x1  }
0x3a8: {  	[tilespmem:v53+s29+$0x0] =	vst.idx.msk $0xffff, v34  }
0x3a9: {  	v34 =	vld [tilespmem:s8+$0x70];
	_ =	sdelay $0x1  }
0x3aa: {  	v33 =	vadd.s32 v24, v33;
	_ =	sdelay $0x1  }
0x3ab: {  	s10 =	sadd.s32 $0x6, s26  }
0x3ac: {  	v54 =	vmov s10;
	v34 =	vmul.f32 $8.000000000e+00, v34  }
0x3ad: {  	v35 =	vshrl.u32 v54, $0x3  }
0x3ae: {  	v55 =	vshll.u32 v35, v1;
	[tilespmem:v33+s29+$0x0] =	vst.idx.msk $0xffff, v34  }
0x3af: {  	v33 =	vbroadcast v55, $0x0;
	v34 =	vld [tilespmem:s8+$0x80];
	_ =	sdelay $0x1  }
0x3b0: {  	v56 =	vadd.s32 v25, v33;
	_ =	sdelay $0x2  }
0x3b1: {  	v34 =	vmul.f32 $8.000000000e+00, v34;
	_ =	sdelay $0x1  }
0x3b2: {  	[tilespmem:v56+s29+$0x0] =	vst.idx.msk $0xffff, v34  }
0x3b3: {  	v34 =	vld [tilespmem:s8+$0x90];
	_ =	sdelay $0x1  }
0x3b4: {  	v57 =	vadd.s32 v26, v33;
	_ =	sdelay $0x2  }
0x3b5: {  	v34 =	vmul.f32 $8.000000000e+00, v34;
	_ =	sdelay $0x1  }
0x3b6: {  	[tilespmem:v57+s29+$0x0] =	vst.idx.msk $0xffff, v34  }
0x3b7: {  	v34 =	vld [tilespmem:s8+$0xA0];
	_ =	sdelay $0x1  }
0x3b8: {  	v58 =	vadd.s32 v27, v33;
	_ =	sdelay $0x2  }
0x3b9: {  	v34 =	vmul.f32 $8.000000000e+00, v34;
	_ =	sdelay $0x1  }
0x3ba: {  	[tilespmem:v58+s29+$0x0] =	vst.idx.msk $0xffff, v34  }
0x3bb: {  	v34 =	vld [tilespmem:s8+$0xB0];
	_ =	sdelay $0x1  }
0x3bc: {  	v33 =	vadd.s32 v28, v33;
	_ =	sdelay $0x1  }
0x3bd: {  	s15 =	sadd.s32 $0x7, s26  }
0x3be: {  	v59 =	vmov s15;
	v34 =	vmul.f32 $8.000000000e+00, v34  }
0x3bf: {  	v35 =	vshrl.u32 v59, $0x3  }
0x3c0: {  	v60 =	vshll.u32 v35, v1;
	[tilespmem:v33+s29+$0x0] =	vst.idx.msk $0xffff, v34  }
0x3c1: {  	v33 =	vbroadcast v60, $0x0;
	v34 =	vld [tilespmem:s8+$0xC0];
	_ =	sdelay $0x1  }
0x3c2: {  	v61 =	vadd.s32 v29, v33;
	_ =	sdelay $0x2  }
0x3c3: {  	v34 =	vmul.f32 $8.000000000e+00, v34;
	_ =	sdelay $0x1  }
0x3c4: {  	[tilespmem:v61+s29+$0x0] =	vst.idx.msk $0xffff, v34  }
0x3c5: {  	v34 =	vld [tilespmem:s8+$0xD0];
	_ =	sdelay $0x1  }
0x3c6: {  	v62 =	vadd.s32 v30, v33;
	_ =	sdelay $0x2  }
0x3c7: {  	v34 =	vmul.f32 $8.000000000e+00, v34;
	_ =	sdelay $0x1  }
0x3c8: {  	[tilespmem:v62+s29+$0x0] =	vst.idx.msk $0xffff, v34  }
0x3c9: {  	v34 =	vld [tilespmem:s8+$0xE0];
	_ =	sdelay $0x1  }
0x3ca: {  	v63 =	vadd.s32 v31, v33;
	_ =	sdelay $0x2  }
0x3cb: {  	v34 =	vmul.f32 $8.000000000e+00, v34;
	_ =	sdelay $0x1  }
0x3cc: {  	[tilespmem:v63+s29+$0x0] =	vst.idx.msk $0xffff, v34  }
0x3cd: {  	s22 =	sadd.s32 s5, s13;
	v34 =	vld [tilespmem:s8+$0xF0]  }
0x3ce: {  	s26 =	sshrl.u32 s22, $0x7  }
0x3cf: {  	s10 =	sand.u32 $0x5, s13;
	s9 =	sand.u32 $0xFF8, s26;
	v33 =	vadd.s32 v32, v33  }
0x3d0: {  	s9 =	sor.u32 s10, s9;
	s8 =	sshll.u32 s22, $0x7  }
0x3d1: {  	s9 =	sshll.u32 s9, $0x14;
	s8 =	sand.u32 $0x1FC00, s8  }
0x3d2: {  	s8 =	sor.u32 s8, s9;
	v34 =	vmul.f32 $8.000000000e+00, v34  }
0x3d3: {  	s8 =	sshrl.u32 s8, $0x3  }
0x3d4: {  	s13 =	simm.s32 $0xA400;
	s9 =	sadd.s32 s3, s8;
	[tilespmem:v33+s29+$0x0] =	vst.idx.msk $0xffff, v34  }
0x3d5: {  	[hbm4b:s9+s4] =	stream.linear.scatter [tilespmem:s13], [sflag:$0xA], $0x80, $0x38;
	[tilespmem:$0x10A00] =	vst v63  }
0x3d6: {  	s15 =	simm.s32 $0xA488;
	s22 =	sadd.s32 $0x10, s9  }
0x3d7: {  	[hbm4b:s22+s4] =	stream.linear.scatter [tilespmem:s15], [sflag:$0xA], $0x80, $0x38;
	[tilespmem:$0x10A00] =	vst v63  }
0x3d8: {  	s26 =	simm.s32 $0xA510;
	s10 =	sadd.s32 $0x20, s9  }
0x3d9: {  	[hbm4b:s10+s4] =	stream.linear.scatter [tilespmem:s26], [sflag:$0xA], $0x80, $0x38;
	[tilespmem:$0x10A00] =	vst v63  }
0x3da: {  	s15 =	simm.s32 $0xA598;
	s22 =	sadd.s32 $0x30, s9  }
0x3db: {  	[hbm4b:s22+s4] =	stream.linear.scatter [tilespmem:s15], [sflag:$0xA], $0x80, $0x38;
	[tilespmem:$0x10A00] =	vst v63  }
0x3dc: {  	s26 =	simm.s32 $0xA620;
	s10 =	sadd.s32 $0x40, s9  }
0x3dd: {  	[hbm4b:s10+s4] =	stream.linear.scatter [tilespmem:s26], [sflag:$0xA], $0x80, $0x38;
	[tilespmem:$0x10A00] =	vst v63  }
0x3de: {  	s8 =	simm.s32 $0x440;
	s13 =	simm.s32 $0xA6A8;
	s15 =	sadd.s32 $0x50, s9  }
0x3df: {  	[hbm4b:s15+s4] =	stream.linear.scatter [tilespmem:s13], [sflag:$0xA], $0x80, $0x38;
	[tilespmem:$0x10A00] =	vst v63  }
0x3e0: {  	s22 =	simm.s32 $0xA730;
	s26 =	sadd.s32 $0x60, s9;
	s15 =	simm.s32 $0x2200  }
0x3e1: {  	[hbm4b:s26+s4] =	stream.linear.scatter [tilespmem:s22], [sflag:$0xA], $0x80, $0x38;
	[tilespmem:$0x10A00] =	vst v63  }
0x3e2: {  	s13 =	sadd.s32 $0x4000, s9;
	s22 =	simm.s32 $0xA7B8;
	s26 =	sadd.s32 $0x70, s9  }
.LBB2_9:
0x3e3: {  	[hbm4b:s26+s4] =	stream.linear.scatter [tilespmem:s22], [sflag:$0xA], $0x80, $0x38;
	[tilespmem:$0x10A00] =	vst v63  }
0x3e4: {  	s9 =	smov.u32 s8;
	s8 =	smov.u32 s15  }
0x3e5: {  	s10 =	sadd.s32 $0x1100, s15;
	s8 =	sshra.s32 s8, $0x2;
	s22 =	sadd.s32 $0xA400, s9  }
0x3e6: {  	[hbm4b:s13+s4] =	stream.linear.scatter [tilespmem:s22], [sflag:$0xA], $0x80, $0x38;
	[tilespmem:$0x10A00] =	vst v63  }
0x3e7: {  	p1 =	sne.s32 s15, $0x7700;
	s15 =	sadd.s32 $0xA488, s9;
	s22 =	sadd.s32 $0x10, s13  }
0x3e8: {  	[hbm4b:s22+s4] =	stream.linear.scatter [tilespmem:s15], [sflag:$0xA], $0x80, $0x38;
	[tilespmem:$0x10A00] =	vst v63  }
0x3e9: {  	s15 =	sadd.s32 $0xA510, s9;
	s22 =	sadd.s32 $0x20, s13  }
0x3ea: {  	[hbm4b:s22+s4] =	stream.linear.scatter [tilespmem:s15], [sflag:$0xA], $0x80, $0x38;
	[tilespmem:$0x10A00] =	vst v63  }
0x3eb: {  	s15 =	sadd.s32 $0xA598, s9;
	s22 =	sadd.s32 $0x30, s13  }
0x3ec: {  	[hbm4b:s22+s4] =	stream.linear.scatter [tilespmem:s15], [sflag:$0xA], $0x80, $0x38;
	[tilespmem:$0x10A00] =	vst v63  }
0x3ed: {  	s15 =	sadd.s32 $0xA620, s9;
	s22 =	sadd.s32 $0x40, s13  }
0x3ee: {  	[hbm4b:s22+s4] =	stream.linear.scatter [tilespmem:s15], [sflag:$0xA], $0x80, $0x38;
	[tilespmem:$0x10A00] =	vst v63  }
.Ltmp3:
0x3ef: {  	s15 =	sadd.s32 $0xA6A8, s9;
	s22 =	sadd.s32 $0x50, s13;
	(pc) =	sbr.rel @p1 .LBB2_9-.Ltmp3, $4  }
0x3f0: {  	[hbm4b:s22+s4] =	stream.linear.scatter [tilespmem:s15], [sflag:$0xA], $0x80, $0x38;
	[tilespmem:$0x10A00] =	vst v63  }
0x3f1: {  	s26 =	sadd.s32 $0x70, s13;
	s15 =	sadd.s32 $0xA730, s9;
	s22 =	sadd.s32 $0x60, s13  }
0x3f2: {  	[hbm4b:s22+s4] =	stream.linear.scatter [tilespmem:s15], [sflag:$0xA], $0x80, $0x38;
	[tilespmem:$0x10A00] =	vst v63  }
0x3f3: {  	s13 =	sadd.s32 $0x4000, s13;
	s22 =	sadd.s32 $0xA7B8, s9;
	s15 =	smov.u32 s10  }
0x3f4: {  	[hbm4b:s26+s4] =	stream.linear.scatter [tilespmem:s22], [sflag:$0xA], $0x80, $0x38;
	[tilespmem:$0x10A00] =	vst v63  }
0x3f5: {  	s9 =	sadd.s32 $0xA400, s8  }
0x3f6: {  	[hbm4b:s13+s4] =	stream.linear.scatter [tilespmem:s9], [sflag:$0xA], $0x80, $0x38;
	[tilespmem:$0x10A00] =	vst v63  }
0x3f7: {  	s15 =	sadd.s32 $0xA488, s8;
	s10 =	sadd.s32 $0x10, s13  }
0x3f8: {  	[hbm4b:s10+s4] =	stream.linear.scatter [tilespmem:s15], [sflag:$0xA], $0x80, $0x38;
	[tilespmem:$0x10A00] =	vst v63  }
0x3f9: {  	s22 =	sadd.s32 $0xA510, s8;
	s26 =	sadd.s32 $0x20, s13  }
0x3fa: {  	[hbm4b:s26+s4] =	stream.linear.scatter [tilespmem:s22], [sflag:$0xA], $0x80, $0x38;
	[tilespmem:$0x10A00] =	vst v63  }
0x3fb: {  	s10 =	sadd.s32 $0xA598, s8;
	s15 =	sadd.s32 $0x30, s13  }
0x3fc: {  	[hbm4b:s15+s4] =	stream.linear.scatter [tilespmem:s10], [sflag:$0xA], $0x80, $0x38;
	[tilespmem:$0x10A00] =	vst v63  }
0x3fd: {  	s22 =	sadd.s32 $0xA620, s8;
	s26 =	sadd.s32 $0x40, s13  }
0x3fe: {  	[hbm4b:s26+s4] =	stream.linear.scatter [tilespmem:s22], [sflag:$0xA], $0x80, $0x38;
	[tilespmem:$0x10A00] =	vst v63  }
0x3ff: {  	s10 =	sadd.s32 $0xA6A8, s8;
	s15 =	sadd.s32 $0x50, s13  }
0x400: {  	[hbm4b:s15+s4] =	stream.linear.scatter [tilespmem:s10], [sflag:$0xA], $0x80, $0x38;
	[tilespmem:$0x10A00] =	vst v63  }
0x401: {  	s22 =	sadd.s32 $0xA730, s8;
	s10 =	sadd.s32 $0xA7B8, s8;
	s8 =	sadd.s32 @!p0 s17, s11  }
0x402: {  	s26 =	sadd.s32 $0x60, s13;
	s8 =	sshll.u32 @!p0 s8, $0x4  }
0x403: {  	[hbm4b:s26+s4] =	stream.linear.scatter [tilespmem:s22], [sflag:$0xA], $0x80, $0x38;
	[tilespmem:$0x10A00] =	vst v63  }
0x404: {  	s13 =	sadd.s32 $0x70, s13;
	s8 =	sand.u32 @!p0 $0x1FFFFFD0, s8  }
0x405: {  	[hbm4b:s13+s4] =	stream.linear.scatter [tilespmem:s10], [sflag:$0xA], $0x80, $0x38;
	[tilespmem:$0x10A00] =	vst v63  }
0x406: {  	s9 =	simm.s32 @!p0 $0x0;
	s8 =	sadd.s32 @!p0 s1, s8;
	s10 =	simm.s32 @!p0 $0x80  }
0x407: {  	[tilespmem:s10], [sflag:$0x2] =	stream.linear.gather @!p0 [hbm4b:s8+s9], $0x80, $0x38;
	[tilespmem:$0x10A00] =	vst v63  }
0x408: {  	s8 =	simm.s32 @!p0 $0x1  }
0x409: {  	_ =	swait.ge @!p0 [sflag:s8], $0x80  }
0x40a: {  	p1 =	seq.s32 @!p0 s7, $0x0;
	[sflag:s8] =	ssyncset.done @!p0 $0x0  }
0x40b: {  	p1 =	por p0, !p1;
	[sflag:s8] =	ssyncadd.s32 @!p0 $0xFFFFFF80;
	s8 =	simm.s32 @!p0 $0x200  }
0x40c: {  	[tilespmem:s8], [sflag:$0x5] =	stream.indirect.gather @!p0 [hbm4b:s6+s10], $0x40, s9, s10, $0xb8;
	[tilespmem:$0x10A00] =	vst v63  }
0x40d: {  	s8 =	simm.s32 @p1 $0xB  }
0x40e: {  	_ =	swait.ge @p1 [sflag:s8], $0x2000  }
0x40f: {  	[sflag:s8] =	ssyncset.done @p1 $0x0  }
0x410: {  	s15 =	simm.s32 $0x0;
	[sflag:s8] =	ssyncadd.s32 @p1 $0xFFFFE000  }
0x411: {  	v33 =	vmov s15;
	_ =	swait.ge [sflag:s30], $0x2000  }
0x412: {  	v33 =	vshrl.u32 v33, $0x3;
	[sflag:s30] =	ssyncset.done $0x0  }
0x413: {  	v33 =	vshll.u32 v33, v1;
	s13 =	simm.s32 $0x4300;
	[sflag:s30] =	ssyncadd.s32 $0xFFFFE000  }
0x414: {  	v33 =	vbroadcast v33, $0x0;
	v34 =	vld [tilespmem:s13+$0xFFFFFF00];
	_ =	sdelay $0x1  }
0x415: {  	v35 =	vadd.s32 v0, v33;
	_ =	sdelay $0x2  }
0x416: {  	v34 =	vmul.f32 $8.000000000e+00, v34;
	_ =	sdelay $0x1  }
0x417: {  	[tilespmem:v35+s31+$0x0] =	vst.idx.msk $0xffff, v34  }
0x418: {  	v34 =	vld [tilespmem:s13+$0xFFFFFF10];
	_ =	sdelay $0x1  }
0x419: {  	v54 =	vadd.s32 v2, v33;
	_ =	sdelay $0x2  }
0x41a: {  	v34 =	vmul.f32 $8.000000000e+00, v34;
	_ =	sdelay $0x1  }
0x41b: {  	[tilespmem:v54+s31+$0x0] =	vst.idx.msk $0xffff, v34  }
0x41c: {  	v34 =	vld [tilespmem:s13+$0xFFFFFF20];
	_ =	sdelay $0x1  }
0x41d: {  	v55 =	vadd.s32 v3, v33;
	_ =	sdelay $0x2  }
0x41e: {  	v34 =	vmul.f32 $8.000000000e+00, v34;
	_ =	sdelay $0x1  }
0x41f: {  	[tilespmem:v55+s31+$0x0] =	vst.idx.msk $0xffff, v34  }
0x420: {  	v34 =	vld [tilespmem:s13+$0xFFFFFF30];
	_ =	sdelay $0x1  }
0x421: {  	v33 =	vadd.s32 v4, v33;
	_ =	sdelay $0x1  }
0x422: {  	s22 =	simm.s32 $0x1  }
0x423: {  	v56 =	vmov s22;
	v34 =	vmul.f32 $8.000000000e+00, v34  }
0x424: {  	v35 =	vshrl.u32 v56, $0x3  }
0x425: {  	v57 =	vshll.u32 v35, v1;
	[tilespmem:v33+s31+$0x0] =	vst.idx.msk $0xffff, v34  }
0x426: {  	v33 =	vbroadcast v57, $0x0;
	v34 =	vld [tilespmem:s13+$0xFFFFFF40];
	_ =	sdelay $0x1  }
0x427: {  	v58 =	vadd.s32 v5, v33;
	_ =	sdelay $0x2  }
0x428: {  	v34 =	vmul.f32 $8.000000000e+00, v34;
	_ =	sdelay $0x1  }
0x429: {  	[tilespmem:v58+s31+$0x0] =	vst.idx.msk $0xffff, v34  }
0x42a: {  	v34 =	vld [tilespmem:s13+$0xFFFFFF50];
	_ =	sdelay $0x1  }
0x42b: {  	v59 =	vadd.s32 v6, v33;
	_ =	sdelay $0x2  }
0x42c: {  	v34 =	vmul.f32 $8.000000000e+00, v34;
	_ =	sdelay $0x1  }
0x42d: {  	[tilespmem:v59+s31+$0x0] =	vst.idx.msk $0xffff, v34  }
0x42e: {  	v34 =	vld [tilespmem:s13+$0xFFFFFF60];
	_ =	sdelay $0x1  }
0x42f: {  	v60 =	vadd.s32 v7, v33;
	_ =	sdelay $0x2  }
0x430: {  	v34 =	vmul.f32 $8.000000000e+00, v34;
	_ =	sdelay $0x1  }
0x431: {  	[tilespmem:v60+s31+$0x0] =	vst.idx.msk $0xffff, v34  }
0x432: {  	v34 =	vld [tilespmem:s13+$0xFFFFFF70];
	_ =	sdelay $0x1  }
0x433: {  	v33 =	vadd.s32 v8, v33;
	_ =	sdelay $0x1  }
0x434: {  	s26 =	simm.s32 $0x2  }
0x435: {  	v61 =	vmov s26;
	v34 =	vmul.f32 $8.000000000e+00, v34  }
0x436: {  	v35 =	vshrl.u32 v61, $0x3  }
0x437: {  	v62 =	vshll.u32 v35, v1;
	[tilespmem:v33+s31+$0x0] =	vst.idx.msk $0xffff, v34  }
0x438: {  	v33 =	vbroadcast v62, $0x0;
	v34 =	vld [tilespmem:s13+$0xFFFFFF80];
	_ =	sdelay $0x1  }
0x439: {  	v63 =	vadd.s32 v9, v33;
	_ =	sdelay $0x2  }
0x43a: {  	v34 =	vmul.f32 $8.000000000e+00, v34;
	_ =	sdelay $0x1  }
0x43b: {  	[tilespmem:v63+s31+$0x0] =	vst.idx.msk $0xffff, v34  }
0x43c: {  	v34 =	vld [tilespmem:s13+$0xFFFFFF90];
	_ =	sdelay $0x1  }
0x43d: {  	v36 =	vadd.s32 v10, v33;
	_ =	sdelay $0x2  }
0x43e: {  	v34 =	vmul.f32 $8.000000000e+00, v34;
	_ =	sdelay $0x1  }
0x43f: {  	[tilespmem:v36+s31+$0x0] =	vst.idx.msk $0xffff, v34  }
0x440: {  	v34 =	vld [tilespmem:s13+$0xFFFFFFA0];
	_ =	sdelay $0x1  }
0x441: {  	v37 =	vadd.s32 v11, v33;
	_ =	sdelay $0x2  }
0x442: {  	v34 =	vmul.f32 $8.000000000e+00, v34;
	_ =	sdelay $0x1  }
0x443: {  	[tilespmem:v37+s31+$0x0] =	vst.idx.msk $0xffff, v34  }
0x444: {  	v34 =	vld [tilespmem:s13+$0xFFFFFFB0];
	_ =	sdelay $0x1  }
0x445: {  	v33 =	vadd.s32 v12, v33;
	_ =	sdelay $0x1  }
0x446: {  	s9 =	simm.s32 $0x3  }
0x447: {  	v38 =	vmov s9;
	v34 =	vmul.f32 $8.000000000e+00, v34  }
0x448: {  	v35 =	vshrl.u32 v38, $0x3  }
0x449: {  	v39 =	vshll.u32 v35, v1;
	[tilespmem:v33+s31+$0x0] =	vst.idx.msk $0xffff, v34  }
0x44a: {  	v33 =	vbroadcast v39, $0x0;
	v34 =	vld [tilespmem:s13+$0xFFFFFFC0];
	_ =	sdelay $0x1  }
0x44b: {  	v40 =	vadd.s32 v13, v33;
	_ =	sdelay $0x2  }
0x44c: {  	v34 =	vmul.f32 $8.000000000e+00, v34;
	_ =	sdelay $0x1  }
0x44d: {  	[tilespmem:v40+s31+$0x0] =	vst.idx.msk $0xffff, v34  }
0x44e: {  	v34 =	vld [tilespmem:s13+$0xFFFFFFD0];
	_ =	sdelay $0x1  }
0x44f: {  	v41 =	vadd.s32 v14, v33;
	_ =	sdelay $0x2  }
0x450: {  	v34 =	vmul.f32 $8.000000000e+00, v34;
	_ =	sdelay $0x1  }
0x451: {  	[tilespmem:v41+s31+$0x0] =	vst.idx.msk $0xffff, v34  }
0x452: {  	v34 =	vld [tilespmem:s13+$0xFFFFFFE0];
	_ =	sdelay $0x1  }
0x453: {  	v42 =	vadd.s32 v15, v33;
	_ =	sdelay $0x2  }
0x454: {  	v34 =	vmul.f32 $8.000000000e+00, v34;
	_ =	sdelay $0x1  }
0x455: {  	[tilespmem:v42+s31+$0x0] =	vst.idx.msk $0xffff, v34  }
0x456: {  	v34 =	vld [tilespmem:s13+$0xFFFFFFF0];
	_ =	sdelay $0x1  }
0x457: {  	v33 =	vadd.s32 v16, v33;
	_ =	sdelay $0x1  }
0x458: {  	s10 =	simm.s32 $0x4  }
0x459: {  	v43 =	vmov s10;
	v34 =	vmul.f32 $8.000000000e+00, v34  }
0x45a: {  	v35 =	vshrl.u32 v43, $0x3  }
0x45b: {  	v44 =	vshll.u32 v35, v1;
	[tilespmem:v33+s31+$0x0] =	vst.idx.msk $0xffff, v34  }
0x45c: {  	v33 =	vbroadcast v44, $0x0;
	v34 =	vld [tilespmem:s13+$0x0];
	_ =	sdelay $0x1  }
0x45d: {  	v45 =	vadd.s32 v17, v33;
	_ =	sdelay $0x2  }
0x45e: {  	v34 =	vmul.f32 $8.000000000e+00, v34;
	_ =	sdelay $0x1  }
0x45f: {  	[tilespmem:v45+s31+$0x0] =	vst.idx.msk $0xffff, v34  }
0x460: {  	v34 =	vld [tilespmem:s13+$0x10];
	_ =	sdelay $0x1  }
0x461: {  	v46 =	vadd.s32 v18, v33;
	_ =	sdelay $0x2  }
0x462: {  	v34 =	vmul.f32 $8.000000000e+00, v34;
	_ =	sdelay $0x1  }
0x463: {  	[tilespmem:v46+s31+$0x0] =	vst.idx.msk $0xffff, v34  }
0x464: {  	v34 =	vld [tilespmem:s13+$0x20];
	_ =	sdelay $0x1  }
0x465: {  	v47 =	vadd.s32 v19, v33;
	_ =	sdelay $0x2  }
0x466: {  	v34 =	vmul.f32 $8.000000000e+00, v34;
	_ =	sdelay $0x1  }
0x467: {  	[tilespmem:v47+s31+$0x0] =	vst.idx.msk $0xffff, v34  }
0x468: {  	v34 =	vld [tilespmem:s13+$0x30];
	_ =	sdelay $0x1  }
0x469: {  	v33 =	vadd.s32 v20, v33;
	_ =	sdelay $0x1  }
0x46a: {  	s15 =	simm.s32 $0x5  }
0x46b: {  	v48 =	vmov s15;
	v34 =	vmul.f32 $8.000000000e+00, v34  }
0x46c: {  	v35 =	vshrl.u32 v48, $0x3  }
0x46d: {  	v49 =	vshll.u32 v35, v1;
	[tilespmem:v33+s31+$0x0] =	vst.idx.msk $0xffff, v34  }
0x46e: {  	v33 =	vbroadcast v49, $0x0;
	v34 =	vld [tilespmem:s13+$0x40];
	_ =	sdelay $0x1  }
0x46f: {  	v50 =	vadd.s32 v21, v33;
	_ =	sdelay $0x2  }
0x470: {  	v34 =	vmul.f32 $8.000000000e+00, v34;
	_ =	sdelay $0x1  }
0x471: {  	[tilespmem:v50+s31+$0x0] =	vst.idx.msk $0xffff, v34  }
0x472: {  	v34 =	vld [tilespmem:s13+$0x50];
	_ =	sdelay $0x1  }
0x473: {  	v51 =	vadd.s32 v22, v33;
	_ =	sdelay $0x2  }
0x474: {  	v34 =	vmul.f32 $8.000000000e+00, v34;
	_ =	sdelay $0x1  }
0x475: {  	[tilespmem:v51+s31+$0x0] =	vst.idx.msk $0xffff, v34  }
0x476: {  	v34 =	vld [tilespmem:s13+$0x60];
	_ =	sdelay $0x1  }
0x477: {  	v52 =	vadd.s32 v23, v33;
	_ =	sdelay $0x2  }
0x478: {  	v34 =	vmul.f32 $8.000000000e+00, v34;
	_ =	sdelay $0x1  }
0x479: {  	[tilespmem:v52+s31+$0x0] =	vst.idx.msk $0xffff, v34  }
0x47a: {  	v34 =	vld [tilespmem:s13+$0x70];
	_ =	sdelay $0x1  }
0x47b: {  	v33 =	vadd.s32 v24, v33;
	_ =	sdelay $0x1  }
0x47c: {  	s22 =	simm.s32 $0x6  }
0x47d: {  	v53 =	vmov s22;
	v34 =	vmul.f32 $8.000000000e+00, v34  }
0x47e: {  	v35 =	vshrl.u32 v53, $0x3  }
0x47f: {  	v54 =	vshll.u32 v35, v1;
	[tilespmem:v33+s31+$0x0] =	vst.idx.msk $0xffff, v34  }
0x480: {  	v33 =	vbroadcast v54, $0x0;
	v34 =	vld [tilespmem:s13+$0x80];
	_ =	sdelay $0x1  }
0x481: {  	v55 =	vadd.s32 v25, v33;
	_ =	sdelay $0x2  }
0x482: {  	v34 =	vmul.f32 $8.000000000e+00, v34;
	_ =	sdelay $0x1  }
0x483: {  	[tilespmem:v55+s31+$0x0] =	vst.idx.msk $0xffff, v34  }
0x484: {  	v34 =	vld [tilespmem:s13+$0x90];
	_ =	sdelay $0x1  }
0x485: {  	v56 =	vadd.s32 v26, v33;
	_ =	sdelay $0x2  }
0x486: {  	v34 =	vmul.f32 $8.000000000e+00, v34;
	_ =	sdelay $0x1  }
0x487: {  	[tilespmem:v56+s31+$0x0] =	vst.idx.msk $0xffff, v34  }
0x488: {  	v34 =	vld [tilespmem:s13+$0xA0];
	_ =	sdelay $0x1  }
0x489: {  	v57 =	vadd.s32 v27, v33;
	_ =	sdelay $0x2  }
0x48a: {  	v34 =	vmul.f32 $8.000000000e+00, v34;
	_ =	sdelay $0x1  }
0x48b: {  	[tilespmem:v57+s31+$0x0] =	vst.idx.msk $0xffff, v34  }
0x48c: {  	v34 =	vld [tilespmem:s13+$0xB0];
	_ =	sdelay $0x1  }
0x48d: {  	v33 =	vadd.s32 v28, v33;
	_ =	sdelay $0x1  }
0x48e: {  	s26 =	simm.s32 $0x7  }
0x48f: {  	v58 =	vmov s26;
	v34 =	vmul.f32 $8.000000000e+00, v34  }
0x490: {  	v35 =	vshrl.u32 v58, $0x3  }
0x491: {  	v59 =	vshll.u32 v35, v1;
	[tilespmem:v33+s31+$0x0] =	vst.idx.msk $0xffff, v34  }
0x492: {  	v33 =	vbroadcast v59, $0x0;
	v34 =	vld [tilespmem:s13+$0xC0];
	_ =	sdelay $0x1  }
0x493: {  	v60 =	vadd.s32 v29, v33;
	_ =	sdelay $0x2  }
0x494: {  	v34 =	vmul.f32 $8.000000000e+00, v34;
	_ =	sdelay $0x1  }
0x495: {  	[tilespmem:v60+s31+$0x0] =	vst.idx.msk $0xffff, v34  }
0x496: {  	v34 =	vld [tilespmem:s13+$0xD0];
	_ =	sdelay $0x1  }
0x497: {  	v61 =	vadd.s32 v30, v33;
	_ =	sdelay $0x2  }
0x498: {  	v34 =	vmul.f32 $8.000000000e+00, v34;
	_ =	sdelay $0x1  }
0x499: {  	[tilespmem:v61+s31+$0x0] =	vst.idx.msk $0xffff, v34  }
0x49a: {  	v34 =	vld [tilespmem:s13+$0xE0];
	_ =	sdelay $0x1  }
0x49b: {  	v62 =	vadd.s32 v31, v33;
	_ =	sdelay $0x2  }
0x49c: {  	v34 =	vmul.f32 $8.000000000e+00, v34;
	_ =	sdelay $0x1  }
0x49d: {  	[tilespmem:v62+s31+$0x0] =	vst.idx.msk $0xffff, v34  }
0x49e: {  	v34 =	vld [tilespmem:s13+$0xF0];
	_ =	sdelay $0x1  }
0x49f: {  	v33 =	vadd.s32 v32, v33  }
0x4a0: {  	s22 =	simm.s32 $0x8  }
0x4a1: {  	v63 =	vmov s22  }
0x4a2: {  	s15 =	simm.s32 $0x10;
	v35 =	vshrl.u32 v63, $0x3;
	v34 =	vmul.f32 $8.000000000e+00, v34  }
.LBB2_11:
0x4a3: {  	p2 =	slt.u32 s15, $0x78  }
0x4a4: {  	v35 =	vshll.u32 v35, v1;
	[tilespmem:v33+s31+$0x0] =	vst.idx.msk $0xffff, v34;
	s13 =	sadd.s32 $0x200, s13;
	s8 =	smov.u32 s15;
	s15 =	sadd.s32 $0x8, s15  }
0x4a5: {  	v33 =	vld [tilespmem:s13+$0xFFFFFF00];
	v34 =	vbroadcast v35, $0x0;
	_ =	sdelay $0x1  }
0x4a6: {  	v35 =	vadd.s32 v0, v34;
	_ =	sdelay $0x2  }
0x4a7: {  	v33 =	vmul.f32 $8.000000000e+00, v33;
	_ =	sdelay $0x1  }
0x4a8: {  	[tilespmem:v35+s31+$0x0] =	vst.idx.msk $0xffff, v33  }
0x4a9: {  	v33 =	vld [tilespmem:s13+$0xFFFFFF10];
	_ =	sdelay $0x1  }
0x4aa: {  	v35 =	vadd.s32 v2, v34;
	_ =	sdelay $0x2  }
0x4ab: {  	v33 =	vmul.f32 $8.000000000e+00, v33;
	_ =	sdelay $0x1  }
0x4ac: {  	[tilespmem:v35+s31+$0x0] =	vst.idx.msk $0xffff, v33  }
0x4ad: {  	v33 =	vld [tilespmem:s13+$0xFFFFFF20];
	_ =	sdelay $0x1  }
0x4ae: {  	v35 =	vadd.s32 v3, v34;
	_ =	sdelay $0x2  }
0x4af: {  	v33 =	vmul.f32 $8.000000000e+00, v33;
	_ =	sdelay $0x1  }
0x4b0: {  	[tilespmem:v35+s31+$0x0] =	vst.idx.msk $0xffff, v33  }
0x4b1: {  	v33 =	vld [tilespmem:s13+$0xFFFFFF30];
	_ =	sdelay $0x1  }
0x4b2: {  	v34 =	vadd.s32 v4, v34;
	_ =	sdelay $0x1  }
0x4b3: {  	s9 =	sadd.s32 $0x1, s22  }
0x4b4: {  	v35 =	vmov s9;
	v33 =	vmul.f32 $8.000000000e+00, v33  }
0x4b5: {  	v35 =	vshrl.u32 v35, $0x3  }
0x4b6: {  	[tilespmem:v34+s31+$0x0] =	vst.idx.msk $0xffff, v33;
	v33 =	vshll.u32 v35, v1  }
0x4b7: {  	v34 =	vld [tilespmem:s13+$0xFFFFFF40];
	v33 =	vbroadcast v33, $0x0;
	_ =	sdelay $0x1  }
0x4b8: {  	v35 =	vadd.s32 v5, v33;
	_ =	sdelay $0x2  }
0x4b9: {  	v34 =	vmul.f32 $8.000000000e+00, v34;
	_ =	sdelay $0x1  }
0x4ba: {  	[tilespmem:v35+s31+$0x0] =	vst.idx.msk $0xffff, v34  }
0x4bb: {  	v34 =	vld [tilespmem:s13+$0xFFFFFF50];
	_ =	sdelay $0x1  }
0x4bc: {  	v35 =	vadd.s32 v6, v33;
	_ =	sdelay $0x2  }
0x4bd: {  	v34 =	vmul.f32 $8.000000000e+00, v34;
	_ =	sdelay $0x1  }
0x4be: {  	[tilespmem:v35+s31+$0x0] =	vst.idx.msk $0xffff, v34  }
0x4bf: {  	v34 =	vld [tilespmem:s13+$0xFFFFFF60];
	_ =	sdelay $0x1  }
0x4c0: {  	v35 =	vadd.s32 v7, v33;
	_ =	sdelay $0x2  }
0x4c1: {  	v34 =	vmul.f32 $8.000000000e+00, v34;
	_ =	sdelay $0x1  }
0x4c2: {  	[tilespmem:v35+s31+$0x0] =	vst.idx.msk $0xffff, v34  }
0x4c3: {  	v34 =	vld [tilespmem:s13+$0xFFFFFF70];
	_ =	sdelay $0x1  }
0x4c4: {  	v33 =	vadd.s32 v8, v33;
	_ =	sdelay $0x1  }
0x4c5: {  	s9 =	sadd.s32 $0x2, s22  }
0x4c6: {  	v35 =	vmov s9;
	v34 =	vmul.f32 $8.000000000e+00, v34  }
0x4c7: {  	v35 =	vshrl.u32 v35, $0x3  }
0x4c8: {  	[tilespmem:v33+s31+$0x0] =	vst.idx.msk $0xffff, v34;
	v33 =	vshll.u32 v35, v1  }
0x4c9: {  	v34 =	vld [tilespmem:s13+$0xFFFFFF80];
	v33 =	vbroadcast v33, $0x0;
	_ =	sdelay $0x1  }
0x4ca: {  	v35 =	vadd.s32 v9, v33;
	_ =	sdelay $0x2  }
0x4cb: {  	v34 =	vmul.f32 $8.000000000e+00, v34;
	_ =	sdelay $0x1  }
0x4cc: {  	[tilespmem:v35+s31+$0x0] =	vst.idx.msk $0xffff, v34  }
0x4cd: {  	v34 =	vld [tilespmem:s13+$0xFFFFFF90];
	_ =	sdelay $0x1  }
0x4ce: {  	v35 =	vadd.s32 v10, v33;
	_ =	sdelay $0x2  }
0x4cf: {  	v34 =	vmul.f32 $8.000000000e+00, v34;
	_ =	sdelay $0x1  }
0x4d0: {  	[tilespmem:v35+s31+$0x0] =	vst.idx.msk $0xffff, v34  }
0x4d1: {  	v34 =	vld [tilespmem:s13+$0xFFFFFFA0];
	_ =	sdelay $0x1  }
0x4d2: {  	v35 =	vadd.s32 v11, v33;
	_ =	sdelay $0x2  }
0x4d3: {  	v34 =	vmul.f32 $8.000000000e+00, v34;
	_ =	sdelay $0x1  }
0x4d4: {  	[tilespmem:v35+s31+$0x0] =	vst.idx.msk $0xffff, v34  }
0x4d5: {  	v34 =	vld [tilespmem:s13+$0xFFFFFFB0];
	_ =	sdelay $0x1  }
0x4d6: {  	v33 =	vadd.s32 v12, v33;
	_ =	sdelay $0x1  }
0x4d7: {  	s9 =	sadd.s32 $0x3, s22  }
0x4d8: {  	v35 =	vmov s9;
	v34 =	vmul.f32 $8.000000000e+00, v34  }
0x4d9: {  	v35 =	vshrl.u32 v35, $0x3  }
0x4da: {  	[tilespmem:v33+s31+$0x0] =	vst.idx.msk $0xffff, v34;
	v33 =	vshll.u32 v35, v1  }
0x4db: {  	v34 =	vld [tilespmem:s13+$0xFFFFFFC0];
	v33 =	vbroadcast v33, $0x0;
	_ =	sdelay $0x1  }
0x4dc: {  	v35 =	vadd.s32 v13, v33;
	_ =	sdelay $0x2  }
0x4dd: {  	v34 =	vmul.f32 $8.000000000e+00, v34;
	_ =	sdelay $0x1  }
0x4de: {  	[tilespmem:v35+s31+$0x0] =	vst.idx.msk $0xffff, v34  }
0x4df: {  	v34 =	vld [tilespmem:s13+$0xFFFFFFD0];
	_ =	sdelay $0x1  }
0x4e0: {  	v35 =	vadd.s32 v14, v33;
	_ =	sdelay $0x2  }
0x4e1: {  	v34 =	vmul.f32 $8.000000000e+00, v34;
	_ =	sdelay $0x1  }
0x4e2: {  	[tilespmem:v35+s31+$0x0] =	vst.idx.msk $0xffff, v34  }
0x4e3: {  	v34 =	vld [tilespmem:s13+$0xFFFFFFE0];
	_ =	sdelay $0x1  }
0x4e4: {  	v35 =	vadd.s32 v15, v33;
	_ =	sdelay $0x2  }
0x4e5: {  	v34 =	vmul.f32 $8.000000000e+00, v34;
	_ =	sdelay $0x1  }
0x4e6: {  	[tilespmem:v35+s31+$0x0] =	vst.idx.msk $0xffff, v34  }
0x4e7: {  	v34 =	vld [tilespmem:s13+$0xFFFFFFF0];
	_ =	sdelay $0x1  }
0x4e8: {  	v33 =	vadd.s32 v16, v33;
	_ =	sdelay $0x1  }
0x4e9: {  	s9 =	sadd.s32 $0x4, s22  }
0x4ea: {  	v35 =	vmov s9;
	v34 =	vmul.f32 $8.000000000e+00, v34  }
0x4eb: {  	v35 =	vshrl.u32 v35, $0x3  }
0x4ec: {  	[tilespmem:v33+s31+$0x0] =	vst.idx.msk $0xffff, v34;
	v33 =	vshll.u32 v35, v1  }
0x4ed: {  	v34 =	vld [tilespmem:s13+$0x0];
	v33 =	vbroadcast v33, $0x0;
	_ =	sdelay $0x1  }
0x4ee: {  	v35 =	vadd.s32 v17, v33;
	_ =	sdelay $0x2  }
0x4ef: {  	v34 =	vmul.f32 $8.000000000e+00, v34;
	_ =	sdelay $0x1  }
0x4f0: {  	[tilespmem:v35+s31+$0x0] =	vst.idx.msk $0xffff, v34  }
0x4f1: {  	v34 =	vld [tilespmem:s13+$0x10];
	_ =	sdelay $0x1  }
0x4f2: {  	v35 =	vadd.s32 v18, v33;
	_ =	sdelay $0x2  }
0x4f3: {  	v34 =	vmul.f32 $8.000000000e+00, v34;
	_ =	sdelay $0x1  }
0x4f4: {  	[tilespmem:v35+s31+$0x0] =	vst.idx.msk $0xffff, v34  }
0x4f5: {  	v34 =	vld [tilespmem:s13+$0x20];
	_ =	sdelay $0x1  }
0x4f6: {  	v35 =	vadd.s32 v19, v33;
	_ =	sdelay $0x2  }
0x4f7: {  	v34 =	vmul.f32 $8.000000000e+00, v34;
	_ =	sdelay $0x1  }
0x4f8: {  	[tilespmem:v35+s31+$0x0] =	vst.idx.msk $0xffff, v34  }
0x4f9: {  	v34 =	vld [tilespmem:s13+$0x30];
	_ =	sdelay $0x1  }
0x4fa: {  	v33 =	vadd.s32 v20, v33;
	_ =	sdelay $0x1  }
0x4fb: {  	s9 =	sadd.s32 $0x5, s22  }
0x4fc: {  	v35 =	vmov s9;
	v34 =	vmul.f32 $8.000000000e+00, v34  }
0x4fd: {  	v35 =	vshrl.u32 v35, $0x3  }
0x4fe: {  	[tilespmem:v33+s31+$0x0] =	vst.idx.msk $0xffff, v34;
	v33 =	vshll.u32 v35, v1  }
0x4ff: {  	v34 =	vld [tilespmem:s13+$0x40];
	v33 =	vbroadcast v33, $0x0;
	_ =	sdelay $0x1  }
0x500: {  	v35 =	vadd.s32 v21, v33;
	_ =	sdelay $0x2  }
0x501: {  	v34 =	vmul.f32 $8.000000000e+00, v34;
	_ =	sdelay $0x1  }
0x502: {  	[tilespmem:v35+s31+$0x0] =	vst.idx.msk $0xffff, v34  }
0x503: {  	v34 =	vld [tilespmem:s13+$0x50];
	_ =	sdelay $0x1  }
0x504: {  	v35 =	vadd.s32 v22, v33;
	_ =	sdelay $0x2  }
0x505: {  	v34 =	vmul.f32 $8.000000000e+00, v34;
	_ =	sdelay $0x1  }
0x506: {  	[tilespmem:v35+s31+$0x0] =	vst.idx.msk $0xffff, v34  }
0x507: {  	v34 =	vld [tilespmem:s13+$0x60];
	_ =	sdelay $0x1  }
0x508: {  	v35 =	vadd.s32 v23, v33;
	_ =	sdelay $0x2  }
0x509: {  	v34 =	vmul.f32 $8.000000000e+00, v34;
	_ =	sdelay $0x1  }
0x50a: {  	[tilespmem:v35+s31+$0x0] =	vst.idx.msk $0xffff, v34  }
0x50b: {  	v34 =	vld [tilespmem:s13+$0x70];
	_ =	sdelay $0x1  }
0x50c: {  	v33 =	vadd.s32 v24, v33;
	_ =	sdelay $0x1  }
0x50d: {  	s9 =	sadd.s32 $0x6, s22  }
0x50e: {  	v35 =	vmov s9;
	v34 =	vmul.f32 $8.000000000e+00, v34  }
0x50f: {  	v35 =	vshrl.u32 v35, $0x3  }
0x510: {  	[tilespmem:v33+s31+$0x0] =	vst.idx.msk $0xffff, v34;
	v33 =	vshll.u32 v35, v1  }
0x511: {  	v34 =	vld [tilespmem:s13+$0x80];
	v33 =	vbroadcast v33, $0x0;
	_ =	sdelay $0x1  }
0x512: {  	v35 =	vadd.s32 v25, v33;
	_ =	sdelay $0x2  }
0x513: {  	v34 =	vmul.f32 $8.000000000e+00, v34;
	_ =	sdelay $0x1  }
0x514: {  	[tilespmem:v35+s31+$0x0] =	vst.idx.msk $0xffff, v34  }
0x515: {  	v34 =	vld [tilespmem:s13+$0x90];
	_ =	sdelay $0x1  }
0x516: {  	v35 =	vadd.s32 v26, v33;
	_ =	sdelay $0x2  }
0x517: {  	v34 =	vmul.f32 $8.000000000e+00, v34;
	_ =	sdelay $0x1  }
0x518: {  	[tilespmem:v35+s31+$0x0] =	vst.idx.msk $0xffff, v34  }
0x519: {  	v34 =	vld [tilespmem:s13+$0xA0];
	_ =	sdelay $0x1  }
0x51a: {  	v35 =	vadd.s32 v27, v33;
	_ =	sdelay $0x2  }
0x51b: {  	v34 =	vmul.f32 $8.000000000e+00, v34;
	_ =	sdelay $0x1  }
0x51c: {  	[tilespmem:v35+s31+$0x0] =	vst.idx.msk $0xffff, v34  }
0x51d: {  	v34 =	vld [tilespmem:s13+$0xB0];
	_ =	sdelay $0x1  }
0x51e: {  	v33 =	vadd.s32 v28, v33;
	_ =	sdelay $0x1  }
0x51f: {  	s9 =	sadd.s32 $0x7, s22;
	s22 =	smov.u32 s8  }
0x520: {  	v35 =	vmov s9;
	v34 =	vmul.f32 $8.000000000e+00, v34  }
0x521: {  	v35 =	vshrl.u32 v35, $0x3  }
0x522: {  	[tilespmem:v33+s31+$0x0] =	vst.idx.msk $0xffff, v34;
	v33 =	vshll.u32 v35, v1  }
0x523: {  	v34 =	vld [tilespmem:s13+$0xC0];
	v33 =	vbroadcast v33, $0x0;
	_ =	sdelay $0x1  }
0x524: {  	v35 =	vadd.s32 v29, v33;
	_ =	sdelay $0x2  }
0x525: {  	v34 =	vmul.f32 $8.000000000e+00, v34;
	_ =	sdelay $0x1  }
0x526: {  	[tilespmem:v35+s31+$0x0] =	vst.idx.msk $0xffff, v34  }
0x527: {  	v34 =	vld [tilespmem:s13+$0xD0];
	_ =	sdelay $0x1  }
0x528: {  	v35 =	vadd.s32 v30, v33;
	_ =	sdelay $0x2  }
0x529: {  	v34 =	vmul.f32 $8.000000000e+00, v34;
	_ =	sdelay $0x1  }
0x52a: {  	[tilespmem:v35+s31+$0x0] =	vst.idx.msk $0xffff, v34  }
0x52b: {  	v34 =	vld [tilespmem:s13+$0xE0];
	_ =	sdelay $0x1  }
0x52c: {  	v35 =	vadd.s32 v31, v33;
	_ =	sdelay $0x2  }
0x52d: {  	v34 =	vmul.f32 $8.000000000e+00, v34;
	_ =	sdelay $0x1  }
0x52e: {  	[tilespmem:v35+s31+$0x0] =	vst.idx.msk $0xffff, v34  }
0x52f: {  	v34 =	vld [tilespmem:s13+$0xF0];
	_ =	sdelay $0x1  }
.Ltmp4:
0x530: {  	v33 =	vadd.s32 v32, v33;
	(pc) =	sbr.rel @p2 .LBB2_11-.Ltmp4, $3  }
0x531: {  	_ =	sdelay $0x1  }
0x532: {  	v35 =	vmov s22;
	v34 =	vmul.f32 $8.000000000e+00, v34  }
0x533: {  	v35 =	vshrl.u32 v35, $0x3  }
0x534: {  	_ =	sdelay $0x3  }
0x535: {  	v35 =	vshll.u32 v35, v1;
	[tilespmem:v33+s31+$0x0] =	vst.idx.msk $0xffff, v34;
	s8 =	sadd.s32 $0x200, s13  }
0x536: {  	v33 =	vld [tilespmem:s8+$0xFFFFFF00];
	v54 =	vbroadcast v35, $0x0;
	_ =	sdelay $0x1  }
0x537: {  	v35 =	vadd.s32 v0, v54;
	_ =	sdelay $0x2  }
0x538: {  	v33 =	vmul.f32 $8.000000000e+00, v33;
	_ =	sdelay $0x1  }
0x539: {  	[tilespmem:v35+s31+$0x0] =	vst.idx.msk $0xffff, v33  }
0x53a: {  	v33 =	vld [tilespmem:s8+$0xFFFFFF10];
	_ =	sdelay $0x1  }
0x53b: {  	v55 =	vadd.s32 v2, v54;
	_ =	sdelay $0x2  }
0x53c: {  	v33 =	vmul.f32 $8.000000000e+00, v33;
	_ =	sdelay $0x1  }
0x53d: {  	[tilespmem:v55+s31+$0x0] =	vst.idx.msk $0xffff, v33  }
0x53e: {  	v33 =	vld [tilespmem:s8+$0xFFFFFF20];
	_ =	sdelay $0x1  }
0x53f: {  	v56 =	vadd.s32 v3, v54;
	_ =	sdelay $0x2  }
0x540: {  	v33 =	vmul.f32 $8.000000000e+00, v33;
	_ =	sdelay $0x1  }
0x541: {  	[tilespmem:v56+s31+$0x0] =	vst.idx.msk $0xffff, v33  }
0x542: {  	v33 =	vld [tilespmem:s8+$0xFFFFFF30];
	_ =	sdelay $0x1  }
0x543: {  	v34 =	vadd.s32 v4, v54;
	_ =	sdelay $0x1  }
0x544: {  	s9 =	sadd.s32 $0x1, s22  }
0x545: {  	v57 =	vmov s9;
	v33 =	vmul.f32 $8.000000000e+00, v33  }
0x546: {  	v35 =	vshrl.u32 v57, $0x3  }
0x547: {  	v58 =	vshll.u32 v35, v1;
	[tilespmem:v34+s31+$0x0] =	vst.idx.msk $0xffff, v33  }
0x548: {  	v33 =	vbroadcast v58, $0x0;
	v34 =	vld [tilespmem:s8+$0xFFFFFF40];
	_ =	sdelay $0x1  }
0x549: {  	v59 =	vadd.s32 v5, v33;
	_ =	sdelay $0x2  }
0x54a: {  	v34 =	vmul.f32 $8.000000000e+00, v34;
	_ =	sdelay $0x1  }
0x54b: {  	[tilespmem:v59+s31+$0x0] =	vst.idx.msk $0xffff, v34  }
0x54c: {  	v34 =	vld [tilespmem:s8+$0xFFFFFF50];
	_ =	sdelay $0x1  }
0x54d: {  	v60 =	vadd.s32 v6, v33;
	_ =	sdelay $0x2  }
0x54e: {  	v34 =	vmul.f32 $8.000000000e+00, v34;
	_ =	sdelay $0x1  }
0x54f: {  	[tilespmem:v60+s31+$0x0] =	vst.idx.msk $0xffff, v34  }
0x550: {  	v34 =	vld [tilespmem:s8+$0xFFFFFF60];
	_ =	sdelay $0x1  }
0x551: {  	v61 =	vadd.s32 v7, v33;
	_ =	sdelay $0x2  }
0x552: {  	v34 =	vmul.f32 $8.000000000e+00, v34;
	_ =	sdelay $0x1  }
0x553: {  	[tilespmem:v61+s31+$0x0] =	vst.idx.msk $0xffff, v34  }
0x554: {  	v34 =	vld [tilespmem:s8+$0xFFFFFF70];
	_ =	sdelay $0x1  }
0x555: {  	v33 =	vadd.s32 v8, v33;
	_ =	sdelay $0x1  }
0x556: {  	s10 =	sadd.s32 $0x2, s22  }
0x557: {  	v62 =	vmov s10;
	v34 =	vmul.f32 $8.000000000e+00, v34  }
0x558: {  	v35 =	vshrl.u32 v62, $0x3  }
0x559: {  	v63 =	vshll.u32 v35, v1;
	[tilespmem:v33+s31+$0x0] =	vst.idx.msk $0xffff, v34  }
0x55a: {  	v33 =	vbroadcast v63, $0x0;
	v34 =	vld [tilespmem:s8+$0xFFFFFF80];
	_ =	sdelay $0x1  }
0x55b: {  	v36 =	vadd.s32 v9, v33;
	_ =	sdelay $0x2  }
0x55c: {  	v34 =	vmul.f32 $8.000000000e+00, v34;
	_ =	sdelay $0x1  }
0x55d: {  	[tilespmem:v36+s31+$0x0] =	vst.idx.msk $0xffff, v34  }
0x55e: {  	v34 =	vld [tilespmem:s8+$0xFFFFFF90];
	_ =	sdelay $0x1  }
0x55f: {  	v37 =	vadd.s32 v10, v33;
	_ =	sdelay $0x2  }
0x560: {  	v34 =	vmul.f32 $8.000000000e+00, v34;
	_ =	sdelay $0x1  }
0x561: {  	[tilespmem:v37+s31+$0x0] =	vst.idx.msk $0xffff, v34  }
0x562: {  	v34 =	vld [tilespmem:s8+$0xFFFFFFA0];
	_ =	sdelay $0x1  }
0x563: {  	v38 =	vadd.s32 v11, v33;
	_ =	sdelay $0x2  }
0x564: {  	v34 =	vmul.f32 $8.000000000e+00, v34;
	_ =	sdelay $0x1  }
0x565: {  	[tilespmem:v38+s31+$0x0] =	vst.idx.msk $0xffff, v34  }
0x566: {  	v34 =	vld [tilespmem:s8+$0xFFFFFFB0];
	_ =	sdelay $0x1  }
0x567: {  	v33 =	vadd.s32 v12, v33;
	_ =	sdelay $0x1  }
0x568: {  	s13 =	sadd.s32 $0x3, s22  }
0x569: {  	v39 =	vmov s13;
	v34 =	vmul.f32 $8.000000000e+00, v34  }
0x56a: {  	v35 =	vshrl.u32 v39, $0x3  }
0x56b: {  	v40 =	vshll.u32 v35, v1;
	[tilespmem:v33+s31+$0x0] =	vst.idx.msk $0xffff, v34  }
0x56c: {  	v33 =	vbroadcast v40, $0x0;
	v34 =	vld [tilespmem:s8+$0xFFFFFFC0];
	_ =	sdelay $0x1  }
0x56d: {  	v41 =	vadd.s32 v13, v33;
	_ =	sdelay $0x2  }
0x56e: {  	v34 =	vmul.f32 $8.000000000e+00, v34;
	_ =	sdelay $0x1  }
0x56f: {  	[tilespmem:v41+s31+$0x0] =	vst.idx.msk $0xffff, v34  }
0x570: {  	v34 =	vld [tilespmem:s8+$0xFFFFFFD0];
	_ =	sdelay $0x1  }
0x571: {  	v42 =	vadd.s32 v14, v33;
	_ =	sdelay $0x2  }
0x572: {  	v34 =	vmul.f32 $8.000000000e+00, v34;
	_ =	sdelay $0x1  }
0x573: {  	[tilespmem:v42+s31+$0x0] =	vst.idx.msk $0xffff, v34  }
0x574: {  	v34 =	vld [tilespmem:s8+$0xFFFFFFE0];
	_ =	sdelay $0x1  }
0x575: {  	v43 =	vadd.s32 v15, v33;
	_ =	sdelay $0x2  }
0x576: {  	v34 =	vmul.f32 $8.000000000e+00, v34;
	_ =	sdelay $0x1  }
0x577: {  	[tilespmem:v43+s31+$0x0] =	vst.idx.msk $0xffff, v34  }
0x578: {  	v34 =	vld [tilespmem:s8+$0xFFFFFFF0];
	_ =	sdelay $0x1  }
0x579: {  	v33 =	vadd.s32 v16, v33;
	_ =	sdelay $0x1  }
0x57a: {  	s15 =	sadd.s32 $0x4, s22  }
0x57b: {  	v44 =	vmov s15;
	v34 =	vmul.f32 $8.000000000e+00, v34  }
0x57c: {  	v35 =	vshrl.u32 v44, $0x3  }
0x57d: {  	v45 =	vshll.u32 v35, v1;
	[tilespmem:v33+s31+$0x0] =	vst.idx.msk $0xffff, v34  }
0x57e: {  	v33 =	vbroadcast v45, $0x0;
	v34 =	vld [tilespmem:s8+$0x0];
	_ =	sdelay $0x1  }
0x57f: {  	v46 =	vadd.s32 v17, v33;
	_ =	sdelay $0x2  }
0x580: {  	v34 =	vmul.f32 $8.000000000e+00, v34;
	_ =	sdelay $0x1  }
0x581: {  	[tilespmem:v46+s31+$0x0] =	vst.idx.msk $0xffff, v34  }
0x582: {  	v34 =	vld [tilespmem:s8+$0x10];
	_ =	sdelay $0x1  }
0x583: {  	v47 =	vadd.s32 v18, v33;
	_ =	sdelay $0x2  }
0x584: {  	v34 =	vmul.f32 $8.000000000e+00, v34;
	_ =	sdelay $0x1  }
0x585: {  	[tilespmem:v47+s31+$0x0] =	vst.idx.msk $0xffff, v34  }
0x586: {  	v34 =	vld [tilespmem:s8+$0x20];
	_ =	sdelay $0x1  }
0x587: {  	v48 =	vadd.s32 v19, v33;
	_ =	sdelay $0x2  }
0x588: {  	v34 =	vmul.f32 $8.000000000e+00, v34;
	_ =	sdelay $0x1  }
0x589: {  	[tilespmem:v48+s31+$0x0] =	vst.idx.msk $0xffff, v34  }
0x58a: {  	v34 =	vld [tilespmem:s8+$0x30];
	_ =	sdelay $0x1  }
0x58b: {  	v33 =	vadd.s32 v20, v33;
	_ =	sdelay $0x1  }
0x58c: {  	s26 =	sadd.s32 $0x5, s22  }
0x58d: {  	v49 =	vmov s26;
	v34 =	vmul.f32 $8.000000000e+00, v34  }
0x58e: {  	v35 =	vshrl.u32 v49, $0x3  }
0x58f: {  	v50 =	vshll.u32 v35, v1;
	[tilespmem:v33+s31+$0x0] =	vst.idx.msk $0xffff, v34  }
0x590: {  	v33 =	vbroadcast v50, $0x0;
	v34 =	vld [tilespmem:s8+$0x40];
	_ =	sdelay $0x1  }
0x591: {  	v51 =	vadd.s32 v21, v33;
	_ =	sdelay $0x2  }
0x592: {  	v34 =	vmul.f32 $8.000000000e+00, v34;
	_ =	sdelay $0x1  }
0x593: {  	[tilespmem:v51+s31+$0x0] =	vst.idx.msk $0xffff, v34  }
0x594: {  	v34 =	vld [tilespmem:s8+$0x50];
	_ =	sdelay $0x1  }
0x595: {  	v52 =	vadd.s32 v22, v33;
	_ =	sdelay $0x2  }
0x596: {  	v34 =	vmul.f32 $8.000000000e+00, v34;
	_ =	sdelay $0x1  }
0x597: {  	[tilespmem:v52+s31+$0x0] =	vst.idx.msk $0xffff, v34  }
0x598: {  	v34 =	vld [tilespmem:s8+$0x60];
	_ =	sdelay $0x1  }
0x599: {  	v53 =	vadd.s32 v23, v33;
	_ =	sdelay $0x2  }
0x59a: {  	v34 =	vmul.f32 $8.000000000e+00, v34;
	_ =	sdelay $0x1  }
0x59b: {  	[tilespmem:v53+s31+$0x0] =	vst.idx.msk $0xffff, v34  }
0x59c: {  	v34 =	vld [tilespmem:s8+$0x70];
	_ =	sdelay $0x1  }
0x59d: {  	v33 =	vadd.s32 v24, v33;
	_ =	sdelay $0x1  }
0x59e: {  	s10 =	sadd.s32 $0x6, s22  }
0x59f: {  	v54 =	vmov s10;
	v34 =	vmul.f32 $8.000000000e+00, v34  }
0x5a0: {  	v35 =	vshrl.u32 v54, $0x3  }
0x5a1: {  	v55 =	vshll.u32 v35, v1;
	[tilespmem:v33+s31+$0x0] =	vst.idx.msk $0xffff, v34  }
0x5a2: {  	v33 =	vbroadcast v55, $0x0;
	v34 =	vld [tilespmem:s8+$0x80];
	_ =	sdelay $0x1  }
0x5a3: {  	v56 =	vadd.s32 v25, v33;
	_ =	sdelay $0x2  }
0x5a4: {  	v34 =	vmul.f32 $8.000000000e+00, v34;
	_ =	sdelay $0x1  }
0x5a5: {  	[tilespmem:v56+s31+$0x0] =	vst.idx.msk $0xffff, v34  }
0x5a6: {  	v34 =	vld [tilespmem:s8+$0x90];
	_ =	sdelay $0x1  }
0x5a7: {  	v57 =	vadd.s32 v26, v33;
	_ =	sdelay $0x2  }
0x5a8: {  	v34 =	vmul.f32 $8.000000000e+00, v34;
	_ =	sdelay $0x1  }
0x5a9: {  	[tilespmem:v57+s31+$0x0] =	vst.idx.msk $0xffff, v34  }
0x5aa: {  	v34 =	vld [tilespmem:s8+$0xA0];
	_ =	sdelay $0x1  }
0x5ab: {  	v58 =	vadd.s32 v27, v33;
	_ =	sdelay $0x2  }
0x5ac: {  	v34 =	vmul.f32 $8.000000000e+00, v34;
	_ =	sdelay $0x1  }
0x5ad: {  	[tilespmem:v58+s31+$0x0] =	vst.idx.msk $0xffff, v34  }
0x5ae: {  	v34 =	vld [tilespmem:s8+$0xB0];
	_ =	sdelay $0x1  }
0x5af: {  	v33 =	vadd.s32 v28, v33;
	_ =	sdelay $0x1  }
0x5b0: {  	s13 =	sadd.s32 $0x7, s22  }
0x5b1: {  	v59 =	vmov s13;
	v34 =	vmul.f32 $8.000000000e+00, v34  }
0x5b2: {  	v35 =	vshrl.u32 v59, $0x3  }
0x5b3: {  	v60 =	vshll.u32 v35, v1;
	[tilespmem:v33+s31+$0x0] =	vst.idx.msk $0xffff, v34  }
0x5b4: {  	v33 =	vbroadcast v60, $0x0;
	v34 =	vld [tilespmem:s8+$0xC0];
	_ =	sdelay $0x1  }
0x5b5: {  	v61 =	vadd.s32 v29, v33;
	_ =	sdelay $0x2  }
0x5b6: {  	v34 =	vmul.f32 $8.000000000e+00, v34;
	_ =	sdelay $0x1  }
0x5b7: {  	[tilespmem:v61+s31+$0x0] =	vst.idx.msk $0xffff, v34  }
0x5b8: {  	v34 =	vld [tilespmem:s8+$0xD0];
	_ =	sdelay $0x1  }
0x5b9: {  	v62 =	vadd.s32 v30, v33;
	_ =	sdelay $0x2  }
0x5ba: {  	v34 =	vmul.f32 $8.000000000e+00, v34;
	_ =	sdelay $0x1  }
0x5bb: {  	[tilespmem:v62+s31+$0x0] =	vst.idx.msk $0xffff, v34  }
0x5bc: {  	v34 =	vld [tilespmem:s8+$0xE0];
	_ =	sdelay $0x1  }
0x5bd: {  	v63 =	vadd.s32 v31, v33;
	_ =	sdelay $0x2  }
0x5be: {  	v34 =	vmul.f32 $8.000000000e+00, v34;
	_ =	sdelay $0x1  }
0x5bf: {  	[tilespmem:v63+s31+$0x0] =	vst.idx.msk $0xffff, v34  }
0x5c0: {  	s15 =	sadd.s32 s5, s19;
	v34 =	vld [tilespmem:s8+$0xF0]  }
0x5c1: {  	s22 =	sshrl.u32 s15, $0x7  }
0x5c2: {  	s9 =	sand.u32 $0xFF8, s22;
	s10 =	sand.u32 $0x6, s19;
	v33 =	vadd.s32 v32, v33  }
0x5c3: {  	s9 =	sor.u32 s10, s9;
	s8 =	sshll.u32 s15, $0x7  }
0x5c4: {  	s9 =	sshll.u32 s9, $0x14;
	s8 =	sand.u32 $0x1FC00, s8  }
0x5c5: {  	s8 =	sor.u32 s8, s9;
	v34 =	vmul.f32 $8.000000000e+00, v34  }
0x5c6: {  	s8 =	sshrl.u32 s8, $0x3  }
0x5c7: {  	s26 =	simm.s32 $0xC600;
	s9 =	sadd.s32 s3, s8;
	[tilespmem:v33+s31+$0x0] =	vst.idx.msk $0xffff, v34  }
0x5c8: {  	[hbm4b:s9+s4] =	stream.linear.scatter [tilespmem:s26], [sflag:$0xB], $0x80, $0x38;
	[tilespmem:$0x10A00] =	vst v63  }
0x5c9: {  	s10 =	simm.s32 $0xC688;
	s13 =	sadd.s32 $0x10, s9  }
0x5ca: {  	[hbm4b:s13+s4] =	stream.linear.scatter [tilespmem:s10], [sflag:$0xB], $0x80, $0x38;
	[tilespmem:$0x10A00] =	vst v63  }
0x5cb: {  	s15 =	simm.s32 $0xC710;
	s19 =	sadd.s32 $0x20, s9  }
0x5cc: {  	[hbm4b:s19+s4] =	stream.linear.scatter [tilespmem:s15], [sflag:$0xB], $0x80, $0x38;
	[tilespmem:$0x10A00] =	vst v63  }
0x5cd: {  	s22 =	simm.s32 $0xC798;
	s26 =	sadd.s32 $0x30, s9  }
0x5ce: {  	[hbm4b:s26+s4] =	stream.linear.scatter [tilespmem:s22], [sflag:$0xB], $0x80, $0x38;
	[tilespmem:$0x10A00] =	vst v63  }
0x5cf: {  	s10 =	simm.s32 $0xC820;
	s13 =	sadd.s32 $0x40, s9  }
0x5d0: {  	[hbm4b:s13+s4] =	stream.linear.scatter [tilespmem:s10], [sflag:$0xB], $0x80, $0x38;
	[tilespmem:$0x10A00] =	vst v63  }
0x5d1: {  	s8 =	simm.s32 $0x440;
	s15 =	simm.s32 $0xC8A8;
	s19 =	sadd.s32 $0x50, s9  }
0x5d2: {  	[hbm4b:s19+s4] =	stream.linear.scatter [tilespmem:s15], [sflag:$0xB], $0x80, $0x38;
	[tilespmem:$0x10A00] =	vst v63  }
0x5d3: {  	s22 =	simm.s32 $0xC930;
	s26 =	sadd.s32 $0x60, s9;
	s13 =	sadd.s32 $0x4000, s9  }
0x5d4: {  	[hbm4b:s26+s4] =	stream.linear.scatter [tilespmem:s22], [sflag:$0xB], $0x80, $0x38;
	[tilespmem:$0x10A00] =	vst v63  }
0x5d5: {  	s15 =	simm.s32 $0x2200;
	s19 =	simm.s32 $0xC9B8;
	s22 =	sadd.s32 $0x70, s9  }
.LBB2_13:
0x5d6: {  	[hbm4b:s22+s4] =	stream.linear.scatter [tilespmem:s19], [sflag:$0xB], $0x80, $0x38;
	[tilespmem:$0x10A00] =	vst v63  }
0x5d7: {  	s9 =	smov.u32 s8;
	s8 =	smov.u32 s15  }
0x5d8: {  	s10 =	sadd.s32 $0x1100, s15;
	s8 =	sshra.s32 s8, $0x2;
	s19 =	sadd.s32 $0xC600, s9  }
0x5d9: {  	[hbm4b:s13+s4] =	stream.linear.scatter [tilespmem:s19], [sflag:$0xB], $0x80, $0x38;
	[tilespmem:$0x10A00] =	vst v63  }
0x5da: {  	p2 =	sne.s32 s15, $0x7700;
	s15 =	sadd.s32 $0xC688, s9;
	s19 =	sadd.s32 $0x10, s13  }
0x5db: {  	[hbm4b:s19+s4] =	stream.linear.scatter [tilespmem:s15], [sflag:$0xB], $0x80, $0x38;
	[tilespmem:$0x10A00] =	vst v63  }
0x5dc: {  	s15 =	sadd.s32 $0xC710, s9;
	s19 =	sadd.s32 $0x20, s13  }
0x5dd: {  	[hbm4b:s19+s4] =	stream.linear.scatter [tilespmem:s15], [sflag:$0xB], $0x80, $0x38;
	[tilespmem:$0x10A00] =	vst v63  }
0x5de: {  	s15 =	sadd.s32 $0xC798, s9;
	s19 =	sadd.s32 $0x30, s13  }
0x5df: {  	[hbm4b:s19+s4] =	stream.linear.scatter [tilespmem:s15], [sflag:$0xB], $0x80, $0x38;
	[tilespmem:$0x10A00] =	vst v63  }
0x5e0: {  	s15 =	sadd.s32 $0xC820, s9;
	s19 =	sadd.s32 $0x40, s13  }
0x5e1: {  	[hbm4b:s19+s4] =	stream.linear.scatter [tilespmem:s15], [sflag:$0xB], $0x80, $0x38;
	[tilespmem:$0x10A00] =	vst v63  }
.Ltmp5:
0x5e2: {  	s15 =	sadd.s32 $0xC8A8, s9;
	s19 =	sadd.s32 $0x50, s13;
	(pc) =	sbr.rel @p2 .LBB2_13-.Ltmp5, $4  }
0x5e3: {  	[hbm4b:s19+s4] =	stream.linear.scatter [tilespmem:s15], [sflag:$0xB], $0x80, $0x38;
	[tilespmem:$0x10A00] =	vst v63  }
0x5e4: {  	s22 =	sadd.s32 $0x70, s13;
	s15 =	sadd.s32 $0xC930, s9;
	s19 =	sadd.s32 $0x60, s13  }
0x5e5: {  	[hbm4b:s19+s4] =	stream.linear.scatter [tilespmem:s15], [sflag:$0xB], $0x80, $0x38;
	[tilespmem:$0x10A00] =	vst v63  }
0x5e6: {  	s13 =	sadd.s32 $0x4000, s13;
	s19 =	sadd.s32 $0xC9B8, s9;
	s15 =	smov.u32 s10  }
0x5e7: {  	[hbm4b:s22+s4] =	stream.linear.scatter [tilespmem:s19], [sflag:$0xB], $0x80, $0x38;
	[tilespmem:$0x10A00] =	vst v63  }
0x5e8: {  	s9 =	sadd.s32 $0xC600, s8  }
0x5e9: {  	[hbm4b:s13+s4] =	stream.linear.scatter [tilespmem:s9], [sflag:$0xB], $0x80, $0x38;
	[tilespmem:$0x10A00] =	vst v63  }
0x5ea: {  	s26 =	sadd.s32 $0xC688, s8;
	s10 =	sadd.s32 $0x10, s13  }
0x5eb: {  	[hbm4b:s10+s4] =	stream.linear.scatter [tilespmem:s26], [sflag:$0xB], $0x80, $0x38;
	[tilespmem:$0x10A00] =	vst v63  }
0x5ec: {  	s15 =	sadd.s32 $0xC710, s8;
	s19 =	sadd.s32 $0x20, s13  }
0x5ed: {  	[hbm4b:s19+s4] =	stream.linear.scatter [tilespmem:s15], [sflag:$0xB], $0x80, $0x38;
	[tilespmem:$0x10A00] =	vst v63  }
0x5ee: {  	s22 =	sadd.s32 $0xC798, s8;
	s26 =	sadd.s32 $0x30, s13;
	s10 =	sadd.s32 $0xC930, s8  }
0x5ef: {  	[hbm4b:s26+s4] =	stream.linear.scatter [tilespmem:s22], [sflag:$0xB], $0x80, $0x38;
	[tilespmem:$0x10A00] =	vst v63  }
0x5f0: {  	s15 =	sadd.s32 $0xC820, s8;
	s19 =	sadd.s32 $0x40, s13;
	s22 =	sadd.s32 $0xC8A8, s8  }
0x5f1: {  	[hbm4b:s19+s4] =	stream.linear.scatter [tilespmem:s15], [sflag:$0xB], $0x80, $0x38;
	[tilespmem:$0x10A00] =	vst v63  }
0x5f2: {  	s26 =	sadd.s32 $0x50, s13;
	s19 =	sadd.s32 $0xC9B8, s8;
	s8 =	sadd.s32 @!p0 s17, s12  }
0x5f3: {  	[hbm4b:s26+s4] =	stream.linear.scatter [tilespmem:s22], [sflag:$0xB], $0x80, $0x38;
	[tilespmem:$0x10A00] =	vst v63  }
0x5f4: {  	s15 =	sadd.s32 $0x60, s13;
	s8 =	sshll.u32 @!p0 s8, $0x4  }
0x5f5: {  	[hbm4b:s15+s4] =	stream.linear.scatter [tilespmem:s10], [sflag:$0xB], $0x80, $0x38;
	[tilespmem:$0x10A00] =	vst v63  }
0x5f6: {  	s22 =	sadd.s32 $0x70, s13;
	s8 =	sand.u32 @!p0 $0x1FFFFFE0, s8  }
0x5f7: {  	[hbm4b:s22+s4] =	stream.linear.scatter [tilespmem:s19], [sflag:$0xB], $0x80, $0x38;
	[tilespmem:$0x10A00] =	vst v63  }
0x5f8: {  	s9 =	simm.s32 @!p0 $0x0;
	s8 =	sadd.s32 @!p0 s1, s8;
	s10 =	simm.s32 @!p0 $0x100  }
0x5f9: {  	[tilespmem:s10], [sflag:$0x3] =	stream.linear.gather @!p0 [hbm4b:s8+s9], $0x80, $0x38;
	[tilespmem:$0x10A00] =	vst v63  }
0x5fa: {  	s8 =	simm.s32 @!p0 $0x2  }
0x5fb: {  	_ =	swait.ge @!p0 [sflag:s8], $0x80  }
0x5fc: {  	[sflag:s8] =	ssyncset.done @!p0 $0x0  }
0x5fd: {  	s9 =	simm.s32 @!p0 $0x2200;
	[sflag:s8] =	ssyncadd.s32 @!p0 $0xFFFFFF80;
	s8 =	simm.s32 @!p0 $0x80  }
0x5fe: {  	[tilespmem:s9], [sflag:$0x6] =	stream.indirect.gather @!p0 [hbm4b:s6+s8], $0x40, s8, s8, $0xb8;
	[tilespmem:$0x10A00] =	vst v63  }
0x5ff: {  	s8 =	simm.s32 @p1 $0xC  }
0x600: {  	_ =	swait.ge @p1 [sflag:s8], $0x2000  }
0x601: {  	[sflag:s8] =	ssyncset.done @p1 $0x0  }
0x602: {  	s26 =	simm.s32 $0x0;
	[sflag:s8] =	ssyncadd.s32 @p1 $0xFFFFE000  }
0x603: {  	v33 =	vmov s26;
	_ =	swait.ge [sflag:s2], $0x2000  }
0x604: {  	v33 =	vshrl.u32 v33, $0x3;
	[sflag:s2] =	ssyncset.done $0x0  }
0x605: {  	s13 =	simm.s32 $0x6300;
	v33 =	vshll.u32 v33, v1;
	[sflag:s2] =	ssyncadd.s32 $0xFFFFE000  }
0x606: {  	v33 =	vbroadcast v33, $0x0;
	v34 =	vld [tilespmem:s13+$0xFFFFFF00];
	_ =	sdelay $0x1  }
0x607: {  	v35 =	vadd.s32 v0, v33;
	_ =	sdelay $0x2  }
0x608: {  	v34 =	vmul.f32 $8.000000000e+00, v34;
	_ =	sdelay $0x1  }
0x609: {  	[tilespmem:v35+s0+$0x0] =	vst.idx.msk $0xffff, v34  }
0x60a: {  	v34 =	vld [tilespmem:s13+$0xFFFFFF10];
	_ =	sdelay $0x1  }
0x60b: {  	v54 =	vadd.s32 v2, v33;
	_ =	sdelay $0x2  }
0x60c: {  	v34 =	vmul.f32 $8.000000000e+00, v34;
	_ =	sdelay $0x1  }
0x60d: {  	[tilespmem:v54+s0+$0x0] =	vst.idx.msk $0xffff, v34  }
0x60e: {  	v34 =	vld [tilespmem:s13+$0xFFFFFF20];
	_ =	sdelay $0x1  }
0x60f: {  	v55 =	vadd.s32 v3, v33;
	_ =	sdelay $0x2  }
0x610: {  	v34 =	vmul.f32 $8.000000000e+00, v34;
	_ =	sdelay $0x1  }
0x611: {  	[tilespmem:v55+s0+$0x0] =	vst.idx.msk $0xffff, v34  }
0x612: {  	v34 =	vld [tilespmem:s13+$0xFFFFFF30];
	_ =	sdelay $0x1  }
0x613: {  	v33 =	vadd.s32 v4, v33;
	_ =	sdelay $0x1  }
0x614: {  	s9 =	simm.s32 $0x1  }
0x615: {  	v56 =	vmov s9;
	v34 =	vmul.f32 $8.000000000e+00, v34  }
0x616: {  	v35 =	vshrl.u32 v56, $0x3  }
0x617: {  	v57 =	vshll.u32 v35, v1;
	[tilespmem:v33+s0+$0x0] =	vst.idx.msk $0xffff, v34  }
0x618: {  	v33 =	vbroadcast v57, $0x0;
	v34 =	vld [tilespmem:s13+$0xFFFFFF40];
	_ =	sdelay $0x1  }
0x619: {  	v58 =	vadd.s32 v5, v33;
	_ =	sdelay $0x2  }
0x61a: {  	v34 =	vmul.f32 $8.000000000e+00, v34;
	_ =	sdelay $0x1  }
0x61b: {  	[tilespmem:v58+s0+$0x0] =	vst.idx.msk $0xffff, v34  }
0x61c: {  	v34 =	vld [tilespmem:s13+$0xFFFFFF50];
	_ =	sdelay $0x1  }
0x61d: {  	v59 =	vadd.s32 v6, v33;
	_ =	sdelay $0x2  }
0x61e: {  	v34 =	vmul.f32 $8.000000000e+00, v34;
	_ =	sdelay $0x1  }
0x61f: {  	[tilespmem:v59+s0+$0x0] =	vst.idx.msk $0xffff, v34  }
0x620: {  	v34 =	vld [tilespmem:s13+$0xFFFFFF60];
	_ =	sdelay $0x1  }
0x621: {  	v60 =	vadd.s32 v7, v33;
	_ =	sdelay $0x2  }
0x622: {  	v34 =	vmul.f32 $8.000000000e+00, v34;
	_ =	sdelay $0x1  }
0x623: {  	[tilespmem:v60+s0+$0x0] =	vst.idx.msk $0xffff, v34  }
0x624: {  	v34 =	vld [tilespmem:s13+$0xFFFFFF70];
	_ =	sdelay $0x1  }
0x625: {  	v33 =	vadd.s32 v8, v33;
	_ =	sdelay $0x1  }
0x626: {  	s10 =	simm.s32 $0x2  }
0x627: {  	v61 =	vmov s10;
	v34 =	vmul.f32 $8.000000000e+00, v34  }
0x628: {  	v35 =	vshrl.u32 v61, $0x3  }
0x629: {  	v62 =	vshll.u32 v35, v1;
	[tilespmem:v33+s0+$0x0] =	vst.idx.msk $0xffff, v34  }
0x62a: {  	v33 =	vbroadcast v62, $0x0;
	v34 =	vld [tilespmem:s13+$0xFFFFFF80];
	_ =	sdelay $0x1  }
0x62b: {  	v63 =	vadd.s32 v9, v33;
	_ =	sdelay $0x2  }
0x62c: {  	v34 =	vmul.f32 $8.000000000e+00, v34;
	_ =	sdelay $0x1  }
0x62d: {  	[tilespmem:v63+s0+$0x0] =	vst.idx.msk $0xffff, v34  }
0x62e: {  	v34 =	vld [tilespmem:s13+$0xFFFFFF90];
	_ =	sdelay $0x1  }
0x62f: {  	v36 =	vadd.s32 v10, v33;
	_ =	sdelay $0x2  }
0x630: {  	v34 =	vmul.f32 $8.000000000e+00, v34;
	_ =	sdelay $0x1  }
0x631: {  	[tilespmem:v36+s0+$0x0] =	vst.idx.msk $0xffff, v34  }
0x632: {  	v34 =	vld [tilespmem:s13+$0xFFFFFFA0];
	_ =	sdelay $0x1  }
0x633: {  	v37 =	vadd.s32 v11, v33;
	_ =	sdelay $0x2  }
0x634: {  	v34 =	vmul.f32 $8.000000000e+00, v34;
	_ =	sdelay $0x1  }
0x635: {  	[tilespmem:v37+s0+$0x0] =	vst.idx.msk $0xffff, v34  }
0x636: {  	v34 =	vld [tilespmem:s13+$0xFFFFFFB0];
	_ =	sdelay $0x1  }
0x637: {  	v33 =	vadd.s32 v12, v33;
	_ =	sdelay $0x1  }
0x638: {  	s15 =	simm.s32 $0x3  }
0x639: {  	v38 =	vmov s15;
	v34 =	vmul.f32 $8.000000000e+00, v34  }
0x63a: {  	v35 =	vshrl.u32 v38, $0x3  }
0x63b: {  	v39 =	vshll.u32 v35, v1;
	[tilespmem:v33+s0+$0x0] =	vst.idx.msk $0xffff, v34  }
0x63c: {  	v33 =	vbroadcast v39, $0x0;
	v34 =	vld [tilespmem:s13+$0xFFFFFFC0];
	_ =	sdelay $0x1  }
0x63d: {  	v40 =	vadd.s32 v13, v33;
	_ =	sdelay $0x2  }
0x63e: {  	v34 =	vmul.f32 $8.000000000e+00, v34;
	_ =	sdelay $0x1  }
0x63f: {  	[tilespmem:v40+s0+$0x0] =	vst.idx.msk $0xffff, v34  }
0x640: {  	v34 =	vld [tilespmem:s13+$0xFFFFFFD0];
	_ =	sdelay $0x1  }
0x641: {  	v41 =	vadd.s32 v14, v33;
	_ =	sdelay $0x2  }
0x642: {  	v34 =	vmul.f32 $8.000000000e+00, v34;
	_ =	sdelay $0x1  }
0x643: {  	[tilespmem:v41+s0+$0x0] =	vst.idx.msk $0xffff, v34  }
0x644: {  	v34 =	vld [tilespmem:s13+$0xFFFFFFE0];
	_ =	sdelay $0x1  }
0x645: {  	v42 =	vadd.s32 v15, v33;
	_ =	sdelay $0x2  }
0x646: {  	v34 =	vmul.f32 $8.000000000e+00, v34;
	_ =	sdelay $0x1  }
0x647: {  	[tilespmem:v42+s0+$0x0] =	vst.idx.msk $0xffff, v34  }
0x648: {  	v34 =	vld [tilespmem:s13+$0xFFFFFFF0];
	_ =	sdelay $0x1  }
0x649: {  	v33 =	vadd.s32 v16, v33;
	_ =	sdelay $0x1  }
0x64a: {  	s17 =	simm.s32 $0x4  }
0x64b: {  	v43 =	vmov s17;
	v34 =	vmul.f32 $8.000000000e+00, v34  }
0x64c: {  	v35 =	vshrl.u32 v43, $0x3  }
0x64d: {  	v44 =	vshll.u32 v35, v1;
	[tilespmem:v33+s0+$0x0] =	vst.idx.msk $0xffff, v34  }
0x64e: {  	v33 =	vbroadcast v44, $0x0;
	v34 =	vld [tilespmem:s13+$0x0];
	_ =	sdelay $0x1  }
0x64f: {  	v45 =	vadd.s32 v17, v33;
	_ =	sdelay $0x2  }
0x650: {  	v34 =	vmul.f32 $8.000000000e+00, v34;
	_ =	sdelay $0x1  }
0x651: {  	[tilespmem:v45+s0+$0x0] =	vst.idx.msk $0xffff, v34  }
0x652: {  	v34 =	vld [tilespmem:s13+$0x10];
	_ =	sdelay $0x1  }
0x653: {  	v46 =	vadd.s32 v18, v33;
	_ =	sdelay $0x2  }
0x654: {  	v34 =	vmul.f32 $8.000000000e+00, v34;
	_ =	sdelay $0x1  }
0x655: {  	[tilespmem:v46+s0+$0x0] =	vst.idx.msk $0xffff, v34  }
0x656: {  	v34 =	vld [tilespmem:s13+$0x20];
	_ =	sdelay $0x1  }
0x657: {  	v47 =	vadd.s32 v19, v33;
	_ =	sdelay $0x2  }
0x658: {  	v34 =	vmul.f32 $8.000000000e+00, v34;
	_ =	sdelay $0x1  }
0x659: {  	[tilespmem:v47+s0+$0x0] =	vst.idx.msk $0xffff, v34  }
0x65a: {  	v34 =	vld [tilespmem:s13+$0x30];
	_ =	sdelay $0x1  }
0x65b: {  	v33 =	vadd.s32 v20, v33;
	_ =	sdelay $0x1  }
0x65c: {  	s19 =	simm.s32 $0x5  }
0x65d: {  	v48 =	vmov s19;
	v34 =	vmul.f32 $8.000000000e+00, v34  }
0x65e: {  	v35 =	vshrl.u32 v48, $0x3  }
0x65f: {  	v49 =	vshll.u32 v35, v1;
	[tilespmem:v33+s0+$0x0] =	vst.idx.msk $0xffff, v34  }
0x660: {  	v33 =	vbroadcast v49, $0x0;
	v34 =	vld [tilespmem:s13+$0x40];
	_ =	sdelay $0x1  }
0x661: {  	v50 =	vadd.s32 v21, v33;
	_ =	sdelay $0x2  }
0x662: {  	v34 =	vmul.f32 $8.000000000e+00, v34;
	_ =	sdelay $0x1  }
0x663: {  	[tilespmem:v50+s0+$0x0] =	vst.idx.msk $0xffff, v34  }
0x664: {  	v34 =	vld [tilespmem:s13+$0x50];
	_ =	sdelay $0x1  }
0x665: {  	v51 =	vadd.s32 v22, v33;
	_ =	sdelay $0x2  }
0x666: {  	v34 =	vmul.f32 $8.000000000e+00, v34;
	_ =	sdelay $0x1  }
0x667: {  	[tilespmem:v51+s0+$0x0] =	vst.idx.msk $0xffff, v34  }
0x668: {  	v34 =	vld [tilespmem:s13+$0x60];
	_ =	sdelay $0x1  }
0x669: {  	v52 =	vadd.s32 v23, v33;
	_ =	sdelay $0x2  }
0x66a: {  	v34 =	vmul.f32 $8.000000000e+00, v34;
	_ =	sdelay $0x1  }
0x66b: {  	[tilespmem:v52+s0+$0x0] =	vst.idx.msk $0xffff, v34  }
0x66c: {  	v34 =	vld [tilespmem:s13+$0x70];
	_ =	sdelay $0x1  }
0x66d: {  	v33 =	vadd.s32 v24, v33;
	_ =	sdelay $0x1  }
0x66e: {  	s22 =	simm.s32 $0x6  }
0x66f: {  	v53 =	vmov s22;
	v34 =	vmul.f32 $8.000000000e+00, v34  }
0x670: {  	v35 =	vshrl.u32 v53, $0x3  }
0x671: {  	v54 =	vshll.u32 v35, v1;
	[tilespmem:v33+s0+$0x0] =	vst.idx.msk $0xffff, v34  }
0x672: {  	v33 =	vbroadcast v54, $0x0;
	v34 =	vld [tilespmem:s13+$0x80];
	_ =	sdelay $0x1  }
0x673: {  	v55 =	vadd.s32 v25, v33;
	_ =	sdelay $0x2  }
0x674: {  	v34 =	vmul.f32 $8.000000000e+00, v34;
	_ =	sdelay $0x1  }
0x675: {  	[tilespmem:v55+s0+$0x0] =	vst.idx.msk $0xffff, v34  }
0x676: {  	v34 =	vld [tilespmem:s13+$0x90];
	_ =	sdelay $0x1  }
0x677: {  	v56 =	vadd.s32 v26, v33;
	_ =	sdelay $0x2  }
0x678: {  	v34 =	vmul.f32 $8.000000000e+00, v34;
	_ =	sdelay $0x1  }
0x679: {  	[tilespmem:v56+s0+$0x0] =	vst.idx.msk $0xffff, v34  }
0x67a: {  	v34 =	vld [tilespmem:s13+$0xA0];
	_ =	sdelay $0x1  }
0x67b: {  	v57 =	vadd.s32 v27, v33;
	_ =	sdelay $0x2  }
0x67c: {  	v34 =	vmul.f32 $8.000000000e+00, v34;
	_ =	sdelay $0x1  }
0x67d: {  	[tilespmem:v57+s0+$0x0] =	vst.idx.msk $0xffff, v34  }
0x67e: {  	v34 =	vld [tilespmem:s13+$0xB0];
	_ =	sdelay $0x1  }
0x67f: {  	v33 =	vadd.s32 v28, v33;
	_ =	sdelay $0x1  }
0x680: {  	s26 =	simm.s32 $0x7  }
0x681: {  	v58 =	vmov s26;
	v34 =	vmul.f32 $8.000000000e+00, v34  }
0x682: {  	v35 =	vshrl.u32 v58, $0x3  }
0x683: {  	v59 =	vshll.u32 v35, v1;
	[tilespmem:v33+s0+$0x0] =	vst.idx.msk $0xffff, v34  }
0x684: {  	v33 =	vbroadcast v59, $0x0;
	v34 =	vld [tilespmem:s13+$0xC0];
	_ =	sdelay $0x1  }
0x685: {  	v60 =	vadd.s32 v29, v33;
	_ =	sdelay $0x2  }
0x686: {  	v34 =	vmul.f32 $8.000000000e+00, v34;
	_ =	sdelay $0x1  }
0x687: {  	[tilespmem:v60+s0+$0x0] =	vst.idx.msk $0xffff, v34  }
0x688: {  	v34 =	vld [tilespmem:s13+$0xD0];
	_ =	sdelay $0x1  }
0x689: {  	v61 =	vadd.s32 v30, v33;
	_ =	sdelay $0x2  }
0x68a: {  	v34 =	vmul.f32 $8.000000000e+00, v34;
	_ =	sdelay $0x1  }
0x68b: {  	[tilespmem:v61+s0+$0x0] =	vst.idx.msk $0xffff, v34  }
0x68c: {  	v34 =	vld [tilespmem:s13+$0xE0];
	_ =	sdelay $0x1  }
0x68d: {  	v62 =	vadd.s32 v31, v33;
	_ =	sdelay $0x2  }
0x68e: {  	v34 =	vmul.f32 $8.000000000e+00, v34;
	_ =	sdelay $0x1  }
0x68f: {  	[tilespmem:v62+s0+$0x0] =	vst.idx.msk $0xffff, v34  }
0x690: {  	v34 =	vld [tilespmem:s13+$0xF0];
	_ =	sdelay $0x1  }
0x691: {  	v33 =	vadd.s32 v32, v33  }
0x692: {  	s17 =	simm.s32 $0x8  }
0x693: {  	v63 =	vmov s17  }
0x694: {  	s15 =	simm.s32 $0x10;
	v35 =	vshrl.u32 v63, $0x3;
	v34 =	vmul.f32 $8.000000000e+00, v34  }
.LBB2_15:
0x695: {  	p0 =	slt.u32 s15, $0x78  }
0x696: {  	v35 =	vshll.u32 v35, v1;
	[tilespmem:v33+s0+$0x0] =	vst.idx.msk $0xffff, v34;
	s13 =	sadd.s32 $0x200, s13;
	s8 =	smov.u32 s15;
	s15 =	sadd.s32 $0x8, s15  }
0x697: {  	v33 =	vld [tilespmem:s13+$0xFFFFFF00];
	v34 =	vbroadcast v35, $0x0;
	_ =	sdelay $0x1  }
0x698: {  	v35 =	vadd.s32 v0, v34;
	_ =	sdelay $0x2  }
0x699: {  	v33 =	vmul.f32 $8.000000000e+00, v33;
	_ =	sdelay $0x1  }
0x69a: {  	[tilespmem:v35+s0+$0x0] =	vst.idx.msk $0xffff, v33  }
0x69b: {  	v33 =	vld [tilespmem:s13+$0xFFFFFF10];
	_ =	sdelay $0x1  }
0x69c: {  	v35 =	vadd.s32 v2, v34;
	_ =	sdelay $0x2  }
0x69d: {  	v33 =	vmul.f32 $8.000000000e+00, v33;
	_ =	sdelay $0x1  }
0x69e: {  	[tilespmem:v35+s0+$0x0] =	vst.idx.msk $0xffff, v33  }
0x69f: {  	v33 =	vld [tilespmem:s13+$0xFFFFFF20];
	_ =	sdelay $0x1  }
0x6a0: {  	v35 =	vadd.s32 v3, v34;
	_ =	sdelay $0x2  }
0x6a1: {  	v33 =	vmul.f32 $8.000000000e+00, v33;
	_ =	sdelay $0x1  }
0x6a2: {  	[tilespmem:v35+s0+$0x0] =	vst.idx.msk $0xffff, v33  }
0x6a3: {  	v33 =	vld [tilespmem:s13+$0xFFFFFF30];
	_ =	sdelay $0x1  }
0x6a4: {  	v34 =	vadd.s32 v4, v34;
	_ =	sdelay $0x1  }
0x6a5: {  	s9 =	sadd.s32 $0x1, s17  }
0x6a6: {  	v35 =	vmov s9;
	v33 =	vmul.f32 $8.000000000e+00, v33  }
0x6a7: {  	v35 =	vshrl.u32 v35, $0x3  }
0x6a8: {  	[tilespmem:v34+s0+$0x0] =	vst.idx.msk $0xffff, v33;
	v33 =	vshll.u32 v35, v1  }
0x6a9: {  	v34 =	vld [tilespmem:s13+$0xFFFFFF40];
	v33 =	vbroadcast v33, $0x0;
	_ =	sdelay $0x1  }
0x6aa: {  	v35 =	vadd.s32 v5, v33;
	_ =	sdelay $0x2  }
0x6ab: {  	v34 =	vmul.f32 $8.000000000e+00, v34;
	_ =	sdelay $0x1  }
0x6ac: {  	[tilespmem:v35+s0+$0x0] =	vst.idx.msk $0xffff, v34  }
0x6ad: {  	v34 =	vld [tilespmem:s13+$0xFFFFFF50];
	_ =	sdelay $0x1  }
0x6ae: {  	v35 =	vadd.s32 v6, v33;
	_ =	sdelay $0x2  }
0x6af: {  	v34 =	vmul.f32 $8.000000000e+00, v34;
	_ =	sdelay $0x1  }
0x6b0: {  	[tilespmem:v35+s0+$0x0] =	vst.idx.msk $0xffff, v34  }
0x6b1: {  	v34 =	vld [tilespmem:s13+$0xFFFFFF60];
	_ =	sdelay $0x1  }
0x6b2: {  	v35 =	vadd.s32 v7, v33;
	_ =	sdelay $0x2  }
0x6b3: {  	v34 =	vmul.f32 $8.000000000e+00, v34;
	_ =	sdelay $0x1  }
0x6b4: {  	[tilespmem:v35+s0+$0x0] =	vst.idx.msk $0xffff, v34  }
0x6b5: {  	v34 =	vld [tilespmem:s13+$0xFFFFFF70];
	_ =	sdelay $0x1  }
0x6b6: {  	v33 =	vadd.s32 v8, v33;
	_ =	sdelay $0x1  }
0x6b7: {  	s9 =	sadd.s32 $0x2, s17  }
0x6b8: {  	v35 =	vmov s9;
	v34 =	vmul.f32 $8.000000000e+00, v34  }
0x6b9: {  	v35 =	vshrl.u32 v35, $0x3  }
0x6ba: {  	[tilespmem:v33+s0+$0x0] =	vst.idx.msk $0xffff, v34;
	v33 =	vshll.u32 v35, v1  }
0x6bb: {  	v34 =	vld [tilespmem:s13+$0xFFFFFF80];
	v33 =	vbroadcast v33, $0x0;
	_ =	sdelay $0x1  }
0x6bc: {  	v35 =	vadd.s32 v9, v33;
	_ =	sdelay $0x2  }
0x6bd: {  	v34 =	vmul.f32 $8.000000000e+00, v34;
	_ =	sdelay $0x1  }
0x6be: {  	[tilespmem:v35+s0+$0x0] =	vst.idx.msk $0xffff, v34  }
0x6bf: {  	v34 =	vld [tilespmem:s13+$0xFFFFFF90];
	_ =	sdelay $0x1  }
0x6c0: {  	v35 =	vadd.s32 v10, v33;
	_ =	sdelay $0x2  }
0x6c1: {  	v34 =	vmul.f32 $8.000000000e+00, v34;
	_ =	sdelay $0x1  }
0x6c2: {  	[tilespmem:v35+s0+$0x0] =	vst.idx.msk $0xffff, v34  }
0x6c3: {  	v34 =	vld [tilespmem:s13+$0xFFFFFFA0];
	_ =	sdelay $0x1  }
0x6c4: {  	v35 =	vadd.s32 v11, v33;
	_ =	sdelay $0x2  }
0x6c5: {  	v34 =	vmul.f32 $8.000000000e+00, v34;
	_ =	sdelay $0x1  }
0x6c6: {  	[tilespmem:v35+s0+$0x0] =	vst.idx.msk $0xffff, v34  }
0x6c7: {  	v34 =	vld [tilespmem:s13+$0xFFFFFFB0];
	_ =	sdelay $0x1  }
0x6c8: {  	v33 =	vadd.s32 v12, v33;
	_ =	sdelay $0x1  }
0x6c9: {  	s9 =	sadd.s32 $0x3, s17  }
0x6ca: {  	v35 =	vmov s9;
	v34 =	vmul.f32 $8.000000000e+00, v34  }
0x6cb: {  	v35 =	vshrl.u32 v35, $0x3  }
0x6cc: {  	[tilespmem:v33+s0+$0x0] =	vst.idx.msk $0xffff, v34;
	v33 =	vshll.u32 v35, v1  }
0x6cd: {  	v34 =	vld [tilespmem:s13+$0xFFFFFFC0];
	v33 =	vbroadcast v33, $0x0;
	_ =	sdelay $0x1  }
0x6ce: {  	v35 =	vadd.s32 v13, v33;
	_ =	sdelay $0x2  }
0x6cf: {  	v34 =	vmul.f32 $8.000000000e+00, v34;
	_ =	sdelay $0x1  }
0x6d0: {  	[tilespmem:v35+s0+$0x0] =	vst.idx.msk $0xffff, v34  }
0x6d1: {  	v34 =	vld [tilespmem:s13+$0xFFFFFFD0];
	_ =	sdelay $0x1  }
0x6d2: {  	v35 =	vadd.s32 v14, v33;
	_ =	sdelay $0x2  }
0x6d3: {  	v34 =	vmul.f32 $8.000000000e+00, v34;
	_ =	sdelay $0x1  }
0x6d4: {  	[tilespmem:v35+s0+$0x0] =	vst.idx.msk $0xffff, v34  }
0x6d5: {  	v34 =	vld [tilespmem:s13+$0xFFFFFFE0];
	_ =	sdelay $0x1  }
0x6d6: {  	v35 =	vadd.s32 v15, v33;
	_ =	sdelay $0x2  }
0x6d7: {  	v34 =	vmul.f32 $8.000000000e+00, v34;
	_ =	sdelay $0x1  }
0x6d8: {  	[tilespmem:v35+s0+$0x0] =	vst.idx.msk $0xffff, v34  }
0x6d9: {  	v34 =	vld [tilespmem:s13+$0xFFFFFFF0];
	_ =	sdelay $0x1  }
0x6da: {  	v33 =	vadd.s32 v16, v33;
	_ =	sdelay $0x1  }
0x6db: {  	s9 =	sadd.s32 $0x4, s17  }
0x6dc: {  	v35 =	vmov s9;
	v34 =	vmul.f32 $8.000000000e+00, v34  }
0x6dd: {  	v35 =	vshrl.u32 v35, $0x3  }
0x6de: {  	[tilespmem:v33+s0+$0x0] =	vst.idx.msk $0xffff, v34;
	v33 =	vshll.u32 v35, v1  }
0x6df: {  	v34 =	vld [tilespmem:s13+$0x0];
	v33 =	vbroadcast v33, $0x0;
	_ =	sdelay $0x1  }
0x6e0: {  	v35 =	vadd.s32 v17, v33;
	_ =	sdelay $0x2  }
0x6e1: {  	v34 =	vmul.f32 $8.000000000e+00, v34;
	_ =	sdelay $0x1  }
0x6e2: {  	[tilespmem:v35+s0+$0x0] =	vst.idx.msk $0xffff, v34  }
0x6e3: {  	v34 =	vld [tilespmem:s13+$0x10];
	_ =	sdelay $0x1  }
0x6e4: {  	v35 =	vadd.s32 v18, v33;
	_ =	sdelay $0x2  }
0x6e5: {  	v34 =	vmul.f32 $8.000000000e+00, v34;
	_ =	sdelay $0x1  }
0x6e6: {  	[tilespmem:v35+s0+$0x0] =	vst.idx.msk $0xffff, v34  }
0x6e7: {  	v34 =	vld [tilespmem:s13+$0x20];
	_ =	sdelay $0x1  }
0x6e8: {  	v35 =	vadd.s32 v19, v33;
	_ =	sdelay $0x2  }
0x6e9: {  	v34 =	vmul.f32 $8.000000000e+00, v34;
	_ =	sdelay $0x1  }
0x6ea: {  	[tilespmem:v35+s0+$0x0] =	vst.idx.msk $0xffff, v34  }
0x6eb: {  	v34 =	vld [tilespmem:s13+$0x30];
	_ =	sdelay $0x1  }
0x6ec: {  	v33 =	vadd.s32 v20, v33;
	_ =	sdelay $0x1  }
0x6ed: {  	s9 =	sadd.s32 $0x5, s17  }
0x6ee: {  	v35 =	vmov s9;
	v34 =	vmul.f32 $8.000000000e+00, v34  }
0x6ef: {  	v35 =	vshrl.u32 v35, $0x3  }
0x6f0: {  	[tilespmem:v33+s0+$0x0] =	vst.idx.msk $0xffff, v34;
	v33 =	vshll.u32 v35, v1  }
0x6f1: {  	v34 =	vld [tilespmem:s13+$0x40];
	v33 =	vbroadcast v33, $0x0;
	_ =	sdelay $0x1  }
0x6f2: {  	v35 =	vadd.s32 v21, v33;
	_ =	sdelay $0x2  }
0x6f3: {  	v34 =	vmul.f32 $8.000000000e+00, v34;
	_ =	sdelay $0x1  }
0x6f4: {  	[tilespmem:v35+s0+$0x0] =	vst.idx.msk $0xffff, v34  }
0x6f5: {  	v34 =	vld [tilespmem:s13+$0x50];
	_ =	sdelay $0x1  }
0x6f6: {  	v35 =	vadd.s32 v22, v33;
	_ =	sdelay $0x2  }
0x6f7: {  	v34 =	vmul.f32 $8.000000000e+00, v34;
	_ =	sdelay $0x1  }
0x6f8: {  	[tilespmem:v35+s0+$0x0] =	vst.idx.msk $0xffff, v34  }
0x6f9: {  	v34 =	vld [tilespmem:s13+$0x60];
	_ =	sdelay $0x1  }
0x6fa: {  	v35 =	vadd.s32 v23, v33;
	_ =	sdelay $0x2  }
0x6fb: {  	v34 =	vmul.f32 $8.000000000e+00, v34;
	_ =	sdelay $0x1  }
0x6fc: {  	[tilespmem:v35+s0+$0x0] =	vst.idx.msk $0xffff, v34  }
0x6fd: {  	v34 =	vld [tilespmem:s13+$0x70];
	_ =	sdelay $0x1  }
0x6fe: {  	v33 =	vadd.s32 v24, v33;
	_ =	sdelay $0x1  }
0x6ff: {  	s9 =	sadd.s32 $0x6, s17  }
0x700: {  	v35 =	vmov s9;
	v34 =	vmul.f32 $8.000000000e+00, v34  }
0x701: {  	v35 =	vshrl.u32 v35, $0x3  }
0x702: {  	[tilespmem:v33+s0+$0x0] =	vst.idx.msk $0xffff, v34;
	v33 =	vshll.u32 v35, v1  }
0x703: {  	v34 =	vld [tilespmem:s13+$0x80];
	v33 =	vbroadcast v33, $0x0;
	_ =	sdelay $0x1  }
0x704: {  	v35 =	vadd.s32 v25, v33;
	_ =	sdelay $0x2  }
0x705: {  	v34 =	vmul.f32 $8.000000000e+00, v34;
	_ =	sdelay $0x1  }
0x706: {  	[tilespmem:v35+s0+$0x0] =	vst.idx.msk $0xffff, v34  }
0x707: {  	v34 =	vld [tilespmem:s13+$0x90];
	_ =	sdelay $0x1  }
0x708: {  	v35 =	vadd.s32 v26, v33;
	_ =	sdelay $0x2  }
0x709: {  	v34 =	vmul.f32 $8.000000000e+00, v34;
	_ =	sdelay $0x1  }
0x70a: {  	[tilespmem:v35+s0+$0x0] =	vst.idx.msk $0xffff, v34  }
0x70b: {  	v34 =	vld [tilespmem:s13+$0xA0];
	_ =	sdelay $0x1  }
0x70c: {  	v35 =	vadd.s32 v27, v33;
	_ =	sdelay $0x2  }
0x70d: {  	v34 =	vmul.f32 $8.000000000e+00, v34;
	_ =	sdelay $0x1  }
0x70e: {  	[tilespmem:v35+s0+$0x0] =	vst.idx.msk $0xffff, v34  }
0x70f: {  	v34 =	vld [tilespmem:s13+$0xB0];
	_ =	sdelay $0x1  }
0x710: {  	v33 =	vadd.s32 v28, v33;
	_ =	sdelay $0x1  }
0x711: {  	s9 =	sadd.s32 $0x7, s17;
	s17 =	smov.u32 s8  }
0x712: {  	v35 =	vmov s9;
	v34 =	vmul.f32 $8.000000000e+00, v34  }
0x713: {  	v35 =	vshrl.u32 v35, $0x3  }
0x714: {  	[tilespmem:v33+s0+$0x0] =	vst.idx.msk $0xffff, v34;
	v33 =	vshll.u32 v35, v1  }
0x715: {  	v34 =	vld [tilespmem:s13+$0xC0];
	v33 =	vbroadcast v33, $0x0;
	_ =	sdelay $0x1  }
0x716: {  	v35 =	vadd.s32 v29, v33;
	_ =	sdelay $0x2  }
0x717: {  	v34 =	vmul.f32 $8.000000000e+00, v34;
	_ =	sdelay $0x1  }
0x718: {  	[tilespmem:v35+s0+$0x0] =	vst.idx.msk $0xffff, v34  }
0x719: {  	v34 =	vld [tilespmem:s13+$0xD0];
	_ =	sdelay $0x1  }
0x71a: {  	v35 =	vadd.s32 v30, v33;
	_ =	sdelay $0x2  }
0x71b: {  	v34 =	vmul.f32 $8.000000000e+00, v34;
	_ =	sdelay $0x1  }
0x71c: {  	[tilespmem:v35+s0+$0x0] =	vst.idx.msk $0xffff, v34  }
0x71d: {  	v34 =	vld [tilespmem:s13+$0xE0];
	_ =	sdelay $0x1  }
0x71e: {  	v35 =	vadd.s32 v31, v33;
	_ =	sdelay $0x2  }
0x71f: {  	v34 =	vmul.f32 $8.000000000e+00, v34;
	_ =	sdelay $0x1  }
0x720: {  	[tilespmem:v35+s0+$0x0] =	vst.idx.msk $0xffff, v34  }
0x721: {  	v34 =	vld [tilespmem:s13+$0xF0];
	_ =	sdelay $0x1  }
.Ltmp6:
0x722: {  	v33 =	vadd.s32 v32, v33;
	(pc) =	sbr.rel @p0 .LBB2_15-.Ltmp6, $3  }
0x723: {  	_ =	sdelay $0x1  }
0x724: {  	v35 =	vmov s17;
	v34 =	vmul.f32 $8.000000000e+00, v34  }
0x725: {  	v35 =	vshrl.u32 v35, $0x3  }
0x726: {  	_ =	sdelay $0x3  }
0x727: {  	v35 =	vshll.u32 v35, v1;
	[tilespmem:v33+s0+$0x0] =	vst.idx.msk $0xffff, v34;
	s8 =	sadd.s32 $0x200, s13  }
0x728: {  	v33 =	vld [tilespmem:s8+$0xFFFFFF00];
	v54 =	vbroadcast v35, $0x0;
	_ =	sdelay $0x1  }
0x729: {  	v35 =	vadd.s32 v0, v54;
	_ =	sdelay $0x2  }
0x72a: {  	v33 =	vmul.f32 $8.000000000e+00, v33;
	_ =	sdelay $0x1  }
0x72b: {  	[tilespmem:v35+s0+$0x0] =	vst.idx.msk $0xffff, v33  }
0x72c: {  	v33 =	vld [tilespmem:s8+$0xFFFFFF10];
	_ =	sdelay $0x1  }
0x72d: {  	v55 =	vadd.s32 v2, v54;
	_ =	sdelay $0x2  }
0x72e: {  	v33 =	vmul.f32 $8.000000000e+00, v33;
	_ =	sdelay $0x1  }
0x72f: {  	[tilespmem:v55+s0+$0x0] =	vst.idx.msk $0xffff, v33  }
0x730: {  	v33 =	vld [tilespmem:s8+$0xFFFFFF20];
	_ =	sdelay $0x1  }
0x731: {  	v56 =	vadd.s32 v3, v54;
	_ =	sdelay $0x2  }
0x732: {  	v33 =	vmul.f32 $8.000000000e+00, v33;
	_ =	sdelay $0x1  }
0x733: {  	[tilespmem:v56+s0+$0x0] =	vst.idx.msk $0xffff, v33  }
0x734: {  	v33 =	vld [tilespmem:s8+$0xFFFFFF30];
	_ =	sdelay $0x1  }
0x735: {  	v34 =	vadd.s32 v4, v54;
	_ =	sdelay $0x1  }
0x736: {  	s9 =	sadd.s32 $0x1, s17  }
0x737: {  	v57 =	vmov s9;
	v33 =	vmul.f32 $8.000000000e+00, v33  }
0x738: {  	v35 =	vshrl.u32 v57, $0x3  }
0x739: {  	v58 =	vshll.u32 v35, v1;
	[tilespmem:v34+s0+$0x0] =	vst.idx.msk $0xffff, v33  }
0x73a: {  	v33 =	vbroadcast v58, $0x0;
	v34 =	vld [tilespmem:s8+$0xFFFFFF40];
	_ =	sdelay $0x1  }
0x73b: {  	v59 =	vadd.s32 v5, v33;
	_ =	sdelay $0x2  }
0x73c: {  	v34 =	vmul.f32 $8.000000000e+00, v34;
	_ =	sdelay $0x1  }
0x73d: {  	[tilespmem:v59+s0+$0x0] =	vst.idx.msk $0xffff, v34  }
0x73e: {  	v34 =	vld [tilespmem:s8+$0xFFFFFF50];
	_ =	sdelay $0x1  }
0x73f: {  	v60 =	vadd.s32 v6, v33;
	_ =	sdelay $0x2  }
0x740: {  	v34 =	vmul.f32 $8.000000000e+00, v34;
	_ =	sdelay $0x1  }
0x741: {  	[tilespmem:v60+s0+$0x0] =	vst.idx.msk $0xffff, v34  }
0x742: {  	v34 =	vld [tilespmem:s8+$0xFFFFFF60];
	_ =	sdelay $0x1  }
0x743: {  	v61 =	vadd.s32 v7, v33;
	_ =	sdelay $0x2  }
0x744: {  	v34 =	vmul.f32 $8.000000000e+00, v34;
	_ =	sdelay $0x1  }
0x745: {  	[tilespmem:v61+s0+$0x0] =	vst.idx.msk $0xffff, v34  }
0x746: {  	v34 =	vld [tilespmem:s8+$0xFFFFFF70];
	_ =	sdelay $0x1  }
0x747: {  	v33 =	vadd.s32 v8, v33;
	_ =	sdelay $0x1  }
0x748: {  	s13 =	sadd.s32 $0x2, s17  }
0x749: {  	v62 =	vmov s13;
	v34 =	vmul.f32 $8.000000000e+00, v34  }
0x74a: {  	v35 =	vshrl.u32 v62, $0x3  }
0x74b: {  	v63 =	vshll.u32 v35, v1;
	[tilespmem:v33+s0+$0x0] =	vst.idx.msk $0xffff, v34  }
0x74c: {  	v33 =	vbroadcast v63, $0x0;
	v34 =	vld [tilespmem:s8+$0xFFFFFF80];
	_ =	sdelay $0x1  }
0x74d: {  	v36 =	vadd.s32 v9, v33;
	_ =	sdelay $0x2  }
0x74e: {  	v34 =	vmul.f32 $8.000000000e+00, v34;
	_ =	sdelay $0x1  }
0x74f: {  	[tilespmem:v36+s0+$0x0] =	vst.idx.msk $0xffff, v34  }
0x750: {  	v34 =	vld [tilespmem:s8+$0xFFFFFF90];
	_ =	sdelay $0x1  }
0x751: {  	v37 =	vadd.s32 v10, v33;
	_ =	sdelay $0x2  }
0x752: {  	v34 =	vmul.f32 $8.000000000e+00, v34;
	_ =	sdelay $0x1  }
0x753: {  	[tilespmem:v37+s0+$0x0] =	vst.idx.msk $0xffff, v34  }
0x754: {  	v34 =	vld [tilespmem:s8+$0xFFFFFFA0];
	_ =	sdelay $0x1  }
0x755: {  	v38 =	vadd.s32 v11, v33;
	_ =	sdelay $0x2  }
0x756: {  	v34 =	vmul.f32 $8.000000000e+00, v34;
	_ =	sdelay $0x1  }
0x757: {  	[tilespmem:v38+s0+$0x0] =	vst.idx.msk $0xffff, v34  }
0x758: {  	v34 =	vld [tilespmem:s8+$0xFFFFFFB0];
	_ =	sdelay $0x1  }
0x759: {  	v33 =	vadd.s32 v12, v33;
	_ =	sdelay $0x1  }
0x75a: {  	s15 =	sadd.s32 $0x3, s17  }
0x75b: {  	v39 =	vmov s15;
	v34 =	vmul.f32 $8.000000000e+00, v34  }
0x75c: {  	v35 =	vshrl.u32 v39, $0x3  }
0x75d: {  	v40 =	vshll.u32 v35, v1;
	[tilespmem:v33+s0+$0x0] =	vst.idx.msk $0xffff, v34  }
0x75e: {  	v33 =	vbroadcast v40, $0x0;
	v34 =	vld [tilespmem:s8+$0xFFFFFFC0];
	_ =	sdelay $0x1  }
0x75f: {  	v41 =	vadd.s32 v13, v33;
	_ =	sdelay $0x2  }
0x760: {  	v34 =	vmul.f32 $8.000000000e+00, v34;
	_ =	sdelay $0x1  }
0x761: {  	[tilespmem:v41+s0+$0x0] =	vst.idx.msk $0xffff, v34  }
0x762: {  	v34 =	vld [tilespmem:s8+$0xFFFFFFD0];
	_ =	sdelay $0x1  }
0x763: {  	v42 =	vadd.s32 v14, v33;
	_ =	sdelay $0x2  }
0x764: {  	v34 =	vmul.f32 $8.000000000e+00, v34;
	_ =	sdelay $0x1  }
0x765: {  	[tilespmem:v42+s0+$0x0] =	vst.idx.msk $0xffff, v34  }
0x766: {  	v34 =	vld [tilespmem:s8+$0xFFFFFFE0];
	_ =	sdelay $0x1  }
0x767: {  	v43 =	vadd.s32 v15, v33;
	_ =	sdelay $0x2  }
0x768: {  	v34 =	vmul.f32 $8.000000000e+00, v34;
	_ =	sdelay $0x1  }
0x769: {  	[tilespmem:v43+s0+$0x0] =	vst.idx.msk $0xffff, v34  }
0x76a: {  	v34 =	vld [tilespmem:s8+$0xFFFFFFF0];
	_ =	sdelay $0x1  }
0x76b: {  	v33 =	vadd.s32 v16, v33;
	_ =	sdelay $0x1  }
0x76c: {  	s19 =	sadd.s32 $0x4, s17  }
0x76d: {  	v44 =	vmov s19;
	v34 =	vmul.f32 $8.000000000e+00, v34  }
0x76e: {  	v35 =	vshrl.u32 v44, $0x3  }
0x76f: {  	v45 =	vshll.u32 v35, v1;
	[tilespmem:v33+s0+$0x0] =	vst.idx.msk $0xffff, v34  }
0x770: {  	v33 =	vbroadcast v45, $0x0;
	v34 =	vld [tilespmem:s8+$0x0];
	_ =	sdelay $0x1  }
0x771: {  	v46 =	vadd.s32 v17, v33;
	_ =	sdelay $0x2  }
0x772: {  	v34 =	vmul.f32 $8.000000000e+00, v34;
	_ =	sdelay $0x1  }
0x773: {  	[tilespmem:v46+s0+$0x0] =	vst.idx.msk $0xffff, v34  }
0x774: {  	v34 =	vld [tilespmem:s8+$0x10];
	_ =	sdelay $0x1  }
0x775: {  	v47 =	vadd.s32 v18, v33;
	_ =	sdelay $0x2  }
0x776: {  	v34 =	vmul.f32 $8.000000000e+00, v34;
	_ =	sdelay $0x1  }
0x777: {  	[tilespmem:v47+s0+$0x0] =	vst.idx.msk $0xffff, v34  }
0x778: {  	v34 =	vld [tilespmem:s8+$0x20];
	_ =	sdelay $0x1  }
0x779: {  	v48 =	vadd.s32 v19, v33;
	_ =	sdelay $0x2  }
0x77a: {  	v34 =	vmul.f32 $8.000000000e+00, v34;
	_ =	sdelay $0x1  }
0x77b: {  	[tilespmem:v48+s0+$0x0] =	vst.idx.msk $0xffff, v34  }
0x77c: {  	v34 =	vld [tilespmem:s8+$0x30];
	_ =	sdelay $0x1  }
0x77d: {  	v33 =	vadd.s32 v20, v33;
	_ =	sdelay $0x1  }
0x77e: {  	s22 =	sadd.s32 $0x5, s17  }
0x77f: {  	v49 =	vmov s22;
	v34 =	vmul.f32 $8.000000000e+00, v34  }
0x780: {  	v35 =	vshrl.u32 v49, $0x3  }
0x781: {  	v50 =	vshll.u32 v35, v1;
	[tilespmem:v33+s0+$0x0] =	vst.idx.msk $0xffff, v34  }
0x782: {  	v33 =	vbroadcast v50, $0x0;
	v34 =	vld [tilespmem:s8+$0x40];
	_ =	sdelay $0x1  }
0x783: {  	v51 =	vadd.s32 v21, v33;
	_ =	sdelay $0x2  }
0x784: {  	v34 =	vmul.f32 $8.000000000e+00, v34;
	_ =	sdelay $0x1  }
0x785: {  	[tilespmem:v51+s0+$0x0] =	vst.idx.msk $0xffff, v34  }
0x786: {  	v34 =	vld [tilespmem:s8+$0x50];
	_ =	sdelay $0x1  }
0x787: {  	v52 =	vadd.s32 v22, v33;
	_ =	sdelay $0x2  }
0x788: {  	v34 =	vmul.f32 $8.000000000e+00, v34;
	_ =	sdelay $0x1  }
0x789: {  	[tilespmem:v52+s0+$0x0] =	vst.idx.msk $0xffff, v34  }
0x78a: {  	v34 =	vld [tilespmem:s8+$0x60];
	_ =	sdelay $0x1  }
0x78b: {  	v53 =	vadd.s32 v23, v33;
	_ =	sdelay $0x2  }
0x78c: {  	v34 =	vmul.f32 $8.000000000e+00, v34;
	_ =	sdelay $0x1  }
0x78d: {  	[tilespmem:v53+s0+$0x0] =	vst.idx.msk $0xffff, v34  }
0x78e: {  	v34 =	vld [tilespmem:s8+$0x70];
	_ =	sdelay $0x1  }
0x78f: {  	v33 =	vadd.s32 v24, v33;
	_ =	sdelay $0x1  }
0x790: {  	s26 =	sadd.s32 $0x6, s17  }
0x791: {  	v54 =	vmov s26;
	v34 =	vmul.f32 $8.000000000e+00, v34  }
0x792: {  	v35 =	vshrl.u32 v54, $0x3  }
0x793: {  	v55 =	vshll.u32 v35, v1;
	[tilespmem:v33+s0+$0x0] =	vst.idx.msk $0xffff, v34  }
0x794: {  	v33 =	vbroadcast v55, $0x0;
	v34 =	vld [tilespmem:s8+$0x80];
	_ =	sdelay $0x1  }
0x795: {  	v56 =	vadd.s32 v25, v33;
	_ =	sdelay $0x2  }
0x796: {  	v34 =	vmul.f32 $8.000000000e+00, v34;
	_ =	sdelay $0x1  }
0x797: {  	[tilespmem:v56+s0+$0x0] =	vst.idx.msk $0xffff, v34  }
0x798: {  	v34 =	vld [tilespmem:s8+$0x90];
	_ =	sdelay $0x1  }
0x799: {  	v57 =	vadd.s32 v26, v33;
	_ =	sdelay $0x2  }
0x79a: {  	v34 =	vmul.f32 $8.000000000e+00, v34;
	_ =	sdelay $0x1  }
0x79b: {  	[tilespmem:v57+s0+$0x0] =	vst.idx.msk $0xffff, v34  }
0x79c: {  	v34 =	vld [tilespmem:s8+$0xA0];
	_ =	sdelay $0x1  }
0x79d: {  	v58 =	vadd.s32 v27, v33;
	_ =	sdelay $0x2  }
0x79e: {  	v34 =	vmul.f32 $8.000000000e+00, v34;
	_ =	sdelay $0x1  }
0x79f: {  	[tilespmem:v58+s0+$0x0] =	vst.idx.msk $0xffff, v34  }
0x7a0: {  	v34 =	vld [tilespmem:s8+$0xB0];
	_ =	sdelay $0x1  }
0x7a1: {  	v33 =	vadd.s32 v28, v33;
	_ =	sdelay $0x1  }
0x7a2: {  	s10 =	sadd.s32 $0x7, s17  }
0x7a3: {  	v59 =	vmov s10;
	v34 =	vmul.f32 $8.000000000e+00, v34  }
0x7a4: {  	v35 =	vshrl.u32 v59, $0x3  }
0x7a5: {  	v60 =	vshll.u32 v35, v1;
	[tilespmem:v33+s0+$0x0] =	vst.idx.msk $0xffff, v34  }
0x7a6: {  	v33 =	vbroadcast v60, $0x0;
	v34 =	vld [tilespmem:s8+$0xC0];
	_ =	sdelay $0x1  }
0x7a7: {  	v61 =	vadd.s32 v29, v33;
	_ =	sdelay $0x2  }
0x7a8: {  	v34 =	vmul.f32 $8.000000000e+00, v34;
	_ =	sdelay $0x1  }
0x7a9: {  	[tilespmem:v61+s0+$0x0] =	vst.idx.msk $0xffff, v34  }
0x7aa: {  	v34 =	vld [tilespmem:s8+$0xD0];
	_ =	sdelay $0x1  }
0x7ab: {  	v62 =	vadd.s32 v30, v33;
	_ =	sdelay $0x2  }
0x7ac: {  	v34 =	vmul.f32 $8.000000000e+00, v34;
	_ =	sdelay $0x1  }
0x7ad: {  	[tilespmem:v62+s0+$0x0] =	vst.idx.msk $0xffff, v34  }
0x7ae: {  	v34 =	vld [tilespmem:s8+$0xE0];
	_ =	sdelay $0x1  }
0x7af: {  	v63 =	vadd.s32 v31, v33;
	_ =	sdelay $0x2  }
0x7b0: {  	v34 =	vmul.f32 $8.000000000e+00, v34;
	_ =	sdelay $0x1  }
0x7b1: {  	[tilespmem:v63+s0+$0x0] =	vst.idx.msk $0xffff, v34  }
0x7b2: {  	v34 =	vld [tilespmem:s8+$0xF0]  }
0x7b3: {  	s13 =	sshrl.u32 s16, $0x7  }
0x7b4: {  	s15 =	sand.u32 $0x7, s18;
	v33 =	vadd.s32 v32, v33;
	s8 =	sand.u32 $0xFF8, s13  }
0x7b5: {  	s17 =	sshll.u32 s16, $0x7;
	s8 =	sor.u32 s15, s8  }
0x7b6: {  	s9 =	sand.u32 $0x1FC00, s17;
	s8 =	sshll.u32 s8, $0x14  }
0x7b7: {  	s8 =	sor.u32 s9, s8;
	v34 =	vmul.f32 $8.000000000e+00, v34  }
0x7b8: {  	s8 =	sshrl.u32 s8, $0x3  }
0x7b9: {  	s18 =	simm.s32 $0xE800;
	s9 =	sadd.s32 s3, s8;
	[tilespmem:v33+s0+$0x0] =	vst.idx.msk $0xffff, v34  }
0x7ba: {  	[hbm4b:s9+s4] =	stream.linear.scatter [tilespmem:s18], [sflag:$0xC], $0x80, $0x38;
	[tilespmem:$0x10A00] =	vst v63  }
0x7bb: {  	s19 =	simm.s32 $0xE888;
	s10 =	sadd.s32 $0x10, s9  }
0x7bc: {  	[hbm4b:s10+s4] =	stream.linear.scatter [tilespmem:s19], [sflag:$0xC], $0x80, $0x38;
	[tilespmem:$0x10A00] =	vst v63  }
0x7bd: {  	s22 =	simm.s32 $0xE910;
	s16 =	simm.s32 $0xEA20;
	s26 =	sadd.s32 $0x20, s9  }
0x7be: {  	[hbm4b:s26+s4] =	stream.linear.scatter [tilespmem:s22], [sflag:$0xC], $0x80, $0x38;
	[tilespmem:$0x10A00] =	vst v63  }
0x7bf: {  	s13 =	simm.s32 $0xE998;
	s8 =	simm.s32 $0x440;
	s15 =	sadd.s32 $0x30, s9  }
0x7c0: {  	[hbm4b:s15+s4] =	stream.linear.scatter [tilespmem:s13], [sflag:$0xC], $0x80, $0x38;
	[tilespmem:$0x10A00] =	vst v63  }
0x7c1: {  	s17 =	sadd.s32 $0x40, s9;
	s18 =	simm.s32 $0xEAA8;
	s19 =	sadd.s32 $0x50, s9  }
0x7c2: {  	[hbm4b:s17+s4] =	stream.linear.scatter [tilespmem:s16], [sflag:$0xC], $0x80, $0x38;
	[tilespmem:$0x10A00] =	vst v63  }
0x7c3: {  	s22 =	simm.s32 $0xEB30;
	s26 =	sadd.s32 $0x60, s9;
	s15 =	simm.s32 $0x2200  }
0x7c4: {  	[hbm4b:s19+s4] =	stream.linear.scatter [tilespmem:s18], [sflag:$0xC], $0x80, $0x38;
	[tilespmem:$0x10A00] =	vst v63  }
0x7c5: {  	s13 =	sadd.s32 $0x4000, s9;
	s16 =	simm.s32 $0xEBB8;
	s17 =	sadd.s32 $0x70, s9  }
0x7c6: {  	[hbm4b:s26+s4] =	stream.linear.scatter [tilespmem:s22], [sflag:$0xC], $0x80, $0x38;
	[tilespmem:$0x10A00] =	vst v63  }
.LBB2_17:
0x7c7: {  	[hbm4b:s17+s4] =	stream.linear.scatter [tilespmem:s16], [sflag:$0xC], $0x80, $0x38;
	[tilespmem:$0x10A00] =	vst v63  }
0x7c8: {  	s9 =	smov.u32 s8;
	s8 =	smov.u32 s15  }
0x7c9: {  	s10 =	sadd.s32 $0x1100, s15;
	s8 =	sshra.s32 s8, $0x2;
	s16 =	sadd.s32 $0xE800, s9  }
0x7ca: {  	[hbm4b:s13+s4] =	stream.linear.scatter [tilespmem:s16], [sflag:$0xC], $0x80, $0x38;
	[tilespmem:$0x10A00] =	vst v63  }
0x7cb: {  	p0 =	sne.s32 s15, $0x7700;
	s15 =	sadd.s32 $0xE888, s9;
	s16 =	sadd.s32 $0x10, s13  }
0x7cc: {  	[hbm4b:s16+s4] =	stream.linear.scatter [tilespmem:s15], [sflag:$0xC], $0x80, $0x38;
	[tilespmem:$0x10A00] =	vst v63  }
0x7cd: {  	s15 =	sadd.s32 $0xE910, s9;
	s16 =	sadd.s32 $0x20, s13  }
0x7ce: {  	[hbm4b:s16+s4] =	stream.linear.scatter [tilespmem:s15], [sflag:$0xC], $0x80, $0x38;
	[tilespmem:$0x10A00] =	vst v63  }
0x7cf: {  	s15 =	sadd.s32 $0xE998, s9;
	s16 =	sadd.s32 $0x30, s13  }
0x7d0: {  	[hbm4b:s16+s4] =	stream.linear.scatter [tilespmem:s15], [sflag:$0xC], $0x80, $0x38;
	[tilespmem:$0x10A00] =	vst v63  }
0x7d1: {  	s15 =	sadd.s32 $0xEA20, s9;
	s16 =	sadd.s32 $0x40, s13  }
0x7d2: {  	[hbm4b:s16+s4] =	stream.linear.scatter [tilespmem:s15], [sflag:$0xC], $0x80, $0x38;
	[tilespmem:$0x10A00] =	vst v63  }
.Ltmp7:
0x7d3: {  	s15 =	sadd.s32 $0xEAA8, s9;
	s16 =	sadd.s32 $0x50, s13;
	(pc) =	sbr.rel @p0 .LBB2_17-.Ltmp7, $4  }
0x7d4: {  	[hbm4b:s16+s4] =	stream.linear.scatter [tilespmem:s15], [sflag:$0xC], $0x80, $0x38;
	[tilespmem:$0x10A00] =	vst v63  }
0x7d5: {  	s17 =	sadd.s32 $0x70, s13;
	s15 =	sadd.s32 $0xEB30, s9;
	s16 =	sadd.s32 $0x60, s13  }
0x7d6: {  	[hbm4b:s16+s4] =	stream.linear.scatter [tilespmem:s15], [sflag:$0xC], $0x80, $0x38;
	[tilespmem:$0x10A00] =	vst v63  }
0x7d7: {  	s13 =	sadd.s32 $0x4000, s13;
	s16 =	sadd.s32 $0xEBB8, s9;
	s15 =	smov.u32 s10  }
0x7d8: {  	[hbm4b:s17+s4] =	stream.linear.scatter [tilespmem:s16], [sflag:$0xC], $0x80, $0x38;
	[tilespmem:$0x10A00] =	vst v63  }
0x7d9: {  	s9 =	sadd.s32 $0xE800, s8  }
0x7da: {  	[hbm4b:s13+s4] =	stream.linear.scatter [tilespmem:s9], [sflag:$0xC], $0x80, $0x38;
	[tilespmem:$0x10A00] =	vst v63  }
0x7db: {  	s17 =	sadd.s32 $0xE888, s8;
	s10 =	sadd.s32 $0x10, s13  }
0x7dc: {  	[hbm4b:s10+s4] =	stream.linear.scatter [tilespmem:s17], [sflag:$0xC], $0x80, $0x38;
	[tilespmem:$0x10A00] =	vst v63  }
0x7dd: {  	s18 =	sadd.s32 $0xE910, s8;
	s19 =	sadd.s32 $0x20, s13  }
0x7de: {  	[hbm4b:s19+s4] =	stream.linear.scatter [tilespmem:s18], [sflag:$0xC], $0x80, $0x38;
	[tilespmem:$0x10A00] =	vst v63  }
0x7df: {  	s22 =	sadd.s32 $0xE998, s8;
	s26 =	sadd.s32 $0x30, s13  }
0x7e0: {  	[hbm4b:s26+s4] =	stream.linear.scatter [tilespmem:s22], [sflag:$0xC], $0x80, $0x38;
	[tilespmem:$0x10A00] =	vst v63  }
0x7e1: {  	s15 =	sadd.s32 $0x40, s13;
	s7 =	sadd.s32 $0x1, s7;
	s10 =	sadd.s32 $0xEA20, s8  }
0x7e2: {  	[hbm4b:s15+s4] =	stream.linear.scatter [tilespmem:s10], [sflag:$0xC], $0x80, $0x38;
	[tilespmem:$0x10A00] =	vst v63  }
0x7e3: {  	s16 =	sadd.s32 $0xEAA8, s8;
	p0 =	sne.s32 s7, $0xC8;
	s17 =	sadd.s32 $0x50, s13  }
0x7e4: {  	[hbm4b:s17+s4] =	stream.linear.scatter [tilespmem:s16], [sflag:$0xC], $0x80, $0x38;
	[tilespmem:$0x10A00] =	vst v63  }
.Ltmp8:
0x7e5: {  	_ = 	snop;
	(pc) =	sbr.rel @p0 .LBB2_2-.Ltmp8, $4  }
0x7e6: {  	s18 =	sadd.s32 $0xEB30, s8;
	s19 =	sadd.s32 $0x60, s13  }
0x7e7: {  	[hbm4b:s19+s4] =	stream.linear.scatter [tilespmem:s18], [sflag:$0xC], $0x80, $0x38;
	[tilespmem:$0x10A00] =	vst v63  }
0x7e8: {  	s22 =	sadd.s32 $0xEBB8, s8;
	s26 =	sadd.s32 $0x70, s13  }
0x7e9: {  	[hbm4b:s26+s4] =	stream.linear.scatter [tilespmem:s22], [sflag:$0xC], $0x80, $0x38;
	[tilespmem:$0x10A00] =	vst v63  }
0x7ea: {  	s7 =	simm.s32 $0x9  }
0x7eb: {  	_ =	swait.ge [sflag:s7], $0x2000  }
0x7ec: {  	[sflag:s7] =	ssyncset.done $0x0  }
0x7ed: {  	s19 =	simm.s32 $0xA;
	[sflag:s7] =	ssyncadd.s32 $0xFFFFE000  }
0x7ee: {  	_ =	swait.ge [sflag:s19], $0x2000  }
0x7ef: {  	[sflag:s19] =	ssyncset.done $0x0  }
0x7f0: {  	s22 =	simm.s32 $0xB;
	[sflag:s19] =	ssyncadd.s32 $0xFFFFE000  }
0x7f1: {  	_ =	swait.ge [sflag:s22], $0x2000  }
0x7f2: {  	[sflag:s22] =	ssyncset.done $0x0  }
0x7f3: {  	s8 =	simm.s32 $0xC;
	[sflag:s22] =	ssyncadd.s32 $0xFFFFE000  }
0x7f4: {  	_ =	swait.ge [sflag:s8], $0x2000  }
0x7f5: {  	s9 =	rddreg [dreg:$0x9]  }
0x7f6: {  	s26 =	rddreg [dreg:$0x8];
	s9 =	sadd.s32 $0x1, s9  }
0x7f7: {  	p0 =	sne.s32 s9, s26  }
.Ltmp9:
0x7f8: {  	_ = 	snop;
	(pc) =	sbr.rel @p0 .LBB2_1-.Ltmp9, $3  }
0x7f9: {  	_ =	sdelay $0x1  }
0x7fa: {  	[sflag:s8] =	ssyncset.done $0x0  }
0x7fb: {  	[sflag:s8] =	ssyncadd.s32 $0xFFFFE000  }
0x7fc: {  	_ =	sfence.sel $0x180000  }
0x7fd: {  	[bflag:$0x0] =	sbarrier.arrive $0xFFFF  }
0x7fe: {  	_ =	strace $0x90000047  }
0x7ff: {  	s0 =	stileid.u32;
	[bflag:$0x2] =	sbarrier.arrive $0xFFFF  }
0x800: {  	p0 =	sne.s32 s0, $0x0;
	s0 =	rddreg [dreg:$0x3]  }
0x801: {  	s0 =	sadd.s32 @!p0 $0x100000, s0  }
0x802: {  	[sflag:s0] =	ssyncadd.tile.s32 @!p0 $0x1;
	_ =	shalt  }
.Lfunc_end2:
_tile_overlayer_lowered:
.L_overlay_start_2:
0x803: {  	(tag) =	ssettag $0x2  }
0x804: {  	s0 =	rddreg [dreg:$0x0];
	s2 =	stileid.u32  }
0x805: {  	s1 =	rddreg [dreg:$0x1];
	p0 =	sne.s32 s2, $0x0  }
0x806: {  	s3 =	rddreg [dreg:$0x2];
	[bflag:$0x3] =	sbarrier.arrive $0xFFFF;
	s2 =	simm.s32 @!p0 $0x1C0D  }
0x807: {  	[timem:s3], [sflag:s2] =	dma.local @!p0 [hbm:s0], s1  }
0x808: {  	s0 =	simm.s32 @!p0 $0xD  }
0x809: {  	_ =	swait.ge @!p0 [sflag:s0], s1  }
0x80a: {  	s1 =	ssub.s32 @!p0 $0x0, s1;
	[sflag:s0] =	ssyncset.done @!p0 $0x0  }
0x80b: {  	[sflag:s0] =	ssyncadd.s32 @!p0 s1  }
0x80c: {  	[bflag:$0x3] =	sbarrier.arrive $0xFFFF  }
0x80d: {  	_ =	shalt  }

</sc_bundles>
